<compile_context>
chip_gen: v7x
topology: tpu7x:2x2x1
jax: 0.10.2.dev20260603
libtpu: 0.0.44.dev20260713+nightly
codegen_flags: <defaults>
</compile_context>

<pallas_src>
import jax
import jax.numpy as jnp
from jax import lax
from jax.experimental import pallas as pl
from jax.experimental.pallas import tpu as pltpu
from jax.experimental.pallas import tpu_sc as plsc

N = 10000
E = 320000
D = 128
ND_LAMBDA = 0.5

NC = 2
NS = 16
NW = NC * NS
CH = 128
HCH = 64
EPT = ((E // NW + CH - 1) // CH) * CH
CHUNKS = EPT // CH
E_PAD = EPT * NW
N_PAD = 10112
R = N_PAD // NS

_mesh = plsc.VectorSubcoreMesh(core_axis_name="c", subcore_axis_name="s")


def _zero_acc(z128_hbm, acc_sh, sid):
    pltpu.sync_copy(z128_hbm.at[pl.ds(sid * R, R)],
                    acc_sh.at[pl.ds(sid * R, R)])


def _writeback(acc_sh, out, cid, sid):
    pltpu.sync_copy(acc_sh.at[pl.ds(sid * R, R)],
                    out.at[cid, pl.ds(sid * R, R)])


QCH = 16
NQ = CH // QCH


def _deg_pass(dst_v, ones_v, deg_sh, sems):
    def issue(j, q, sem):
        pltpu.async_copy(ones_v, deg_sh.at[dst_v.at[j, pl.ds(q * QCH, QCH)]],
                         sem, add=True)

    def wait(j, q, sem):
        pltpu.make_async_copy(
            ones_v, deg_sh.at[dst_v.at[j, pl.ds(q * QCH, QCH)]], sem).wait()

    for q in range(NQ):
        issue(0, q, sems[q])

    def step(j, carry):
        for q in range(NQ):
            wait(j, q, sems[q])
            issue(j + 1, q, sems[q])
        return carry

    lax.fori_loop(0, CHUNKS - 1, step, 0)
    for q in range(NQ):
        wait(CHUNKS - 1, q, sems[q])


def _agg_pass(x_hbm, src_v, dst_v, bufs, agg_sh, sems):
    def start(j, q, sem):
        pltpu.async_copy(x_hbm.at[src_v.at[j, pl.ds(q * QCH, QCH)]],
                         bufs[q], sem)

    def finish(j, q, sem):
        pltpu.make_async_copy(x_hbm.at[src_v.at[j, pl.ds(q * QCH, QCH)]],
                              bufs[q], sem).wait()
        pltpu.sync_copy(bufs[q],
                        agg_sh.at[dst_v.at[j, pl.ds(q * QCH, QCH)]],
                        add=True)

    for q in range(NQ):
        start(0, q, sems[q])

    def step(j, carry):
        for q in range(NQ):
            finish(j, q, sems[q])
            start(j + 1, q, sems[q])
        return carry

    lax.fori_loop(0, CHUNKS - 1, step, 0)
    for q in range(NQ):
        finish(CHUNKS - 1, q, sems[q])


def _l1_body(x_hbm, srcL_hbm, dstL_hbm, srcN_hbm, dstN_hbm, z128_hbm,
             ones2_hbm, deg_out, aggL_out, aggN_out,
             src_v, dst_v, buf_a, buf_b, buf_c, buf_d, buf_e, buf_f,
             buf_g, buf_h, acc_sh,
             sem_a, sem_b, sem_c, sem_d, sem_e, sem_f, sem_g, sem_h):
    cid = lax.axis_index("c")
    sid = lax.axis_index("s")
    wid = sid * NC + cid
    pltpu.sync_copy(ones2_hbm.at[0], buf_a)
    pltpu.sync_copy(ones2_hbm.at[1], buf_b)

    sems = (sem_a, sem_b, sem_c, sem_d, sem_e, sem_f, sem_g, sem_h)
    bufs = (buf_a, buf_b, buf_c, buf_d, buf_e, buf_f, buf_g, buf_h)
    _zero_acc(z128_hbm, acc_sh, sid)
    pltpu.sync_copy(dstL_hbm.at[wid], dst_v)
    plsc.subcore_barrier()
    _deg_pass(dst_v, buf_a, acc_sh, sems)
    pltpu.sync_copy(dstN_hbm.at[wid], dst_v)
    _deg_pass(dst_v, buf_b, acc_sh, sems)
    plsc.subcore_barrier()
    _writeback(acc_sh, deg_out, cid, sid)
    plsc.subcore_barrier()

    for src_hbm, dst_hbm, agg_out in ((srcL_hbm, dstL_hbm, aggL_out),
                                      (srcN_hbm, dstN_hbm, aggN_out)):
        pltpu.sync_copy(src_hbm.at[wid], src_v)
        pltpu.sync_copy(dst_hbm.at[wid], dst_v)
        _zero_acc(z128_hbm, acc_sh, sid)
        plsc.subcore_barrier()
        _agg_pass(x_hbm, src_v, dst_v, bufs, acc_sh, sems)
        plsc.subcore_barrier()
        _writeback(acc_sh, agg_out, cid, sid)
        plsc.subcore_barrier()


_l1_sc = pl.kernel(
    _l1_body,
    out_type=(jax.ShapeDtypeStruct((NC, N_PAD, D), jnp.float32),
              jax.ShapeDtypeStruct((NC, N_PAD, D), jnp.float32),
              jax.ShapeDtypeStruct((NC, N_PAD, D), jnp.float32)),
    mesh=_mesh,
    scratch_types=[
        pltpu.VMEM((CHUNKS, CH), jnp.int32),
        pltpu.VMEM((CHUNKS, CH), jnp.int32),
        pltpu.VMEM((QCH, D), jnp.float32),
        pltpu.VMEM((QCH, D), jnp.float32),
        pltpu.VMEM((QCH, D), jnp.float32),
        pltpu.VMEM((QCH, D), jnp.float32),
        pltpu.VMEM((QCH, D), jnp.float32),
        pltpu.VMEM((QCH, D), jnp.float32),
        pltpu.VMEM((QCH, D), jnp.float32),
        pltpu.VMEM((QCH, D), jnp.float32),
        pltpu.VMEM_SHARED((N_PAD, D), jnp.float32),
        pltpu.SemaphoreType.DMA,
        pltpu.SemaphoreType.DMA,
        pltpu.SemaphoreType.DMA,
        pltpu.SemaphoreType.DMA,
        pltpu.SemaphoreType.DMA,
        pltpu.SemaphoreType.DMA,
        pltpu.SemaphoreType.DMA,
        pltpu.SemaphoreType.DMA,
    ],
)


def _agg_body(x_hbm, srcL_hbm, dstL_hbm, srcN_hbm, dstN_hbm, z128_hbm,
              aggL_out, aggN_out,
              src_v, dst_v, buf_a, buf_b, buf_c, buf_d, buf_e, buf_f,
              buf_g, buf_h, agg_sh,
              sem_a, sem_b, sem_c, sem_d, sem_e, sem_f, sem_g, sem_h):
    cid = lax.axis_index("c")
    sid = lax.axis_index("s")
    wid = sid * NC + cid
    sems = (sem_a, sem_b, sem_c, sem_d, sem_e, sem_f, sem_g, sem_h)
    bufs = (buf_a, buf_b, buf_c, buf_d, buf_e, buf_f, buf_g, buf_h)

    for src_hbm, dst_hbm, agg_out in ((srcL_hbm, dstL_hbm, aggL_out),
                                      (srcN_hbm, dstN_hbm, aggN_out)):
        pltpu.sync_copy(src_hbm.at[wid], src_v)
        pltpu.sync_copy(dst_hbm.at[wid], dst_v)
        _zero_acc(z128_hbm, agg_sh, sid)
        plsc.subcore_barrier()
        _agg_pass(x_hbm, src_v, dst_v, bufs, agg_sh, sems)
        plsc.subcore_barrier()
        _writeback(agg_sh, agg_out, cid, sid)
        plsc.subcore_barrier()


_agg_sc = pl.kernel(
    _agg_body,
    out_type=(jax.ShapeDtypeStruct((NC, N_PAD, D), jnp.float32),
              jax.ShapeDtypeStruct((NC, N_PAD, D), jnp.float32)),
    mesh=_mesh,
    scratch_types=[
        pltpu.VMEM((CHUNKS, CH), jnp.int32),
        pltpu.VMEM((CHUNKS, CH), jnp.int32),
        pltpu.VMEM((QCH, D), jnp.float32),
        pltpu.VMEM((QCH, D), jnp.float32),
        pltpu.VMEM((QCH, D), jnp.float32),
        pltpu.VMEM((QCH, D), jnp.float32),
        pltpu.VMEM((QCH, D), jnp.float32),
        pltpu.VMEM((QCH, D), jnp.float32),
        pltpu.VMEM((QCH, D), jnp.float32),
        pltpu.VMEM((QCH, D), jnp.float32),
        pltpu.VMEM_SHARED((N_PAD, D), jnp.float32),
        pltpu.SemaphoreType.DMA,
        pltpu.SemaphoreType.DMA,
        pltpu.SemaphoreType.DMA,
        pltpu.SemaphoreType.DMA,
        pltpu.SemaphoreType.DMA,
        pltpu.SemaphoreType.DMA,
        pltpu.SemaphoreType.DMA,
        pltpu.SemaphoreType.DMA,
    ],
)


def _combine_kernel(aggL_ref, aggN_ref, deg_ref, x_ref, w_ref,
                    b_ref, out_ref):
    aL = aggL_ref[0] + aggL_ref[1]
    aN = aggN_ref[0] + aggN_ref[1]
    dL = deg_ref[0, :, 0:1] + deg_ref[1, :, 0:1]
    dN = deg_ref[0, :, 64:65] + deg_ref[1, :, 64:65]
    mL = aL / jnp.maximum(dL, 1.0)
    mN = aN / jnp.maximum(dN, 1.0)
    acc = jnp.dot(mL, w_ref[0:D, :], preferred_element_type=jnp.float32)
    acc += jnp.dot(mN, w_ref[D:2 * D, :], preferred_element_type=jnp.float32)
    acc += jnp.dot(x_ref[...], w_ref[2 * D:3 * D, :],
                   preferred_element_type=jnp.float32)
    out_ref[...] = acc + b_ref[...]


_BLK = 1000


def _combine(aggL, aggN, deg, x, w, b):
    grid = (N // _BLK,)
    return pl.pallas_call(
        _combine_kernel,
        grid=grid,
        in_specs=[
            pl.BlockSpec((NC, _BLK, D), lambda i: (0, i, 0)),
            pl.BlockSpec((NC, _BLK, D), lambda i: (0, i, 0)),
            pl.BlockSpec((NC, _BLK, D), lambda i: (0, i, 0)),
            pl.BlockSpec((_BLK, D), lambda i: (i, 0)),
            pl.BlockSpec((3 * D, D), lambda i: (0, 0)),
            pl.BlockSpec((1, D), lambda i: (0, 0)),
        ],
        out_specs=pl.BlockSpec((_BLK, D), lambda i: (i, 0)),
        out_shape=jax.ShapeDtypeStruct((N, D), jnp.float32),
    )(aggL, aggN, deg, x, w, b)


def _prep_edges(edge_index):
    src = edge_index[0].astype(jnp.int32)
    dst = edge_index[1].astype(jnp.int32)
    pad = E_PAD - E
    ar = jnp.arange(pad, dtype=jnp.int32)
    pad_src = ar % N
    pad_dst = N + ar % (N_PAD - N)
    src_p = jnp.concatenate([src, pad_src]).reshape(NW, CHUNKS, CH)
    dst_p = jnp.concatenate([dst, pad_dst]).reshape(NW, CHUNKS, CH)
    return src_p, dst_p


def kernel(x, adj_low, adj_high, adj_nd_low, adj_nd_high,
           Wl1, Wr1, b1, Wlh1, Wrh1, bh1,
           Wl2, Wr2, b2, Wlh2, Wrh2, bh2):
    srcL, dstL = _prep_edges(adj_low)
    srcN, dstN = _prep_edges(adj_nd_low)
    z128 = jnp.zeros((N_PAD, D), jnp.float32)
    lane = jnp.arange(D, dtype=jnp.int32)
    ones2 = jnp.stack([jnp.where(lane < 64, 1.0, 0.0),
                       jnp.where(lane < 64, 0.0, 1.0)]).astype(jnp.float32)
    ones2 = jnp.broadcast_to(ones2[:, None, :], (2, QCH, D))

    w1 = jnp.concatenate([Wl1, ND_LAMBDA * Wlh1, Wr1 + ND_LAMBDA * Wrh1], axis=0)
    c1 = (b1 + ND_LAMBDA * bh1).reshape(1, D)
    w2 = jnp.concatenate([Wl2, ND_LAMBDA * Wlh2, Wr2 + ND_LAMBDA * Wrh2], axis=0)
    c2 = (b2 + ND_LAMBDA * bh2).reshape(1, D)

    deg, aggL1, aggN1 = _l1_sc(x, srcL, dstL, srcN, dstN, z128, ones2)
    h1 = _combine(aggL1, aggN1, deg, x, w1, c1)
    aggL2, aggN2 = _agg_sc(h1, srcL, dstL, srcN, dstN, z128)
    return _combine(aggL2, aggN2, deg, h1, w2, c2)

# --- scband reference (transcript-rebuilt; emitter-appended) ---
"""Pipeline reference for scband-sage-88450556494346 (READ-ONLY COPY).

The authoritative reference and input builder live on the scoring server;
editing this copy changes nothing except your own understanding.
"""

import jax, jax.numpy as jnp
import numpy as np

N = 10000
E = 320000
D_IN = 128
D_HID = 128
D_OUT = 128
ND_LAMBDA = 0.5


def _sage_conv(x, edge_index, Wl, Wr, b):
    # GraphSAGE with mean aggregation: lin_l(mean_neighbors) + lin_r(x)
    src = edge_index[0]
    dst = edge_index[1]
    msgs = x[src]
    agg = jax.ops.segment_sum(msgs, dst, num_segments=x.shape[0])
    deg = jax.ops.segment_sum(jnp.ones((edge_index.shape[1],), x.dtype), dst, num_segments=x.shape[0])
    mean = agg / jnp.clip(deg, 1.0)[:, None]
    return mean @ Wl + b + x @ Wr


def setup_inputs(seed: int = 0):
    key = jax.random.key(seed)
    ks = jax.random.split(key, 20)
    x = jax.random.normal(ks[0], (N, D_IN), dtype=jnp.float32)
    adj_low = jax.random.randint(ks[1], (2, E), 0, N, dtype=jnp.int32)
    adj_high = jax.random.randint(ks[2], (2, E), 0, N, dtype=jnp.int32)
    adj_nd_low = jax.random.randint(ks[3], (2, E), 0, N, dtype=jnp.int32)
    adj_nd_high = jax.random.randint(ks[4], (2, E), 0, N, dtype=jnp.int32)
    s1 = 1.0 / np.sqrt(D_IN)
    s2 = 1.0 / np.sqrt(D_HID)
    params = {
        'Wl1': jax.random.normal(ks[5], (D_IN, D_HID), dtype=jnp.float32) * s1,
        'Wr1': jax.random.normal(ks[6], (D_IN, D_HID), dtype=jnp.float32) * s1,
        'b1': jnp.zeros((D_HID,), dtype=jnp.float32),
        'Wlh1': jax.random.normal(ks[7], (D_IN, D_HID), dtype=jnp.float32) * s1,
        'Wrh1': jax.random.normal(ks[8], (D_IN, D_HID), dtype=jnp.float32) * s1,
        'bh1': jnp.zeros((D_HID,), dtype=jnp.float32),
        'Wl2': jax.random.normal(ks[9], (D_HID, D_OUT), dtype=jnp.float32) * s2,
        'Wr2': jax.random.normal(ks[10], (D_HID, D_OUT), dtype=jnp.float32) * s2,
        'b2': jnp.zeros((D_OUT,), dtype=jnp.float32),
        'Wlh2': jax.random.normal(ks[11], (D_HID, D_OUT), dtype=jnp.float32) * s2,
        'Wrh2': jax.random.normal(ks[12], (D_HID, D_OUT), dtype=jnp.float32) * s2,
        'bh2': jnp.zeros((D_OUT,), dtype=jnp.float32),
    }
    inp = {'x': x, 'adj_low': adj_low, 'adj_high': adj_high,
           'adj_nd_low': adj_nd_low, 'adj_nd_high': adj_nd_high}
    inp.update(params)
    return inp


def reference(x, adj_low, adj_high, adj_nd_low, adj_nd_high,
              Wl1, Wr1, b1, Wlh1, Wrh1, bh1,
              Wl2, Wr2, b2, Wlh2, Wrh2, bh2):
    h = _sage_conv(x, adj_low, Wl1, Wr1, b1) + ND_LAMBDA * _sage_conv(x, adj_nd_low, Wlh1, Wrh1, bh1)
    out = _sage_conv(h, adj_low, Wl2, Wr2, b2) + ND_LAMBDA * _sage_conv(h, adj_nd_low, Wlh2, Wrh2, bh2)
    return out

if __name__ == "__main__":
    import jax
    _d = setup_inputs()
    print(jax.jit(kernel)(*tuple(_d.values())))

</pallas_src>

<mosaic_0001>
#map = affine_map<(d0, d1) -> (0, 0)>
#map1 = affine_map<(d0, d1) -> (0, 0, 0)>
module attributes {stable_mosaic.version = 14 : i64} {
  func.func @_agg_body(%arg0: i32, %arg1: i32, %arg2: memref<10000x128xf32, #tpu.memory_space<hbm>>, %arg3: memref<32x79x128xi32, #tpu.memory_space<hbm>>, %arg4: memref<32x79x128xi32, #tpu.memory_space<hbm>>, %arg5: memref<32x79x128xi32, #tpu.memory_space<hbm>>, %arg6: memref<32x79x128xi32, #tpu.memory_space<hbm>>, %arg7: memref<10112x128xf32, #tpu.memory_space<hbm>>, %arg8: memref<2x10112x128xf32, #tpu.memory_space<hbm>>, %arg9: memref<2x10112x128xf32, #tpu.memory_space<hbm>>, %arg10: memref<79x128xi32, #tpu.memory_space<vmem>>, %arg11: memref<79x128xi32, #tpu.memory_space<vmem>>, %arg12: memref<16x128xf32, #tpu.memory_space<vmem>>, %arg13: memref<16x128xf32, #tpu.memory_space<vmem>>, %arg14: memref<16x128xf32, #tpu.memory_space<vmem>>, %arg15: memref<16x128xf32, #tpu.memory_space<vmem>>, %arg16: memref<16x128xf32, #tpu.memory_space<vmem>>, %arg17: memref<16x128xf32, #tpu.memory_space<vmem>>, %arg18: memref<16x128xf32, #tpu.memory_space<vmem>>, %arg19: memref<16x128xf32, #tpu.memory_space<vmem>>, %arg20: memref<10112x128xf32, #tpu.memory_space<vmem_shared>>, %arg21: memref<!tpu.dma_semaphore, #tpu.memory_space<semaphore_mem>>, %arg22: memref<!tpu.dma_semaphore, #tpu.memory_space<semaphore_mem>>, %arg23: memref<!tpu.dma_semaphore, #tpu.memory_space<semaphore_mem>>, %arg24: memref<!tpu.dma_semaphore, #tpu.memory_space<semaphore_mem>>, %arg25: memref<!tpu.dma_semaphore, #tpu.memory_space<semaphore_mem>>, %arg26: memref<!tpu.dma_semaphore, #tpu.memory_space<semaphore_mem>>, %arg27: memref<!tpu.dma_semaphore, #tpu.memory_space<semaphore_mem>>, %arg28: memref<!tpu.dma_semaphore, #tpu.memory_space<semaphore_mem>>) attributes {dimension_semantics = [#tpu.dimension_semantics<core_parallel>, #tpu.dimension_semantics<subcore_parallel>], iteration_bounds = array<i64: 2, 16>, scalar_prefetch = 0 : i64, scratch_operands = 19 : i64, tpu.core_type = #tpu.core_type<sc_vector_subcore>, window_params = [{transform_indices = #map}, {transform_indices = #map1}, {transform_indices = #map1}, {transform_indices = #map1}, {transform_indices = #map1}, {transform_indices = #map}, {transform_indices = #map1}, {transform_indices = #map1}]} {
    %mul3A = arith.constant 2 : i32
    %mul3A_0 = arith.muli %arg1, %mul3A : i32
    %add3A = arith.addi %mul3A_0, %arg0 : i32
    "tpu.region"() ({
      %run_scoped3A_270 = tpu.sem_alloc : memref<!tpu.dma_semaphore, #tpu.memory_space<semaphore_mem>>
      %dma_start3A_271 = arith.constant 0 : i32
      %dma_start3A_272 = arith.constant 0 : i32
      %dma_start3A_273 = tpu.memref_slice %arg3[%add3A, %dma_start3A_271, %dma_start3A_272] : memref<32x79x128xi32, #tpu.memory_space<hbm>> -> memref<1x79x128xi32, #tpu.memory_space<hbm>>
      %dma_start3A_274 = tpu.memref_squeeze %dma_start3A_273 : memref<1x79x128xi32, #tpu.memory_space<hbm>> -> memref<79x128xi32, #tpu.memory_space<hbm>>
      %dma_start3A_275 = arith.constant 0 : i32
      %dma_start3A_276 = arith.constant 0 : i32
      %dma_start3A_277 = tpu.memref_slice %arg3[%add3A, %dma_start3A_275, %dma_start3A_276] : memref<32x79x128xi32, #tpu.memory_space<hbm>> -> memref<1x79x128xi32, #tpu.memory_space<hbm>>
      %dma_start3A_278 = tpu.memref_squeeze %dma_start3A_277 : memref<1x79x128xi32, #tpu.memory_space<hbm>> -> memref<79x128xi32, #tpu.memory_space<hbm>>
      tpu.enqueue_dma source(%dma_start3A_278 : memref<79x128xi32, #tpu.memory_space<hbm>>) target(%arg10 : memref<79x128xi32, #tpu.memory_space<vmem>>) target_semaphore(%run_scoped3A_270 : memref<!tpu.dma_semaphore, #tpu.memory_space<semaphore_mem>>)
      %dma_wait3A_279 = arith.constant 0 : i32
      %dma_wait3A_280 = arith.constant 0 : i32
      %dma_wait3A_281 = tpu.memref_slice %arg3[%add3A, %dma_wait3A_279, %dma_wait3A_280] : memref<32x79x128xi32, #tpu.memory_space<hbm>> -> memref<1x79x128xi32, #tpu.memory_space<hbm>>
      %dma_wait3A_282 = tpu.memref_squeeze %dma_wait3A_281 : memref<1x79x128xi32, #tpu.memory_space<hbm>> -> memref<79x128xi32, #tpu.memory_space<hbm>>
      %dma_wait3A_283 = arith.constant 0 : i32
      %dma_wait3A_284 = arith.constant 0 : i32
      %dma_wait3A_285 = tpu.memref_slice %arg3[%add3A, %dma_wait3A_283, %dma_wait3A_284] : memref<32x79x128xi32, #tpu.memory_space<hbm>> -> memref<1x79x128xi32, #tpu.memory_space<hbm>>
      %dma_wait3A_286 = tpu.memref_squeeze %dma_wait3A_285 : memref<1x79x128xi32, #tpu.memory_space<hbm>> -> memref<79x128xi32, #tpu.memory_space<hbm>>
      tpu.wait_dma2 semaphore(%run_scoped3A_270 : memref<!tpu.dma_semaphore, #tpu.memory_space<semaphore_mem>>) src(%dma_wait3A_286 : memref<79x128xi32, #tpu.memory_space<hbm>>) dst(%arg10 : memref<79x128xi32, #tpu.memory_space<vmem>>)
      tpu.yield
    }) : () -> ()
    "tpu.region"() ({
      %run_scoped3A_270 = tpu.sem_alloc : memref<!tpu.dma_semaphore, #tpu.memory_space<semaphore_mem>>
      %dma_start3A_271 = arith.constant 0 : i32
      %dma_start3A_272 = arith.constant 0 : i32
      %dma_start3A_273 = tpu.memref_slice %arg4[%add3A, %dma_start3A_271, %dma_start3A_272] : memref<32x79x128xi32, #tpu.memory_space<hbm>> -> memref<1x79x128xi32, #tpu.memory_space<hbm>>
      %dma_start3A_274 = tpu.memref_squeeze %dma_start3A_273 : memref<1x79x128xi32, #tpu.memory_space<hbm>> -> memref<79x128xi32, #tpu.memory_space<hbm>>
      %dma_start3A_275 = arith.constant 0 : i32
      %dma_start3A_276 = arith.constant 0 : i32
      %dma_start3A_277 = tpu.memref_slice %arg4[%add3A, %dma_start3A_275, %dma_start3A_276] : memref<32x79x128xi32, #tpu.memory_space<hbm>> -> memref<1x79x128xi32, #tpu.memory_space<hbm>>
      %dma_start3A_278 = tpu.memref_squeeze %dma_start3A_277 : memref<1x79x128xi32, #tpu.memory_space<hbm>> -> memref<79x128xi32, #tpu.memory_space<hbm>>
      tpu.enqueue_dma source(%dma_start3A_278 : memref<79x128xi32, #tpu.memory_space<hbm>>) target(%arg11 : memref<79x128xi32, #tpu.memory_space<vmem>>) target_semaphore(%run_scoped3A_270 : memref<!tpu.dma_semaphore, #tpu.memory_space<semaphore_mem>>)
      %dma_wait3A_279 = arith.constant 0 : i32
      %dma_wait3A_280 = arith.constant 0 : i32
      %dma_wait3A_281 = tpu.memref_slice %arg4[%add3A, %dma_wait3A_279, %dma_wait3A_280] : memref<32x79x128xi32, #tpu.memory_space<hbm>> -> memref<1x79x128xi32, #tpu.memory_space<hbm>>
      %dma_wait3A_282 = tpu.memref_squeeze %dma_wait3A_281 : memref<1x79x128xi32, #tpu.memory_space<hbm>> -> memref<79x128xi32, #tpu.memory_space<hbm>>
      %dma_wait3A_283 = arith.constant 0 : i32
      %dma_wait3A_284 = arith.constant 0 : i32
      %dma_wait3A_285 = tpu.memref_slice %arg4[%add3A, %dma_wait3A_283, %dma_wait3A_284] : memref<32x79x128xi32, #tpu.memory_space<hbm>> -> memref<1x79x128xi32, #tpu.memory_space<hbm>>
      %dma_wait3A_286 = tpu.memref_squeeze %dma_wait3A_285 : memref<1x79x128xi32, #tpu.memory_space<hbm>> -> memref<79x128xi32, #tpu.memory_space<hbm>>
      tpu.wait_dma2 semaphore(%run_scoped3A_270 : memref<!tpu.dma_semaphore, #tpu.memory_space<semaphore_mem>>) src(%dma_wait3A_286 : memref<79x128xi32, #tpu.memory_space<hbm>>) dst(%arg11 : memref<79x128xi32, #tpu.memory_space<vmem>>)
      tpu.yield
    }) : () -> ()
    %mul3A_1 = arith.constant 632 : i32
    %mul3A_2 = arith.muli %arg1, %mul3A_1 : i32
    %mul3A_3 = arith.constant 632 : i32
    %mul3A_4 = arith.muli %arg1, %mul3A_3 : i32
    "tpu.region"() ({
      %run_scoped3A_270 = tpu.sem_alloc : memref<!tpu.dma_semaphore, #tpu.memory_space<semaphore_mem>>
      %dma_start3A_271 = arith.constant 0 : i32
      %dma_start3A_272 = tpu.memref_slice %arg20[%mul3A_4, %dma_start3A_271] : memref<10112x128xf32, #tpu.memory_space<vmem_shared>> -> memref<632x128xf32, #tpu.memory_space<vmem_shared>>
      %dma_start3A_273 = arith.constant 0 : i32
      %dma_start3A_274 = tpu.memref_slice %arg7[%mul3A_2, %dma_start3A_273] : memref<10112x128xf32, #tpu.memory_space<hbm>> -> memref<632x128xf32, #tpu.memory_space<hbm>>
      tpu.enqueue_dma source(%dma_start3A_274 : memref<632x128xf32, #tpu.memory_space<hbm>>) target(%dma_start3A_272 : memref<632x128xf32, #tpu.memory_space<vmem_shared>>) target_semaphore(%run_scoped3A_270 : memref<!tpu.dma_semaphore, #tpu.memory_space<semaphore_mem>>)
      %dma_wait3A_275 = arith.constant 0 : i32
      %dma_wait3A_276 = tpu.memref_slice %arg20[%mul3A_4, %dma_wait3A_275] : memref<10112x128xf32, #tpu.memory_space<vmem_shared>> -> memref<632x128xf32, #tpu.memory_space<vmem_shared>>
      %dma_wait3A_277 = arith.constant 0 : i32
      %dma_wait3A_278 = tpu.memref_slice %arg7[%mul3A_2, %dma_wait3A_277] : memref<10112x128xf32, #tpu.memory_space<hbm>> -> memref<632x128xf32, #tpu.memory_space<hbm>>
      tpu.wait_dma2 semaphore(%run_scoped3A_270 : memref<!tpu.dma_semaphore, #tpu.memory_space<semaphore_mem>>) src(%dma_wait3A_278 : memref<632x128xf32, #tpu.memory_space<hbm>>) dst(%dma_wait3A_276 : memref<632x128xf32, #tpu.memory_space<vmem_shared>>)
      tpu.yield
    }) : () -> ()
    %barrier3A = arith.constant 0 : index
    tpu.barrier barrier_id(%barrier3A)
    %dma_start3A = arith.constant 0 : i32
    %dma_start3A_5 = arith.constant 0 : i32
    %dma_start3A_6 = tpu.memref_slice %arg10[%dma_start3A, %dma_start3A_5] : memref<79x128xi32, #tpu.memory_space<vmem>> -> memref<1x16xi32, #tpu.memory_space<vmem>>
    %dma_start3A_7 = tpu.memref_squeeze %dma_start3A_6 : memref<1x16xi32, #tpu.memory_space<vmem>> -> memref<16xi32, #tpu.memory_space<vmem>>
    %dma_start3A_8 = arith.constant 0 : i32
    %dma_start3A_9 = arith.constant 0 : i32
    %dma_start3A_10 = tpu.memref_slice %arg2[%dma_start3A_8, %dma_start3A_9] : memref<10000x128xf32, #tpu.memory_space<hbm>> -> memref<10000x128xf32, #tpu.memory_space<hbm>>
    tpu.enqueue_indirect_dma source(%dma_start3A_10 : memref<10000x128xf32, #tpu.memory_space<hbm>>) target(%arg12 : memref<16x128xf32, #tpu.memory_space<vmem>>) offsets(%dma_start3A_7 : memref<16xi32, #tpu.memory_space<vmem>>) semaphore(%arg21 : memref<!tpu.dma_semaphore, #tpu.memory_space<semaphore_mem>>)
    %dma_start3A_11 = arith.constant 0 : i32
    %dma_start3A_12 = arith.constant 16 : i32
    %dma_start3A_13 = tpu.memref_slice %arg10[%dma_start3A_11, %dma_start3A_12] : memref<79x128xi32, #tpu.memory_space<vmem>> -> memref<1x16xi32, #tpu.memory_space<vmem>>
    %dma_start3A_14 = tpu.memref_squeeze %dma_start3A_13 : memref<1x16xi32, #tpu.memory_space<vmem>> -> memref<16xi32, #tpu.memory_space<vmem>>
    %dma_start3A_15 = arith.constant 0 : i32
    %dma_start3A_16 = arith.constant 0 : i32
    %dma_start3A_17 = tpu.memref_slice %arg2[%dma_start3A_15, %dma_start3A_16] : memref<10000x128xf32, #tpu.memory_space<hbm>> -> memref<10000x128xf32, #tpu.memory_space<hbm>>
    tpu.enqueue_indirect_dma source(%dma_start3A_17 : memref<10000x128xf32, #tpu.memory_space<hbm>>) target(%arg13 : memref<16x128xf32, #tpu.memory_space<vmem>>) offsets(%dma_start3A_14 : memref<16xi32, #tpu.memory_space<vmem>>) semaphore(%arg22 : memref<!tpu.dma_semaphore, #tpu.memory_space<semaphore_mem>>)
    %dma_start3A_18 = arith.constant 0 : i32
    %dma_start3A_19 = arith.constant 32 : i32
    %dma_start3A_20 = tpu.memref_slice %arg10[%dma_start3A_18, %dma_start3A_19] : memref<79x128xi32, #tpu.memory_space<vmem>> -> memref<1x16xi32, #tpu.memory_space<vmem>>
    %dma_start3A_21 = tpu.memref_squeeze %dma_start3A_20 : memref<1x16xi32, #tpu.memory_space<vmem>> -> memref<16xi32, #tpu.memory_space<vmem>>
    %dma_start3A_22 = arith.constant 0 : i32
    %dma_start3A_23 = arith.constant 0 : i32
    %dma_start3A_24 = tpu.memref_slice %arg2[%dma_start3A_22, %dma_start3A_23] : memref<10000x128xf32, #tpu.memory_space<hbm>> -> memref<10000x128xf32, #tpu.memory_space<hbm>>
    tpu.enqueue_indirect_dma source(%dma_start3A_24 : memref<10000x128xf32, #tpu.memory_space<hbm>>) target(%arg14 : memref<16x128xf32, #tpu.memory_space<vmem>>) offsets(%dma_start3A_21 : memref<16xi32, #tpu.memory_space<vmem>>) semaphore(%arg23 : memref<!tpu.dma_semaphore, #tpu.memory_space<semaphore_mem>>)
    %dma_start3A_25 = arith.constant 0 : i32
    %dma_start3A_26 = arith.constant 48 : i32
    %dma_start3A_27 = tpu.memref_slice %arg10[%dma_start3A_25, %dma_start3A_26] : memref<79x128xi32, #tpu.memory_space<vmem>> -> memref<1x16xi32, #tpu.memory_space<vmem>>
    %dma_start3A_28 = tpu.memref_squeeze %dma_start3A_27 : memref<1x16xi32, #tpu.memory_space<vmem>> -> memref<16xi32, #tpu.memory_space<vmem>>
    %dma_start3A_29 = arith.constant 0 : i32
    %dma_start3A_30 = arith.constant 0 : i32
    %dma_start3A_31 = tpu.memref_slice %arg2[%dma_start3A_29, %dma_start3A_30] : memref<10000x128xf32, #tpu.memory_space<hbm>> -> memref<10000x128xf32, #tpu.memory_space<hbm>>
    tpu.enqueue_indirect_dma source(%dma_start3A_31 : memref<10000x128xf32, #tpu.memory_space<hbm>>) target(%arg15 : memref<16x128xf32, #tpu.memory_space<vmem>>) offsets(%dma_start3A_28 : memref<16xi32, #tpu.memory_space<vmem>>) semaphore(%arg24 : memref<!tpu.dma_semaphore, #tpu.memory_space<semaphore_mem>>)
    %dma_start3A_32 = arith.constant 0 : i32
    %dma_start3A_33 = arith.constant 64 : i32
    %dma_start3A_34 = tpu.memref_slice %arg10[%dma_start3A_32, %dma_start3A_33] : memref<79x128xi32, #tpu.memory_space<vmem>> -> memref<1x16xi32, #tpu.memory_space<vmem>>
    %dma_start3A_35 = tpu.memref_squeeze %dma_start3A_34 : memref<1x16xi32, #tpu.memory_space<vmem>> -> memref<16xi32, #tpu.memory_space<vmem>>
    %dma_start3A_36 = arith.constant 0 : i32
    %dma_start3A_37 = arith.constant 0 : i32
    %dma_start3A_38 = tpu.memref_slice %arg2[%dma_start3A_36, %dma_start3A_37] : memref<10000x128xf32, #tpu.memory_space<hbm>> -> memref<10000x128xf32, #tpu.memory_space<hbm>>
    tpu.enqueue_indirect_dma source(%dma_start3A_38 : memref<10000x128xf32, #tpu.memory_space<hbm>>) target(%arg16 : memref<16x128xf32, #tpu.memory_space<vmem>>) offsets(%dma_start3A_35 : memref<16xi32, #tpu.memory_space<vmem>>) semaphore(%arg25 : memref<!tpu.dma_semaphore, #tpu.memory_space<semaphore_mem>>)
    %dma_start3A_39 = arith.constant 0 : i32
    %dma_start3A_40 = arith.constant 80 : i32
    %dma_start3A_41 = tpu.memref_slice %arg10[%dma_start3A_39, %dma_start3A_40] : memref<79x128xi32, #tpu.memory_space<vmem>> -> memref<1x16xi32, #tpu.memory_space<vmem>>
    %dma_start3A_42 = tpu.memref_squeeze %dma_start3A_41 : memref<1x16xi32, #tpu.memory_space<vmem>> -> memref<16xi32, #tpu.memory_space<vmem>>
    %dma_start3A_43 = arith.constant 0 : i32
    %dma_start3A_44 = arith.constant 0 : i32
    %dma_start3A_45 = tpu.memref_slice %arg2[%dma_start3A_43, %dma_start3A_44] : memref<10000x128xf32, #tpu.memory_space<hbm>> -> memref<10000x128xf32, #tpu.memory_space<hbm>>
    tpu.enqueue_indirect_dma source(%dma_start3A_45 : memref<10000x128xf32, #tpu.memory_space<hbm>>) target(%arg17 : memref<16x128xf32, #tpu.memory_space<vmem>>) offsets(%dma_start3A_42 : memref<16xi32, #tpu.memory_space<vmem>>) semaphore(%arg26 : memref<!tpu.dma_semaphore, #tpu.memory_space<semaphore_mem>>)
    %dma_start3A_46 = arith.constant 0 : i32
    %dma_start3A_47 = arith.constant 96 : i32
    %dma_start3A_48 = tpu.memref_slice %arg10[%dma_start3A_46, %dma_start3A_47] : memref<79x128xi32, #tpu.memory_space<vmem>> -> memref<1x16xi32, #tpu.memory_space<vmem>>
    %dma_start3A_49 = tpu.memref_squeeze %dma_start3A_48 : memref<1x16xi32, #tpu.memory_space<vmem>> -> memref<16xi32, #tpu.memory_space<vmem>>
    %dma_start3A_50 = arith.constant 0 : i32
    %dma_start3A_51 = arith.constant 0 : i32
    %dma_start3A_52 = tpu.memref_slice %arg2[%dma_start3A_50, %dma_start3A_51] : memref<10000x128xf32, #tpu.memory_space<hbm>> -> memref<10000x128xf32, #tpu.memory_space<hbm>>
    tpu.enqueue_indirect_dma source(%dma_start3A_52 : memref<10000x128xf32, #tpu.memory_space<hbm>>) target(%arg18 : memref<16x128xf32, #tpu.memory_space<vmem>>) offsets(%dma_start3A_49 : memref<16xi32, #tpu.memory_space<vmem>>) semaphore(%arg27 : memref<!tpu.dma_semaphore, #tpu.memory_space<semaphore_mem>>)
    %dma_start3A_53 = arith.constant 0 : i32
    %dma_start3A_54 = arith.constant 112 : i32
    %dma_start3A_55 = tpu.memref_slice %arg10[%dma_start3A_53, %dma_start3A_54] : memref<79x128xi32, #tpu.memory_space<vmem>> -> memref<1x16xi32, #tpu.memory_space<vmem>>
    %dma_start3A_56 = tpu.memref_squeeze %dma_start3A_55 : memref<1x16xi32, #tpu.memory_space<vmem>> -> memref<16xi32, #tpu.memory_space<vmem>>
    %dma_start3A_57 = arith.constant 0 : i32
    %dma_start3A_58 = arith.constant 0 : i32
    %dma_start3A_59 = tpu.memref_slice %arg2[%dma_start3A_57, %dma_start3A_58] : memref<10000x128xf32, #tpu.memory_space<hbm>> -> memref<10000x128xf32, #tpu.memory_space<hbm>>
    tpu.enqueue_indirect_dma source(%dma_start3A_59 : memref<10000x128xf32, #tpu.memory_space<hbm>>) target(%arg19 : memref<16x128xf32, #tpu.memory_space<vmem>>) offsets(%dma_start3A_56 : memref<16xi32, #tpu.memory_space<vmem>>) semaphore(%arg28 : memref<!tpu.dma_semaphore, #tpu.memory_space<semaphore_mem>>)
    %scan3A = arith.constant 0 : i32
    %scan3A_60 = arith.constant 0 : i32
    %scan3A_61 = arith.constant 78 : i32
    %scan3A_62 = arith.addi %scan3A_60, %scan3A_61 : i32
    %scan3A_63 = arith.constant 1 : i32
    scf.for %scan3A_270 = %scan3A_60 to %scan3A_62 step %scan3A_63  : i32 {
      %dma_wait3A_271 = arith.constant 0 : i32
      %dma_wait3A_272 = tpu.memref_slice %arg10[%scan3A_270, %dma_wait3A_271] : memref<79x128xi32, #tpu.memory_space<vmem>> -> memref<1x16xi32, #tpu.memory_space<vmem>>
      %dma_wait3A_273 = tpu.memref_squeeze %dma_wait3A_272 : memref<1x16xi32, #tpu.memory_space<vmem>> -> memref<16xi32, #tpu.memory_space<vmem>>
      %dma_wait3A_274 = arith.constant 0 : i32
      %dma_wait3A_275 = arith.constant 0 : i32
      %dma_wait3A_276 = tpu.memref_slice %arg2[%dma_wait3A_274, %dma_wait3A_275] : memref<10000x128xf32, #tpu.memory_space<hbm>> -> memref<10000x128xf32, #tpu.memory_space<hbm>>
      tpu.wait_indirect_dma semaphore(%arg21 : memref<!tpu.dma_semaphore, #tpu.memory_space<semaphore_mem>>) src(%dma_wait3A_276 : memref<10000x128xf32, #tpu.memory_space<hbm>>) dst(%arg12 : memref<16x128xf32, #tpu.memory_space<vmem>>)
      "tpu.region"() ({
        %run_scoped3A_383 = tpu.sem_alloc : memref<!tpu.dma_semaphore, #tpu.memory_space<semaphore_mem>>
        %dma_start3A_384 = arith.constant 0 : i32
        %dma_start3A_385 = tpu.memref_slice %arg11[%scan3A_270, %dma_start3A_384] : memref<79x128xi32, #tpu.memory_space<vmem>> -> memref<1x16xi32, #tpu.memory_space<vmem>>
        %dma_start3A_386 = tpu.memref_squeeze %dma_start3A_385 : memref<1x16xi32, #tpu.memory_space<vmem>> -> memref<16xi32, #tpu.memory_space<vmem>>
        %dma_start3A_387 = arith.constant 0 : i32
        %dma_start3A_388 = arith.constant 0 : i32
        %dma_start3A_389 = tpu.memref_slice %arg20[%dma_start3A_387, %dma_start3A_388] : memref<10112x128xf32, #tpu.memory_space<vmem_shared>> -> memref<10112x128xf32, #tpu.memory_space<vmem_shared>>
        tpu.enqueue_indirect_dma source(%arg12 : memref<16x128xf32, #tpu.memory_space<vmem>>) target(%dma_start3A_389 : memref<10112x128xf32, #tpu.memory_space<vmem_shared>>) offsets(%dma_start3A_386 : memref<16xi32, #tpu.memory_space<vmem>>) semaphore(%run_scoped3A_383 : memref<!tpu.dma_semaphore, #tpu.memory_space<semaphore_mem>>) {add = true}
        %dma_wait3A_390 = arith.constant 0 : i32
        %dma_wait3A_391 = tpu.memref_slice %arg11[%scan3A_270, %dma_wait3A_390] : memref<79x128xi32, #tpu.memory_space<vmem>> -> memref<1x16xi32, #tpu.memory_space<vmem>>
        %dma_wait3A_392 = tpu.memref_squeeze %dma_wait3A_391 : memref<1x16xi32, #tpu.memory_space<vmem>> -> memref<16xi32, #tpu.memory_space<vmem>>
        %dma_wait3A_393 = arith.constant 0 : i32
        %dma_wait3A_394 = arith.constant 0 : i32
        %dma_wait3A_395 = tpu.memref_slice %arg20[%dma_wait3A_393, %dma_wait3A_394] : memref<10112x128xf32, #tpu.memory_space<vmem_shared>> -> memref<10112x128xf32, #tpu.memory_space<vmem_shared>>
        tpu.wait_indirect_dma semaphore(%run_scoped3A_383 : memref<!tpu.dma_semaphore, #tpu.memory_space<semaphore_mem>>) src(%arg12 : memref<16x128xf32, #tpu.memory_space<vmem>>) dst(%dma_wait3A_395 : memref<10112x128xf32, #tpu.memory_space<vmem_shared>>)
        tpu.yield
      }) : () -> ()
      %add3A_277 = arith.constant 1 : i32
      %add3A_278 = arith.addi %scan3A_270, %add3A_277 : i32
      %dma_start3A_279 = arith.constant 0 : i32
      %dma_start3A_280 = tpu.memref_slice %arg10[%add3A_278, %dma_start3A_279] : memref<79x128xi32, #tpu.memory_space<vmem>> -> memref<1x16xi32, #tpu.memory_space<vmem>>
      %dma_start3A_281 = tpu.memref_squeeze %dma_start3A_280 : memref<1x16xi32, #tpu.memory_space<vmem>> -> memref<16xi32, #tpu.memory_space<vmem>>
      %dma_start3A_282 = arith.constant 0 : i32
      %dma_start3A_283 = arith.constant 0 : i32
      %dma_start3A_284 = tpu.memref_slice %arg2[%dma_start3A_282, %dma_start3A_283] : memref<10000x128xf32, #tpu.memory_space<hbm>> -> memref<10000x128xf32, #tpu.memory_space<hbm>>
      tpu.enqueue_indirect_dma source(%dma_start3A_284 : memref<10000x128xf32, #tpu.memory_space<hbm>>) target(%arg12 : memref<16x128xf32, #tpu.memory_space<vmem>>) offsets(%dma_start3A_281 : memref<16xi32, #tpu.memory_space<vmem>>) semaphore(%arg21 : memref<!tpu.dma_semaphore, #tpu.memory_space<semaphore_mem>>)
      %dma_wait3A_285 = arith.constant 16 : i32
      %dma_wait3A_286 = tpu.memref_slice %arg10[%scan3A_270, %dma_wait3A_285] : memref<79x128xi32, #tpu.memory_space<vmem>> -> memref<1x16xi32, #tpu.memory_space<vmem>>
      %dma_wait3A_287 = tpu.memref_squeeze %dma_wait3A_286 : memref<1x16xi32, #tpu.memory_space<vmem>> -> memref<16xi32, #tpu.memory_space<vmem>>
      %dma_wait3A_288 = arith.constant 0 : i32
      %dma_wait3A_289 = arith.constant 0 : i32
      %dma_wait3A_290 = tpu.memref_slice %arg2[%dma_wait3A_288, %dma_wait3A_289] : memref<10000x128xf32, #tpu.memory_space<hbm>> -> memref<10000x128xf32, #tpu.memory_space<hbm>>
      tpu.wait_indirect_dma semaphore(%arg22 : memref<!tpu.dma_semaphore, #tpu.memory_space<semaphore_mem>>) src(%dma_wait3A_290 : memref<10000x128xf32, #tpu.memory_space<hbm>>) dst(%arg13 : memref<16x128xf32, #tpu.memory_space<vmem>>)
      "tpu.region"() ({
        %run_scoped3A_383 = tpu.sem_alloc : memref<!tpu.dma_semaphore, #tpu.memory_space<semaphore_mem>>
        %dma_start3A_384 = arith.constant 16 : i32
        %dma_start3A_385 = tpu.memref_slice %arg11[%scan3A_270, %dma_start3A_384] : memref<79x128xi32, #tpu.memory_space<vmem>> -> memref<1x16xi32, #tpu.memory_space<vmem>>
        %dma_start3A_386 = tpu.memref_squeeze %dma_start3A_385 : memref<1x16xi32, #tpu.memory_space<vmem>> -> memref<16xi32, #tpu.memory_space<vmem>>
        %dma_start3A_387 = arith.constant 0 : i32
        %dma_start3A_388 = arith.constant 0 : i32
        %dma_start3A_389 = tpu.memref_slice %arg20[%dma_start3A_387, %dma_start3A_388] : memref<10112x128xf32, #tpu.memory_space<vmem_shared>> -> memref<10112x128xf32, #tpu.memory_space<vmem_shared>>
        tpu.enqueue_indirect_dma source(%arg13 : memref<16x128xf32, #tpu.memory_space<vmem>>) target(%dma_start3A_389 : memref<10112x128xf32, #tpu.memory_space<vmem_shared>>) offsets(%dma_start3A_386 : memref<16xi32, #tpu.memory_space<vmem>>) semaphore(%run_scoped3A_383 : memref<!tpu.dma_semaphore, #tpu.memory_space<semaphore_mem>>) {add = true}
        %dma_wait3A_390 = arith.constant 16 : i32
        %dma_wait3A_391 = tpu.memref_slice %arg11[%scan3A_270, %dma_wait3A_390] : memref<79x128xi32, #tpu.memory_space<vmem>> -> memref<1x16xi32, #tpu.memory_space<vmem>>
        %dma_wait3A_392 = tpu.memref_squeeze %dma_wait3A_391 : memref<1x16xi32, #tpu.memory_space<vmem>> -> memref<16xi32, #tpu.memory_space<vmem>>
        %dma_wait3A_393 = arith.constant 0 : i32
        %dma_wait3A_394 = arith.constant 0 : i32
        %dma_wait3A_395 = tpu.memref_slice %arg20[%dma_wait3A_393, %dma_wait3A_394] : memref<10112x128xf32, #tpu.memory_space<vmem_shared>> -> memref<10112x128xf32, #tpu.memory_space<vmem_shared>>
        tpu.wait_indirect_dma semaphore(%run_scoped3A_383 : memref<!tpu.dma_semaphore, #tpu.memory_space<semaphore_mem>>) src(%arg13 : memref<16x128xf32, #tpu.memory_space<vmem>>) dst(%dma_wait3A_395 : memref<10112x128xf32, #tpu.memory_space<vmem_shared>>)
        tpu.yield
      }) : () -> ()
      %add3A_291 = arith.constant 1 : i32
      %add3A_292 = arith.addi %scan3A_270, %add3A_291 : i32
      %dma_start3A_293 = arith.constant 16 : i32
      %dma_start3A_294 = tpu.memref_slice %arg10[%add3A_292, %dma_start3A_293] : memref<79x128xi32, #tpu.memory_space<vmem>> -> memref<1x16xi32, #tpu.memory_space<vmem>>
      %dma_start3A_295 = tpu.memref_squeeze %dma_start3A_294 : memref<1x16xi32, #tpu.memory_space<vmem>> -> memref<16xi32, #tpu.memory_space<vmem>>
      %dma_start3A_296 = arith.constant 0 : i32
      %dma_start3A_297 = arith.constant 0 : i32
      %dma_start3A_298 = tpu.memref_slice %arg2[%dma_start3A_296, %dma_start3A_297] : memref<10000x128xf32, #tpu.memory_space<hbm>> -> memref<10000x128xf32, #tpu.memory_space<hbm>>
      tpu.enqueue_indirect_dma source(%dma_start3A_298 : memref<10000x128xf32, #tpu.memory_space<hbm>>) target(%arg13 : memref<16x128xf32, #tpu.memory_space<vmem>>) offsets(%dma_start3A_295 : memref<16xi32, #tpu.memory_space<vmem>>) semaphore(%arg22 : memref<!tpu.dma_semaphore, #tpu.memory_space<semaphore_mem>>)
      %dma_wait3A_299 = arith.constant 32 : i32
      %dma_wait3A_300 = tpu.memref_slice %arg10[%scan3A_270, %dma_wait3A_299] : memref<79x128xi32, #tpu.memory_space<vmem>> -> memref<1x16xi32, #tpu.memory_space<vmem>>
      %dma_wait3A_301 = tpu.memref_squeeze %dma_wait3A_300 : memref<1x16xi32, #tpu.memory_space<vmem>> -> memref<16xi32, #tpu.memory_space<vmem>>
      %dma_wait3A_302 = arith.constant 0 : i32
      %dma_wait3A_303 = arith.constant 0 : i32
      %dma_wait3A_304 = tpu.memref_slice %arg2[%dma_wait3A_302, %dma_wait3A_303] : memref<10000x128xf32, #tpu.memory_space<hbm>> -> memref<10000x128xf32, #tpu.memory_space<hbm>>
      tpu.wait_indirect_dma semaphore(%arg23 : memref<!tpu.dma_semaphore, #tpu.memory_space<semaphore_mem>>) src(%dma_wait3A_304 : memref<10000x128xf32, #tpu.memory_space<hbm>>) dst(%arg14 : memref<16x128xf32, #tpu.memory_space<vmem>>)
      "tpu.region"() ({
        %run_scoped3A_383 = tpu.sem_alloc : memref<!tpu.dma_semaphore, #tpu.memory_space<semaphore_mem>>
        %dma_start3A_384 = arith.constant 32 : i32
        %dma_start3A_385 = tpu.memref_slice %arg11[%scan3A_270, %dma_start3A_384] : memref<79x128xi32, #tpu.memory_space<vmem>> -> memref<1x16xi32, #tpu.memory_space<vmem>>
        %dma_start3A_386 = tpu.memref_squeeze %dma_start3A_385 : memref<1x16xi32, #tpu.memory_space<vmem>> -> memref<16xi32, #tpu.memory_space<vmem>>
        %dma_start3A_387 = arith.constant 0 : i32
        %dma_start3A_388 = arith.constant 0 : i32
        %dma_start3A_389 = tpu.memref_slice %arg20[%dma_start3A_387, %dma_start3A_388] : memref<10112x128xf32, #tpu.memory_space<vmem_shared>> -> memref<10112x128xf32, #tpu.memory_space<vmem_shared>>
        tpu.enqueue_indirect_dma source(%arg14 : memref<16x128xf32, #tpu.memory_space<vmem>>) target(%dma_start3A_389 : memref<10112x128xf32, #tpu.memory_space<vmem_shared>>) offsets(%dma_start3A_386 : memref<16xi32, #tpu.memory_space<vmem>>) semaphore(%run_scoped3A_383 : memref<!tpu.dma_semaphore, #tpu.memory_space<semaphore_mem>>) {add = true}
        %dma_wait3A_390 = arith.constant 32 : i32
        %dma_wait3A_391 = tpu.memref_slice %arg11[%scan3A_270, %dma_wait3A_390] : memref<79x128xi32, #tpu.memory_space<vmem>> -> memref<1x16xi32, #tpu.memory_space<vmem>>
        %dma_wait3A_392 = tpu.memref_squeeze %dma_wait3A_391 : memref<1x16xi32, #tpu.memory_space<vmem>> -> memref<16xi32, #tpu.memory_space<vmem>>
        %dma_wait3A_393 = arith.constant 0 : i32
        %dma_wait3A_394 = arith.constant 0 : i32
        %dma_wait3A_395 = tpu.memref_slice %arg20[%dma_wait3A_393, %dma_wait3A_394] : memref<10112x128xf32, #tpu.memory_space<vmem_shared>> -> memref<10112x128xf32, #tpu.memory_space<vmem_shared>>
        tpu.wait_indirect_dma semaphore(%run_scoped3A_383 : memref<!tpu.dma_semaphore, #tpu.memory_space<semaphore_mem>>) src(%arg14 : memref<16x128xf32, #tpu.memory_space<vmem>>) dst(%dma_wait3A_395 : memref<10112x128xf32, #tpu.memory_space<vmem_shared>>)
        tpu.yield
      }) : () -> ()
      %add3A_305 = arith.constant 1 : i32
      %add3A_306 = arith.addi %scan3A_270, %add3A_305 : i32
      %dma_start3A_307 = arith.constant 32 : i32
      %dma_start3A_308 = tpu.memref_slice %arg10[%add3A_306, %dma_start3A_307] : memref<79x128xi32, #tpu.memory_space<vmem>> -> memref<1x16xi32, #tpu.memory_space<vmem>>
      %dma_start3A_309 = tpu.memref_squeeze %dma_start3A_308 : memref<1x16xi32, #tpu.memory_space<vmem>> -> memref<16xi32, #tpu.memory_space<vmem>>
      %dma_start3A_310 = arith.constant 0 : i32
      %dma_start3A_311 = arith.constant 0 : i32
      %dma_start3A_312 = tpu.memref_slice %arg2[%dma_start3A_310, %dma_start3A_311] : memref<10000x128xf32, #tpu.memory_space<hbm>> -> memref<10000x128xf32, #tpu.memory_space<hbm>>
      tpu.enqueue_indirect_dma source(%dma_start3A_312 : memref<10000x128xf32, #tpu.memory_space<hbm>>) target(%arg14 : memref<16x128xf32, #tpu.memory_space<vmem>>) offsets(%dma_start3A_309 : memref<16xi32, #tpu.memory_space<vmem>>) semaphore(%arg23 : memref<!tpu.dma_semaphore, #tpu.memory_space<semaphore_mem>>)
      %dma_wait3A_313 = arith.constant 48 : i32
      %dma_wait3A_314 = tpu.memref_slice %arg10[%scan3A_270, %dma_wait3A_313] : memref<79x128xi32, #tpu.memory_space<vmem>> -> memref<1x16xi32, #tpu.memory_space<vmem>>
      %dma_wait3A_315 = tpu.memref_squeeze %dma_wait3A_314 : memref<1x16xi32, #tpu.memory_space<vmem>> -> memref<16xi32, #tpu.memory_space<vmem>>
      %dma_wait3A_316 = arith.constant 0 : i32
      %dma_wait3A_317 = arith.constant 0 : i32
      %dma_wait3A_318 = tpu.memref_slice %arg2[%dma_wait3A_316, %dma_wait3A_317] : memref<10000x128xf32, #tpu.memory_space<hbm>> -> memref<10000x128xf32, #tpu.memory_space<hbm>>
      tpu.wait_indirect_dma semaphore(%arg24 : memref<!tpu.dma_semaphore, #tpu.memory_space<semaphore_mem>>) src(%dma_wait3A_318 : memref<10000x128xf32, #tpu.memory_space<hbm>>) dst(%arg15 : memref<16x128xf32, #tpu.memory_space<vmem>>)
      "tpu.region"() ({
        %run_scoped3A_383 = tpu.sem_alloc : memref<!tpu.dma_semaphore, #tpu.memory_space<semaphore_mem>>
        %dma_start3A_384 = arith.constant 48 : i32
        %dma_start3A_385 = tpu.memref_slice %arg11[%scan3A_270, %dma_start3A_384] : memref<79x128xi32, #tpu.memory_space<vmem>> -> memref<1x16xi32, #tpu.memory_space<vmem>>
        %dma_start3A_386 = tpu.memref_squeeze %dma_start3A_385 : memref<1x16xi32, #tpu.memory_space<vmem>> -> memref<16xi32, #tpu.memory_space<vmem>>
        %dma_start3A_387 = arith.constant 0 : i32
        %dma_start3A_388 = arith.constant 0 : i32
        %dma_start3A_389 = tpu.memref_slice %arg20[%dma_start3A_387, %dma_start3A_388] : memref<10112x128xf32, #tpu.memory_space<vmem_shared>> -> memref<10112x128xf32, #tpu.memory_space<vmem_shared>>
        tpu.enqueue_indirect_dma source(%arg15 : memref<16x128xf32, #tpu.memory_space<vmem>>) target(%dma_start3A_389 : memref<10112x128xf32, #tpu.memory_space<vmem_shared>>) offsets(%dma_start3A_386 : memref<16xi32, #tpu.memory_space<vmem>>) semaphore(%run_scoped3A_383 : memref<!tpu.dma_semaphore, #tpu.memory_space<semaphore_mem>>) {add = true}
        %dma_wait3A_390 = arith.constant 48 : i32
        %dma_wait3A_391 = tpu.memref_slice %arg11[%scan3A_270, %dma_wait3A_390] : memref<79x128xi32, #tpu.memory_space<vmem>> -> memref<1x16xi32, #tpu.memory_space<vmem>>
        %dma_wait3A_392 = tpu.memref_squeeze %dma_wait3A_391 : memref<1x16xi32, #tpu.memory_space<vmem>> -> memref<16xi32, #tpu.memory_space<vmem>>
        %dma_wait3A_393 = arith.constant 0 : i32
        %dma_wait3A_394 = arith.constant 0 : i32
        %dma_wait3A_395 = tpu.memref_slice %arg20[%dma_wait3A_393, %dma_wait3A_394] : memref<10112x128xf32, #tpu.memory_space<vmem_shared>> -> memref<10112x128xf32, #tpu.memory_space<vmem_shared>>
        tpu.wait_indirect_dma semaphore(%run_scoped3A_383 : memref<!tpu.dma_semaphore, #tpu.memory_space<semaphore_mem>>) src(%arg15 : memref<16x128xf32, #tpu.memory_space<vmem>>) dst(%dma_wait3A_395 : memref<10112x128xf32, #tpu.memory_space<vmem_shared>>)
        tpu.yield
      }) : () -> ()
      %add3A_319 = arith.constant 1 : i32
      %add3A_320 = arith.addi %scan3A_270, %add3A_319 : i32
      %dma_start3A_321 = arith.constant 48 : i32
      %dma_start3A_322 = tpu.memref_slice %arg10[%add3A_320, %dma_start3A_321] : memref<79x128xi32, #tpu.memory_space<vmem>> -> memref<1x16xi32, #tpu.memory_space<vmem>>
      %dma_start3A_323 = tpu.memref_squeeze %dma_start3A_322 : memref<1x16xi32, #tpu.memory_space<vmem>> -> memref<16xi32, #tpu.memory_space<vmem>>
      %dma_start3A_324 = arith.constant 0 : i32
      %dma_start3A_325 = arith.constant 0 : i32
      %dma_start3A_326 = tpu.memref_slice %arg2[%dma_start3A_324, %dma_start3A_325] : memref<10000x128xf32, #tpu.memory_space<hbm>> -> memref<10000x128xf32, #tpu.memory_space<hbm>>
      tpu.enqueue_indirect_dma source(%dma_start3A_326 : memref<10000x128xf32, #tpu.memory_space<hbm>>) target(%arg15 : memref<16x128xf32, #tpu.memory_space<vmem>>) offsets(%dma_start3A_323 : memref<16xi32, #tpu.memory_space<vmem>>) semaphore(%arg24 : memref<!tpu.dma_semaphore, #tpu.memory_space<semaphore_mem>>)
      %dma_wait3A_327 = arith.constant 64 : i32
      %dma_wait3A_328 = tpu.memref_slice %arg10[%scan3A_270, %dma_wait3A_327] : memref<79x128xi32, #tpu.memory_space<vmem>> -> memref<1x16xi32, #tpu.memory_space<vmem>>
      %dma_wait3A_329 = tpu.memref_squeeze %dma_wait3A_328 : memref<1x16xi32, #tpu.memory_space<vmem>> -> memref<16xi32, #tpu.memory_space<vmem>>
      %dma_wait3A_330 = arith.constant 0 : i32
      %dma_wait3A_331 = arith.constant 0 : i32
      %dma_wait3A_332 = tpu.memref_slice %arg2[%dma_wait3A_330, %dma_wait3A_331] : memref<10000x128xf32, #tpu.memory_space<hbm>> -> memref<10000x128xf32, #tpu.memory_space<hbm>>
      tpu.wait_indirect_dma semaphore(%arg25 : memref<!tpu.dma_semaphore, #tpu.memory_space<semaphore_mem>>) src(%dma_wait3A_332 : memref<10000x128xf32, #tpu.memory_space<hbm>>) dst(%arg16 : memref<16x128xf32, #tpu.memory_space<vmem>>)
      "tpu.region"() ({
        %run_scoped3A_383 = tpu.sem_alloc : memref<!tpu.dma_semaphore, #tpu.memory_space<semaphore_mem>>
        %dma_start3A_384 = arith.constant 64 : i32
        %dma_start3A_385 = tpu.memref_slice %arg11[%scan3A_270, %dma_start3A_384] : memref<79x128xi32, #tpu.memory_space<vmem>> -> memref<1x16xi32, #tpu.memory_space<vmem>>
        %dma_start3A_386 = tpu.memref_squeeze %dma_start3A_385 : memref<1x16xi32, #tpu.memory_space<vmem>> -> memref<16xi32, #tpu.memory_space<vmem>>
        %dma_start3A_387 = arith.constant 0 : i32
        %dma_start3A_388 = arith.constant 0 : i32
        %dma_start3A_389 = tpu.memref_slice %arg20[%dma_start3A_387, %dma_start3A_388] : memref<10112x128xf32, #tpu.memory_space<vmem_shared>> -> memref<10112x128xf32, #tpu.memory_space<vmem_shared>>
        tpu.enqueue_indirect_dma source(%arg16 : memref<16x128xf32, #tpu.memory_space<vmem>>) target(%dma_start3A_389 : memref<10112x128xf32, #tpu.memory_space<vmem_shared>>) offsets(%dma_start3A_386 : memref<16xi32, #tpu.memory_space<vmem>>) semaphore(%run_scoped3A_383 : memref<!tpu.dma_semaphore, #tpu.memory_space<semaphore_mem>>) {add = true}
        %dma_wait3A_390 = arith.constant 64 : i32
        %dma_wait3A_391 = tpu.memref_slice %arg11[%scan3A_270, %dma_wait3A_390] : memref<79x128xi32, #tpu.memory_space<vmem>> -> memref<1x16xi32, #tpu.memory_space<vmem>>
        %dma_wait3A_392 = tpu.memref_squeeze %dma_wait3A_391 : memref<1x16xi32, #tpu.memory_space<vmem>> -> memref<16xi32, #tpu.memory_space<vmem>>
        %dma_wait3A_393 = arith.constant 0 : i32
        %dma_wait3A_394 = arith.constant 0 : i32
        %dma_wait3A_395 = tpu.memref_slice %arg20[%dma_wait3A_393, %dma_wait3A_394] : memref<10112x128xf32, #tpu.memory_space<vmem_shared>> -> memref<10112x128xf32, #tpu.memory_space<vmem_shared>>
        tpu.wait_indirect_dma semaphore(%run_scoped3A_383 : memref<!tpu.dma_semaphore, #tpu.memory_space<semaphore_mem>>) src(%arg16 : memref<16x128xf32, #tpu.memory_space<vmem>>) dst(%dma_wait3A_395 : memref<10112x128xf32, #tpu.memory_space<vmem_shared>>)
        tpu.yield
      }) : () -> ()
      %add3A_333 = arith.constant 1 : i32
      %add3A_334 = arith.addi %scan3A_270, %add3A_333 : i32
      %dma_start3A_335 = arith.constant 64 : i32
      %dma_start3A_336 = tpu.memref_slice %arg10[%add3A_334, %dma_start3A_335] : memref<79x128xi32, #tpu.memory_space<vmem>> -> memref<1x16xi32, #tpu.memory_space<vmem>>
      %dma_start3A_337 = tpu.memref_squeeze %dma_start3A_336 : memref<1x16xi32, #tpu.memory_space<vmem>> -> memref<16xi32, #tpu.memory_space<vmem>>
      %dma_start3A_338 = arith.constant 0 : i32
      %dma_start3A_339 = arith.constant 0 : i32
      %dma_start3A_340 = tpu.memref_slice %arg2[%dma_start3A_338, %dma_start3A_339] : memref<10000x128xf32, #tpu.memory_space<hbm>> -> memref<10000x128xf32, #tpu.memory_space<hbm>>
      tpu.enqueue_indirect_dma source(%dma_start3A_340 : memref<10000x128xf32, #tpu.memory_space<hbm>>) target(%arg16 : memref<16x128xf32, #tpu.memory_space<vmem>>) offsets(%dma_start3A_337 : memref<16xi32, #tpu.memory_space<vmem>>) semaphore(%arg25 : memref<!tpu.dma_semaphore, #tpu.memory_space<semaphore_mem>>)
      %dma_wait3A_341 = arith.constant 80 : i32
      %dma_wait3A_342 = tpu.memref_slice %arg10[%scan3A_270, %dma_wait3A_341] : memref<79x128xi32, #tpu.memory_space<vmem>> -> memref<1x16xi32, #tpu.memory_space<vmem>>
      %dma_wait3A_343 = tpu.memref_squeeze %dma_wait3A_342 : memref<1x16xi32, #tpu.memory_space<vmem>> -> memref<16xi32, #tpu.memory_space<vmem>>
      %dma_wait3A_344 = arith.constant 0 : i32
      %dma_wait3A_345 = arith.constant 0 : i32
      %dma_wait3A_346 = tpu.memref_slice %arg2[%dma_wait3A_344, %dma_wait3A_345] : memref<10000x128xf32, #tpu.memory_space<hbm>> -> memref<10000x128xf32, #tpu.memory_space<hbm>>
      tpu.wait_indirect_dma semaphore(%arg26 : memref<!tpu.dma_semaphore, #tpu.memory_space<semaphore_mem>>) src(%dma_wait3A_346 : memref<10000x128xf32, #tpu.memory_space<hbm>>) dst(%arg17 : memref<16x128xf32, #tpu.memory_space<vmem>>)
      "tpu.region"() ({
        %run_scoped3A_383 = tpu.sem_alloc : memref<!tpu.dma_semaphore, #tpu.memory_space<semaphore_mem>>
        %dma_start3A_384 = arith.constant 80 : i32
        %dma_start3A_385 = tpu.memref_slice %arg11[%scan3A_270, %dma_start3A_384] : memref<79x128xi32, #tpu.memory_space<vmem>> -> memref<1x16xi32, #tpu.memory_space<vmem>>
        %dma_start3A_386 = tpu.memref_squeeze %dma_start3A_385 : memref<1x16xi32, #tpu.memory_space<vmem>> -> memref<16xi32, #tpu.memory_space<vmem>>
        %dma_start3A_387 = arith.constant 0 : i32
        %dma_start3A_388 = arith.constant 0 : i32
        %dma_start3A_389 = tpu.memref_slice %arg20[%dma_start3A_387, %dma_start3A_388] : memref<10112x128xf32, #tpu.memory_space<vmem_shared>> -> memref<10112x128xf32, #tpu.memory_space<vmem_shared>>
        tpu.enqueue_indirect_dma source(%arg17 : memref<16x128xf32, #tpu.memory_space<vmem>>) target(%dma_start3A_389 : memref<10112x128xf32, #tpu.memory_space<vmem_shared>>) offsets(%dma_start3A_386 : memref<16xi32, #tpu.memory_space<vmem>>) semaphore(%run_scoped3A_383 : memref<!tpu.dma_semaphore, #tpu.memory_space<semaphore_mem>>) {add = true}
        %dma_wait3A_390 = arith.constant 80 : i32
        %dma_wait3A_391 = tpu.memref_slice %arg11[%scan3A_270, %dma_wait3A_390] : memref<79x128xi32, #tpu.memory_space<vmem>> -> memref<1x16xi32, #tpu.memory_space<vmem>>
        %dma_wait3A_392 = tpu.memref_squeeze %dma_wait3A_391 : memref<1x16xi32, #tpu.memory_space<vmem>> -> memref<16xi32, #tpu.memory_space<vmem>>
        %dma_wait3A_393 = arith.constant 0 : i32
        %dma_wait3A_394 = arith.constant 0 : i32
        %dma_wait3A_395 = tpu.memref_slice %arg20[%dma_wait3A_393, %dma_wait3A_394] : memref<10112x128xf32, #tpu.memory_space<vmem_shared>> -> memref<10112x128xf32, #tpu.memory_space<vmem_shared>>
        tpu.wait_indirect_dma semaphore(%run_scoped3A_383 : memref<!tpu.dma_semaphore, #tpu.memory_space<semaphore_mem>>) src(%arg17 : memref<16x128xf32, #tpu.memory_space<vmem>>) dst(%dma_wait3A_395 : memref<10112x128xf32, #tpu.memory_space<vmem_shared>>)
        tpu.yield
      }) : () -> ()
      %add3A_347 = arith.constant 1 : i32
      %add3A_348 = arith.addi %scan3A_270, %add3A_347 : i32
      %dma_start3A_349 = arith.constant 80 : i32
      %dma_start3A_350 = tpu.memref_slice %arg10[%add3A_348, %dma_start3A_349] : memref<79x128xi32, #tpu.memory_space<vmem>> -> memref<1x16xi32, #tpu.memory_space<vmem>>
      %dma_start3A_351 = tpu.memref_squeeze %dma_start3A_350 : memref<1x16xi32, #tpu.memory_space<vmem>> -> memref<16xi32, #tpu.memory_space<vmem>>
      %dma_start3A_352 = arith.constant 0 : i32
      %dma_start3A_353 = arith.constant 0 : i32
      %dma_start3A_354 = tpu.memref_slice %arg2[%dma_start3A_352, %dma_start3A_353] : memref<10000x128xf32, #tpu.memory_space<hbm>> -> memref<10000x128xf32, #tpu.memory_space<hbm>>
      tpu.enqueue_indirect_dma source(%dma_start3A_354 : memref<10000x128xf32, #tpu.memory_space<hbm>>) target(%arg17 : memref<16x128xf32, #tpu.memory_space<vmem>>) offsets(%dma_start3A_351 : memref<16xi32, #tpu.memory_space<vmem>>) semaphore(%arg26 : memref<!tpu.dma_semaphore, #tpu.memory_space<semaphore_mem>>)
      %dma_wait3A_355 = arith.constant 96 : i32
      %dma_wait3A_356 = tpu.memref_slice %arg10[%scan3A_270, %dma_wait3A_355] : memref<79x128xi32, #tpu.memory_space<vmem>> -> memref<1x16xi32, #tpu.memory_space<vmem>>
      %dma_wait3A_357 = tpu.memref_squeeze %dma_wait3A_356 : memref<1x16xi32, #tpu.memory_space<vmem>> -> memref<16xi32, #tpu.memory_space<vmem>>
      %dma_wait3A_358 = arith.constant 0 : i32
      %dma_wait3A_359 = arith.constant 0 : i32
      %dma_wait3A_360 = tpu.memref_slice %arg2[%dma_wait3A_358, %dma_wait3A_359] : memref<10000x128xf32, #tpu.memory_space<hbm>> -> memref<10000x128xf32, #tpu.memory_space<hbm>>
      tpu.wait_indirect_dma semaphore(%arg27 : memref<!tpu.dma_semaphore, #tpu.memory_space<semaphore_mem>>) src(%dma_wait3A_360 : memref<10000x128xf32, #tpu.memory_space<hbm>>) dst(%arg18 : memref<16x128xf32, #tpu.memory_space<vmem>>)
      "tpu.region"() ({
        %run_scoped3A_383 = tpu.sem_alloc : memref<!tpu.dma_semaphore, #tpu.memory_space<semaphore_mem>>
        %dma_start3A_384 = arith.constant 96 : i32
        %dma_start3A_385 = tpu.memref_slice %arg11[%scan3A_270, %dma_start3A_384] : memref<79x128xi32, #tpu.memory_space<vmem>> -> memref<1x16xi32, #tpu.memory_space<vmem>>
        %dma_start3A_386 = tpu.memref_squeeze %dma_start3A_385 : memref<1x16xi32, #tpu.memory_space<vmem>> -> memref<16xi32, #tpu.memory_space<vmem>>
        %dma_start3A_387 = arith.constant 0 : i32
        %dma_start3A_388 = arith.constant 0 : i32
        %dma_start3A_389 = tpu.memref_slice %arg20[%dma_start3A_387, %dma_start3A_388] : memref<10112x128xf32, #tpu.memory_space<vmem_shared>> -> memref<10112x128xf32, #tpu.memory_space<vmem_shared>>
        tpu.enqueue_indirect_dma source(%arg18 : memref<16x128xf32, #tpu.memory_space<vmem>>) target(%dma_start3A_389 : memref<10112x128xf32, #tpu.memory_space<vmem_shared>>) offsets(%dma_start3A_386 : memref<16xi32, #tpu.memory_space<vmem>>) semaphore(%run_scoped3A_383 : memref<!tpu.dma_semaphore, #tpu.memory_space<semaphore_mem>>) {add = true}
        %dma_wait3A_390 = arith.constant 96 : i32
        %dma_wait3A_391 = tpu.memref_slice %arg11[%scan3A_270, %dma_wait3A_390] : memref<79x128xi32, #tpu.memory_space<vmem>> -> memref<1x16xi32, #tpu.memory_space<vmem>>
        %dma_wait3A_392 = tpu.memref_squeeze %dma_wait3A_391 : memref<1x16xi32, #tpu.memory_space<vmem>> -> memref<16xi32, #tpu.memory_space<vmem>>
        %dma_wait3A_393 = arith.constant 0 : i32
        %dma_wait3A_394 = arith.constant 0 : i32
        %dma_wait3A_395 = tpu.memref_slice %arg20[%dma_wait3A_393, %dma_wait3A_394] : memref<10112x128xf32, #tpu.memory_space<vmem_shared>> -> memref<10112x128xf32, #tpu.memory_space<vmem_shared>>
        tpu.wait_indirect_dma semaphore(%run_scoped3A_383 : memref<!tpu.dma_semaphore, #tpu.memory_space<semaphore_mem>>) src(%arg18 : memref<16x128xf32, #tpu.memory_space<vmem>>) dst(%dma_wait3A_395 : memref<10112x128xf32, #tpu.memory_space<vmem_shared>>)
        tpu.yield
      }) : () -> ()
      %add3A_361 = arith.constant 1 : i32
      %add3A_362 = arith.addi %scan3A_270, %add3A_361 : i32
      %dma_start3A_363 = arith.constant 96 : i32
      %dma_start3A_364 = tpu.memref_slice %arg10[%add3A_362, %dma_start3A_363] : memref<79x128xi32, #tpu.memory_space<vmem>> -> memref<1x16xi32, #tpu.memory_space<vmem>>
      %dma_start3A_365 = tpu.memref_squeeze %dma_start3A_364 : memref<1x16xi32, #tpu.memory_space<vmem>> -> memref<16xi32, #tpu.memory_space<vmem>>
      %dma_start3A_366 = arith.constant 0 : i32
      %dma_start3A_367 = arith.constant 0 : i32
      %dma_start3A_368 = tpu.memref_slice %arg2[%dma_start3A_366, %dma_start3A_367] : memref<10000x128xf32, #tpu.memory_space<hbm>> -> memref<10000x128xf32, #tpu.memory_space<hbm>>
      tpu.enqueue_indirect_dma source(%dma_start3A_368 : memref<10000x128xf32, #tpu.memory_space<hbm>>) target(%arg18 : memref<16x128xf32, #tpu.memory_space<vmem>>) offsets(%dma_start3A_365 : memref<16xi32, #tpu.memory_space<vmem>>) semaphore(%arg27 : memref<!tpu.dma_semaphore, #tpu.memory_space<semaphore_mem>>)
      %dma_wait3A_369 = arith.constant 112 : i32
      %dma_wait3A_370 = tpu.memref_slice %arg10[%scan3A_270, %dma_wait3A_369] : memref<79x128xi32, #tpu.memory_space<vmem>> -> memref<1x16xi32, #tpu.memory_space<vmem>>
      %dma_wait3A_371 = tpu.memref_squeeze %dma_wait3A_370 : memref<1x16xi32, #tpu.memory_space<vmem>> -> memref<16xi32, #tpu.memory_space<vmem>>
      %dma_wait3A_372 = arith.constant 0 : i32
      %dma_wait3A_373 = arith.constant 0 : i32
      %dma_wait3A_374 = tpu.memref_slice %arg2[%dma_wait3A_372, %dma_wait3A_373] : memref<10000x128xf32, #tpu.memory_space<hbm>> -> memref<10000x128xf32, #tpu.memory_space<hbm>>
      tpu.wait_indirect_dma semaphore(%arg28 : memref<!tpu.dma_semaphore, #tpu.memory_space<semaphore_mem>>) src(%dma_wait3A_374 : memref<10000x128xf32, #tpu.memory_space<hbm>>) dst(%arg19 : memref<16x128xf32, #tpu.memory_space<vmem>>)
      "tpu.region"() ({
        %run_scoped3A_383 = tpu.sem_alloc : memref<!tpu.dma_semaphore, #tpu.memory_space<semaphore_mem>>
        %dma_start3A_384 = arith.constant 112 : i32
        %dma_start3A_385 = tpu.memref_slice %arg11[%scan3A_270, %dma_start3A_384] : memref<79x128xi32, #tpu.memory_space<vmem>> -> memref<1x16xi32, #tpu.memory_space<vmem>>
        %dma_start3A_386 = tpu.memref_squeeze %dma_start3A_385 : memref<1x16xi32, #tpu.memory_space<vmem>> -> memref<16xi32, #tpu.memory_space<vmem>>
        %dma_start3A_387 = arith.constant 0 : i32
        %dma_start3A_388 = arith.constant 0 : i32
        %dma_start3A_389 = tpu.memref_slice %arg20[%dma_start3A_387, %dma_start3A_388] : memref<10112x128xf32, #tpu.memory_space<vmem_shared>> -> memref<10112x128xf32, #tpu.memory_space<vmem_shared>>
        tpu.enqueue_indirect_dma source(%arg19 : memref<16x128xf32, #tpu.memory_space<vmem>>) target(%dma_start3A_389 : memref<10112x128xf32, #tpu.memory_space<vmem_shared>>) offsets(%dma_start3A_386 : memref<16xi32, #tpu.memory_space<vmem>>) semaphore(%run_scoped3A_383 : memref<!tpu.dma_semaphore, #tpu.memory_space<semaphore_mem>>) {add = true}
        %dma_wait3A_390 = arith.constant 112 : i32
        %dma_wait3A_391 = tpu.memref_slice %arg11[%scan3A_270, %dma_wait3A_390] : memref<79x128xi32, #tpu.memory_space<vmem>> -> memref<1x16xi32, #tpu.memory_space<vmem>>
        %dma_wait3A_392 = tpu.memref_squeeze %dma_wait3A_391 : memref<1x16xi32, #tpu.memory_space<vmem>> -> memref<16xi32, #tpu.memory_space<vmem>>
        %dma_wait3A_393 = arith.constant 0 : i32
        %dma_wait3A_394 = arith.constant 0 : i32
        %dma_wait3A_395 = tpu.memref_slice %arg20[%dma_wait3A_393, %dma_wait3A_394] : memref<10112x128xf32, #tpu.memory_space<vmem_shared>> -> memref<10112x128xf32, #tpu.memory_space<vmem_shared>>
        tpu.wait_indirect_dma semaphore(%run_scoped3A_383 : memref<!tpu.dma_semaphore, #tpu.memory_space<semaphore_mem>>) src(%arg19 : memref<16x128xf32, #tpu.memory_space<vmem>>) dst(%dma_wait3A_395 : memref<10112x128xf32, #tpu.memory_space<vmem_shared>>)
        tpu.yield
      }) : () -> ()
      %add3A_375 = arith.constant 1 : i32
      %add3A_376 = arith.addi %scan3A_270, %add3A_375 : i32
      %dma_start3A_377 = arith.constant 112 : i32
      %dma_start3A_378 = tpu.memref_slice %arg10[%add3A_376, %dma_start3A_377] : memref<79x128xi32, #tpu.memory_space<vmem>> -> memref<1x16xi32, #tpu.memory_space<vmem>>
      %dma_start3A_379 = tpu.memref_squeeze %dma_start3A_378 : memref<1x16xi32, #tpu.memory_space<vmem>> -> memref<16xi32, #tpu.memory_space<vmem>>
      %dma_start3A_380 = arith.constant 0 : i32
      %dma_start3A_381 = arith.constant 0 : i32
      %dma_start3A_382 = tpu.memref_slice %arg2[%dma_start3A_380, %dma_start3A_381] : memref<10000x128xf32, #tpu.memory_space<hbm>> -> memref<10000x128xf32, #tpu.memory_space<hbm>>
      tpu.enqueue_indirect_dma source(%dma_start3A_382 : memref<10000x128xf32, #tpu.memory_space<hbm>>) target(%arg19 : memref<16x128xf32, #tpu.memory_space<vmem>>) offsets(%dma_start3A_379 : memref<16xi32, #tpu.memory_space<vmem>>) semaphore(%arg28 : memref<!tpu.dma_semaphore, #tpu.memory_space<semaphore_mem>>)
    }
    %scan3A_64 = arith.constant 78 : i32
    %dma_wait3A = arith.constant 78 : i32
    %dma_wait3A_65 = arith.constant 0 : i32
    %dma_wait3A_66 = tpu.memref_slice %arg10[%dma_wait3A, %dma_wait3A_65] : memref<79x128xi32, #tpu.memory_space<vmem>> -> memref<1x16xi32, #tpu.memory_space<vmem>>
    %dma_wait3A_67 = tpu.memref_squeeze %dma_wait3A_66 : memref<1x16xi32, #tpu.memory_space<vmem>> -> memref<16xi32, #tpu.memory_space<vmem>>
    %dma_wait3A_68 = arith.constant 0 : i32
    %dma_wait3A_69 = arith.constant 0 : i32
    %dma_wait3A_70 = tpu.memref_slice %arg2[%dma_wait3A_68, %dma_wait3A_69] : memref<10000x128xf32, #tpu.memory_space<hbm>> -> memref<10000x128xf32, #tpu.memory_space<hbm>>
    tpu.wait_indirect_dma semaphore(%arg21 : memref<!tpu.dma_semaphore, #tpu.memory_space<semaphore_mem>>) src(%dma_wait3A_70 : memref<10000x128xf32, #tpu.memory_space<hbm>>) dst(%arg12 : memref<16x128xf32, #tpu.memory_space<vmem>>)
    %run_scoped3A = arith.constant 78 : i32
    "tpu.region"() ({
      %run_scoped3A_270 = tpu.sem_alloc : memref<!tpu.dma_semaphore, #tpu.memory_space<semaphore_mem>>
      %dma_start3A_271 = arith.constant 0 : i32
      %dma_start3A_272 = tpu.memref_slice %arg11[%run_scoped3A, %dma_start3A_271] : memref<79x128xi32, #tpu.memory_space<vmem>> -> memref<1x16xi32, #tpu.memory_space<vmem>>
      %dma_start3A_273 = tpu.memref_squeeze %dma_start3A_272 : memref<1x16xi32, #tpu.memory_space<vmem>> -> memref<16xi32, #tpu.memory_space<vmem>>
      %dma_start3A_274 = arith.constant 0 : i32
      %dma_start3A_275 = arith.constant 0 : i32
      %dma_start3A_276 = tpu.memref_slice %arg20[%dma_start3A_274, %dma_start3A_275] : memref<10112x128xf32, #tpu.memory_space<vmem_shared>> -> memref<10112x128xf32, #tpu.memory_space<vmem_shared>>
      tpu.enqueue_indirect_dma source(%arg12 : memref<16x128xf32, #tpu.memory_space<vmem>>) target(%dma_start3A_276 : memref<10112x128xf32, #tpu.memory_space<vmem_shared>>) offsets(%dma_start3A_273 : memref<16xi32, #tpu.memory_space<vmem>>) semaphore(%run_scoped3A_270 : memref<!tpu.dma_semaphore, #tpu.memory_space<semaphore_mem>>) {add = true}
      %dma_wait3A_277 = arith.constant 0 : i32
      %dma_wait3A_278 = tpu.memref_slice %arg11[%run_scoped3A, %dma_wait3A_277] : memref<79x128xi32, #tpu.memory_space<vmem>> -> memref<1x16xi32, #tpu.memory_space<vmem>>
      %dma_wait3A_279 = tpu.memref_squeeze %dma_wait3A_278 : memref<1x16xi32, #tpu.memory_space<vmem>> -> memref<16xi32, #tpu.memory_space<vmem>>
      %dma_wait3A_280 = arith.constant 0 : i32
      %dma_wait3A_281 = arith.constant 0 : i32
      %dma_wait3A_282 = tpu.memref_slice %arg20[%dma_wait3A_280, %dma_wait3A_281] : memref<10112x128xf32, #tpu.memory_space<vmem_shared>> -> memref<10112x128xf32, #tpu.memory_space<vmem_shared>>
      tpu.wait_indirect_dma semaphore(%run_scoped3A_270 : memref<!tpu.dma_semaphore, #tpu.memory_space<semaphore_mem>>) src(%arg12 : memref<16x128xf32, #tpu.memory_space<vmem>>) dst(%dma_wait3A_282 : memref<10112x128xf32, #tpu.memory_space<vmem_shared>>)
      tpu.yield
    }) : () -> ()
    %dma_wait3A_71 = arith.constant 78 : i32
    %dma_wait3A_72 = arith.constant 16 : i32
    %dma_wait3A_73 = tpu.memref_slice %arg10[%dma_wait3A_71, %dma_wait3A_72] : memref<79x128xi32, #tpu.memory_space<vmem>> -> memref<1x16xi32, #tpu.memory_space<vmem>>
    %dma_wait3A_74 = tpu.memref_squeeze %dma_wait3A_73 : memref<1x16xi32, #tpu.memory_space<vmem>> -> memref<16xi32, #tpu.memory_space<vmem>>
    %dma_wait3A_75 = arith.constant 0 : i32
    %dma_wait3A_76 = arith.constant 0 : i32
    %dma_wait3A_77 = tpu.memref_slice %arg2[%dma_wait3A_75, %dma_wait3A_76] : memref<10000x128xf32, #tpu.memory_space<hbm>> -> memref<10000x128xf32, #tpu.memory_space<hbm>>
    tpu.wait_indirect_dma semaphore(%arg22 : memref<!tpu.dma_semaphore, #tpu.memory_space<semaphore_mem>>) src(%dma_wait3A_77 : memref<10000x128xf32, #tpu.memory_space<hbm>>) dst(%arg13 : memref<16x128xf32, #tpu.memory_space<vmem>>)
    %run_scoped3A_78 = arith.constant 78 : i32
    "tpu.region"() ({
      %run_scoped3A_270 = tpu.sem_alloc : memref<!tpu.dma_semaphore, #tpu.memory_space<semaphore_mem>>
      %dma_start3A_271 = arith.constant 16 : i32
      %dma_start3A_272 = tpu.memref_slice %arg11[%run_scoped3A_78, %dma_start3A_271] : memref<79x128xi32, #tpu.memory_space<vmem>> -> memref<1x16xi32, #tpu.memory_space<vmem>>
      %dma_start3A_273 = tpu.memref_squeeze %dma_start3A_272 : memref<1x16xi32, #tpu.memory_space<vmem>> -> memref<16xi32, #tpu.memory_space<vmem>>
      %dma_start3A_274 = arith.constant 0 : i32
      %dma_start3A_275 = arith.constant 0 : i32
      %dma_start3A_276 = tpu.memref_slice %arg20[%dma_start3A_274, %dma_start3A_275] : memref<10112x128xf32, #tpu.memory_space<vmem_shared>> -> memref<10112x128xf32, #tpu.memory_space<vmem_shared>>
      tpu.enqueue_indirect_dma source(%arg13 : memref<16x128xf32, #tpu.memory_space<vmem>>) target(%dma_start3A_276 : memref<10112x128xf32, #tpu.memory_space<vmem_shared>>) offsets(%dma_start3A_273 : memref<16xi32, #tpu.memory_space<vmem>>) semaphore(%run_scoped3A_270 : memref<!tpu.dma_semaphore, #tpu.memory_space<semaphore_mem>>) {add = true}
      %dma_wait3A_277 = arith.constant 16 : i32
      %dma_wait3A_278 = tpu.memref_slice %arg11[%run_scoped3A_78, %dma_wait3A_277] : memref<79x128xi32, #tpu.memory_space<vmem>> -> memref<1x16xi32, #tpu.memory_space<vmem>>
      %dma_wait3A_279 = tpu.memref_squeeze %dma_wait3A_278 : memref<1x16xi32, #tpu.memory_space<vmem>> -> memref<16xi32, #tpu.memory_space<vmem>>
      %dma_wait3A_280 = arith.constant 0 : i32
      %dma_wait3A_281 = arith.constant 0 : i32
      %dma_wait3A_282 = tpu.memref_slice %arg20[%dma_wait3A_280, %dma_wait3A_281] : memref<10112x128xf32, #tpu.memory_space<vmem_shared>> -> memref<10112x128xf32, #tpu.memory_space<vmem_shared>>
      tpu.wait_indirect_dma semaphore(%run_scoped3A_270 : memref<!tpu.dma_semaphore, #tpu.memory_space<semaphore_mem>>) src(%arg13 : memref<16x128xf32, #tpu.memory_space<vmem>>) dst(%dma_wait3A_282 : memref<10112x128xf32, #tpu.memory_space<vmem_shared>>)
      tpu.yield
    }) : () -> ()
    %dma_wait3A_79 = arith.constant 78 : i32
    %dma_wait3A_80 = arith.constant 32 : i32
    %dma_wait3A_81 = tpu.memref_slice %arg10[%dma_wait3A_79, %dma_wait3A_80] : memref<79x128xi32, #tpu.memory_space<vmem>> -> memref<1x16xi32, #tpu.memory_space<vmem>>
    %dma_wait3A_82 = tpu.memref_squeeze %dma_wait3A_81 : memref<1x16xi32, #tpu.memory_space<vmem>> -> memref<16xi32, #tpu.memory_space<vmem>>
    %dma_wait3A_83 = arith.constant 0 : i32
    %dma_wait3A_84 = arith.constant 0 : i32
    %dma_wait3A_85 = tpu.memref_slice %arg2[%dma_wait3A_83, %dma_wait3A_84] : memref<10000x128xf32, #tpu.memory_space<hbm>> -> memref<10000x128xf32, #tpu.memory_space<hbm>>
    tpu.wait_indirect_dma semaphore(%arg23 : memref<!tpu.dma_semaphore, #tpu.memory_space<semaphore_mem>>) src(%dma_wait3A_85 : memref<10000x128xf32, #tpu.memory_space<hbm>>) dst(%arg14 : memref<16x128xf32, #tpu.memory_space<vmem>>)
    %run_scoped3A_86 = arith.constant 78 : i32
    "tpu.region"() ({
      %run_scoped3A_270 = tpu.sem_alloc : memref<!tpu.dma_semaphore, #tpu.memory_space<semaphore_mem>>
      %dma_start3A_271 = arith.constant 32 : i32
      %dma_start3A_272 = tpu.memref_slice %arg11[%run_scoped3A_86, %dma_start3A_271] : memref<79x128xi32, #tpu.memory_space<vmem>> -> memref<1x16xi32, #tpu.memory_space<vmem>>
      %dma_start3A_273 = tpu.memref_squeeze %dma_start3A_272 : memref<1x16xi32, #tpu.memory_space<vmem>> -> memref<16xi32, #tpu.memory_space<vmem>>
      %dma_start3A_274 = arith.constant 0 : i32
      %dma_start3A_275 = arith.constant 0 : i32
      %dma_start3A_276 = tpu.memref_slice %arg20[%dma_start3A_274, %dma_start3A_275] : memref<10112x128xf32, #tpu.memory_space<vmem_shared>> -> memref<10112x128xf32, #tpu.memory_space<vmem_shared>>
      tpu.enqueue_indirect_dma source(%arg14 : memref<16x128xf32, #tpu.memory_space<vmem>>) target(%dma_start3A_276 : memref<10112x128xf32, #tpu.memory_space<vmem_shared>>) offsets(%dma_start3A_273 : memref<16xi32, #tpu.memory_space<vmem>>) semaphore(%run_scoped3A_270 : memref<!tpu.dma_semaphore, #tpu.memory_space<semaphore_mem>>) {add = true}
      %dma_wait3A_277 = arith.constant 32 : i32
      %dma_wait3A_278 = tpu.memref_slice %arg11[%run_scoped3A_86, %dma_wait3A_277] : memref<79x128xi32, #tpu.memory_space<vmem>> -> memref<1x16xi32, #tpu.memory_space<vmem>>
      %dma_wait3A_279 = tpu.memref_squeeze %dma_wait3A_278 : memref<1x16xi32, #tpu.memory_space<vmem>> -> memref<16xi32, #tpu.memory_space<vmem>>
      %dma_wait3A_280 = arith.constant 0 : i32
      %dma_wait3A_281 = arith.constant 0 : i32
      %dma_wait3A_282 = tpu.memref_slice %arg20[%dma_wait3A_280, %dma_wait3A_281] : memref<10112x128xf32, #tpu.memory_space<vmem_shared>> -> memref<10112x128xf32, #tpu.memory_space<vmem_shared>>
      tpu.wait_indirect_dma semaphore(%run_scoped3A_270 : memref<!tpu.dma_semaphore, #tpu.memory_space<semaphore_mem>>) src(%arg14 : memref<16x128xf32, #tpu.memory_space<vmem>>) dst(%dma_wait3A_282 : memref<10112x128xf32, #tpu.memory_space<vmem_shared>>)
      tpu.yield
    }) : () -> ()
    %dma_wait3A_87 = arith.constant 78 : i32
    %dma_wait3A_88 = arith.constant 48 : i32
    %dma_wait3A_89 = tpu.memref_slice %arg10[%dma_wait3A_87, %dma_wait3A_88] : memref<79x128xi32, #tpu.memory_space<vmem>> -> memref<1x16xi32, #tpu.memory_space<vmem>>
    %dma_wait3A_90 = tpu.memref_squeeze %dma_wait3A_89 : memref<1x16xi32, #tpu.memory_space<vmem>> -> memref<16xi32, #tpu.memory_space<vmem>>
    %dma_wait3A_91 = arith.constant 0 : i32
    %dma_wait3A_92 = arith.constant 0 : i32
    %dma_wait3A_93 = tpu.memref_slice %arg2[%dma_wait3A_91, %dma_wait3A_92] : memref<10000x128xf32, #tpu.memory_space<hbm>> -> memref<10000x128xf32, #tpu.memory_space<hbm>>
    tpu.wait_indirect_dma semaphore(%arg24 : memref<!tpu.dma_semaphore, #tpu.memory_space<semaphore_mem>>) src(%dma_wait3A_93 : memref<10000x128xf32, #tpu.memory_space<hbm>>) dst(%arg15 : memref<16x128xf32, #tpu.memory_space<vmem>>)
    %run_scoped3A_94 = arith.constant 78 : i32
    "tpu.region"() ({
      %run_scoped3A_270 = tpu.sem_alloc : memref<!tpu.dma_semaphore, #tpu.memory_space<semaphore_mem>>
      %dma_start3A_271 = arith.constant 48 : i32
      %dma_start3A_272 = tpu.memref_slice %arg11[%run_scoped3A_94, %dma_start3A_271] : memref<79x128xi32, #tpu.memory_space<vmem>> -> memref<1x16xi32, #tpu.memory_space<vmem>>
      %dma_start3A_273 = tpu.memref_squeeze %dma_start3A_272 : memref<1x16xi32, #tpu.memory_space<vmem>> -> memref<16xi32, #tpu.memory_space<vmem>>
      %dma_start3A_274 = arith.constant 0 : i32
      %dma_start3A_275 = arith.constant 0 : i32
      %dma_start3A_276 = tpu.memref_slice %arg20[%dma_start3A_274, %dma_start3A_275] : memref<10112x128xf32, #tpu.memory_space<vmem_shared>> -> memref<10112x128xf32, #tpu.memory_space<vmem_shared>>
      tpu.enqueue_indirect_dma source(%arg15 : memref<16x128xf32, #tpu.memory_space<vmem>>) target(%dma_start3A_276 : memref<10112x128xf32, #tpu.memory_space<vmem_shared>>) offsets(%dma_start3A_273 : memref<16xi32, #tpu.memory_space<vmem>>) semaphore(%run_scoped3A_270 : memref<!tpu.dma_semaphore, #tpu.memory_space<semaphore_mem>>) {add = true}
      %dma_wait3A_277 = arith.constant 48 : i32
      %dma_wait3A_278 = tpu.memref_slice %arg11[%run_scoped3A_94, %dma_wait3A_277] : memref<79x128xi32, #tpu.memory_space<vmem>> -> memref<1x16xi32, #tpu.memory_space<vmem>>
      %dma_wait3A_279 = tpu.memref_squeeze %dma_wait3A_278 : memref<1x16xi32, #tpu.memory_space<vmem>> -> memref<16xi32, #tpu.memory_space<vmem>>
      %dma_wait3A_280 = arith.constant 0 : i32
      %dma_wait3A_281 = arith.constant 0 : i32
      %dma_wait3A_282 = tpu.memref_slice %arg20[%dma_wait3A_280, %dma_wait3A_281] : memref<10112x128xf32, #tpu.memory_space<vmem_shared>> -> memref<10112x128xf32, #tpu.memory_space<vmem_shared>>
      tpu.wait_indirect_dma semaphore(%run_scoped3A_270 : memref<!tpu.dma_semaphore, #tpu.memory_space<semaphore_mem>>) src(%arg15 : memref<16x128xf32, #tpu.memory_space<vmem>>) dst(%dma_wait3A_282 : memref<10112x128xf32, #tpu.memory_space<vmem_shared>>)
      tpu.yield
    }) : () -> ()
    %dma_wait3A_95 = arith.constant 78 : i32
    %dma_wait3A_96 = arith.constant 64 : i32
    %dma_wait3A_97 = tpu.memref_slice %arg10[%dma_wait3A_95, %dma_wait3A_96] : memref<79x128xi32, #tpu.memory_space<vmem>> -> memref<1x16xi32, #tpu.memory_space<vmem>>
    %dma_wait3A_98 = tpu.memref_squeeze %dma_wait3A_97 : memref<1x16xi32, #tpu.memory_space<vmem>> -> memref<16xi32, #tpu.memory_space<vmem>>
    %dma_wait3A_99 = arith.constant 0 : i32
    %dma_wait3A_100 = arith.constant 0 : i32
    %dma_wait3A_101 = tpu.memref_slice %arg2[%dma_wait3A_99, %dma_wait3A_100] : memref<10000x128xf32, #tpu.memory_space<hbm>> -> memref<10000x128xf32, #tpu.memory_space<hbm>>
    tpu.wait_indirect_dma semaphore(%arg25 : memref<!tpu.dma_semaphore, #tpu.memory_space<semaphore_mem>>) src(%dma_wait3A_101 : memref<10000x128xf32, #tpu.memory_space<hbm>>) dst(%arg16 : memref<16x128xf32, #tpu.memory_space<vmem>>)
    %run_scoped3A_102 = arith.constant 78 : i32
    "tpu.region"() ({
      %run_scoped3A_270 = tpu.sem_alloc : memref<!tpu.dma_semaphore, #tpu.memory_space<semaphore_mem>>
      %dma_start3A_271 = arith.constant 64 : i32
      %dma_start3A_272 = tpu.memref_slice %arg11[%run_scoped3A_102, %dma_start3A_271] : memref<79x128xi32, #tpu.memory_space<vmem>> -> memref<1x16xi32, #tpu.memory_space<vmem>>
      %dma_start3A_273 = tpu.memref_squeeze %dma_start3A_272 : memref<1x16xi32, #tpu.memory_space<vmem>> -> memref<16xi32, #tpu.memory_space<vmem>>
      %dma_start3A_274 = arith.constant 0 : i32
      %dma_start3A_275 = arith.constant 0 : i32
      %dma_start3A_276 = tpu.memref_slice %arg20[%dma_start3A_274, %dma_start3A_275] : memref<10112x128xf32, #tpu.memory_space<vmem_shared>> -> memref<10112x128xf32, #tpu.memory_space<vmem_shared>>
      tpu.enqueue_indirect_dma source(%arg16 : memref<16x128xf32, #tpu.memory_space<vmem>>) target(%dma_start3A_276 : memref<10112x128xf32, #tpu.memory_space<vmem_shared>>) offsets(%dma_start3A_273 : memref<16xi32, #tpu.memory_space<vmem>>) semaphore(%run_scoped3A_270 : memref<!tpu.dma_semaphore, #tpu.memory_space<semaphore_mem>>) {add = true}
      %dma_wait3A_277 = arith.constant 64 : i32
      %dma_wait3A_278 = tpu.memref_slice %arg11[%run_scoped3A_102, %dma_wait3A_277] : memref<79x128xi32, #tpu.memory_space<vmem>> -> memref<1x16xi32, #tpu.memory_space<vmem>>
      %dma_wait3A_279 = tpu.memref_squeeze %dma_wait3A_278 : memref<1x16xi32, #tpu.memory_space<vmem>> -> memref<16xi32, #tpu.memory_space<vmem>>
      %dma_wait3A_280 = arith.constant 0 : i32
      %dma_wait3A_281 = arith.constant 0 : i32
      %dma_wait3A_282 = tpu.memref_slice %arg20[%dma_wait3A_280, %dma_wait3A_281] : memref<10112x128xf32, #tpu.memory_space<vmem_shared>> -> memref<10112x128xf32, #tpu.memory_space<vmem_shared>>
      tpu.wait_indirect_dma semaphore(%run_scoped3A_270 : memref<!tpu.dma_semaphore, #tpu.memory_space<semaphore_mem>>) src(%arg16 : memref<16x128xf32, #tpu.memory_space<vmem>>) dst(%dma_wait3A_282 : memref<10112x128xf32, #tpu.memory_space<vmem_shared>>)
      tpu.yield
    }) : () -> ()
    %dma_wait3A_103 = arith.constant 78 : i32
    %dma_wait3A_104 = arith.constant 80 : i32
    %dma_wait3A_105 = tpu.memref_slice %arg10[%dma_wait3A_103, %dma_wait3A_104] : memref<79x128xi32, #tpu.memory_space<vmem>> -> memref<1x16xi32, #tpu.memory_space<vmem>>
    %dma_wait3A_106 = tpu.memref_squeeze %dma_wait3A_105 : memref<1x16xi32, #tpu.memory_space<vmem>> -> memref<16xi32, #tpu.memory_space<vmem>>
    %dma_wait3A_107 = arith.constant 0 : i32
    %dma_wait3A_108 = arith.constant 0 : i32
    %dma_wait3A_109 = tpu.memref_slice %arg2[%dma_wait3A_107, %dma_wait3A_108] : memref<10000x128xf32, #tpu.memory_space<hbm>> -> memref<10000x128xf32, #tpu.memory_space<hbm>>
    tpu.wait_indirect_dma semaphore(%arg26 : memref<!tpu.dma_semaphore, #tpu.memory_space<semaphore_mem>>) src(%dma_wait3A_109 : memref<10000x128xf32, #tpu.memory_space<hbm>>) dst(%arg17 : memref<16x128xf32, #tpu.memory_space<vmem>>)
    %run_scoped3A_110 = arith.constant 78 : i32
    "tpu.region"() ({
      %run_scoped3A_270 = tpu.sem_alloc : memref<!tpu.dma_semaphore, #tpu.memory_space<semaphore_mem>>
      %dma_start3A_271 = arith.constant 80 : i32
      %dma_start3A_272 = tpu.memref_slice %arg11[%run_scoped3A_110, %dma_start3A_271] : memref<79x128xi32, #tpu.memory_space<vmem>> -> memref<1x16xi32, #tpu.memory_space<vmem>>
      %dma_start3A_273 = tpu.memref_squeeze %dma_start3A_272 : memref<1x16xi32, #tpu.memory_space<vmem>> -> memref<16xi32, #tpu.memory_space<vmem>>
      %dma_start3A_274 = arith.constant 0 : i32
      %dma_start3A_275 = arith.constant 0 : i32
      %dma_start3A_276 = tpu.memref_slice %arg20[%dma_start3A_274, %dma_start3A_275] : memref<10112x128xf32, #tpu.memory_space<vmem_shared>> -> memref<10112x128xf32, #tpu.memory_space<vmem_shared>>
      tpu.enqueue_indirect_dma source(%arg17 : memref<16x128xf32, #tpu.memory_space<vmem>>) target(%dma_start3A_276 : memref<10112x128xf32, #tpu.memory_space<vmem_shared>>) offsets(%dma_start3A_273 : memref<16xi32, #tpu.memory_space<vmem>>) semaphore(%run_scoped3A_270 : memref<!tpu.dma_semaphore, #tpu.memory_space<semaphore_mem>>) {add = true}
      %dma_wait3A_277 = arith.constant 80 : i32
      %dma_wait3A_278 = tpu.memref_slice %arg11[%run_scoped3A_110, %dma_wait3A_277] : memref<79x128xi32, #tpu.memory_space<vmem>> -> memref<1x16xi32, #tpu.memory_space<vmem>>
      %dma_wait3A_279 = tpu.memref_squeeze %dma_wait3A_278 : memref<1x16xi32, #tpu.memory_space<vmem>> -> memref<16xi32, #tpu.memory_space<vmem>>
      %dma_wait3A_280 = arith.constant 0 : i32
      %dma_wait3A_281 = arith.constant 0 : i32
      %dma_wait3A_282 = tpu.memref_slice %arg20[%dma_wait3A_280, %dma_wait3A_281] : memref<10112x128xf32, #tpu.memory_space<vmem_shared>> -> memref<10112x128xf32, #tpu.memory_space<vmem_shared>>
      tpu.wait_indirect_dma semaphore(%run_scoped3A_270 : memref<!tpu.dma_semaphore, #tpu.memory_space<semaphore_mem>>) src(%arg17 : memref<16x128xf32, #tpu.memory_space<vmem>>) dst(%dma_wait3A_282 : memref<10112x128xf32, #tpu.memory_space<vmem_shared>>)
      tpu.yield
    }) : () -> ()
    %dma_wait3A_111 = arith.constant 78 : i32
    %dma_wait3A_112 = arith.constant 96 : i32
    %dma_wait3A_113 = tpu.memref_slice %arg10[%dma_wait3A_111, %dma_wait3A_112] : memref<79x128xi32, #tpu.memory_space<vmem>> -> memref<1x16xi32, #tpu.memory_space<vmem>>
    %dma_wait3A_114 = tpu.memref_squeeze %dma_wait3A_113 : memref<1x16xi32, #tpu.memory_space<vmem>> -> memref<16xi32, #tpu.memory_space<vmem>>
    %dma_wait3A_115 = arith.constant 0 : i32
    %dma_wait3A_116 = arith.constant 0 : i32
    %dma_wait3A_117 = tpu.memref_slice %arg2[%dma_wait3A_115, %dma_wait3A_116] : memref<10000x128xf32, #tpu.memory_space<hbm>> -> memref<10000x128xf32, #tpu.memory_space<hbm>>
    tpu.wait_indirect_dma semaphore(%arg27 : memref<!tpu.dma_semaphore, #tpu.memory_space<semaphore_mem>>) src(%dma_wait3A_117 : memref<10000x128xf32, #tpu.memory_space<hbm>>) dst(%arg18 : memref<16x128xf32, #tpu.memory_space<vmem>>)
    %run_scoped3A_118 = arith.constant 78 : i32
    "tpu.region"() ({
      %run_scoped3A_270 = tpu.sem_alloc : memref<!tpu.dma_semaphore, #tpu.memory_space<semaphore_mem>>
      %dma_start3A_271 = arith.constant 96 : i32
      %dma_start3A_272 = tpu.memref_slice %arg11[%run_scoped3A_118, %dma_start3A_271] : memref<79x128xi32, #tpu.memory_space<vmem>> -> memref<1x16xi32, #tpu.memory_space<vmem>>
      %dma_start3A_273 = tpu.memref_squeeze %dma_start3A_272 : memref<1x16xi32, #tpu.memory_space<vmem>> -> memref<16xi32, #tpu.memory_space<vmem>>
      %dma_start3A_274 = arith.constant 0 : i32
      %dma_start3A_275 = arith.constant 0 : i32
      %dma_start3A_276 = tpu.memref_slice %arg20[%dma_start3A_274, %dma_start3A_275] : memref<10112x128xf32, #tpu.memory_space<vmem_shared>> -> memref<10112x128xf32, #tpu.memory_space<vmem_shared>>
      tpu.enqueue_indirect_dma source(%arg18 : memref<16x128xf32, #tpu.memory_space<vmem>>) target(%dma_start3A_276 : memref<10112x128xf32, #tpu.memory_space<vmem_shared>>) offsets(%dma_start3A_273 : memref<16xi32, #tpu.memory_space<vmem>>) semaphore(%run_scoped3A_270 : memref<!tpu.dma_semaphore, #tpu.memory_space<semaphore_mem>>) {add = true}
      %dma_wait3A_277 = arith.constant 96 : i32
      %dma_wait3A_278 = tpu.memref_slice %arg11[%run_scoped3A_118, %dma_wait3A_277] : memref<79x128xi32, #tpu.memory_space<vmem>> -> memref<1x16xi32, #tpu.memory_space<vmem>>
      %dma_wait3A_279 = tpu.memref_squeeze %dma_wait3A_278 : memref<1x16xi32, #tpu.memory_space<vmem>> -> memref<16xi32, #tpu.memory_space<vmem>>
      %dma_wait3A_280 = arith.constant 0 : i32
      %dma_wait3A_281 = arith.constant 0 : i32
      %dma_wait3A_282 = tpu.memref_slice %arg20[%dma_wait3A_280, %dma_wait3A_281] : memref<10112x128xf32, #tpu.memory_space<vmem_shared>> -> memref<10112x128xf32, #tpu.memory_space<vmem_shared>>
      tpu.wait_indirect_dma semaphore(%run_scoped3A_270 : memref<!tpu.dma_semaphore, #tpu.memory_space<semaphore_mem>>) src(%arg18 : memref<16x128xf32, #tpu.memory_space<vmem>>) dst(%dma_wait3A_282 : memref<10112x128xf32, #tpu.memory_space<vmem_shared>>)
      tpu.yield
    }) : () -> ()
    %dma_wait3A_119 = arith.constant 78 : i32
    %dma_wait3A_120 = arith.constant 112 : i32
    %dma_wait3A_121 = tpu.memref_slice %arg10[%dma_wait3A_119, %dma_wait3A_120] : memref<79x128xi32, #tpu.memory_space<vmem>> -> memref<1x16xi32, #tpu.memory_space<vmem>>
    %dma_wait3A_122 = tpu.memref_squeeze %dma_wait3A_121 : memref<1x16xi32, #tpu.memory_space<vmem>> -> memref<16xi32, #tpu.memory_space<vmem>>
    %dma_wait3A_123 = arith.constant 0 : i32
    %dma_wait3A_124 = arith.constant 0 : i32
    %dma_wait3A_125 = tpu.memref_slice %arg2[%dma_wait3A_123, %dma_wait3A_124] : memref<10000x128xf32, #tpu.memory_space<hbm>> -> memref<10000x128xf32, #tpu.memory_space<hbm>>
    tpu.wait_indirect_dma semaphore(%arg28 : memref<!tpu.dma_semaphore, #tpu.memory_space<semaphore_mem>>) src(%dma_wait3A_125 : memref<10000x128xf32, #tpu.memory_space<hbm>>) dst(%arg19 : memref<16x128xf32, #tpu.memory_space<vmem>>)
    %run_scoped3A_126 = arith.constant 78 : i32
    "tpu.region"() ({
      %run_scoped3A_270 = tpu.sem_alloc : memref<!tpu.dma_semaphore, #tpu.memory_space<semaphore_mem>>
      %dma_start3A_271 = arith.constant 112 : i32
      %dma_start3A_272 = tpu.memref_slice %arg11[%run_scoped3A_126, %dma_start3A_271] : memref<79x128xi32, #tpu.memory_space<vmem>> -> memref<1x16xi32, #tpu.memory_space<vmem>>
      %dma_start3A_273 = tpu.memref_squeeze %dma_start3A_272 : memref<1x16xi32, #tpu.memory_space<vmem>> -> memref<16xi32, #tpu.memory_space<vmem>>
      %dma_start3A_274 = arith.constant 0 : i32
      %dma_start3A_275 = arith.constant 0 : i32
      %dma_start3A_276 = tpu.memref_slice %arg20[%dma_start3A_274, %dma_start3A_275] : memref<10112x128xf32, #tpu.memory_space<vmem_shared>> -> memref<10112x128xf32, #tpu.memory_space<vmem_shared>>
      tpu.enqueue_indirect_dma source(%arg19 : memref<16x128xf32, #tpu.memory_space<vmem>>) target(%dma_start3A_276 : memref<10112x128xf32, #tpu.memory_space<vmem_shared>>) offsets(%dma_start3A_273 : memref<16xi32, #tpu.memory_space<vmem>>) semaphore(%run_scoped3A_270 : memref<!tpu.dma_semaphore, #tpu.memory_space<semaphore_mem>>) {add = true}
      %dma_wait3A_277 = arith.constant 112 : i32
      %dma_wait3A_278 = tpu.memref_slice %arg11[%run_scoped3A_126, %dma_wait3A_277] : memref<79x128xi32, #tpu.memory_space<vmem>> -> memref<1x16xi32, #tpu.memory_space<vmem>>
      %dma_wait3A_279 = tpu.memref_squeeze %dma_wait3A_278 : memref<1x16xi32, #tpu.memory_space<vmem>> -> memref<16xi32, #tpu.memory_space<vmem>>
      %dma_wait3A_280 = arith.constant 0 : i32
      %dma_wait3A_281 = arith.constant 0 : i32
      %dma_wait3A_282 = tpu.memref_slice %arg20[%dma_wait3A_280, %dma_wait3A_281] : memref<10112x128xf32, #tpu.memory_space<vmem_shared>> -> memref<10112x128xf32, #tpu.memory_space<vmem_shared>>
      tpu.wait_indirect_dma semaphore(%run_scoped3A_270 : memref<!tpu.dma_semaphore, #tpu.memory_space<semaphore_mem>>) src(%arg19 : memref<16x128xf32, #tpu.memory_space<vmem>>) dst(%dma_wait3A_282 : memref<10112x128xf32, #tpu.memory_space<vmem_shared>>)
      tpu.yield
    }) : () -> ()
    %barrier3A_127 = arith.constant 0 : index
    tpu.barrier barrier_id(%barrier3A_127)
    %mul3A_128 = arith.constant 632 : i32
    %mul3A_129 = arith.muli %arg1, %mul3A_128 : i32
    %mul3A_130 = arith.constant 632 : i32
    %mul3A_131 = arith.muli %arg1, %mul3A_130 : i32
    "tpu.region"() ({
      %run_scoped3A_270 = tpu.sem_alloc : memref<!tpu.dma_semaphore, #tpu.memory_space<semaphore_mem>>
      %dma_start3A_271 = arith.constant 0 : i32
      %dma_start3A_272 = tpu.memref_slice %arg8[%arg0, %mul3A_131, %dma_start3A_271] : memref<2x10112x128xf32, #tpu.memory_space<hbm>> -> memref<1x632x128xf32, #tpu.memory_space<hbm>>
      %dma_start3A_273 = tpu.memref_squeeze %dma_start3A_272 : memref<1x632x128xf32, #tpu.memory_space<hbm>> -> memref<632x128xf32, #tpu.memory_space<hbm>>
      %dma_start3A_274 = arith.constant 0 : i32
      %dma_start3A_275 = tpu.memref_slice %arg20[%mul3A_129, %dma_start3A_274] : memref<10112x128xf32, #tpu.memory_space<vmem_shared>> -> memref<632x128xf32, #tpu.memory_space<vmem_shared>>
      tpu.enqueue_dma source(%dma_start3A_275 : memref<632x128xf32, #tpu.memory_space<vmem_shared>>) target(%dma_start3A_273 : memref<632x128xf32, #tpu.memory_space<hbm>>) target_semaphore(%run_scoped3A_270 : memref<!tpu.dma_semaphore, #tpu.memory_space<semaphore_mem>>)
      %dma_wait3A_276 = arith.constant 0 : i32
      %dma_wait3A_277 = tpu.memref_slice %arg8[%arg0, %mul3A_131, %dma_wait3A_276] : memref<2x10112x128xf32, #tpu.memory_space<hbm>> -> memref<1x632x128xf32, #tpu.memory_space<hbm>>
      %dma_wait3A_278 = tpu.memref_squeeze %dma_wait3A_277 : memref<1x632x128xf32, #tpu.memory_space<hbm>> -> memref<632x128xf32, #tpu.memory_space<hbm>>
      %dma_wait3A_279 = arith.constant 0 : i32
      %dma_wait3A_280 = tpu.memref_slice %arg20[%mul3A_129, %dma_wait3A_279] : memref<10112x128xf32, #tpu.memory_space<vmem_shared>> -> memref<632x128xf32, #tpu.memory_space<vmem_shared>>
      tpu.wait_dma2 semaphore(%run_scoped3A_270 : memref<!tpu.dma_semaphore, #tpu.memory_space<semaphore_mem>>) src(%dma_wait3A_280 : memref<632x128xf32, #tpu.memory_space<vmem_shared>>) dst(%dma_wait3A_278 : memref<632x128xf32, #tpu.memory_space<hbm>>)
      tpu.yield
    }) : () -> ()
    %barrier3A_132 = arith.constant 0 : index
    tpu.barrier barrier_id(%barrier3A_132)
    "tpu.region"() ({
      %run_scoped3A_270 = tpu.sem_alloc : memref<!tpu.dma_semaphore, #tpu.memory_space<semaphore_mem>>
      %dma_start3A_271 = arith.constant 0 : i32
      %dma_start3A_272 = arith.constant 0 : i32
      %dma_start3A_273 = tpu.memref_slice %arg5[%add3A, %dma_start3A_271, %dma_start3A_272] : memref<32x79x128xi32, #tpu.memory_space<hbm>> -> memref<1x79x128xi32, #tpu.memory_space<hbm>>
      %dma_start3A_274 = tpu.memref_squeeze %dma_start3A_273 : memref<1x79x128xi32, #tpu.memory_space<hbm>> -> memref<79x128xi32, #tpu.memory_space<hbm>>
      %dma_start3A_275 = arith.constant 0 : i32
      %dma_start3A_276 = arith.constant 0 : i32
      %dma_start3A_277 = tpu.memref_slice %arg5[%add3A, %dma_start3A_275, %dma_start3A_276] : memref<32x79x128xi32, #tpu.memory_space<hbm>> -> memref<1x79x128xi32, #tpu.memory_space<hbm>>
      %dma_start3A_278 = tpu.memref_squeeze %dma_start3A_277 : memref<1x79x128xi32, #tpu.memory_space<hbm>> -> memref<79x128xi32, #tpu.memory_space<hbm>>
      tpu.enqueue_dma source(%dma_start3A_278 : memref<79x128xi32, #tpu.memory_space<hbm>>) target(%arg10 : memref<79x128xi32, #tpu.memory_space<vmem>>) target_semaphore(%run_scoped3A_270 : memref<!tpu.dma_semaphore, #tpu.memory_space<semaphore_mem>>)
      %dma_wait3A_279 = arith.constant 0 : i32
      %dma_wait3A_280 = arith.constant 0 : i32
      %dma_wait3A_281 = tpu.memref_slice %arg5[%add3A, %dma_wait3A_279, %dma_wait3A_280] : memref<32x79x128xi32, #tpu.memory_space<hbm>> -> memref<1x79x128xi32, #tpu.memory_space<hbm>>
      %dma_wait3A_282 = tpu.memref_squeeze %dma_wait3A_281 : memref<1x79x128xi32, #tpu.memory_space<hbm>> -> memref<79x128xi32, #tpu.memory_space<hbm>>
      %dma_wait3A_283 = arith.constant 0 : i32
      %dma_wait3A_284 = arith.constant 0 : i32
      %dma_wait3A_285 = tpu.memref_slice %arg5[%add3A, %dma_wait3A_283, %dma_wait3A_284] : memref<32x79x128xi32, #tpu.memory_space<hbm>> -> memref<1x79x128xi32, #tpu.memory_space<hbm>>
      %dma_wait3A_286 = tpu.memref_squeeze %dma_wait3A_285 : memref<1x79x128xi32, #tpu.memory_space<hbm>> -> memref<79x128xi32, #tpu.memory_space<hbm>>
      tpu.wait_dma2 semaphore(%run_scoped3A_270 : memref<!tpu.dma_semaphore, #tpu.memory_space<semaphore_mem>>) src(%dma_wait3A_286 : memref<79x128xi32, #tpu.memory_space<hbm>>) dst(%arg10 : memref<79x128xi32, #tpu.memory_space<vmem>>)
      tpu.yield
    }) : () -> ()
    "tpu.region"() ({
      %run_scoped3A_270 = tpu.sem_alloc : memref<!tpu.dma_semaphore, #tpu.memory_space<semaphore_mem>>
      %dma_start3A_271 = arith.constant 0 : i32
      %dma_start3A_272 = arith.constant 0 : i32
      %dma_start3A_273 = tpu.memref_slice %arg6[%add3A, %dma_start3A_271, %dma_start3A_272] : memref<32x79x128xi32, #tpu.memory_space<hbm>> -> memref<1x79x128xi32, #tpu.memory_space<hbm>>
      %dma_start3A_274 = tpu.memref_squeeze %dma_start3A_273 : memref<1x79x128xi32, #tpu.memory_space<hbm>> -> memref<79x128xi32, #tpu.memory_space<hbm>>
      %dma_start3A_275 = arith.constant 0 : i32
      %dma_start3A_276 = arith.constant 0 : i32
      %dma_start3A_277 = tpu.memref_slice %arg6[%add3A, %dma_start3A_275, %dma_start3A_276] : memref<32x79x128xi32, #tpu.memory_space<hbm>> -> memref<1x79x128xi32, #tpu.memory_space<hbm>>
      %dma_start3A_278 = tpu.memref_squeeze %dma_start3A_277 : memref<1x79x128xi32, #tpu.memory_space<hbm>> -> memref<79x128xi32, #tpu.memory_space<hbm>>
      tpu.enqueue_dma source(%dma_start3A_278 : memref<79x128xi32, #tpu.memory_space<hbm>>) target(%arg11 : memref<79x128xi32, #tpu.memory_space<vmem>>) target_semaphore(%run_scoped3A_270 : memref<!tpu.dma_semaphore, #tpu.memory_space<semaphore_mem>>)
      %dma_wait3A_279 = arith.constant 0 : i32
      %dma_wait3A_280 = arith.constant 0 : i32
      %dma_wait3A_281 = tpu.memref_slice %arg6[%add3A, %dma_wait3A_279, %dma_wait3A_280] : memref<32x79x128xi32, #tpu.memory_space<hbm>> -> memref<1x79x128xi32, #tpu.memory_space<hbm>>
      %dma_wait3A_282 = tpu.memref_squeeze %dma_wait3A_281 : memref<1x79x128xi32, #tpu.memory_space<hbm>> -> memref<79x128xi32, #tpu.memory_space<hbm>>
      %dma_wait3A_283 = arith.constant 0 : i32
      %dma_wait3A_284 = arith.constant 0 : i32
      %dma_wait3A_285 = tpu.memref_slice %arg6[%add3A, %dma_wait3A_283, %dma_wait3A_284] : memref<32x79x128xi32, #tpu.memory_space<hbm>> -> memref<1x79x128xi32, #tpu.memory_space<hbm>>
      %dma_wait3A_286 = tpu.memref_squeeze %dma_wait3A_285 : memref<1x79x128xi32, #tpu.memory_space<hbm>> -> memref<79x128xi32, #tpu.memory_space<hbm>>
      tpu.wait_dma2 semaphore(%run_scoped3A_270 : memref<!tpu.dma_semaphore, #tpu.memory_space<semaphore_mem>>) src(%dma_wait3A_286 : memref<79x128xi32, #tpu.memory_space<hbm>>) dst(%arg11 : memref<79x128xi32, #tpu.memory_space<vmem>>)
      tpu.yield
    }) : () -> ()
    %mul3A_133 = arith.constant 632 : i32
    %mul3A_134 = arith.muli %arg1, %mul3A_133 : i32
    %mul3A_135 = arith.constant 632 : i32
    %mul3A_136 = arith.muli %arg1, %mul3A_135 : i32
    "tpu.region"() ({
      %run_scoped3A_270 = tpu.sem_alloc : memref<!tpu.dma_semaphore, #tpu.memory_space<semaphore_mem>>
      %dma_start3A_271 = arith.constant 0 : i32
      %dma_start3A_272 = tpu.memref_slice %arg20[%mul3A_136, %dma_start3A_271] : memref<10112x128xf32, #tpu.memory_space<vmem_shared>> -> memref<632x128xf32, #tpu.memory_space<vmem_shared>>
      %dma_start3A_273 = arith.constant 0 : i32
      %dma_start3A_274 = tpu.memref_slice %arg7[%mul3A_134, %dma_start3A_273] : memref<10112x128xf32, #tpu.memory_space<hbm>> -> memref<632x128xf32, #tpu.memory_space<hbm>>
      tpu.enqueue_dma source(%dma_start3A_274 : memref<632x128xf32, #tpu.memory_space<hbm>>) target(%dma_start3A_272 : memref<632x128xf32, #tpu.memory_space<vmem_shared>>) target_semaphore(%run_scoped3A_270 : memref<!tpu.dma_semaphore, #tpu.memory_space<semaphore_mem>>)
      %dma_wait3A_275 = arith.constant 0 : i32
      %dma_wait3A_276 = tpu.memref_slice %arg20[%mul3A_136, %dma_wait3A_275] : memref<10112x128xf32, #tpu.memory_space<vmem_shared>> -> memref<632x128xf32, #tpu.memory_space<vmem_shared>>
      %dma_wait3A_277 = arith.constant 0 : i32
      %dma_wait3A_278 = tpu.memref_slice %arg7[%mul3A_134, %dma_wait3A_277] : memref<10112x128xf32, #tpu.memory_space<hbm>> -> memref<632x128xf32, #tpu.memory_space<hbm>>
      tpu.wait_dma2 semaphore(%run_scoped3A_270 : memref<!tpu.dma_semaphore, #tpu.memory_space<semaphore_mem>>) src(%dma_wait3A_278 : memref<632x128xf32, #tpu.memory_space<hbm>>) dst(%dma_wait3A_276 : memref<632x128xf32, #tpu.memory_space<vmem_shared>>)
      tpu.yield
    }) : () -> ()
    %barrier3A_137 = arith.constant 0 : index
    tpu.barrier barrier_id(%barrier3A_137)
    %dma_start3A_138 = arith.constant 0 : i32
    %dma_start3A_139 = arith.constant 0 : i32
    %dma_start3A_140 = tpu.memref_slice %arg10[%dma_start3A_138, %dma_start3A_139] : memref<79x128xi32, #tpu.memory_space<vmem>> -> memref<1x16xi32, #tpu.memory_space<vmem>>
    %dma_start3A_141 = tpu.memref_squeeze %dma_start3A_140 : memref<1x16xi32, #tpu.memory_space<vmem>> -> memref<16xi32, #tpu.memory_space<vmem>>
    %dma_start3A_142 = arith.constant 0 : i32
    %dma_start3A_143 = arith.constant 0 : i32
    %dma_start3A_144 = tpu.memref_slice %arg2[%dma_start3A_142, %dma_start3A_143] : memref<10000x128xf32, #tpu.memory_space<hbm>> -> memref<10000x128xf32, #tpu.memory_space<hbm>>
    tpu.enqueue_indirect_dma source(%dma_start3A_144 : memref<10000x128xf32, #tpu.memory_space<hbm>>) target(%arg12 : memref<16x128xf32, #tpu.memory_space<vmem>>) offsets(%dma_start3A_141 : memref<16xi32, #tpu.memory_space<vmem>>) semaphore(%arg21 : memref<!tpu.dma_semaphore, #tpu.memory_space<semaphore_mem>>)
    %dma_start3A_145 = arith.constant 0 : i32
    %dma_start3A_146 = arith.constant 16 : i32
    %dma_start3A_147 = tpu.memref_slice %arg10[%dma_start3A_145, %dma_start3A_146] : memref<79x128xi32, #tpu.memory_space<vmem>> -> memref<1x16xi32, #tpu.memory_space<vmem>>
    %dma_start3A_148 = tpu.memref_squeeze %dma_start3A_147 : memref<1x16xi32, #tpu.memory_space<vmem>> -> memref<16xi32, #tpu.memory_space<vmem>>
    %dma_start3A_149 = arith.constant 0 : i32
    %dma_start3A_150 = arith.constant 0 : i32
    %dma_start3A_151 = tpu.memref_slice %arg2[%dma_start3A_149, %dma_start3A_150] : memref<10000x128xf32, #tpu.memory_space<hbm>> -> memref<10000x128xf32, #tpu.memory_space<hbm>>
    tpu.enqueue_indirect_dma source(%dma_start3A_151 : memref<10000x128xf32, #tpu.memory_space<hbm>>) target(%arg13 : memref<16x128xf32, #tpu.memory_space<vmem>>) offsets(%dma_start3A_148 : memref<16xi32, #tpu.memory_space<vmem>>) semaphore(%arg22 : memref<!tpu.dma_semaphore, #tpu.memory_space<semaphore_mem>>)
    %dma_start3A_152 = arith.constant 0 : i32
    %dma_start3A_153 = arith.constant 32 : i32
    %dma_start3A_154 = tpu.memref_slice %arg10[%dma_start3A_152, %dma_start3A_153] : memref<79x128xi32, #tpu.memory_space<vmem>> -> memref<1x16xi32, #tpu.memory_space<vmem>>
    %dma_start3A_155 = tpu.memref_squeeze %dma_start3A_154 : memref<1x16xi32, #tpu.memory_space<vmem>> -> memref<16xi32, #tpu.memory_space<vmem>>
    %dma_start3A_156 = arith.constant 0 : i32
    %dma_start3A_157 = arith.constant 0 : i32
    %dma_start3A_158 = tpu.memref_slice %arg2[%dma_start3A_156, %dma_start3A_157] : memref<10000x128xf32, #tpu.memory_space<hbm>> -> memref<10000x128xf32, #tpu.memory_space<hbm>>
    tpu.enqueue_indirect_dma source(%dma_start3A_158 : memref<10000x128xf32, #tpu.memory_space<hbm>>) target(%arg14 : memref<16x128xf32, #tpu.memory_space<vmem>>) offsets(%dma_start3A_155 : memref<16xi32, #tpu.memory_space<vmem>>) semaphore(%arg23 : memref<!tpu.dma_semaphore, #tpu.memory_space<semaphore_mem>>)
    %dma_start3A_159 = arith.constant 0 : i32
    %dma_start3A_160 = arith.constant 48 : i32
    %dma_start3A_161 = tpu.memref_slice %arg10[%dma_start3A_159, %dma_start3A_160] : memref<79x128xi32, #tpu.memory_space<vmem>> -> memref<1x16xi32, #tpu.memory_space<vmem>>
    %dma_start3A_162 = tpu.memref_squeeze %dma_start3A_161 : memref<1x16xi32, #tpu.memory_space<vmem>> -> memref<16xi32, #tpu.memory_space<vmem>>
    %dma_start3A_163 = arith.constant 0 : i32
    %dma_start3A_164 = arith.constant 0 : i32
    %dma_start3A_165 = tpu.memref_slice %arg2[%dma_start3A_163, %dma_start3A_164] : memref<10000x128xf32, #tpu.memory_space<hbm>> -> memref<10000x128xf32, #tpu.memory_space<hbm>>
    tpu.enqueue_indirect_dma source(%dma_start3A_165 : memref<10000x128xf32, #tpu.memory_space<hbm>>) target(%arg15 : memref<16x128xf32, #tpu.memory_space<vmem>>) offsets(%dma_start3A_162 : memref<16xi32, #tpu.memory_space<vmem>>) semaphore(%arg24 : memref<!tpu.dma_semaphore, #tpu.memory_space<semaphore_mem>>)
    %dma_start3A_166 = arith.constant 0 : i32
    %dma_start3A_167 = arith.constant 64 : i32
    %dma_start3A_168 = tpu.memref_slice %arg10[%dma_start3A_166, %dma_start3A_167] : memref<79x128xi32, #tpu.memory_space<vmem>> -> memref<1x16xi32, #tpu.memory_space<vmem>>
    %dma_start3A_169 = tpu.memref_squeeze %dma_start3A_168 : memref<1x16xi32, #tpu.memory_space<vmem>> -> memref<16xi32, #tpu.memory_space<vmem>>
    %dma_start3A_170 = arith.constant 0 : i32
    %dma_start3A_171 = arith.constant 0 : i32
    %dma_start3A_172 = tpu.memref_slice %arg2[%dma_start3A_170, %dma_start3A_171] : memref<10000x128xf32, #tpu.memory_space<hbm>> -> memref<10000x128xf32, #tpu.memory_space<hbm>>
    tpu.enqueue_indirect_dma source(%dma_start3A_172 : memref<10000x128xf32, #tpu.memory_space<hbm>>) target(%arg16 : memref<16x128xf32, #tpu.memory_space<vmem>>) offsets(%dma_start3A_169 : memref<16xi32, #tpu.memory_space<vmem>>) semaphore(%arg25 : memref<!tpu.dma_semaphore, #tpu.memory_space<semaphore_mem>>)
    %dma_start3A_173 = arith.constant 0 : i32
    %dma_start3A_174 = arith.constant 80 : i32
    %dma_start3A_175 = tpu.memref_slice %arg10[%dma_start3A_173, %dma_start3A_174] : memref<79x128xi32, #tpu.memory_space<vmem>> -> memref<1x16xi32, #tpu.memory_space<vmem>>
    %dma_start3A_176 = tpu.memref_squeeze %dma_start3A_175 : memref<1x16xi32, #tpu.memory_space<vmem>> -> memref<16xi32, #tpu.memory_space<vmem>>
    %dma_start3A_177 = arith.constant 0 : i32
    %dma_start3A_178 = arith.constant 0 : i32
    %dma_start3A_179 = tpu.memref_slice %arg2[%dma_start3A_177, %dma_start3A_178] : memref<10000x128xf32, #tpu.memory_space<hbm>> -> memref<10000x128xf32, #tpu.memory_space<hbm>>
    tpu.enqueue_indirect_dma source(%dma_start3A_179 : memref<10000x128xf32, #tpu.memory_space<hbm>>) target(%arg17 : memref<16x128xf32, #tpu.memory_space<vmem>>) offsets(%dma_start3A_176 : memref<16xi32, #tpu.memory_space<vmem>>) semaphore(%arg26 : memref<!tpu.dma_semaphore, #tpu.memory_space<semaphore_mem>>)
    %dma_start3A_180 = arith.constant 0 : i32
    %dma_start3A_181 = arith.constant 96 : i32
    %dma_start3A_182 = tpu.memref_slice %arg10[%dma_start3A_180, %dma_start3A_181] : memref<79x128xi32, #tpu.memory_space<vmem>> -> memref<1x16xi32, #tpu.memory_space<vmem>>
    %dma_start3A_183 = tpu.memref_squeeze %dma_start3A_182 : memref<1x16xi32, #tpu.memory_space<vmem>> -> memref<16xi32, #tpu.memory_space<vmem>>
    %dma_start3A_184 = arith.constant 0 : i32
    %dma_start3A_185 = arith.constant 0 : i32
    %dma_start3A_186 = tpu.memref_slice %arg2[%dma_start3A_184, %dma_start3A_185] : memref<10000x128xf32, #tpu.memory_space<hbm>> -> memref<10000x128xf32, #tpu.memory_space<hbm>>
    tpu.enqueue_indirect_dma source(%dma_start3A_186 : memref<10000x128xf32, #tpu.memory_space<hbm>>) target(%arg18 : memref<16x128xf32, #tpu.memory_space<vmem>>) offsets(%dma_start3A_183 : memref<16xi32, #tpu.memory_space<vmem>>) semaphore(%arg27 : memref<!tpu.dma_semaphore, #tpu.memory_space<semaphore_mem>>)
    %dma_start3A_187 = arith.constant 0 : i32
    %dma_start3A_188 = arith.constant 112 : i32
    %dma_start3A_189 = tpu.memref_slice %arg10[%dma_start3A_187, %dma_start3A_188] : memref<79x128xi32, #tpu.memory_space<vmem>> -> memref<1x16xi32, #tpu.memory_space<vmem>>
    %dma_start3A_190 = tpu.memref_squeeze %dma_start3A_189 : memref<1x16xi32, #tpu.memory_space<vmem>> -> memref<16xi32, #tpu.memory_space<vmem>>
    %dma_start3A_191 = arith.constant 0 : i32
    %dma_start3A_192 = arith.constant 0 : i32
    %dma_start3A_193 = tpu.memref_slice %arg2[%dma_start3A_191, %dma_start3A_192] : memref<10000x128xf32, #tpu.memory_space<hbm>> -> memref<10000x128xf32, #tpu.memory_space<hbm>>
    tpu.enqueue_indirect_dma source(%dma_start3A_193 : memref<10000x128xf32, #tpu.memory_space<hbm>>) target(%arg19 : memref<16x128xf32, #tpu.memory_space<vmem>>) offsets(%dma_start3A_190 : memref<16xi32, #tpu.memory_space<vmem>>) semaphore(%arg28 : memref<!tpu.dma_semaphore, #tpu.memory_space<semaphore_mem>>)
    %scan3A_194 = arith.constant 0 : i32
    %scan3A_195 = arith.constant 0 : i32
    %scan3A_196 = arith.constant 78 : i32
    %scan3A_197 = arith.addi %scan3A_195, %scan3A_196 : i32
    %scan3A_198 = arith.constant 1 : i32
    scf.for %scan3A_270 = %scan3A_195 to %scan3A_197 step %scan3A_198  : i32 {
      %dma_wait3A_271 = arith.constant 0 : i32
      %dma_wait3A_272 = tpu.memref_slice %arg10[%scan3A_270, %dma_wait3A_271] : memref<79x128xi32, #tpu.memory_space<vmem>> -> memref<1x16xi32, #tpu.memory_space<vmem>>
      %dma_wait3A_273 = tpu.memref_squeeze %dma_wait3A_272 : memref<1x16xi32, #tpu.memory_space<vmem>> -> memref<16xi32, #tpu.memory_space<vmem>>
      %dma_wait3A_274 = arith.constant 0 : i32
      %dma_wait3A_275 = arith.constant 0 : i32
      %dma_wait3A_276 = tpu.memref_slice %arg2[%dma_wait3A_274, %dma_wait3A_275] : memref<10000x128xf32, #tpu.memory_space<hbm>> -> memref<10000x128xf32, #tpu.memory_space<hbm>>
      tpu.wait_indirect_dma semaphore(%arg21 : memref<!tpu.dma_semaphore, #tpu.memory_space<semaphore_mem>>) src(%dma_wait3A_276 : memref<10000x128xf32, #tpu.memory_space<hbm>>) dst(%arg12 : memref<16x128xf32, #tpu.memory_space<vmem>>)
      "tpu.region"() ({
        %run_scoped3A_383 = tpu.sem_alloc : memref<!tpu.dma_semaphore, #tpu.memory_space<semaphore_mem>>
        %dma_start3A_384 = arith.constant 0 : i32
        %dma_start3A_385 = tpu.memref_slice %arg11[%scan3A_270, %dma_start3A_384] : memref<79x128xi32, #tpu.memory_space<vmem>> -> memref<1x16xi32, #tpu.memory_space<vmem>>
        %dma_start3A_386 = tpu.memref_squeeze %dma_start3A_385 : memref<1x16xi32, #tpu.memory_space<vmem>> -> memref<16xi32, #tpu.memory_space<vmem>>
        %dma_start3A_387 = arith.constant 0 : i32
        %dma_start3A_388 = arith.constant 0 : i32
        %dma_start3A_389 = tpu.memref_slice %arg20[%dma_start3A_387, %dma_start3A_388] : memref<10112x128xf32, #tpu.memory_space<vmem_shared>> -> memref<10112x128xf32, #tpu.memory_space<vmem_shared>>
        tpu.enqueue_indirect_dma source(%arg12 : memref<16x128xf32, #tpu.memory_space<vmem>>) target(%dma_start3A_389 : memref<10112x128xf32, #tpu.memory_space<vmem_shared>>) offsets(%dma_start3A_386 : memref<16xi32, #tpu.memory_space<vmem>>) semaphore(%run_scoped3A_383 : memref<!tpu.dma_semaphore, #tpu.memory_space<semaphore_mem>>) {add = true}
        %dma_wait3A_390 = arith.constant 0 : i32
        %dma_wait3A_391 = tpu.memref_slice %arg11[%scan3A_270, %dma_wait3A_390] : memref<79x128xi32, #tpu.memory_space<vmem>> -> memref<1x16xi32, #tpu.memory_space<vmem>>
        %dma_wait3A_392 = tpu.memref_squeeze %dma_wait3A_391 : memref<1x16xi32, #tpu.memory_space<vmem>> -> memref<16xi32, #tpu.memory_space<vmem>>
        %dma_wait3A_393 = arith.constant 0 : i32
        %dma_wait3A_394 = arith.constant 0 : i32
        %dma_wait3A_395 = tpu.memref_slice %arg20[%dma_wait3A_393, %dma_wait3A_394] : memref<10112x128xf32, #tpu.memory_space<vmem_shared>> -> memref<10112x128xf32, #tpu.memory_space<vmem_shared>>
        tpu.wait_indirect_dma semaphore(%run_scoped3A_383 : memref<!tpu.dma_semaphore, #tpu.memory_space<semaphore_mem>>) src(%arg12 : memref<16x128xf32, #tpu.memory_space<vmem>>) dst(%dma_wait3A_395 : memref<10112x128xf32, #tpu.memory_space<vmem_shared>>)
        tpu.yield
      }) : () -> ()
      %add3A_277 = arith.constant 1 : i32
      %add3A_278 = arith.addi %scan3A_270, %add3A_277 : i32
      %dma_start3A_279 = arith.constant 0 : i32
      %dma_start3A_280 = tpu.memref_slice %arg10[%add3A_278, %dma_start3A_279] : memref<79x128xi32, #tpu.memory_space<vmem>> -> memref<1x16xi32, #tpu.memory_space<vmem>>
      %dma_start3A_281 = tpu.memref_squeeze %dma_start3A_280 : memref<1x16xi32, #tpu.memory_space<vmem>> -> memref<16xi32, #tpu.memory_space<vmem>>
      %dma_start3A_282 = arith.constant 0 : i32
      %dma_start3A_283 = arith.constant 0 : i32
      %dma_start3A_284 = tpu.memref_slice %arg2[%dma_start3A_282, %dma_start3A_283] : memref<10000x128xf32, #tpu.memory_space<hbm>> -> memref<10000x128xf32, #tpu.memory_space<hbm>>
      tpu.enqueue_indirect_dma source(%dma_start3A_284 : memref<10000x128xf32, #tpu.memory_space<hbm>>) target(%arg12 : memref<16x128xf32, #tpu.memory_space<vmem>>) offsets(%dma_start3A_281 : memref<16xi32, #tpu.memory_space<vmem>>) semaphore(%arg21 : memref<!tpu.dma_semaphore, #tpu.memory_space<semaphore_mem>>)
      %dma_wait3A_285 = arith.constant 16 : i32
      %dma_wait3A_286 = tpu.memref_slice %arg10[%scan3A_270, %dma_wait3A_285] : memref<79x128xi32, #tpu.memory_space<vmem>> -> memref<1x16xi32, #tpu.memory_space<vmem>>
      %dma_wait3A_287 = tpu.memref_squeeze %dma_wait3A_286 : memref<1x16xi32, #tpu.memory_space<vmem>> -> memref<16xi32, #tpu.memory_space<vmem>>
      %dma_wait3A_288 = arith.constant 0 : i32
      %dma_wait3A_289 = arith.constant 0 : i32
      %dma_wait3A_290 = tpu.memref_slice %arg2[%dma_wait3A_288, %dma_wait3A_289] : memref<10000x128xf32, #tpu.memory_space<hbm>> -> memref<10000x128xf32, #tpu.memory_space<hbm>>
      tpu.wait_indirect_dma semaphore(%arg22 : memref<!tpu.dma_semaphore, #tpu.memory_space<semaphore_mem>>) src(%dma_wait3A_290 : memref<10000x128xf32, #tpu.memory_space<hbm>>) dst(%arg13 : memref<16x128xf32, #tpu.memory_space<vmem>>)
      "tpu.region"() ({
        %run_scoped3A_383 = tpu.sem_alloc : memref<!tpu.dma_semaphore, #tpu.memory_space<semaphore_mem>>
        %dma_start3A_384 = arith.constant 16 : i32
        %dma_start3A_385 = tpu.memref_slice %arg11[%scan3A_270, %dma_start3A_384] : memref<79x128xi32, #tpu.memory_space<vmem>> -> memref<1x16xi32, #tpu.memory_space<vmem>>
        %dma_start3A_386 = tpu.memref_squeeze %dma_start3A_385 : memref<1x16xi32, #tpu.memory_space<vmem>> -> memref<16xi32, #tpu.memory_space<vmem>>
        %dma_start3A_387 = arith.constant 0 : i32
        %dma_start3A_388 = arith.constant 0 : i32
        %dma_start3A_389 = tpu.memref_slice %arg20[%dma_start3A_387, %dma_start3A_388] : memref<10112x128xf32, #tpu.memory_space<vmem_shared>> -> memref<10112x128xf32, #tpu.memory_space<vmem_shared>>
        tpu.enqueue_indirect_dma source(%arg13 : memref<16x128xf32, #tpu.memory_space<vmem>>) target(%dma_start3A_389 : memref<10112x128xf32, #tpu.memory_space<vmem_shared>>) offsets(%dma_start3A_386 : memref<16xi32, #tpu.memory_space<vmem>>) semaphore(%run_scoped3A_383 : memref<!tpu.dma_semaphore, #tpu.memory_space<semaphore_mem>>) {add = true}
        %dma_wait3A_390 = arith.constant 16 : i32
        %dma_wait3A_391 = tpu.memref_slice %arg11[%scan3A_270, %dma_wait3A_390] : memref<79x128xi32, #tpu.memory_space<vmem>> -> memref<1x16xi32, #tpu.memory_space<vmem>>
        %dma_wait3A_392 = tpu.memref_squeeze %dma_wait3A_391 : memref<1x16xi32, #tpu.memory_space<vmem>> -> memref<16xi32, #tpu.memory_space<vmem>>
        %dma_wait3A_393 = arith.constant 0 : i32
        %dma_wait3A_394 = arith.constant 0 : i32
        %dma_wait3A_395 = tpu.memref_slice %arg20[%dma_wait3A_393, %dma_wait3A_394] : memref<10112x128xf32, #tpu.memory_space<vmem_shared>> -> memref<10112x128xf32, #tpu.memory_space<vmem_shared>>
        tpu.wait_indirect_dma semaphore(%run_scoped3A_383 : memref<!tpu.dma_semaphore, #tpu.memory_space<semaphore_mem>>) src(%arg13 : memref<16x128xf32, #tpu.memory_space<vmem>>) dst(%dma_wait3A_395 : memref<10112x128xf32, #tpu.memory_space<vmem_shared>>)
        tpu.yield
      }) : () -> ()
      %add3A_291 = arith.constant 1 : i32
      %add3A_292 = arith.addi %scan3A_270, %add3A_291 : i32
      %dma_start3A_293 = arith.constant 16 : i32
      %dma_start3A_294 = tpu.memref_slice %arg10[%add3A_292, %dma_start3A_293] : memref<79x128xi32, #tpu.memory_space<vmem>> -> memref<1x16xi32, #tpu.memory_space<vmem>>
      %dma_start3A_295 = tpu.memref_squeeze %dma_start3A_294 : memref<1x16xi32, #tpu.memory_space<vmem>> -> memref<16xi32, #tpu.memory_space<vmem>>
      %dma_start3A_296 = arith.constant 0 : i32
      %dma_start3A_297 = arith.constant 0 : i32
      %dma_start3A_298 = tpu.memref_slice %arg2[%dma_start3A_296, %dma_start3A_297] : memref<10000x128xf32, #tpu.memory_space<hbm>> -> memref<10000x128xf32, #tpu.memory_space<hbm>>
      tpu.enqueue_indirect_dma source(%dma_start3A_298 : memref<10000x128xf32, #tpu.memory_space<hbm>>) target(%arg13 : memref<16x128xf32, #tpu.memory_space<vmem>>) offsets(%dma_start3A_295 : memref<16xi32, #tpu.memory_space<vmem>>) semaphore(%arg22 : memref<!tpu.dma_semaphore, #tpu.memory_space<semaphore_mem>>)
      %dma_wait3A_299 = arith.constant 32 : i32
      %dma_wait3A_300 = tpu.memref_slice %arg10[%scan3A_270, %dma_wait3A_299] : memref<79x128xi32, #tpu.memory_space<vmem>> -> memref<1x16xi32, #tpu.memory_space<vmem>>
      %dma_wait3A_301 = tpu.memref_squeeze %dma_wait3A_300 : memref<1x16xi32, #tpu.memory_space<vmem>> -> memref<16xi32, #tpu.memory_space<vmem>>
      %dma_wait3A_302 = arith.constant 0 : i32
      %dma_wait3A_303 = arith.constant 0 : i32
      %dma_wait3A_304 = tpu.memref_slice %arg2[%dma_wait3A_302, %dma_wait3A_303] : memref<10000x128xf32, #tpu.memory_space<hbm>> -> memref<10000x128xf32, #tpu.memory_space<hbm>>
      tpu.wait_indirect_dma semaphore(%arg23 : memref<!tpu.dma_semaphore, #tpu.memory_space<semaphore_mem>>) src(%dma_wait3A_304 : memref<10000x128xf32, #tpu.memory_space<hbm>>) dst(%arg14 : memref<16x128xf32, #tpu.memory_space<vmem>>)
      "tpu.region"() ({
        %run_scoped3A_383 = tpu.sem_alloc : memref<!tpu.dma_semaphore, #tpu.memory_space<semaphore_mem>>
        %dma_start3A_384 = arith.constant 32 : i32
        %dma_start3A_385 = tpu.memref_slice %arg11[%scan3A_270, %dma_start3A_384] : memref<79x128xi32, #tpu.memory_space<vmem>> -> memref<1x16xi32, #tpu.memory_space<vmem>>
        %dma_start3A_386 = tpu.memref_squeeze %dma_start3A_385 : memref<1x16xi32, #tpu.memory_space<vmem>> -> memref<16xi32, #tpu.memory_space<vmem>>
        %dma_start3A_387 = arith.constant 0 : i32
        %dma_start3A_388 = arith.constant 0 : i32
        %dma_start3A_389 = tpu.memref_slice %arg20[%dma_start3A_387, %dma_start3A_388] : memref<10112x128xf32, #tpu.memory_space<vmem_shared>> -> memref<10112x128xf32, #tpu.memory_space<vmem_shared>>
        tpu.enqueue_indirect_dma source(%arg14 : memref<16x128xf32, #tpu.memory_space<vmem>>) target(%dma_start3A_389 : memref<10112x128xf32, #tpu.memory_space<vmem_shared>>) offsets(%dma_start3A_386 : memref<16xi32, #tpu.memory_space<vmem>>) semaphore(%run_scoped3A_383 : memref<!tpu.dma_semaphore, #tpu.memory_space<semaphore_mem>>) {add = true}
        %dma_wait3A_390 = arith.constant 32 : i32
        %dma_wait3A_391 = tpu.memref_slice %arg11[%scan3A_270, %dma_wait3A_390] : memref<79x128xi32, #tpu.memory_space<vmem>> -> memref<1x16xi32, #tpu.memory_space<vmem>>
        %dma_wait3A_392 = tpu.memref_squeeze %dma_wait3A_391 : memref<1x16xi32, #tpu.memory_space<vmem>> -> memref<16xi32, #tpu.memory_space<vmem>>
        %dma_wait3A_393 = arith.constant 0 : i32
        %dma_wait3A_394 = arith.constant 0 : i32
        %dma_wait3A_395 = tpu.memref_slice %arg20[%dma_wait3A_393, %dma_wait3A_394] : memref<10112x128xf32, #tpu.memory_space<vmem_shared>> -> memref<10112x128xf32, #tpu.memory_space<vmem_shared>>
        tpu.wait_indirect_dma semaphore(%run_scoped3A_383 : memref<!tpu.dma_semaphore, #tpu.memory_space<semaphore_mem>>) src(%arg14 : memref<16x128xf32, #tpu.memory_space<vmem>>) dst(%dma_wait3A_395 : memref<10112x128xf32, #tpu.memory_space<vmem_shared>>)
        tpu.yield
      }) : () -> ()
      %add3A_305 = arith.constant 1 : i32
      %add3A_306 = arith.addi %scan3A_270, %add3A_305 : i32
      %dma_start3A_307 = arith.constant 32 : i32
      %dma_start3A_308 = tpu.memref_slice %arg10[%add3A_306, %dma_start3A_307] : memref<79x128xi32, #tpu.memory_space<vmem>> -> memref<1x16xi32, #tpu.memory_space<vmem>>
      %dma_start3A_309 = tpu.memref_squeeze %dma_start3A_308 : memref<1x16xi32, #tpu.memory_space<vmem>> -> memref<16xi32, #tpu.memory_space<vmem>>
      %dma_start3A_310 = arith.constant 0 : i32
      %dma_start3A_311 = arith.constant 0 : i32
      %dma_start3A_312 = tpu.memref_slice %arg2[%dma_start3A_310, %dma_start3A_311] : memref<10000x128xf32, #tpu.memory_space<hbm>> -> memref<10000x128xf32, #tpu.memory_space<hbm>>
      tpu.enqueue_indirect_dma source(%dma_start3A_312 : memref<10000x128xf32, #tpu.memory_space<hbm>>) target(%arg14 : memref<16x128xf32, #tpu.memory_space<vmem>>) offsets(%dma_start3A_309 : memref<16xi32, #tpu.memory_space<vmem>>) semaphore(%arg23 : memref<!tpu.dma_semaphore, #tpu.memory_space<semaphore_mem>>)
      %dma_wait3A_313 = arith.constant 48 : i32
      %dma_wait3A_314 = tpu.memref_slice %arg10[%scan3A_270, %dma_wait3A_313] : memref<79x128xi32, #tpu.memory_space<vmem>> -> memref<1x16xi32, #tpu.memory_space<vmem>>
      %dma_wait3A_315 = tpu.memref_squeeze %dma_wait3A_314 : memref<1x16xi32, #tpu.memory_space<vmem>> -> memref<16xi32, #tpu.memory_space<vmem>>
      %dma_wait3A_316 = arith.constant 0 : i32
      %dma_wait3A_317 = arith.constant 0 : i32
      %dma_wait3A_318 = tpu.memref_slice %arg2[%dma_wait3A_316, %dma_wait3A_317] : memref<10000x128xf32, #tpu.memory_space<hbm>> -> memref<10000x128xf32, #tpu.memory_space<hbm>>
      tpu.wait_indirect_dma semaphore(%arg24 : memref<!tpu.dma_semaphore, #tpu.memory_space<semaphore_mem>>) src(%dma_wait3A_318 : memref<10000x128xf32, #tpu.memory_space<hbm>>) dst(%arg15 : memref<16x128xf32, #tpu.memory_space<vmem>>)
      "tpu.region"() ({
        %run_scoped3A_383 = tpu.sem_alloc : memref<!tpu.dma_semaphore, #tpu.memory_space<semaphore_mem>>
        %dma_start3A_384 = arith.constant 48 : i32
        %dma_start3A_385 = tpu.memref_slice %arg11[%scan3A_270, %dma_start3A_384] : memref<79x128xi32, #tpu.memory_space<vmem>> -> memref<1x16xi32, #tpu.memory_space<vmem>>
        %dma_start3A_386 = tpu.memref_squeeze %dma_start3A_385 : memref<1x16xi32, #tpu.memory_space<vmem>> -> memref<16xi32, #tpu.memory_space<vmem>>
        %dma_start3A_387 = arith.constant 0 : i32
        %dma_start3A_388 = arith.constant 0 : i32
        %dma_start3A_389 = tpu.memref_slice %arg20[%dma_start3A_387, %dma_start3A_388] : memref<10112x128xf32, #tpu.memory_space<vmem_shared>> -> memref<10112x128xf32, #tpu.memory_space<vmem_shared>>
        tpu.enqueue_indirect_dma source(%arg15 : memref<16x128xf32, #tpu.memory_space<vmem>>) target(%dma_start3A_389 : memref<10112x128xf32, #tpu.memory_space<vmem_shared>>) offsets(%dma_start3A_386 : memref<16xi32, #tpu.memory_space<vmem>>) semaphore(%run_scoped3A_383 : memref<!tpu.dma_semaphore, #tpu.memory_space<semaphore_mem>>) {add = true}
        %dma_wait3A_390 = arith.constant 48 : i32
        %dma_wait3A_391 = tpu.memref_slice %arg11[%scan3A_270, %dma_wait3A_390] : memref<79x128xi32, #tpu.memory_space<vmem>> -> memref<1x16xi32, #tpu.memory_space<vmem>>
        %dma_wait3A_392 = tpu.memref_squeeze %dma_wait3A_391 : memref<1x16xi32, #tpu.memory_space<vmem>> -> memref<16xi32, #tpu.memory_space<vmem>>
        %dma_wait3A_393 = arith.constant 0 : i32
        %dma_wait3A_394 = arith.constant 0 : i32
        %dma_wait3A_395 = tpu.memref_slice %arg20[%dma_wait3A_393, %dma_wait3A_394] : memref<10112x128xf32, #tpu.memory_space<vmem_shared>> -> memref<10112x128xf32, #tpu.memory_space<vmem_shared>>
        tpu.wait_indirect_dma semaphore(%run_scoped3A_383 : memref<!tpu.dma_semaphore, #tpu.memory_space<semaphore_mem>>) src(%arg15 : memref<16x128xf32, #tpu.memory_space<vmem>>) dst(%dma_wait3A_395 : memref<10112x128xf32, #tpu.memory_space<vmem_shared>>)
        tpu.yield
      }) : () -> ()
      %add3A_319 = arith.constant 1 : i32
      %add3A_320 = arith.addi %scan3A_270, %add3A_319 : i32
      %dma_start3A_321 = arith.constant 48 : i32
      %dma_start3A_322 = tpu.memref_slice %arg10[%add3A_320, %dma_start3A_321] : memref<79x128xi32, #tpu.memory_space<vmem>> -> memref<1x16xi32, #tpu.memory_space<vmem>>
      %dma_start3A_323 = tpu.memref_squeeze %dma_start3A_322 : memref<1x16xi32, #tpu.memory_space<vmem>> -> memref<16xi32, #tpu.memory_space<vmem>>
      %dma_start3A_324 = arith.constant 0 : i32
      %dma_start3A_325 = arith.constant 0 : i32
      %dma_start3A_326 = tpu.memref_slice %arg2[%dma_start3A_324, %dma_start3A_325] : memref<10000x128xf32, #tpu.memory_space<hbm>> -> memref<10000x128xf32, #tpu.memory_space<hbm>>
      tpu.enqueue_indirect_dma source(%dma_start3A_326 : memref<10000x128xf32, #tpu.memory_space<hbm>>) target(%arg15 : memref<16x128xf32, #tpu.memory_space<vmem>>) offsets(%dma_start3A_323 : memref<16xi32, #tpu.memory_space<vmem>>) semaphore(%arg24 : memref<!tpu.dma_semaphore, #tpu.memory_space<semaphore_mem>>)
      %dma_wait3A_327 = arith.constant 64 : i32
      %dma_wait3A_328 = tpu.memref_slice %arg10[%scan3A_270, %dma_wait3A_327] : memref<79x128xi32, #tpu.memory_space<vmem>> -> memref<1x16xi32, #tpu.memory_space<vmem>>
      %dma_wait3A_329 = tpu.memref_squeeze %dma_wait3A_328 : memref<1x16xi32, #tpu.memory_space<vmem>> -> memref<16xi32, #tpu.memory_space<vmem>>
      %dma_wait3A_330 = arith.constant 0 : i32
      %dma_wait3A_331 = arith.constant 0 : i32
      %dma_wait3A_332 = tpu.memref_slice %arg2[%dma_wait3A_330, %dma_wait3A_331] : memref<10000x128xf32, #tpu.memory_space<hbm>> -> memref<10000x128xf32, #tpu.memory_space<hbm>>
      tpu.wait_indirect_dma semaphore(%arg25 : memref<!tpu.dma_semaphore, #tpu.memory_space<semaphore_mem>>) src(%dma_wait3A_332 : memref<10000x128xf32, #tpu.memory_space<hbm>>) dst(%arg16 : memref<16x128xf32, #tpu.memory_space<vmem>>)
      "tpu.region"() ({
        %run_scoped3A_383 = tpu.sem_alloc : memref<!tpu.dma_semaphore, #tpu.memory_space<semaphore_mem>>
        %dma_start3A_384 = arith.constant 64 : i32
        %dma_start3A_385 = tpu.memref_slice %arg11[%scan3A_270, %dma_start3A_384] : memref<79x128xi32, #tpu.memory_space<vmem>> -> memref<1x16xi32, #tpu.memory_space<vmem>>
        %dma_start3A_386 = tpu.memref_squeeze %dma_start3A_385 : memref<1x16xi32, #tpu.memory_space<vmem>> -> memref<16xi32, #tpu.memory_space<vmem>>
        %dma_start3A_387 = arith.constant 0 : i32
        %dma_start3A_388 = arith.constant 0 : i32
        %dma_start3A_389 = tpu.memref_slice %arg20[%dma_start3A_387, %dma_start3A_388] : memref<10112x128xf32, #tpu.memory_space<vmem_shared>> -> memref<10112x128xf32, #tpu.memory_space<vmem_shared>>
        tpu.enqueue_indirect_dma source(%arg16 : memref<16x128xf32, #tpu.memory_space<vmem>>) target(%dma_start3A_389 : memref<10112x128xf32, #tpu.memory_space<vmem_shared>>) offsets(%dma_start3A_386 : memref<16xi32, #tpu.memory_space<vmem>>) semaphore(%run_scoped3A_383 : memref<!tpu.dma_semaphore, #tpu.memory_space<semaphore_mem>>) {add = true}
        %dma_wait3A_390 = arith.constant 64 : i32
        %dma_wait3A_391 = tpu.memref_slice %arg11[%scan3A_270, %dma_wait3A_390] : memref<79x128xi32, #tpu.memory_space<vmem>> -> memref<1x16xi32, #tpu.memory_space<vmem>>
        %dma_wait3A_392 = tpu.memref_squeeze %dma_wait3A_391 : memref<1x16xi32, #tpu.memory_space<vmem>> -> memref<16xi32, #tpu.memory_space<vmem>>
        %dma_wait3A_393 = arith.constant 0 : i32
        %dma_wait3A_394 = arith.constant 0 : i32
        %dma_wait3A_395 = tpu.memref_slice %arg20[%dma_wait3A_393, %dma_wait3A_394] : memref<10112x128xf32, #tpu.memory_space<vmem_shared>> -> memref<10112x128xf32, #tpu.memory_space<vmem_shared>>
        tpu.wait_indirect_dma semaphore(%run_scoped3A_383 : memref<!tpu.dma_semaphore, #tpu.memory_space<semaphore_mem>>) src(%arg16 : memref<16x128xf32, #tpu.memory_space<vmem>>) dst(%dma_wait3A_395 : memref<10112x128xf32, #tpu.memory_space<vmem_shared>>)
        tpu.yield
      }) : () -> ()
      %add3A_333 = arith.constant 1 : i32
      %add3A_334 = arith.addi %scan3A_270, %add3A_333 : i32
      %dma_start3A_335 = arith.constant 64 : i32
      %dma_start3A_336 = tpu.memref_slice %arg10[%add3A_334, %dma_start3A_335] : memref<79x128xi32, #tpu.memory_space<vmem>> -> memref<1x16xi32, #tpu.memory_space<vmem>>
      %dma_start3A_337 = tpu.memref_squeeze %dma_start3A_336 : memref<1x16xi32, #tpu.memory_space<vmem>> -> memref<16xi32, #tpu.memory_space<vmem>>
      %dma_start3A_338 = arith.constant 0 : i32
      %dma_start3A_339 = arith.constant 0 : i32
      %dma_start3A_340 = tpu.memref_slice %arg2[%dma_start3A_338, %dma_start3A_339] : memref<10000x128xf32, #tpu.memory_space<hbm>> -> memref<10000x128xf32, #tpu.memory_space<hbm>>
      tpu.enqueue_indirect_dma source(%dma_start3A_340 : memref<10000x128xf32, #tpu.memory_space<hbm>>) target(%arg16 : memref<16x128xf32, #tpu.memory_space<vmem>>) offsets(%dma_start3A_337 : memref<16xi32, #tpu.memory_space<vmem>>) semaphore(%arg25 : memref<!tpu.dma_semaphore, #tpu.memory_space<semaphore_mem>>)
      %dma_wait3A_341 = arith.constant 80 : i32
      %dma_wait3A_342 = tpu.memref_slice %arg10[%scan3A_270, %dma_wait3A_341] : memref<79x128xi32, #tpu.memory_space<vmem>> -> memref<1x16xi32, #tpu.memory_space<vmem>>
      %dma_wait3A_343 = tpu.memref_squeeze %dma_wait3A_342 : memref<1x16xi32, #tpu.memory_space<vmem>> -> memref<16xi32, #tpu.memory_space<vmem>>
      %dma_wait3A_344 = arith.constant 0 : i32
      %dma_wait3A_345 = arith.constant 0 : i32
      %dma_wait3A_346 = tpu.memref_slice %arg2[%dma_wait3A_344, %dma_wait3A_345] : memref<10000x128xf32, #tpu.memory_space<hbm>> -> memref<10000x128xf32, #tpu.memory_space<hbm>>
      tpu.wait_indirect_dma semaphore(%arg26 : memref<!tpu.dma_semaphore, #tpu.memory_space<semaphore_mem>>) src(%dma_wait3A_346 : memref<10000x128xf32, #tpu.memory_space<hbm>>) dst(%arg17 : memref<16x128xf32, #tpu.memory_space<vmem>>)
      "tpu.region"() ({
        %run_scoped3A_383 = tpu.sem_alloc : memref<!tpu.dma_semaphore, #tpu.memory_space<semaphore_mem>>
        %dma_start3A_384 = arith.constant 80 : i32
        %dma_start3A_385 = tpu.memref_slice %arg11[%scan3A_270, %dma_start3A_384] : memref<79x128xi32, #tpu.memory_space<vmem>> -> memref<1x16xi32, #tpu.memory_space<vmem>>
        %dma_start3A_386 = tpu.memref_squeeze %dma_start3A_385 : memref<1x16xi32, #tpu.memory_space<vmem>> -> memref<16xi32, #tpu.memory_space<vmem>>
        %dma_start3A_387 = arith.constant 0 : i32
        %dma_start3A_388 = arith.constant 0 : i32
        %dma_start3A_389 = tpu.memref_slice %arg20[%dma_start3A_387, %dma_start3A_388] : memref<10112x128xf32, #tpu.memory_space<vmem_shared>> -> memref<10112x128xf32, #tpu.memory_space<vmem_shared>>
        tpu.enqueue_indirect_dma source(%arg17 : memref<16x128xf32, #tpu.memory_space<vmem>>) target(%dma_start3A_389 : memref<10112x128xf32, #tpu.memory_space<vmem_shared>>) offsets(%dma_start3A_386 : memref<16xi32, #tpu.memory_space<vmem>>) semaphore(%run_scoped3A_383 : memref<!tpu.dma_semaphore, #tpu.memory_space<semaphore_mem>>) {add = true}
        %dma_wait3A_390 = arith.constant 80 : i32
        %dma_wait3A_391 = tpu.memref_slice %arg11[%scan3A_270, %dma_wait3A_390] : memref<79x128xi32, #tpu.memory_space<vmem>> -> memref<1x16xi32, #tpu.memory_space<vmem>>
        %dma_wait3A_392 = tpu.memref_squeeze %dma_wait3A_391 : memref<1x16xi32, #tpu.memory_space<vmem>> -> memref<16xi32, #tpu.memory_space<vmem>>
        %dma_wait3A_393 = arith.constant 0 : i32
        %dma_wait3A_394 = arith.constant 0 : i32
        %dma_wait3A_395 = tpu.memref_slice %arg20[%dma_wait3A_393, %dma_wait3A_394] : memref<10112x128xf32, #tpu.memory_space<vmem_shared>> -> memref<10112x128xf32, #tpu.memory_space<vmem_shared>>
        tpu.wait_indirect_dma semaphore(%run_scoped3A_383 : memref<!tpu.dma_semaphore, #tpu.memory_space<semaphore_mem>>) src(%arg17 : memref<16x128xf32, #tpu.memory_space<vmem>>) dst(%dma_wait3A_395 : memref<10112x128xf32, #tpu.memory_space<vmem_shared>>)
        tpu.yield
      }) : () -> ()
      %add3A_347 = arith.constant 1 : i32
      %add3A_348 = arith.addi %scan3A_270, %add3A_347 : i32
      %dma_start3A_349 = arith.constant 80 : i32
      %dma_start3A_350 = tpu.memref_slice %arg10[%add3A_348, %dma_start3A_349] : memref<79x128xi32, #tpu.memory_space<vmem>> -> memref<1x16xi32, #tpu.memory_space<vmem>>
      %dma_start3A_351 = tpu.memref_squeeze %dma_start3A_350 : memref<1x16xi32, #tpu.memory_space<vmem>> -> memref<16xi32, #tpu.memory_space<vmem>>
      %dma_start3A_352 = arith.constant 0 : i32
      %dma_start3A_353 = arith.constant 0 : i32
      %dma_start3A_354 = tpu.memref_slice %arg2[%dma_start3A_352, %dma_start3A_353] : memref<10000x128xf32, #tpu.memory_space<hbm>> -> memref<10000x128xf32, #tpu.memory_space<hbm>>
      tpu.enqueue_indirect_dma source(%dma_start3A_354 : memref<10000x128xf32, #tpu.memory_space<hbm>>) target(%arg17 : memref<16x128xf32, #tpu.memory_space<vmem>>) offsets(%dma_start3A_351 : memref<16xi32, #tpu.memory_space<vmem>>) semaphore(%arg26 : memref<!tpu.dma_semaphore, #tpu.memory_space<semaphore_mem>>)
      %dma_wait3A_355 = arith.constant 96 : i32
      %dma_wait3A_356 = tpu.memref_slice %arg10[%scan3A_270, %dma_wait3A_355] : memref<79x128xi32, #tpu.memory_space<vmem>> -> memref<1x16xi32, #tpu.memory_space<vmem>>
      %dma_wait3A_357 = tpu.memref_squeeze %dma_wait3A_356 : memref<1x16xi32, #tpu.memory_space<vmem>> -> memref<16xi32, #tpu.memory_space<vmem>>
      %dma_wait3A_358 = arith.constant 0 : i32
      %dma_wait3A_359 = arith.constant 0 : i32
      %dma_wait3A_360 = tpu.memref_slice %arg2[%dma_wait3A_358, %dma_wait3A_359] : memref<10000x128xf32, #tpu.memory_space<hbm>> -> memref<10000x128xf32, #tpu.memory_space<hbm>>
      tpu.wait_indirect_dma semaphore(%arg27 : memref<!tpu.dma_semaphore, #tpu.memory_space<semaphore_mem>>) src(%dma_wait3A_360 : memref<10000x128xf32, #tpu.memory_space<hbm>>) dst(%arg18 : memref<16x128xf32, #tpu.memory_space<vmem>>)
      "tpu.region"() ({
        %run_scoped3A_383 = tpu.sem_alloc : memref<!tpu.dma_semaphore, #tpu.memory_space<semaphore_mem>>
        %dma_start3A_384 = arith.constant 96 : i32
        %dma_start3A_385 = tpu.memref_slice %arg11[%scan3A_270, %dma_start3A_384] : memref<79x128xi32, #tpu.memory_space<vmem>> -> memref<1x16xi32, #tpu.memory_space<vmem>>
        %dma_start3A_386 = tpu.memref_squeeze %dma_start3A_385 : memref<1x16xi32, #tpu.memory_space<vmem>> -> memref<16xi32, #tpu.memory_space<vmem>>
        %dma_start3A_387 = arith.constant 0 : i32
        %dma_start3A_388 = arith.constant 0 : i32
        %dma_start3A_389 = tpu.memref_slice %arg20[%dma_start3A_387, %dma_start3A_388] : memref<10112x128xf32, #tpu.memory_space<vmem_shared>> -> memref<10112x128xf32, #tpu.memory_space<vmem_shared>>
        tpu.enqueue_indirect_dma source(%arg18 : memref<16x128xf32, #tpu.memory_space<vmem>>) target(%dma_start3A_389 : memref<10112x128xf32, #tpu.memory_space<vmem_shared>>) offsets(%dma_start3A_386 : memref<16xi32, #tpu.memory_space<vmem>>) semaphore(%run_scoped3A_383 : memref<!tpu.dma_semaphore, #tpu.memory_space<semaphore_mem>>) {add = true}
        %dma_wait3A_390 = arith.constant 96 : i32
        %dma_wait3A_391 = tpu.memref_slice %arg11[%scan3A_270, %dma_wait3A_390] : memref<79x128xi32, #tpu.memory_space<vmem>> -> memref<1x16xi32, #tpu.memory_space<vmem>>
        %dma_wait3A_392 = tpu.memref_squeeze %dma_wait3A_391 : memref<1x16xi32, #tpu.memory_space<vmem>> -> memref<16xi32, #tpu.memory_space<vmem>>
        %dma_wait3A_393 = arith.constant 0 : i32
        %dma_wait3A_394 = arith.constant 0 : i32
        %dma_wait3A_395 = tpu.memref_slice %arg20[%dma_wait3A_393, %dma_wait3A_394] : memref<10112x128xf32, #tpu.memory_space<vmem_shared>> -> memref<10112x128xf32, #tpu.memory_space<vmem_shared>>
        tpu.wait_indirect_dma semaphore(%run_scoped3A_383 : memref<!tpu.dma_semaphore, #tpu.memory_space<semaphore_mem>>) src(%arg18 : memref<16x128xf32, #tpu.memory_space<vmem>>) dst(%dma_wait3A_395 : memref<10112x128xf32, #tpu.memory_space<vmem_shared>>)
        tpu.yield
      }) : () -> ()
      %add3A_361 = arith.constant 1 : i32
      %add3A_362 = arith.addi %scan3A_270, %add3A_361 : i32
      %dma_start3A_363 = arith.constant 96 : i32
      %dma_start3A_364 = tpu.memref_slice %arg10[%add3A_362, %dma_start3A_363] : memref<79x128xi32, #tpu.memory_space<vmem>> -> memref<1x16xi32, #tpu.memory_space<vmem>>
      %dma_start3A_365 = tpu.memref_squeeze %dma_start3A_364 : memref<1x16xi32, #tpu.memory_space<vmem>> -> memref<16xi32, #tpu.memory_space<vmem>>
      %dma_start3A_366 = arith.constant 0 : i32
      %dma_start3A_367 = arith.constant 0 : i32
      %dma_start3A_368 = tpu.memref_slice %arg2[%dma_start3A_366, %dma_start3A_367] : memref<10000x128xf32, #tpu.memory_space<hbm>> -> memref<10000x128xf32, #tpu.memory_space<hbm>>
      tpu.enqueue_indirect_dma source(%dma_start3A_368 : memref<10000x128xf32, #tpu.memory_space<hbm>>) target(%arg18 : memref<16x128xf32, #tpu.memory_space<vmem>>) offsets(%dma_start3A_365 : memref<16xi32, #tpu.memory_space<vmem>>) semaphore(%arg27 : memref<!tpu.dma_semaphore, #tpu.memory_space<semaphore_mem>>)
      %dma_wait3A_369 = arith.constant 112 : i32
      %dma_wait3A_370 = tpu.memref_slice %arg10[%scan3A_270, %dma_wait3A_369] : memref<79x128xi32, #tpu.memory_space<vmem>> -> memref<1x16xi32, #tpu.memory_space<vmem>>
      %dma_wait3A_371 = tpu.memref_squeeze %dma_wait3A_370 : memref<1x16xi32, #tpu.memory_space<vmem>> -> memref<16xi32, #tpu.memory_space<vmem>>
      %dma_wait3A_372 = arith.constant 0 : i32
      %dma_wait3A_373 = arith.constant 0 : i32
      %dma_wait3A_374 = tpu.memref_slice %arg2[%dma_wait3A_372, %dma_wait3A_373] : memref<10000x128xf32, #tpu.memory_space<hbm>> -> memref<10000x128xf32, #tpu.memory_space<hbm>>
      tpu.wait_indirect_dma semaphore(%arg28 : memref<!tpu.dma_semaphore, #tpu.memory_space<semaphore_mem>>) src(%dma_wait3A_374 : memref<10000x128xf32, #tpu.memory_space<hbm>>) dst(%arg19 : memref<16x128xf32, #tpu.memory_space<vmem>>)
      "tpu.region"() ({
        %run_scoped3A_383 = tpu.sem_alloc : memref<!tpu.dma_semaphore, #tpu.memory_space<semaphore_mem>>
        %dma_start3A_384 = arith.constant 112 : i32
        %dma_start3A_385 = tpu.memref_slice %arg11[%scan3A_270, %dma_start3A_384] : memref<79x128xi32, #tpu.memory_space<vmem>> -> memref<1x16xi32, #tpu.memory_space<vmem>>
        %dma_start3A_386 = tpu.memref_squeeze %dma_start3A_385 : memref<1x16xi32, #tpu.memory_space<vmem>> -> memref<16xi32, #tpu.memory_space<vmem>>
        %dma_start3A_387 = arith.constant 0 : i32
        %dma_start3A_388 = arith.constant 0 : i32
        %dma_start3A_389 = tpu.memref_slice %arg20[%dma_start3A_387, %dma_start3A_388] : memref<10112x128xf32, #tpu.memory_space<vmem_shared>> -> memref<10112x128xf32, #tpu.memory_space<vmem_shared>>
        tpu.enqueue_indirect_dma source(%arg19 : memref<16x128xf32, #tpu.memory_space<vmem>>) target(%dma_start3A_389 : memref<10112x128xf32, #tpu.memory_space<vmem_shared>>) offsets(%dma_start3A_386 : memref<16xi32, #tpu.memory_space<vmem>>) semaphore(%run_scoped3A_383 : memref<!tpu.dma_semaphore, #tpu.memory_space<semaphore_mem>>) {add = true}
        %dma_wait3A_390 = arith.constant 112 : i32
        %dma_wait3A_391 = tpu.memref_slice %arg11[%scan3A_270, %dma_wait3A_390] : memref<79x128xi32, #tpu.memory_space<vmem>> -> memref<1x16xi32, #tpu.memory_space<vmem>>
        %dma_wait3A_392 = tpu.memref_squeeze %dma_wait3A_391 : memref<1x16xi32, #tpu.memory_space<vmem>> -> memref<16xi32, #tpu.memory_space<vmem>>
        %dma_wait3A_393 = arith.constant 0 : i32
        %dma_wait3A_394 = arith.constant 0 : i32
        %dma_wait3A_395 = tpu.memref_slice %arg20[%dma_wait3A_393, %dma_wait3A_394] : memref<10112x128xf32, #tpu.memory_space<vmem_shared>> -> memref<10112x128xf32, #tpu.memory_space<vmem_shared>>
        tpu.wait_indirect_dma semaphore(%run_scoped3A_383 : memref<!tpu.dma_semaphore, #tpu.memory_space<semaphore_mem>>) src(%arg19 : memref<16x128xf32, #tpu.memory_space<vmem>>) dst(%dma_wait3A_395 : memref<10112x128xf32, #tpu.memory_space<vmem_shared>>)
        tpu.yield
      }) : () -> ()
      %add3A_375 = arith.constant 1 : i32
      %add3A_376 = arith.addi %scan3A_270, %add3A_375 : i32
      %dma_start3A_377 = arith.constant 112 : i32
      %dma_start3A_378 = tpu.memref_slice %arg10[%add3A_376, %dma_start3A_377] : memref<79x128xi32, #tpu.memory_space<vmem>> -> memref<1x16xi32, #tpu.memory_space<vmem>>
      %dma_start3A_379 = tpu.memref_squeeze %dma_start3A_378 : memref<1x16xi32, #tpu.memory_space<vmem>> -> memref<16xi32, #tpu.memory_space<vmem>>
      %dma_start3A_380 = arith.constant 0 : i32
      %dma_start3A_381 = arith.constant 0 : i32
      %dma_start3A_382 = tpu.memref_slice %arg2[%dma_start3A_380, %dma_start3A_381] : memref<10000x128xf32, #tpu.memory_space<hbm>> -> memref<10000x128xf32, #tpu.memory_space<hbm>>
      tpu.enqueue_indirect_dma source(%dma_start3A_382 : memref<10000x128xf32, #tpu.memory_space<hbm>>) target(%arg19 : memref<16x128xf32, #tpu.memory_space<vmem>>) offsets(%dma_start3A_379 : memref<16xi32, #tpu.memory_space<vmem>>) semaphore(%arg28 : memref<!tpu.dma_semaphore, #tpu.memory_space<semaphore_mem>>)
    }
    %scan3A_199 = arith.constant 78 : i32
    %dma_wait3A_200 = arith.constant 78 : i32
    %dma_wait3A_201 = arith.constant 0 : i32
    %dma_wait3A_202 = tpu.memref_slice %arg10[%dma_wait3A_200, %dma_wait3A_201] : memref<79x128xi32, #tpu.memory_space<vmem>> -> memref<1x16xi32, #tpu.memory_space<vmem>>
    %dma_wait3A_203 = tpu.memref_squeeze %dma_wait3A_202 : memref<1x16xi32, #tpu.memory_space<vmem>> -> memref<16xi32, #tpu.memory_space<vmem>>
    %dma_wait3A_204 = arith.constant 0 : i32
    %dma_wait3A_205 = arith.constant 0 : i32
    %dma_wait3A_206 = tpu.memref_slice %arg2[%dma_wait3A_204, %dma_wait3A_205] : memref<10000x128xf32, #tpu.memory_space<hbm>> -> memref<10000x128xf32, #tpu.memory_space<hbm>>
    tpu.wait_indirect_dma semaphore(%arg21 : memref<!tpu.dma_semaphore, #tpu.memory_space<semaphore_mem>>) src(%dma_wait3A_206 : memref<10000x128xf32, #tpu.memory_space<hbm>>) dst(%arg12 : memref<16x128xf32, #tpu.memory_space<vmem>>)
    %run_scoped3A_207 = arith.constant 78 : i32
    "tpu.region"() ({
      %run_scoped3A_270 = tpu.sem_alloc : memref<!tpu.dma_semaphore, #tpu.memory_space<semaphore_mem>>
      %dma_start3A_271 = arith.constant 0 : i32
      %dma_start3A_272 = tpu.memref_slice %arg11[%run_scoped3A_207, %dma_start3A_271] : memref<79x128xi32, #tpu.memory_space<vmem>> -> memref<1x16xi32, #tpu.memory_space<vmem>>
      %dma_start3A_273 = tpu.memref_squeeze %dma_start3A_272 : memref<1x16xi32, #tpu.memory_space<vmem>> -> memref<16xi32, #tpu.memory_space<vmem>>
      %dma_start3A_274 = arith.constant 0 : i32
      %dma_start3A_275 = arith.constant 0 : i32
      %dma_start3A_276 = tpu.memref_slice %arg20[%dma_start3A_274, %dma_start3A_275] : memref<10112x128xf32, #tpu.memory_space<vmem_shared>> -> memref<10112x128xf32, #tpu.memory_space<vmem_shared>>
      tpu.enqueue_indirect_dma source(%arg12 : memref<16x128xf32, #tpu.memory_space<vmem>>) target(%dma_start3A_276 : memref<10112x128xf32, #tpu.memory_space<vmem_shared>>) offsets(%dma_start3A_273 : memref<16xi32, #tpu.memory_space<vmem>>) semaphore(%run_scoped3A_270 : memref<!tpu.dma_semaphore, #tpu.memory_space<semaphore_mem>>) {add = true}
      %dma_wait3A_277 = arith.constant 0 : i32
      %dma_wait3A_278 = tpu.memref_slice %arg11[%run_scoped3A_207, %dma_wait3A_277] : memref<79x128xi32, #tpu.memory_space<vmem>> -> memref<1x16xi32, #tpu.memory_space<vmem>>
      %dma_wait3A_279 = tpu.memref_squeeze %dma_wait3A_278 : memref<1x16xi32, #tpu.memory_space<vmem>> -> memref<16xi32, #tpu.memory_space<vmem>>
      %dma_wait3A_280 = arith.constant 0 : i32
      %dma_wait3A_281 = arith.constant 0 : i32
      %dma_wait3A_282 = tpu.memref_slice %arg20[%dma_wait3A_280, %dma_wait3A_281] : memref<10112x128xf32, #tpu.memory_space<vmem_shared>> -> memref<10112x128xf32, #tpu.memory_space<vmem_shared>>
      tpu.wait_indirect_dma semaphore(%run_scoped3A_270 : memref<!tpu.dma_semaphore, #tpu.memory_space<semaphore_mem>>) src(%arg12 : memref<16x128xf32, #tpu.memory_space<vmem>>) dst(%dma_wait3A_282 : memref<10112x128xf32, #tpu.memory_space<vmem_shared>>)
      tpu.yield
    }) : () -> ()
    %dma_wait3A_208 = arith.constant 78 : i32
    %dma_wait3A_209 = arith.constant 16 : i32
    %dma_wait3A_210 = tpu.memref_slice %arg10[%dma_wait3A_208, %dma_wait3A_209] : memref<79x128xi32, #tpu.memory_space<vmem>> -> memref<1x16xi32, #tpu.memory_space<vmem>>
    %dma_wait3A_211 = tpu.memref_squeeze %dma_wait3A_210 : memref<1x16xi32, #tpu.memory_space<vmem>> -> memref<16xi32, #tpu.memory_space<vmem>>
    %dma_wait3A_212 = arith.constant 0 : i32
    %dma_wait3A_213 = arith.constant 0 : i32
    %dma_wait3A_214 = tpu.memref_slice %arg2[%dma_wait3A_212, %dma_wait3A_213] : memref<10000x128xf32, #tpu.memory_space<hbm>> -> memref<10000x128xf32, #tpu.memory_space<hbm>>
    tpu.wait_indirect_dma semaphore(%arg22 : memref<!tpu.dma_semaphore, #tpu.memory_space<semaphore_mem>>) src(%dma_wait3A_214 : memref<10000x128xf32, #tpu.memory_space<hbm>>) dst(%arg13 : memref<16x128xf32, #tpu.memory_space<vmem>>)
    %run_scoped3A_215 = arith.constant 78 : i32
    "tpu.region"() ({
      %run_scoped3A_270 = tpu.sem_alloc : memref<!tpu.dma_semaphore, #tpu.memory_space<semaphore_mem>>
      %dma_start3A_271 = arith.constant 16 : i32
      %dma_start3A_272 = tpu.memref_slice %arg11[%run_scoped3A_215, %dma_start3A_271] : memref<79x128xi32, #tpu.memory_space<vmem>> -> memref<1x16xi32, #tpu.memory_space<vmem>>
      %dma_start3A_273 = tpu.memref_squeeze %dma_start3A_272 : memref<1x16xi32, #tpu.memory_space<vmem>> -> memref<16xi32, #tpu.memory_space<vmem>>
      %dma_start3A_274 = arith.constant 0 : i32
      %dma_start3A_275 = arith.constant 0 : i32
      %dma_start3A_276 = tpu.memref_slice %arg20[%dma_start3A_274, %dma_start3A_275] : memref<10112x128xf32, #tpu.memory_space<vmem_shared>> -> memref<10112x128xf32, #tpu.memory_space<vmem_shared>>
      tpu.enqueue_indirect_dma source(%arg13 : memref<16x128xf32, #tpu.memory_space<vmem>>) target(%dma_start3A_276 : memref<10112x128xf32, #tpu.memory_space<vmem_shared>>) offsets(%dma_start3A_273 : memref<16xi32, #tpu.memory_space<vmem>>) semaphore(%run_scoped3A_270 : memref<!tpu.dma_semaphore, #tpu.memory_space<semaphore_mem>>) {add = true}
      %dma_wait3A_277 = arith.constant 16 : i32
      %dma_wait3A_278 = tpu.memref_slice %arg11[%run_scoped3A_215, %dma_wait3A_277] : memref<79x128xi32, #tpu.memory_space<vmem>> -> memref<1x16xi32, #tpu.memory_space<vmem>>
      %dma_wait3A_279 = tpu.memref_squeeze %dma_wait3A_278 : memref<1x16xi32, #tpu.memory_space<vmem>> -> memref<16xi32, #tpu.memory_space<vmem>>
      %dma_wait3A_280 = arith.constant 0 : i32
      %dma_wait3A_281 = arith.constant 0 : i32
      %dma_wait3A_282 = tpu.memref_slice %arg20[%dma_wait3A_280, %dma_wait3A_281] : memref<10112x128xf32, #tpu.memory_space<vmem_shared>> -> memref<10112x128xf32, #tpu.memory_space<vmem_shared>>
      tpu.wait_indirect_dma semaphore(%run_scoped3A_270 : memref<!tpu.dma_semaphore, #tpu.memory_space<semaphore_mem>>) src(%arg13 : memref<16x128xf32, #tpu.memory_space<vmem>>) dst(%dma_wait3A_282 : memref<10112x128xf32, #tpu.memory_space<vmem_shared>>)
      tpu.yield
    }) : () -> ()
    %dma_wait3A_216 = arith.constant 78 : i32
    %dma_wait3A_217 = arith.constant 32 : i32
    %dma_wait3A_218 = tpu.memref_slice %arg10[%dma_wait3A_216, %dma_wait3A_217] : memref<79x128xi32, #tpu.memory_space<vmem>> -> memref<1x16xi32, #tpu.memory_space<vmem>>
    %dma_wait3A_219 = tpu.memref_squeeze %dma_wait3A_218 : memref<1x16xi32, #tpu.memory_space<vmem>> -> memref<16xi32, #tpu.memory_space<vmem>>
    %dma_wait3A_220 = arith.constant 0 : i32
    %dma_wait3A_221 = arith.constant 0 : i32
    %dma_wait3A_222 = tpu.memref_slice %arg2[%dma_wait3A_220, %dma_wait3A_221] : memref<10000x128xf32, #tpu.memory_space<hbm>> -> memref<10000x128xf32, #tpu.memory_space<hbm>>
    tpu.wait_indirect_dma semaphore(%arg23 : memref<!tpu.dma_semaphore, #tpu.memory_space<semaphore_mem>>) src(%dma_wait3A_222 : memref<10000x128xf32, #tpu.memory_space<hbm>>) dst(%arg14 : memref<16x128xf32, #tpu.memory_space<vmem>>)
    %run_scoped3A_223 = arith.constant 78 : i32
    "tpu.region"() ({
      %run_scoped3A_270 = tpu.sem_alloc : memref<!tpu.dma_semaphore, #tpu.memory_space<semaphore_mem>>
      %dma_start3A_271 = arith.constant 32 : i32
      %dma_start3A_272 = tpu.memref_slice %arg11[%run_scoped3A_223, %dma_start3A_271] : memref<79x128xi32, #tpu.memory_space<vmem>> -> memref<1x16xi32, #tpu.memory_space<vmem>>
      %dma_start3A_273 = tpu.memref_squeeze %dma_start3A_272 : memref<1x16xi32, #tpu.memory_space<vmem>> -> memref<16xi32, #tpu.memory_space<vmem>>
      %dma_start3A_274 = arith.constant 0 : i32
      %dma_start3A_275 = arith.constant 0 : i32
      %dma_start3A_276 = tpu.memref_slice %arg20[%dma_start3A_274, %dma_start3A_275] : memref<10112x128xf32, #tpu.memory_space<vmem_shared>> -> memref<10112x128xf32, #tpu.memory_space<vmem_shared>>
      tpu.enqueue_indirect_dma source(%arg14 : memref<16x128xf32, #tpu.memory_space<vmem>>) target(%dma_start3A_276 : memref<10112x128xf32, #tpu.memory_space<vmem_shared>>) offsets(%dma_start3A_273 : memref<16xi32, #tpu.memory_space<vmem>>) semaphore(%run_scoped3A_270 : memref<!tpu.dma_semaphore, #tpu.memory_space<semaphore_mem>>) {add = true}
      %dma_wait3A_277 = arith.constant 32 : i32
      %dma_wait3A_278 = tpu.memref_slice %arg11[%run_scoped3A_223, %dma_wait3A_277] : memref<79x128xi32, #tpu.memory_space<vmem>> -> memref<1x16xi32, #tpu.memory_space<vmem>>
      %dma_wait3A_279 = tpu.memref_squeeze %dma_wait3A_278 : memref<1x16xi32, #tpu.memory_space<vmem>> -> memref<16xi32, #tpu.memory_space<vmem>>
      %dma_wait3A_280 = arith.constant 0 : i32
      %dma_wait3A_281 = arith.constant 0 : i32
      %dma_wait3A_282 = tpu.memref_slice %arg20[%dma_wait3A_280, %dma_wait3A_281] : memref<10112x128xf32, #tpu.memory_space<vmem_shared>> -> memref<10112x128xf32, #tpu.memory_space<vmem_shared>>
      tpu.wait_indirect_dma semaphore(%run_scoped3A_270 : memref<!tpu.dma_semaphore, #tpu.memory_space<semaphore_mem>>) src(%arg14 : memref<16x128xf32, #tpu.memory_space<vmem>>) dst(%dma_wait3A_282 : memref<10112x128xf32, #tpu.memory_space<vmem_shared>>)
      tpu.yield
    }) : () -> ()
    %dma_wait3A_224 = arith.constant 78 : i32
    %dma_wait3A_225 = arith.constant 48 : i32
    %dma_wait3A_226 = tpu.memref_slice %arg10[%dma_wait3A_224, %dma_wait3A_225] : memref<79x128xi32, #tpu.memory_space<vmem>> -> memref<1x16xi32, #tpu.memory_space<vmem>>
    %dma_wait3A_227 = tpu.memref_squeeze %dma_wait3A_226 : memref<1x16xi32, #tpu.memory_space<vmem>> -> memref<16xi32, #tpu.memory_space<vmem>>
    %dma_wait3A_228 = arith.constant 0 : i32
    %dma_wait3A_229 = arith.constant 0 : i32
    %dma_wait3A_230 = tpu.memref_slice %arg2[%dma_wait3A_228, %dma_wait3A_229] : memref<10000x128xf32, #tpu.memory_space<hbm>> -> memref<10000x128xf32, #tpu.memory_space<hbm>>
    tpu.wait_indirect_dma semaphore(%arg24 : memref<!tpu.dma_semaphore, #tpu.memory_space<semaphore_mem>>) src(%dma_wait3A_230 : memref<10000x128xf32, #tpu.memory_space<hbm>>) dst(%arg15 : memref<16x128xf32, #tpu.memory_space<vmem>>)
    %run_scoped3A_231 = arith.constant 78 : i32
    "tpu.region"() ({
      %run_scoped3A_270 = tpu.sem_alloc : memref<!tpu.dma_semaphore, #tpu.memory_space<semaphore_mem>>
      %dma_start3A_271 = arith.constant 48 : i32
      %dma_start3A_272 = tpu.memref_slice %arg11[%run_scoped3A_231, %dma_start3A_271] : memref<79x128xi32, #tpu.memory_space<vmem>> -> memref<1x16xi32, #tpu.memory_space<vmem>>
      %dma_start3A_273 = tpu.memref_squeeze %dma_start3A_272 : memref<1x16xi32, #tpu.memory_space<vmem>> -> memref<16xi32, #tpu.memory_space<vmem>>
      %dma_start3A_274 = arith.constant 0 : i32
      %dma_start3A_275 = arith.constant 0 : i32
      %dma_start3A_276 = tpu.memref_slice %arg20[%dma_start3A_274, %dma_start3A_275] : memref<10112x128xf32, #tpu.memory_space<vmem_shared>> -> memref<10112x128xf32, #tpu.memory_space<vmem_shared>>
      tpu.enqueue_indirect_dma source(%arg15 : memref<16x128xf32, #tpu.memory_space<vmem>>) target(%dma_start3A_276 : memref<10112x128xf32, #tpu.memory_space<vmem_shared>>) offsets(%dma_start3A_273 : memref<16xi32, #tpu.memory_space<vmem>>) semaphore(%run_scoped3A_270 : memref<!tpu.dma_semaphore, #tpu.memory_space<semaphore_mem>>) {add = true}
      %dma_wait3A_277 = arith.constant 48 : i32
      %dma_wait3A_278 = tpu.memref_slice %arg11[%run_scoped3A_231, %dma_wait3A_277] : memref<79x128xi32, #tpu.memory_space<vmem>> -> memref<1x16xi32, #tpu.memory_space<vmem>>
      %dma_wait3A_279 = tpu.memref_squeeze %dma_wait3A_278 : memref<1x16xi32, #tpu.memory_space<vmem>> -> memref<16xi32, #tpu.memory_space<vmem>>
      %dma_wait3A_280 = arith.constant 0 : i32
      %dma_wait3A_281 = arith.constant 0 : i32
      %dma_wait3A_282 = tpu.memref_slice %arg20[%dma_wait3A_280, %dma_wait3A_281] : memref<10112x128xf32, #tpu.memory_space<vmem_shared>> -> memref<10112x128xf32, #tpu.memory_space<vmem_shared>>
      tpu.wait_indirect_dma semaphore(%run_scoped3A_270 : memref<!tpu.dma_semaphore, #tpu.memory_space<semaphore_mem>>) src(%arg15 : memref<16x128xf32, #tpu.memory_space<vmem>>) dst(%dma_wait3A_282 : memref<10112x128xf32, #tpu.memory_space<vmem_shared>>)
      tpu.yield
    }) : () -> ()
    %dma_wait3A_232 = arith.constant 78 : i32
    %dma_wait3A_233 = arith.constant 64 : i32
    %dma_wait3A_234 = tpu.memref_slice %arg10[%dma_wait3A_232, %dma_wait3A_233] : memref<79x128xi32, #tpu.memory_space<vmem>> -> memref<1x16xi32, #tpu.memory_space<vmem>>
    %dma_wait3A_235 = tpu.memref_squeeze %dma_wait3A_234 : memref<1x16xi32, #tpu.memory_space<vmem>> -> memref<16xi32, #tpu.memory_space<vmem>>
    %dma_wait3A_236 = arith.constant 0 : i32
    %dma_wait3A_237 = arith.constant 0 : i32
    %dma_wait3A_238 = tpu.memref_slice %arg2[%dma_wait3A_236, %dma_wait3A_237] : memref<10000x128xf32, #tpu.memory_space<hbm>> -> memref<10000x128xf32, #tpu.memory_space<hbm>>
    tpu.wait_indirect_dma semaphore(%arg25 : memref<!tpu.dma_semaphore, #tpu.memory_space<semaphore_mem>>) src(%dma_wait3A_238 : memref<10000x128xf32, #tpu.memory_space<hbm>>) dst(%arg16 : memref<16x128xf32, #tpu.memory_space<vmem>>)
    %run_scoped3A_239 = arith.constant 78 : i32
    "tpu.region"() ({
      %run_scoped3A_270 = tpu.sem_alloc : memref<!tpu.dma_semaphore, #tpu.memory_space<semaphore_mem>>
      %dma_start3A_271 = arith.constant 64 : i32
      %dma_start3A_272 = tpu.memref_slice %arg11[%run_scoped3A_239, %dma_start3A_271] : memref<79x128xi32, #tpu.memory_space<vmem>> -> memref<1x16xi32, #tpu.memory_space<vmem>>
      %dma_start3A_273 = tpu.memref_squeeze %dma_start3A_272 : memref<1x16xi32, #tpu.memory_space<vmem>> -> memref<16xi32, #tpu.memory_space<vmem>>
      %dma_start3A_274 = arith.constant 0 : i32
      %dma_start3A_275 = arith.constant 0 : i32
      %dma_start3A_276 = tpu.memref_slice %arg20[%dma_start3A_274, %dma_start3A_275] : memref<10112x128xf32, #tpu.memory_space<vmem_shared>> -> memref<10112x128xf32, #tpu.memory_space<vmem_shared>>
      tpu.enqueue_indirect_dma source(%arg16 : memref<16x128xf32, #tpu.memory_space<vmem>>) target(%dma_start3A_276 : memref<10112x128xf32, #tpu.memory_space<vmem_shared>>) offsets(%dma_start3A_273 : memref<16xi32, #tpu.memory_space<vmem>>) semaphore(%run_scoped3A_270 : memref<!tpu.dma_semaphore, #tpu.memory_space<semaphore_mem>>) {add = true}
      %dma_wait3A_277 = arith.constant 64 : i32
      %dma_wait3A_278 = tpu.memref_slice %arg11[%run_scoped3A_239, %dma_wait3A_277] : memref<79x128xi32, #tpu.memory_space<vmem>> -> memref<1x16xi32, #tpu.memory_space<vmem>>
      %dma_wait3A_279 = tpu.memref_squeeze %dma_wait3A_278 : memref<1x16xi32, #tpu.memory_space<vmem>> -> memref<16xi32, #tpu.memory_space<vmem>>
      %dma_wait3A_280 = arith.constant 0 : i32
      %dma_wait3A_281 = arith.constant 0 : i32
      %dma_wait3A_282 = tpu.memref_slice %arg20[%dma_wait3A_280, %dma_wait3A_281] : memref<10112x128xf32, #tpu.memory_space<vmem_shared>> -> memref<10112x128xf32, #tpu.memory_space<vmem_shared>>
      tpu.wait_indirect_dma semaphore(%run_scoped3A_270 : memref<!tpu.dma_semaphore, #tpu.memory_space<semaphore_mem>>) src(%arg16 : memref<16x128xf32, #tpu.memory_space<vmem>>) dst(%dma_wait3A_282 : memref<10112x128xf32, #tpu.memory_space<vmem_shared>>)
      tpu.yield
    }) : () -> ()
    %dma_wait3A_240 = arith.constant 78 : i32
    %dma_wait3A_241 = arith.constant 80 : i32
    %dma_wait3A_242 = tpu.memref_slice %arg10[%dma_wait3A_240, %dma_wait3A_241] : memref<79x128xi32, #tpu.memory_space<vmem>> -> memref<1x16xi32, #tpu.memory_space<vmem>>
    %dma_wait3A_243 = tpu.memref_squeeze %dma_wait3A_242 : memref<1x16xi32, #tpu.memory_space<vmem>> -> memref<16xi32, #tpu.memory_space<vmem>>
    %dma_wait3A_244 = arith.constant 0 : i32
    %dma_wait3A_245 = arith.constant 0 : i32
    %dma_wait3A_246 = tpu.memref_slice %arg2[%dma_wait3A_244, %dma_wait3A_245] : memref<10000x128xf32, #tpu.memory_space<hbm>> -> memref<10000x128xf32, #tpu.memory_space<hbm>>
    tpu.wait_indirect_dma semaphore(%arg26 : memref<!tpu.dma_semaphore, #tpu.memory_space<semaphore_mem>>) src(%dma_wait3A_246 : memref<10000x128xf32, #tpu.memory_space<hbm>>) dst(%arg17 : memref<16x128xf32, #tpu.memory_space<vmem>>)
    %run_scoped3A_247 = arith.constant 78 : i32
    "tpu.region"() ({
      %run_scoped3A_270 = tpu.sem_alloc : memref<!tpu.dma_semaphore, #tpu.memory_space<semaphore_mem>>
      %dma_start3A_271 = arith.constant 80 : i32
      %dma_start3A_272 = tpu.memref_slice %arg11[%run_scoped3A_247, %dma_start3A_271] : memref<79x128xi32, #tpu.memory_space<vmem>> -> memref<1x16xi32, #tpu.memory_space<vmem>>
      %dma_start3A_273 = tpu.memref_squeeze %dma_start3A_272 : memref<1x16xi32, #tpu.memory_space<vmem>> -> memref<16xi32, #tpu.memory_space<vmem>>
      %dma_start3A_274 = arith.constant 0 : i32
      %dma_start3A_275 = arith.constant 0 : i32
      %dma_start3A_276 = tpu.memref_slice %arg20[%dma_start3A_274, %dma_start3A_275] : memref<10112x128xf32, #tpu.memory_space<vmem_shared>> -> memref<10112x128xf32, #tpu.memory_space<vmem_shared>>
      tpu.enqueue_indirect_dma source(%arg17 : memref<16x128xf32, #tpu.memory_space<vmem>>) target(%dma_start3A_276 : memref<10112x128xf32, #tpu.memory_space<vmem_shared>>) offsets(%dma_start3A_273 : memref<16xi32, #tpu.memory_space<vmem>>) semaphore(%run_scoped3A_270 : memref<!tpu.dma_semaphore, #tpu.memory_space<semaphore_mem>>) {add = true}
      %dma_wait3A_277 = arith.constant 80 : i32
      %dma_wait3A_278 = tpu.memref_slice %arg11[%run_scoped3A_247, %dma_wait3A_277] : memref<79x128xi32, #tpu.memory_space<vmem>> -> memref<1x16xi32, #tpu.memory_space<vmem>>
      %dma_wait3A_279 = tpu.memref_squeeze %dma_wait3A_278 : memref<1x16xi32, #tpu.memory_space<vmem>> -> memref<16xi32, #tpu.memory_space<vmem>>
      %dma_wait3A_280 = arith.constant 0 : i32
      %dma_wait3A_281 = arith.constant 0 : i32
      %dma_wait3A_282 = tpu.memref_slice %arg20[%dma_wait3A_280, %dma_wait3A_281] : memref<10112x128xf32, #tpu.memory_space<vmem_shared>> -> memref<10112x128xf32, #tpu.memory_space<vmem_shared>>
      tpu.wait_indirect_dma semaphore(%run_scoped3A_270 : memref<!tpu.dma_semaphore, #tpu.memory_space<semaphore_mem>>) src(%arg17 : memref<16x128xf32, #tpu.memory_space<vmem>>) dst(%dma_wait3A_282 : memref<10112x128xf32, #tpu.memory_space<vmem_shared>>)
      tpu.yield
    }) : () -> ()
    %dma_wait3A_248 = arith.constant 78 : i32
    %dma_wait3A_249 = arith.constant 96 : i32
    %dma_wait3A_250 = tpu.memref_slice %arg10[%dma_wait3A_248, %dma_wait3A_249] : memref<79x128xi32, #tpu.memory_space<vmem>> -> memref<1x16xi32, #tpu.memory_space<vmem>>
    %dma_wait3A_251 = tpu.memref_squeeze %dma_wait3A_250 : memref<1x16xi32, #tpu.memory_space<vmem>> -> memref<16xi32, #tpu.memory_space<vmem>>
    %dma_wait3A_252 = arith.constant 0 : i32
    %dma_wait3A_253 = arith.constant 0 : i32
    %dma_wait3A_254 = tpu.memref_slice %arg2[%dma_wait3A_252, %dma_wait3A_253] : memref<10000x128xf32, #tpu.memory_space<hbm>> -> memref<10000x128xf32, #tpu.memory_space<hbm>>
    tpu.wait_indirect_dma semaphore(%arg27 : memref<!tpu.dma_semaphore, #tpu.memory_space<semaphore_mem>>) src(%dma_wait3A_254 : memref<10000x128xf32, #tpu.memory_space<hbm>>) dst(%arg18 : memref<16x128xf32, #tpu.memory_space<vmem>>)
    %run_scoped3A_255 = arith.constant 78 : i32
    "tpu.region"() ({
      %run_scoped3A_270 = tpu.sem_alloc : memref<!tpu.dma_semaphore, #tpu.memory_space<semaphore_mem>>
      %dma_start3A_271 = arith.constant 96 : i32
      %dma_start3A_272 = tpu.memref_slice %arg11[%run_scoped3A_255, %dma_start3A_271] : memref<79x128xi32, #tpu.memory_space<vmem>> -> memref<1x16xi32, #tpu.memory_space<vmem>>
      %dma_start3A_273 = tpu.memref_squeeze %dma_start3A_272 : memref<1x16xi32, #tpu.memory_space<vmem>> -> memref<16xi32, #tpu.memory_space<vmem>>
      %dma_start3A_274 = arith.constant 0 : i32
      %dma_start3A_275 = arith.constant 0 : i32
      %dma_start3A_276 = tpu.memref_slice %arg20[%dma_start3A_274, %dma_start3A_275] : memref<10112x128xf32, #tpu.memory_space<vmem_shared>> -> memref<10112x128xf32, #tpu.memory_space<vmem_shared>>
      tpu.enqueue_indirect_dma source(%arg18 : memref<16x128xf32, #tpu.memory_space<vmem>>) target(%dma_start3A_276 : memref<10112x128xf32, #tpu.memory_space<vmem_shared>>) offsets(%dma_start3A_273 : memref<16xi32, #tpu.memory_space<vmem>>) semaphore(%run_scoped3A_270 : memref<!tpu.dma_semaphore, #tpu.memory_space<semaphore_mem>>) {add = true}
      %dma_wait3A_277 = arith.constant 96 : i32
      %dma_wait3A_278 = tpu.memref_slice %arg11[%run_scoped3A_255, %dma_wait3A_277] : memref<79x128xi32, #tpu.memory_space<vmem>> -> memref<1x16xi32, #tpu.memory_space<vmem>>
      %dma_wait3A_279 = tpu.memref_squeeze %dma_wait3A_278 : memref<1x16xi32, #tpu.memory_space<vmem>> -> memref<16xi32, #tpu.memory_space<vmem>>
      %dma_wait3A_280 = arith.constant 0 : i32
      %dma_wait3A_281 = arith.constant 0 : i32
      %dma_wait3A_282 = tpu.memref_slice %arg20[%dma_wait3A_280, %dma_wait3A_281] : memref<10112x128xf32, #tpu.memory_space<vmem_shared>> -> memref<10112x128xf32, #tpu.memory_space<vmem_shared>>
      tpu.wait_indirect_dma semaphore(%run_scoped3A_270 : memref<!tpu.dma_semaphore, #tpu.memory_space<semaphore_mem>>) src(%arg18 : memref<16x128xf32, #tpu.memory_space<vmem>>) dst(%dma_wait3A_282 : memref<10112x128xf32, #tpu.memory_space<vmem_shared>>)
      tpu.yield
    }) : () -> ()
    %dma_wait3A_256 = arith.constant 78 : i32
    %dma_wait3A_257 = arith.constant 112 : i32
    %dma_wait3A_258 = tpu.memref_slice %arg10[%dma_wait3A_256, %dma_wait3A_257] : memref<79x128xi32, #tpu.memory_space<vmem>> -> memref<1x16xi32, #tpu.memory_space<vmem>>
    %dma_wait3A_259 = tpu.memref_squeeze %dma_wait3A_258 : memref<1x16xi32, #tpu.memory_space<vmem>> -> memref<16xi32, #tpu.memory_space<vmem>>
    %dma_wait3A_260 = arith.constant 0 : i32
    %dma_wait3A_261 = arith.constant 0 : i32
    %dma_wait3A_262 = tpu.memref_slice %arg2[%dma_wait3A_260, %dma_wait3A_261] : memref<10000x128xf32, #tpu.memory_space<hbm>> -> memref<10000x128xf32, #tpu.memory_space<hbm>>
    tpu.wait_indirect_dma semaphore(%arg28 : memref<!tpu.dma_semaphore, #tpu.memory_space<semaphore_mem>>) src(%dma_wait3A_262 : memref<10000x128xf32, #tpu.memory_space<hbm>>) dst(%arg19 : memref<16x128xf32, #tpu.memory_space<vmem>>)
    %run_scoped3A_263 = arith.constant 78 : i32
    "tpu.region"() ({
      %run_scoped3A_270 = tpu.sem_alloc : memref<!tpu.dma_semaphore, #tpu.memory_space<semaphore_mem>>
      %dma_start3A_271 = arith.constant 112 : i32
      %dma_start3A_272 = tpu.memref_slice %arg11[%run_scoped3A_263, %dma_start3A_271] : memref<79x128xi32, #tpu.memory_space<vmem>> -> memref<1x16xi32, #tpu.memory_space<vmem>>
      %dma_start3A_273 = tpu.memref_squeeze %dma_start3A_272 : memref<1x16xi32, #tpu.memory_space<vmem>> -> memref<16xi32, #tpu.memory_space<vmem>>
      %dma_start3A_274 = arith.constant 0 : i32
      %dma_start3A_275 = arith.constant 0 : i32
      %dma_start3A_276 = tpu.memref_slice %arg20[%dma_start3A_274, %dma_start3A_275] : memref<10112x128xf32, #tpu.memory_space<vmem_shared>> -> memref<10112x128xf32, #tpu.memory_space<vmem_shared>>
      tpu.enqueue_indirect_dma source(%arg19 : memref<16x128xf32, #tpu.memory_space<vmem>>) target(%dma_start3A_276 : memref<10112x128xf32, #tpu.memory_space<vmem_shared>>) offsets(%dma_start3A_273 : memref<16xi32, #tpu.memory_space<vmem>>) semaphore(%run_scoped3A_270 : memref<!tpu.dma_semaphore, #tpu.memory_space<semaphore_mem>>) {add = true}
      %dma_wait3A_277 = arith.constant 112 : i32
      %dma_wait3A_278 = tpu.memref_slice %arg11[%run_scoped3A_263, %dma_wait3A_277] : memref<79x128xi32, #tpu.memory_space<vmem>> -> memref<1x16xi32, #tpu.memory_space<vmem>>
      %dma_wait3A_279 = tpu.memref_squeeze %dma_wait3A_278 : memref<1x16xi32, #tpu.memory_space<vmem>> -> memref<16xi32, #tpu.memory_space<vmem>>
      %dma_wait3A_280 = arith.constant 0 : i32
      %dma_wait3A_281 = arith.constant 0 : i32
      %dma_wait3A_282 = tpu.memref_slice %arg20[%dma_wait3A_280, %dma_wait3A_281] : memref<10112x128xf32, #tpu.memory_space<vmem_shared>> -> memref<10112x128xf32, #tpu.memory_space<vmem_shared>>
      tpu.wait_indirect_dma semaphore(%run_scoped3A_270 : memref<!tpu.dma_semaphore, #tpu.memory_space<semaphore_mem>>) src(%arg19 : memref<16x128xf32, #tpu.memory_space<vmem>>) dst(%dma_wait3A_282 : memref<10112x128xf32, #tpu.memory_space<vmem_shared>>)
      tpu.yield
    }) : () -> ()
    %barrier3A_264 = arith.constant 0 : index
    tpu.barrier barrier_id(%barrier3A_264)
    %mul3A_265 = arith.constant 632 : i32
    %mul3A_266 = arith.muli %arg1, %mul3A_265 : i32
    %mul3A_267 = arith.constant 632 : i32
    %mul3A_268 = arith.muli %arg1, %mul3A_267 : i32
    "tpu.region"() ({
      %run_scoped3A_270 = tpu.sem_alloc : memref<!tpu.dma_semaphore, #tpu.memory_space<semaphore_mem>>
      %dma_start3A_271 = arith.constant 0 : i32
      %dma_start3A_272 = tpu.memref_slice %arg9[%arg0, %mul3A_268, %dma_start3A_271] : memref<2x10112x128xf32, #tpu.memory_space<hbm>> -> memref<1x632x128xf32, #tpu.memory_space<hbm>>
      %dma_start3A_273 = tpu.memref_squeeze %dma_start3A_272 : memref<1x632x128xf32, #tpu.memory_space<hbm>> -> memref<632x128xf32, #tpu.memory_space<hbm>>
      %dma_start3A_274 = arith.constant 0 : i32
      %dma_start3A_275 = tpu.memref_slice %arg20[%mul3A_266, %dma_start3A_274] : memref<10112x128xf32, #tpu.memory_space<vmem_shared>> -> memref<632x128xf32, #tpu.memory_space<vmem_shared>>
      tpu.enqueue_dma source(%dma_start3A_275 : memref<632x128xf32, #tpu.memory_space<vmem_shared>>) target(%dma_start3A_273 : memref<632x128xf32, #tpu.memory_space<hbm>>) target_semaphore(%run_scoped3A_270 : memref<!tpu.dma_semaphore, #tpu.memory_space<semaphore_mem>>)
      %dma_wait3A_276 = arith.constant 0 : i32
      %dma_wait3A_277 = tpu.memref_slice %arg9[%arg0, %mul3A_268, %dma_wait3A_276] : memref<2x10112x128xf32, #tpu.memory_space<hbm>> -> memref<1x632x128xf32, #tpu.memory_space<hbm>>
      %dma_wait3A_278 = tpu.memref_squeeze %dma_wait3A_277 : memref<1x632x128xf32, #tpu.memory_space<hbm>> -> memref<632x128xf32, #tpu.memory_space<hbm>>
      %dma_wait3A_279 = arith.constant 0 : i32
      %dma_wait3A_280 = tpu.memref_slice %arg20[%mul3A_266, %dma_wait3A_279] : memref<10112x128xf32, #tpu.memory_space<vmem_shared>> -> memref<632x128xf32, #tpu.memory_space<vmem_shared>>
      tpu.wait_dma2 semaphore(%run_scoped3A_270 : memref<!tpu.dma_semaphore, #tpu.memory_space<semaphore_mem>>) src(%dma_wait3A_280 : memref<632x128xf32, #tpu.memory_space<vmem_shared>>) dst(%dma_wait3A_278 : memref<632x128xf32, #tpu.memory_space<hbm>>)
      tpu.yield
    }) : () -> ()
    %barrier3A_269 = arith.constant 0 : index
    tpu.barrier barrier_id(%barrier3A_269)
    return
  }
}

#map = affine_map<(d0, d1) -> (0, 0)>
#map1 = affine_map<(d0, d1) -> (0, 0, 0)>
module attributes {stable_mosaic.version = 14 : i64} {
  func.func @_l1_body(%arg0: i32, %arg1: i32, %arg2: memref<10000x128xf32, #tpu.memory_space<hbm>>, %arg3: memref<32x79x128xi32, #tpu.memory_space<hbm>>, %arg4: memref<32x79x128xi32, #tpu.memory_space<hbm>>, %arg5: memref<32x79x128xi32, #tpu.memory_space<hbm>>, %arg6: memref<32x79x128xi32, #tpu.memory_space<hbm>>, %arg7: memref<10112x128xf32, #tpu.memory_space<hbm>>, %arg8: memref<2x16x128xf32, #tpu.memory_space<hbm>>, %arg9: memref<2x10112x128xf32, #tpu.memory_space<hbm>>, %arg10: memref<2x10112x128xf32, #tpu.memory_space<hbm>>, %arg11: memref<2x10112x128xf32, #tpu.memory_space<hbm>>, %arg12: memref<79x128xi32, #tpu.memory_space<vmem>>, %arg13: memref<79x128xi32, #tpu.memory_space<vmem>>, %arg14: memref<16x128xf32, #tpu.memory_space<vmem>>, %arg15: memref<16x128xf32, #tpu.memory_space<vmem>>, %arg16: memref<16x128xf32, #tpu.memory_space<vmem>>, %arg17: memref<16x128xf32, #tpu.memory_space<vmem>>, %arg18: memref<16x128xf32, #tpu.memory_space<vmem>>, %arg19: memref<16x128xf32, #tpu.memory_space<vmem>>, %arg20: memref<16x128xf32, #tpu.memory_space<vmem>>, %arg21: memref<16x128xf32, #tpu.memory_space<vmem>>, %arg22: memref<10112x128xf32, #tpu.memory_space<vmem_shared>>, %arg23: memref<!tpu.dma_semaphore, #tpu.memory_space<semaphore_mem>>, %arg24: memref<!tpu.dma_semaphore, #tpu.memory_space<semaphore_mem>>, %arg25: memref<!tpu.dma_semaphore, #tpu.memory_space<semaphore_mem>>, %arg26: memref<!tpu.dma_semaphore, #tpu.memory_space<semaphore_mem>>, %arg27: memref<!tpu.dma_semaphore, #tpu.memory_space<semaphore_mem>>, %arg28: memref<!tpu.dma_semaphore, #tpu.memory_space<semaphore_mem>>, %arg29: memref<!tpu.dma_semaphore, #tpu.memory_space<semaphore_mem>>, %arg30: memref<!tpu.dma_semaphore, #tpu.memory_space<semaphore_mem>>) attributes {dimension_semantics = [#tpu.dimension_semantics<core_parallel>, #tpu.dimension_semantics<subcore_parallel>], iteration_bounds = array<i64: 2, 16>, scalar_prefetch = 0 : i64, scratch_operands = 19 : i64, tpu.core_type = #tpu.core_type<sc_vector_subcore>, window_params = [{transform_indices = #map}, {transform_indices = #map1}, {transform_indices = #map1}, {transform_indices = #map1}, {transform_indices = #map1}, {transform_indices = #map}, {transform_indices = #map1}, {transform_indices = #map1}, {transform_indices = #map1}, {transform_indices = #map1}]} {
    %mul3A = arith.constant 2 : i32
    %mul3A_0 = arith.muli %arg1, %mul3A : i32
    %add3A = arith.addi %mul3A_0, %arg0 : i32
    %run_scoped3A = arith.constant 0 : i32
    "tpu.region"() ({
      %run_scoped3A_519 = tpu.sem_alloc : memref<!tpu.dma_semaphore, #tpu.memory_space<semaphore_mem>>
      %dma_start3A_520 = arith.constant 0 : i32
      %dma_start3A_521 = arith.constant 0 : i32
      %dma_start3A_522 = tpu.memref_slice %arg8[%run_scoped3A, %dma_start3A_520, %dma_start3A_521] : memref<2x16x128xf32, #tpu.memory_space<hbm>> -> memref<1x16x128xf32, #tpu.memory_space<hbm>>
      %dma_start3A_523 = tpu.memref_squeeze %dma_start3A_522 : memref<1x16x128xf32, #tpu.memory_space<hbm>> -> memref<16x128xf32, #tpu.memory_space<hbm>>
      %dma_start3A_524 = arith.constant 0 : i32
      %dma_start3A_525 = arith.constant 0 : i32
      %dma_start3A_526 = tpu.memref_slice %arg8[%run_scoped3A, %dma_start3A_524, %dma_start3A_525] : memref<2x16x128xf32, #tpu.memory_space<hbm>> -> memref<1x16x128xf32, #tpu.memory_space<hbm>>
      %dma_start3A_527 = tpu.memref_squeeze %dma_start3A_526 : memref<1x16x128xf32, #tpu.memory_space<hbm>> -> memref<16x128xf32, #tpu.memory_space<hbm>>
      tpu.enqueue_dma source(%dma_start3A_527 : memref<16x128xf32, #tpu.memory_space<hbm>>) target(%arg14 : memref<16x128xf32, #tpu.memory_space<vmem>>) target_semaphore(%run_scoped3A_519 : memref<!tpu.dma_semaphore, #tpu.memory_space<semaphore_mem>>)
      %dma_wait3A_528 = arith.constant 0 : i32
      %dma_wait3A_529 = arith.constant 0 : i32
      %dma_wait3A_530 = tpu.memref_slice %arg8[%run_scoped3A, %dma_wait3A_528, %dma_wait3A_529] : memref<2x16x128xf32, #tpu.memory_space<hbm>> -> memref<1x16x128xf32, #tpu.memory_space<hbm>>
      %dma_wait3A_531 = tpu.memref_squeeze %dma_wait3A_530 : memref<1x16x128xf32, #tpu.memory_space<hbm>> -> memref<16x128xf32, #tpu.memory_space<hbm>>
      %dma_wait3A_532 = arith.constant 0 : i32
      %dma_wait3A_533 = arith.constant 0 : i32
      %dma_wait3A_534 = tpu.memref_slice %arg8[%run_scoped3A, %dma_wait3A_532, %dma_wait3A_533] : memref<2x16x128xf32, #tpu.memory_space<hbm>> -> memref<1x16x128xf32, #tpu.memory_space<hbm>>
      %dma_wait3A_535 = tpu.memref_squeeze %dma_wait3A_534 : memref<1x16x128xf32, #tpu.memory_space<hbm>> -> memref<16x128xf32, #tpu.memory_space<hbm>>
      tpu.wait_dma2 semaphore(%run_scoped3A_519 : memref<!tpu.dma_semaphore, #tpu.memory_space<semaphore_mem>>) src(%dma_wait3A_535 : memref<16x128xf32, #tpu.memory_space<hbm>>) dst(%arg14 : memref<16x128xf32, #tpu.memory_space<vmem>>)
      tpu.yield
    }) : () -> ()
    %run_scoped3A_1 = arith.constant 1 : i32
    "tpu.region"() ({
      %run_scoped3A_519 = tpu.sem_alloc : memref<!tpu.dma_semaphore, #tpu.memory_space<semaphore_mem>>
      %dma_start3A_520 = arith.constant 0 : i32
      %dma_start3A_521 = arith.constant 0 : i32
      %dma_start3A_522 = tpu.memref_slice %arg8[%run_scoped3A_1, %dma_start3A_520, %dma_start3A_521] : memref<2x16x128xf32, #tpu.memory_space<hbm>> -> memref<1x16x128xf32, #tpu.memory_space<hbm>>
      %dma_start3A_523 = tpu.memref_squeeze %dma_start3A_522 : memref<1x16x128xf32, #tpu.memory_space<hbm>> -> memref<16x128xf32, #tpu.memory_space<hbm>>
      %dma_start3A_524 = arith.constant 0 : i32
      %dma_start3A_525 = arith.constant 0 : i32
      %dma_start3A_526 = tpu.memref_slice %arg8[%run_scoped3A_1, %dma_start3A_524, %dma_start3A_525] : memref<2x16x128xf32, #tpu.memory_space<hbm>> -> memref<1x16x128xf32, #tpu.memory_space<hbm>>
      %dma_start3A_527 = tpu.memref_squeeze %dma_start3A_526 : memref<1x16x128xf32, #tpu.memory_space<hbm>> -> memref<16x128xf32, #tpu.memory_space<hbm>>
      tpu.enqueue_dma source(%dma_start3A_527 : memref<16x128xf32, #tpu.memory_space<hbm>>) target(%arg15 : memref<16x128xf32, #tpu.memory_space<vmem>>) target_semaphore(%run_scoped3A_519 : memref<!tpu.dma_semaphore, #tpu.memory_space<semaphore_mem>>)
      %dma_wait3A_528 = arith.constant 0 : i32
      %dma_wait3A_529 = arith.constant 0 : i32
      %dma_wait3A_530 = tpu.memref_slice %arg8[%run_scoped3A_1, %dma_wait3A_528, %dma_wait3A_529] : memref<2x16x128xf32, #tpu.memory_space<hbm>> -> memref<1x16x128xf32, #tpu.memory_space<hbm>>
      %dma_wait3A_531 = tpu.memref_squeeze %dma_wait3A_530 : memref<1x16x128xf32, #tpu.memory_space<hbm>> -> memref<16x128xf32, #tpu.memory_space<hbm>>
      %dma_wait3A_532 = arith.constant 0 : i32
      %dma_wait3A_533 = arith.constant 0 : i32
      %dma_wait3A_534 = tpu.memref_slice %arg8[%run_scoped3A_1, %dma_wait3A_532, %dma_wait3A_533] : memref<2x16x128xf32, #tpu.memory_space<hbm>> -> memref<1x16x128xf32, #tpu.memory_space<hbm>>
      %dma_wait3A_535 = tpu.memref_squeeze %dma_wait3A_534 : memref<1x16x128xf32, #tpu.memory_space<hbm>> -> memref<16x128xf32, #tpu.memory_space<hbm>>
      tpu.wait_dma2 semaphore(%run_scoped3A_519 : memref<!tpu.dma_semaphore, #tpu.memory_space<semaphore_mem>>) src(%dma_wait3A_535 : memref<16x128xf32, #tpu.memory_space<hbm>>) dst(%arg15 : memref<16x128xf32, #tpu.memory_space<vmem>>)
      tpu.yield
    }) : () -> ()
    %mul3A_2 = arith.constant 632 : i32
    %mul3A_3 = arith.muli %arg1, %mul3A_2 : i32
    %mul3A_4 = arith.constant 632 : i32
    %mul3A_5 = arith.muli %arg1, %mul3A_4 : i32
    "tpu.region"() ({
      %run_scoped3A_519 = tpu.sem_alloc : memref<!tpu.dma_semaphore, #tpu.memory_space<semaphore_mem>>
      %dma_start3A_520 = arith.constant 0 : i32
      %dma_start3A_521 = tpu.memref_slice %arg22[%mul3A_5, %dma_start3A_520] : memref<10112x128xf32, #tpu.memory_space<vmem_shared>> -> memref<632x128xf32, #tpu.memory_space<vmem_shared>>
      %dma_start3A_522 = arith.constant 0 : i32
      %dma_start3A_523 = tpu.memref_slice %arg7[%mul3A_3, %dma_start3A_522] : memref<10112x128xf32, #tpu.memory_space<hbm>> -> memref<632x128xf32, #tpu.memory_space<hbm>>
      tpu.enqueue_dma source(%dma_start3A_523 : memref<632x128xf32, #tpu.memory_space<hbm>>) target(%dma_start3A_521 : memref<632x128xf32, #tpu.memory_space<vmem_shared>>) target_semaphore(%run_scoped3A_519 : memref<!tpu.dma_semaphore, #tpu.memory_space<semaphore_mem>>)
      %dma_wait3A_524 = arith.constant 0 : i32
      %dma_wait3A_525 = tpu.memref_slice %arg22[%mul3A_5, %dma_wait3A_524] : memref<10112x128xf32, #tpu.memory_space<vmem_shared>> -> memref<632x128xf32, #tpu.memory_space<vmem_shared>>
      %dma_wait3A_526 = arith.constant 0 : i32
      %dma_wait3A_527 = tpu.memref_slice %arg7[%mul3A_3, %dma_wait3A_526] : memref<10112x128xf32, #tpu.memory_space<hbm>> -> memref<632x128xf32, #tpu.memory_space<hbm>>
      tpu.wait_dma2 semaphore(%run_scoped3A_519 : memref<!tpu.dma_semaphore, #tpu.memory_space<semaphore_mem>>) src(%dma_wait3A_527 : memref<632x128xf32, #tpu.memory_space<hbm>>) dst(%dma_wait3A_525 : memref<632x128xf32, #tpu.memory_space<vmem_shared>>)
      tpu.yield
    }) : () -> ()
    "tpu.region"() ({
      %run_scoped3A_519 = tpu.sem_alloc : memref<!tpu.dma_semaphore, #tpu.memory_space<semaphore_mem>>
      %dma_start3A_520 = arith.constant 0 : i32
      %dma_start3A_521 = arith.constant 0 : i32
      %dma_start3A_522 = tpu.memref_slice %arg4[%add3A, %dma_start3A_520, %dma_start3A_521] : memref<32x79x128xi32, #tpu.memory_space<hbm>> -> memref<1x79x128xi32, #tpu.memory_space<hbm>>
      %dma_start3A_523 = tpu.memref_squeeze %dma_start3A_522 : memref<1x79x128xi32, #tpu.memory_space<hbm>> -> memref<79x128xi32, #tpu.memory_space<hbm>>
      %dma_start3A_524 = arith.constant 0 : i32
      %dma_start3A_525 = arith.constant 0 : i32
      %dma_start3A_526 = tpu.memref_slice %arg4[%add3A, %dma_start3A_524, %dma_start3A_525] : memref<32x79x128xi32, #tpu.memory_space<hbm>> -> memref<1x79x128xi32, #tpu.memory_space<hbm>>
      %dma_start3A_527 = tpu.memref_squeeze %dma_start3A_526 : memref<1x79x128xi32, #tpu.memory_space<hbm>> -> memref<79x128xi32, #tpu.memory_space<hbm>>
      tpu.enqueue_dma source(%dma_start3A_527 : memref<79x128xi32, #tpu.memory_space<hbm>>) target(%arg13 : memref<79x128xi32, #tpu.memory_space<vmem>>) target_semaphore(%run_scoped3A_519 : memref<!tpu.dma_semaphore, #tpu.memory_space<semaphore_mem>>)
      %dma_wait3A_528 = arith.constant 0 : i32
      %dma_wait3A_529 = arith.constant 0 : i32
      %dma_wait3A_530 = tpu.memref_slice %arg4[%add3A, %dma_wait3A_528, %dma_wait3A_529] : memref<32x79x128xi32, #tpu.memory_space<hbm>> -> memref<1x79x128xi32, #tpu.memory_space<hbm>>
      %dma_wait3A_531 = tpu.memref_squeeze %dma_wait3A_530 : memref<1x79x128xi32, #tpu.memory_space<hbm>> -> memref<79x128xi32, #tpu.memory_space<hbm>>
      %dma_wait3A_532 = arith.constant 0 : i32
      %dma_wait3A_533 = arith.constant 0 : i32
      %dma_wait3A_534 = tpu.memref_slice %arg4[%add3A, %dma_wait3A_532, %dma_wait3A_533] : memref<32x79x128xi32, #tpu.memory_space<hbm>> -> memref<1x79x128xi32, #tpu.memory_space<hbm>>
      %dma_wait3A_535 = tpu.memref_squeeze %dma_wait3A_534 : memref<1x79x128xi32, #tpu.memory_space<hbm>> -> memref<79x128xi32, #tpu.memory_space<hbm>>
      tpu.wait_dma2 semaphore(%run_scoped3A_519 : memref<!tpu.dma_semaphore, #tpu.memory_space<semaphore_mem>>) src(%dma_wait3A_535 : memref<79x128xi32, #tpu.memory_space<hbm>>) dst(%arg13 : memref<79x128xi32, #tpu.memory_space<vmem>>)
      tpu.yield
    }) : () -> ()
    %barrier3A = arith.constant 0 : index
    tpu.barrier barrier_id(%barrier3A)
    %dma_start3A = arith.constant 0 : i32
    %dma_start3A_6 = arith.constant 0 : i32
    %dma_start3A_7 = tpu.memref_slice %arg13[%dma_start3A, %dma_start3A_6] : memref<79x128xi32, #tpu.memory_space<vmem>> -> memref<1x16xi32, #tpu.memory_space<vmem>>
    %dma_start3A_8 = tpu.memref_squeeze %dma_start3A_7 : memref<1x16xi32, #tpu.memory_space<vmem>> -> memref<16xi32, #tpu.memory_space<vmem>>
    %dma_start3A_9 = arith.constant 0 : i32
    %dma_start3A_10 = arith.constant 0 : i32
    %dma_start3A_11 = tpu.memref_slice %arg22[%dma_start3A_9, %dma_start3A_10] : memref<10112x128xf32, #tpu.memory_space<vmem_shared>> -> memref<10112x128xf32, #tpu.memory_space<vmem_shared>>
    tpu.enqueue_indirect_dma source(%arg14 : memref<16x128xf32, #tpu.memory_space<vmem>>) target(%dma_start3A_11 : memref<10112x128xf32, #tpu.memory_space<vmem_shared>>) offsets(%dma_start3A_8 : memref<16xi32, #tpu.memory_space<vmem>>) semaphore(%arg23 : memref<!tpu.dma_semaphore, #tpu.memory_space<semaphore_mem>>) {add = true}
    %dma_start3A_12 = arith.constant 0 : i32
    %dma_start3A_13 = arith.constant 16 : i32
    %dma_start3A_14 = tpu.memref_slice %arg13[%dma_start3A_12, %dma_start3A_13] : memref<79x128xi32, #tpu.memory_space<vmem>> -> memref<1x16xi32, #tpu.memory_space<vmem>>
    %dma_start3A_15 = tpu.memref_squeeze %dma_start3A_14 : memref<1x16xi32, #tpu.memory_space<vmem>> -> memref<16xi32, #tpu.memory_space<vmem>>
    %dma_start3A_16 = arith.constant 0 : i32
    %dma_start3A_17 = arith.constant 0 : i32
    %dma_start3A_18 = tpu.memref_slice %arg22[%dma_start3A_16, %dma_start3A_17] : memref<10112x128xf32, #tpu.memory_space<vmem_shared>> -> memref<10112x128xf32, #tpu.memory_space<vmem_shared>>
    tpu.enqueue_indirect_dma source(%arg14 : memref<16x128xf32, #tpu.memory_space<vmem>>) target(%dma_start3A_18 : memref<10112x128xf32, #tpu.memory_space<vmem_shared>>) offsets(%dma_start3A_15 : memref<16xi32, #tpu.memory_space<vmem>>) semaphore(%arg24 : memref<!tpu.dma_semaphore, #tpu.memory_space<semaphore_mem>>) {add = true}
    %dma_start3A_19 = arith.constant 0 : i32
    %dma_start3A_20 = arith.constant 32 : i32
    %dma_start3A_21 = tpu.memref_slice %arg13[%dma_start3A_19, %dma_start3A_20] : memref<79x128xi32, #tpu.memory_space<vmem>> -> memref<1x16xi32, #tpu.memory_space<vmem>>
    %dma_start3A_22 = tpu.memref_squeeze %dma_start3A_21 : memref<1x16xi32, #tpu.memory_space<vmem>> -> memref<16xi32, #tpu.memory_space<vmem>>
    %dma_start3A_23 = arith.constant 0 : i32
    %dma_start3A_24 = arith.constant 0 : i32
    %dma_start3A_25 = tpu.memref_slice %arg22[%dma_start3A_23, %dma_start3A_24] : memref<10112x128xf32, #tpu.memory_space<vmem_shared>> -> memref<10112x128xf32, #tpu.memory_space<vmem_shared>>
    tpu.enqueue_indirect_dma source(%arg14 : memref<16x128xf32, #tpu.memory_space<vmem>>) target(%dma_start3A_25 : memref<10112x128xf32, #tpu.memory_space<vmem_shared>>) offsets(%dma_start3A_22 : memref<16xi32, #tpu.memory_space<vmem>>) semaphore(%arg25 : memref<!tpu.dma_semaphore, #tpu.memory_space<semaphore_mem>>) {add = true}
    %dma_start3A_26 = arith.constant 0 : i32
    %dma_start3A_27 = arith.constant 48 : i32
    %dma_start3A_28 = tpu.memref_slice %arg13[%dma_start3A_26, %dma_start3A_27] : memref<79x128xi32, #tpu.memory_space<vmem>> -> memref<1x16xi32, #tpu.memory_space<vmem>>
    %dma_start3A_29 = tpu.memref_squeeze %dma_start3A_28 : memref<1x16xi32, #tpu.memory_space<vmem>> -> memref<16xi32, #tpu.memory_space<vmem>>
    %dma_start3A_30 = arith.constant 0 : i32
    %dma_start3A_31 = arith.constant 0 : i32
    %dma_start3A_32 = tpu.memref_slice %arg22[%dma_start3A_30, %dma_start3A_31] : memref<10112x128xf32, #tpu.memory_space<vmem_shared>> -> memref<10112x128xf32, #tpu.memory_space<vmem_shared>>
    tpu.enqueue_indirect_dma source(%arg14 : memref<16x128xf32, #tpu.memory_space<vmem>>) target(%dma_start3A_32 : memref<10112x128xf32, #tpu.memory_space<vmem_shared>>) offsets(%dma_start3A_29 : memref<16xi32, #tpu.memory_space<vmem>>) semaphore(%arg26 : memref<!tpu.dma_semaphore, #tpu.memory_space<semaphore_mem>>) {add = true}
    %dma_start3A_33 = arith.constant 0 : i32
    %dma_start3A_34 = arith.constant 64 : i32
    %dma_start3A_35 = tpu.memref_slice %arg13[%dma_start3A_33, %dma_start3A_34] : memref<79x128xi32, #tpu.memory_space<vmem>> -> memref<1x16xi32, #tpu.memory_space<vmem>>
    %dma_start3A_36 = tpu.memref_squeeze %dma_start3A_35 : memref<1x16xi32, #tpu.memory_space<vmem>> -> memref<16xi32, #tpu.memory_space<vmem>>
    %dma_start3A_37 = arith.constant 0 : i32
    %dma_start3A_38 = arith.constant 0 : i32
    %dma_start3A_39 = tpu.memref_slice %arg22[%dma_start3A_37, %dma_start3A_38] : memref<10112x128xf32, #tpu.memory_space<vmem_shared>> -> memref<10112x128xf32, #tpu.memory_space<vmem_shared>>
    tpu.enqueue_indirect_dma source(%arg14 : memref<16x128xf32, #tpu.memory_space<vmem>>) target(%dma_start3A_39 : memref<10112x128xf32, #tpu.memory_space<vmem_shared>>) offsets(%dma_start3A_36 : memref<16xi32, #tpu.memory_space<vmem>>) semaphore(%arg27 : memref<!tpu.dma_semaphore, #tpu.memory_space<semaphore_mem>>) {add = true}
    %dma_start3A_40 = arith.constant 0 : i32
    %dma_start3A_41 = arith.constant 80 : i32
    %dma_start3A_42 = tpu.memref_slice %arg13[%dma_start3A_40, %dma_start3A_41] : memref<79x128xi32, #tpu.memory_space<vmem>> -> memref<1x16xi32, #tpu.memory_space<vmem>>
    %dma_start3A_43 = tpu.memref_squeeze %dma_start3A_42 : memref<1x16xi32, #tpu.memory_space<vmem>> -> memref<16xi32, #tpu.memory_space<vmem>>
    %dma_start3A_44 = arith.constant 0 : i32
    %dma_start3A_45 = arith.constant 0 : i32
    %dma_start3A_46 = tpu.memref_slice %arg22[%dma_start3A_44, %dma_start3A_45] : memref<10112x128xf32, #tpu.memory_space<vmem_shared>> -> memref<10112x128xf32, #tpu.memory_space<vmem_shared>>
    tpu.enqueue_indirect_dma source(%arg14 : memref<16x128xf32, #tpu.memory_space<vmem>>) target(%dma_start3A_46 : memref<10112x128xf32, #tpu.memory_space<vmem_shared>>) offsets(%dma_start3A_43 : memref<16xi32, #tpu.memory_space<vmem>>) semaphore(%arg28 : memref<!tpu.dma_semaphore, #tpu.memory_space<semaphore_mem>>) {add = true}
    %dma_start3A_47 = arith.constant 0 : i32
    %dma_start3A_48 = arith.constant 96 : i32
    %dma_start3A_49 = tpu.memref_slice %arg13[%dma_start3A_47, %dma_start3A_48] : memref<79x128xi32, #tpu.memory_space<vmem>> -> memref<1x16xi32, #tpu.memory_space<vmem>>
    %dma_start3A_50 = tpu.memref_squeeze %dma_start3A_49 : memref<1x16xi32, #tpu.memory_space<vmem>> -> memref<16xi32, #tpu.memory_space<vmem>>
    %dma_start3A_51 = arith.constant 0 : i32
    %dma_start3A_52 = arith.constant 0 : i32
    %dma_start3A_53 = tpu.memref_slice %arg22[%dma_start3A_51, %dma_start3A_52] : memref<10112x128xf32, #tpu.memory_space<vmem_shared>> -> memref<10112x128xf32, #tpu.memory_space<vmem_shared>>
    tpu.enqueue_indirect_dma source(%arg14 : memref<16x128xf32, #tpu.memory_space<vmem>>) target(%dma_start3A_53 : memref<10112x128xf32, #tpu.memory_space<vmem_shared>>) offsets(%dma_start3A_50 : memref<16xi32, #tpu.memory_space<vmem>>) semaphore(%arg29 : memref<!tpu.dma_semaphore, #tpu.memory_space<semaphore_mem>>) {add = true}
    %dma_start3A_54 = arith.constant 0 : i32
    %dma_start3A_55 = arith.constant 112 : i32
    %dma_start3A_56 = tpu.memref_slice %arg13[%dma_start3A_54, %dma_start3A_55] : memref<79x128xi32, #tpu.memory_space<vmem>> -> memref<1x16xi32, #tpu.memory_space<vmem>>
    %dma_start3A_57 = tpu.memref_squeeze %dma_start3A_56 : memref<1x16xi32, #tpu.memory_space<vmem>> -> memref<16xi32, #tpu.memory_space<vmem>>
    %dma_start3A_58 = arith.constant 0 : i32
    %dma_start3A_59 = arith.constant 0 : i32
    %dma_start3A_60 = tpu.memref_slice %arg22[%dma_start3A_58, %dma_start3A_59] : memref<10112x128xf32, #tpu.memory_space<vmem_shared>> -> memref<10112x128xf32, #tpu.memory_space<vmem_shared>>
    tpu.enqueue_indirect_dma source(%arg14 : memref<16x128xf32, #tpu.memory_space<vmem>>) target(%dma_start3A_60 : memref<10112x128xf32, #tpu.memory_space<vmem_shared>>) offsets(%dma_start3A_57 : memref<16xi32, #tpu.memory_space<vmem>>) semaphore(%arg30 : memref<!tpu.dma_semaphore, #tpu.memory_space<semaphore_mem>>) {add = true}
    %scan3A = arith.constant 0 : i32
    %scan3A_61 = arith.constant 0 : i32
    %scan3A_62 = arith.constant 78 : i32
    %scan3A_63 = arith.addi %scan3A_61, %scan3A_62 : i32
    %scan3A_64 = arith.constant 1 : i32
    scf.for %scan3A_519 = %scan3A_61 to %scan3A_63 step %scan3A_64  : i32 {
      %dma_wait3A_520 = arith.constant 0 : i32
      %dma_wait3A_521 = tpu.memref_slice %arg13[%scan3A_519, %dma_wait3A_520] : memref<79x128xi32, #tpu.memory_space<vmem>> -> memref<1x16xi32, #tpu.memory_space<vmem>>
      %dma_wait3A_522 = tpu.memref_squeeze %dma_wait3A_521 : memref<1x16xi32, #tpu.memory_space<vmem>> -> memref<16xi32, #tpu.memory_space<vmem>>
      %dma_wait3A_523 = arith.constant 0 : i32
      %dma_wait3A_524 = arith.constant 0 : i32
      %dma_wait3A_525 = tpu.memref_slice %arg22[%dma_wait3A_523, %dma_wait3A_524] : memref<10112x128xf32, #tpu.memory_space<vmem_shared>> -> memref<10112x128xf32, #tpu.memory_space<vmem_shared>>
      tpu.wait_indirect_dma semaphore(%arg23 : memref<!tpu.dma_semaphore, #tpu.memory_space<semaphore_mem>>) src(%arg14 : memref<16x128xf32, #tpu.memory_space<vmem>>) dst(%dma_wait3A_525 : memref<10112x128xf32, #tpu.memory_space<vmem_shared>>)
      %add3A_526 = arith.constant 1 : i32
      %add3A_527 = arith.addi %scan3A_519, %add3A_526 : i32
      %dma_start3A_528 = arith.constant 0 : i32
      %dma_start3A_529 = tpu.memref_slice %arg13[%add3A_527, %dma_start3A_528] : memref<79x128xi32, #tpu.memory_space<vmem>> -> memref<1x16xi32, #tpu.memory_space<vmem>>
      %dma_start3A_530 = tpu.memref_squeeze %dma_start3A_529 : memref<1x16xi32, #tpu.memory_space<vmem>> -> memref<16xi32, #tpu.memory_space<vmem>>
      %dma_start3A_531 = arith.constant 0 : i32
      %dma_start3A_532 = arith.constant 0 : i32
      %dma_start3A_533 = tpu.memref_slice %arg22[%dma_start3A_531, %dma_start3A_532] : memref<10112x128xf32, #tpu.memory_space<vmem_shared>> -> memref<10112x128xf32, #tpu.memory_space<vmem_shared>>
      tpu.enqueue_indirect_dma source(%arg14 : memref<16x128xf32, #tpu.memory_space<vmem>>) target(%dma_start3A_533 : memref<10112x128xf32, #tpu.memory_space<vmem_shared>>) offsets(%dma_start3A_530 : memref<16xi32, #tpu.memory_space<vmem>>) semaphore(%arg23 : memref<!tpu.dma_semaphore, #tpu.memory_space<semaphore_mem>>) {add = true}
      %dma_wait3A_534 = arith.constant 16 : i32
      %dma_wait3A_535 = tpu.memref_slice %arg13[%scan3A_519, %dma_wait3A_534] : memref<79x128xi32, #tpu.memory_space<vmem>> -> memref<1x16xi32, #tpu.memory_space<vmem>>
      %dma_wait3A_536 = tpu.memref_squeeze %dma_wait3A_535 : memref<1x16xi32, #tpu.memory_space<vmem>> -> memref<16xi32, #tpu.memory_space<vmem>>
      %dma_wait3A_537 = arith.constant 0 : i32
      %dma_wait3A_538 = arith.constant 0 : i32
      %dma_wait3A_539 = tpu.memref_slice %arg22[%dma_wait3A_537, %dma_wait3A_538] : memref<10112x128xf32, #tpu.memory_space<vmem_shared>> -> memref<10112x128xf32, #tpu.memory_space<vmem_shared>>
      tpu.wait_indirect_dma semaphore(%arg24 : memref<!tpu.dma_semaphore, #tpu.memory_space<semaphore_mem>>) src(%arg14 : memref<16x128xf32, #tpu.memory_space<vmem>>) dst(%dma_wait3A_539 : memref<10112x128xf32, #tpu.memory_space<vmem_shared>>)
      %add3A_540 = arith.constant 1 : i32
      %add3A_541 = arith.addi %scan3A_519, %add3A_540 : i32
      %dma_start3A_542 = arith.constant 16 : i32
      %dma_start3A_543 = tpu.memref_slice %arg13[%add3A_541, %dma_start3A_542] : memref<79x128xi32, #tpu.memory_space<vmem>> -> memref<1x16xi32, #tpu.memory_space<vmem>>
      %dma_start3A_544 = tpu.memref_squeeze %dma_start3A_543 : memref<1x16xi32, #tpu.memory_space<vmem>> -> memref<16xi32, #tpu.memory_space<vmem>>
      %dma_start3A_545 = arith.constant 0 : i32
      %dma_start3A_546 = arith.constant 0 : i32
      %dma_start3A_547 = tpu.memref_slice %arg22[%dma_start3A_545, %dma_start3A_546] : memref<10112x128xf32, #tpu.memory_space<vmem_shared>> -> memref<10112x128xf32, #tpu.memory_space<vmem_shared>>
      tpu.enqueue_indirect_dma source(%arg14 : memref<16x128xf32, #tpu.memory_space<vmem>>) target(%dma_start3A_547 : memref<10112x128xf32, #tpu.memory_space<vmem_shared>>) offsets(%dma_start3A_544 : memref<16xi32, #tpu.memory_space<vmem>>) semaphore(%arg24 : memref<!tpu.dma_semaphore, #tpu.memory_space<semaphore_mem>>) {add = true}
      %dma_wait3A_548 = arith.constant 32 : i32
      %dma_wait3A_549 = tpu.memref_slice %arg13[%scan3A_519, %dma_wait3A_548] : memref<79x128xi32, #tpu.memory_space<vmem>> -> memref<1x16xi32, #tpu.memory_space<vmem>>
      %dma_wait3A_550 = tpu.memref_squeeze %dma_wait3A_549 : memref<1x16xi32, #tpu.memory_space<vmem>> -> memref<16xi32, #tpu.memory_space<vmem>>
      %dma_wait3A_551 = arith.constant 0 : i32
      %dma_wait3A_552 = arith.constant 0 : i32
      %dma_wait3A_553 = tpu.memref_slice %arg22[%dma_wait3A_551, %dma_wait3A_552] : memref<10112x128xf32, #tpu.memory_space<vmem_shared>> -> memref<10112x128xf32, #tpu.memory_space<vmem_shared>>
      tpu.wait_indirect_dma semaphore(%arg25 : memref<!tpu.dma_semaphore, #tpu.memory_space<semaphore_mem>>) src(%arg14 : memref<16x128xf32, #tpu.memory_space<vmem>>) dst(%dma_wait3A_553 : memref<10112x128xf32, #tpu.memory_space<vmem_shared>>)
      %add3A_554 = arith.constant 1 : i32
      %add3A_555 = arith.addi %scan3A_519, %add3A_554 : i32
      %dma_start3A_556 = arith.constant 32 : i32
      %dma_start3A_557 = tpu.memref_slice %arg13[%add3A_555, %dma_start3A_556] : memref<79x128xi32, #tpu.memory_space<vmem>> -> memref<1x16xi32, #tpu.memory_space<vmem>>
      %dma_start3A_558 = tpu.memref_squeeze %dma_start3A_557 : memref<1x16xi32, #tpu.memory_space<vmem>> -> memref<16xi32, #tpu.memory_space<vmem>>
      %dma_start3A_559 = arith.constant 0 : i32
      %dma_start3A_560 = arith.constant 0 : i32
      %dma_start3A_561 = tpu.memref_slice %arg22[%dma_start3A_559, %dma_start3A_560] : memref<10112x128xf32, #tpu.memory_space<vmem_shared>> -> memref<10112x128xf32, #tpu.memory_space<vmem_shared>>
      tpu.enqueue_indirect_dma source(%arg14 : memref<16x128xf32, #tpu.memory_space<vmem>>) target(%dma_start3A_561 : memref<10112x128xf32, #tpu.memory_space<vmem_shared>>) offsets(%dma_start3A_558 : memref<16xi32, #tpu.memory_space<vmem>>) semaphore(%arg25 : memref<!tpu.dma_semaphore, #tpu.memory_space<semaphore_mem>>) {add = true}
      %dma_wait3A_562 = arith.constant 48 : i32
      %dma_wait3A_563 = tpu.memref_slice %arg13[%scan3A_519, %dma_wait3A_562] : memref<79x128xi32, #tpu.memory_space<vmem>> -> memref<1x16xi32, #tpu.memory_space<vmem>>
      %dma_wait3A_564 = tpu.memref_squeeze %dma_wait3A_563 : memref<1x16xi32, #tpu.memory_space<vmem>> -> memref<16xi32, #tpu.memory_space<vmem>>
      %dma_wait3A_565 = arith.constant 0 : i32
      %dma_wait3A_566 = arith.constant 0 : i32
      %dma_wait3A_567 = tpu.memref_slice %arg22[%dma_wait3A_565, %dma_wait3A_566] : memref<10112x128xf32, #tpu.memory_space<vmem_shared>> -> memref<10112x128xf32, #tpu.memory_space<vmem_shared>>
      tpu.wait_indirect_dma semaphore(%arg26 : memref<!tpu.dma_semaphore, #tpu.memory_space<semaphore_mem>>) src(%arg14 : memref<16x128xf32, #tpu.memory_space<vmem>>) dst(%dma_wait3A_567 : memref<10112x128xf32, #tpu.memory_space<vmem_shared>>)
      %add3A_568 = arith.constant 1 : i32
      %add3A_569 = arith.addi %scan3A_519, %add3A_568 : i32
      %dma_start3A_570 = arith.constant 48 : i32
      %dma_start3A_571 = tpu.memref_slice %arg13[%add3A_569, %dma_start3A_570] : memref<79x128xi32, #tpu.memory_space<vmem>> -> memref<1x16xi32, #tpu.memory_space<vmem>>
      %dma_start3A_572 = tpu.memref_squeeze %dma_start3A_571 : memref<1x16xi32, #tpu.memory_space<vmem>> -> memref<16xi32, #tpu.memory_space<vmem>>
      %dma_start3A_573 = arith.constant 0 : i32
      %dma_start3A_574 = arith.constant 0 : i32
      %dma_start3A_575 = tpu.memref_slice %arg22[%dma_start3A_573, %dma_start3A_574] : memref<10112x128xf32, #tpu.memory_space<vmem_shared>> -> memref<10112x128xf32, #tpu.memory_space<vmem_shared>>
      tpu.enqueue_indirect_dma source(%arg14 : memref<16x128xf32, #tpu.memory_space<vmem>>) target(%dma_start3A_575 : memref<10112x128xf32, #tpu.memory_space<vmem_shared>>) offsets(%dma_start3A_572 : memref<16xi32, #tpu.memory_space<vmem>>) semaphore(%arg26 : memref<!tpu.dma_semaphore, #tpu.memory_space<semaphore_mem>>) {add = true}
      %dma_wait3A_576 = arith.constant 64 : i32
      %dma_wait3A_577 = tpu.memref_slice %arg13[%scan3A_519, %dma_wait3A_576] : memref<79x128xi32, #tpu.memory_space<vmem>> -> memref<1x16xi32, #tpu.memory_space<vmem>>
      %dma_wait3A_578 = tpu.memref_squeeze %dma_wait3A_577 : memref<1x16xi32, #tpu.memory_space<vmem>> -> memref<16xi32, #tpu.memory_space<vmem>>
      %dma_wait3A_579 = arith.constant 0 : i32
      %dma_wait3A_580 = arith.constant 0 : i32
      %dma_wait3A_581 = tpu.memref_slice %arg22[%dma_wait3A_579, %dma_wait3A_580] : memref<10112x128xf32, #tpu.memory_space<vmem_shared>> -> memref<10112x128xf32, #tpu.memory_space<vmem_shared>>
      tpu.wait_indirect_dma semaphore(%arg27 : memref<!tpu.dma_semaphore, #tpu.memory_space<semaphore_mem>>) src(%arg14 : memref<16x128xf32, #tpu.memory_space<vmem>>) dst(%dma_wait3A_581 : memref<10112x128xf32, #tpu.memory_space<vmem_shared>>)
      %add3A_582 = arith.constant 1 : i32
      %add3A_583 = arith.addi %scan3A_519, %add3A_582 : i32
      %dma_start3A_584 = arith.constant 64 : i32
      %dma_start3A_585 = tpu.memref_slice %arg13[%add3A_583, %dma_start3A_584] : memref<79x128xi32, #tpu.memory_space<vmem>> -> memref<1x16xi32, #tpu.memory_space<vmem>>
      %dma_start3A_586 = tpu.memref_squeeze %dma_start3A_585 : memref<1x16xi32, #tpu.memory_space<vmem>> -> memref<16xi32, #tpu.memory_space<vmem>>
      %dma_start3A_587 = arith.constant 0 : i32
      %dma_start3A_588 = arith.constant 0 : i32
      %dma_start3A_589 = tpu.memref_slice %arg22[%dma_start3A_587, %dma_start3A_588] : memref<10112x128xf32, #tpu.memory_space<vmem_shared>> -> memref<10112x128xf32, #tpu.memory_space<vmem_shared>>
      tpu.enqueue_indirect_dma source(%arg14 : memref<16x128xf32, #tpu.memory_space<vmem>>) target(%dma_start3A_589 : memref<10112x128xf32, #tpu.memory_space<vmem_shared>>) offsets(%dma_start3A_586 : memref<16xi32, #tpu.memory_space<vmem>>) semaphore(%arg27 : memref<!tpu.dma_semaphore, #tpu.memory_space<semaphore_mem>>) {add = true}
      %dma_wait3A_590 = arith.constant 80 : i32
      %dma_wait3A_591 = tpu.memref_slice %arg13[%scan3A_519, %dma_wait3A_590] : memref<79x128xi32, #tpu.memory_space<vmem>> -> memref<1x16xi32, #tpu.memory_space<vmem>>
      %dma_wait3A_592 = tpu.memref_squeeze %dma_wait3A_591 : memref<1x16xi32, #tpu.memory_space<vmem>> -> memref<16xi32, #tpu.memory_space<vmem>>
      %dma_wait3A_593 = arith.constant 0 : i32
      %dma_wait3A_594 = arith.constant 0 : i32
      %dma_wait3A_595 = tpu.memref_slice %arg22[%dma_wait3A_593, %dma_wait3A_594] : memref<10112x128xf32, #tpu.memory_space<vmem_shared>> -> memref<10112x128xf32, #tpu.memory_space<vmem_shared>>
      tpu.wait_indirect_dma semaphore(%arg28 : memref<!tpu.dma_semaphore, #tpu.memory_space<semaphore_mem>>) src(%arg14 : memref<16x128xf32, #tpu.memory_space<vmem>>) dst(%dma_wait3A_595 : memref<10112x128xf32, #tpu.memory_space<vmem_shared>>)
      %add3A_596 = arith.constant 1 : i32
      %add3A_597 = arith.addi %scan3A_519, %add3A_596 : i32
      %dma_start3A_598 = arith.constant 80 : i32
      %dma_start3A_599 = tpu.memref_slice %arg13[%add3A_597, %dma_start3A_598] : memref<79x128xi32, #tpu.memory_space<vmem>> -> memref<1x16xi32, #tpu.memory_space<vmem>>
      %dma_start3A_600 = tpu.memref_squeeze %dma_start3A_599 : memref<1x16xi32, #tpu.memory_space<vmem>> -> memref<16xi32, #tpu.memory_space<vmem>>
      %dma_start3A_601 = arith.constant 0 : i32
      %dma_start3A_602 = arith.constant 0 : i32
      %dma_start3A_603 = tpu.memref_slice %arg22[%dma_start3A_601, %dma_start3A_602] : memref<10112x128xf32, #tpu.memory_space<vmem_shared>> -> memref<10112x128xf32, #tpu.memory_space<vmem_shared>>
      tpu.enqueue_indirect_dma source(%arg14 : memref<16x128xf32, #tpu.memory_space<vmem>>) target(%dma_start3A_603 : memref<10112x128xf32, #tpu.memory_space<vmem_shared>>) offsets(%dma_start3A_600 : memref<16xi32, #tpu.memory_space<vmem>>) semaphore(%arg28 : memref<!tpu.dma_semaphore, #tpu.memory_space<semaphore_mem>>) {add = true}
      %dma_wait3A_604 = arith.constant 96 : i32
      %dma_wait3A_605 = tpu.memref_slice %arg13[%scan3A_519, %dma_wait3A_604] : memref<79x128xi32, #tpu.memory_space<vmem>> -> memref<1x16xi32, #tpu.memory_space<vmem>>
      %dma_wait3A_606 = tpu.memref_squeeze %dma_wait3A_605 : memref<1x16xi32, #tpu.memory_space<vmem>> -> memref<16xi32, #tpu.memory_space<vmem>>
      %dma_wait3A_607 = arith.constant 0 : i32
      %dma_wait3A_608 = arith.constant 0 : i32
      %dma_wait3A_609 = tpu.memref_slice %arg22[%dma_wait3A_607, %dma_wait3A_608] : memref<10112x128xf32, #tpu.memory_space<vmem_shared>> -> memref<10112x128xf32, #tpu.memory_space<vmem_shared>>
      tpu.wait_indirect_dma semaphore(%arg29 : memref<!tpu.dma_semaphore, #tpu.memory_space<semaphore_mem>>) src(%arg14 : memref<16x128xf32, #tpu.memory_space<vmem>>) dst(%dma_wait3A_609 : memref<10112x128xf32, #tpu.memory_space<vmem_shared>>)
      %add3A_610 = arith.constant 1 : i32
      %add3A_611 = arith.addi %scan3A_519, %add3A_610 : i32
      %dma_start3A_612 = arith.constant 96 : i32
      %dma_start3A_613 = tpu.memref_slice %arg13[%add3A_611, %dma_start3A_612] : memref<79x128xi32, #tpu.memory_space<vmem>> -> memref<1x16xi32, #tpu.memory_space<vmem>>
      %dma_start3A_614 = tpu.memref_squeeze %dma_start3A_613 : memref<1x16xi32, #tpu.memory_space<vmem>> -> memref<16xi32, #tpu.memory_space<vmem>>
      %dma_start3A_615 = arith.constant 0 : i32
      %dma_start3A_616 = arith.constant 0 : i32
      %dma_start3A_617 = tpu.memref_slice %arg22[%dma_start3A_615, %dma_start3A_616] : memref<10112x128xf32, #tpu.memory_space<vmem_shared>> -> memref<10112x128xf32, #tpu.memory_space<vmem_shared>>
      tpu.enqueue_indirect_dma source(%arg14 : memref<16x128xf32, #tpu.memory_space<vmem>>) target(%dma_start3A_617 : memref<10112x128xf32, #tpu.memory_space<vmem_shared>>) offsets(%dma_start3A_614 : memref<16xi32, #tpu.memory_space<vmem>>) semaphore(%arg29 : memref<!tpu.dma_semaphore, #tpu.memory_space<semaphore_mem>>) {add = true}
      %dma_wait3A_618 = arith.constant 112 : i32
      %dma_wait3A_619 = tpu.memref_slice %arg13[%scan3A_519, %dma_wait3A_618] : memref<79x128xi32, #tpu.memory_space<vmem>> -> memref<1x16xi32, #tpu.memory_space<vmem>>
      %dma_wait3A_620 = tpu.memref_squeeze %dma_wait3A_619 : memref<1x16xi32, #tpu.memory_space<vmem>> -> memref<16xi32, #tpu.memory_space<vmem>>
      %dma_wait3A_621 = arith.constant 0 : i32
      %dma_wait3A_622 = arith.constant 0 : i32
      %dma_wait3A_623 = tpu.memref_slice %arg22[%dma_wait3A_621, %dma_wait3A_622] : memref<10112x128xf32, #tpu.memory_space<vmem_shared>> -> memref<10112x128xf32, #tpu.memory_space<vmem_shared>>
      tpu.wait_indirect_dma semaphore(%arg30 : memref<!tpu.dma_semaphore, #tpu.memory_space<semaphore_mem>>) src(%arg14 : memref<16x128xf32, #tpu.memory_space<vmem>>) dst(%dma_wait3A_623 : memref<10112x128xf32, #tpu.memory_space<vmem_shared>>)
      %add3A_624 = arith.constant 1 : i32
      %add3A_625 = arith.addi %scan3A_519, %add3A_624 : i32
      %dma_start3A_626 = arith.constant 112 : i32
      %dma_start3A_627 = tpu.memref_slice %arg13[%add3A_625, %dma_start3A_626] : memref<79x128xi32, #tpu.memory_space<vmem>> -> memref<1x16xi32, #tpu.memory_space<vmem>>
      %dma_start3A_628 = tpu.memref_squeeze %dma_start3A_627 : memref<1x16xi32, #tpu.memory_space<vmem>> -> memref<16xi32, #tpu.memory_space<vmem>>
      %dma_start3A_629 = arith.constant 0 : i32
      %dma_start3A_630 = arith.constant 0 : i32
      %dma_start3A_631 = tpu.memref_slice %arg22[%dma_start3A_629, %dma_start3A_630] : memref<10112x128xf32, #tpu.memory_space<vmem_shared>> -> memref<10112x128xf32, #tpu.memory_space<vmem_shared>>
      tpu.enqueue_indirect_dma source(%arg14 : memref<16x128xf32, #tpu.memory_space<vmem>>) target(%dma_start3A_631 : memref<10112x128xf32, #tpu.memory_space<vmem_shared>>) offsets(%dma_start3A_628 : memref<16xi32, #tpu.memory_space<vmem>>) semaphore(%arg30 : memref<!tpu.dma_semaphore, #tpu.memory_space<semaphore_mem>>) {add = true}
    }
    %scan3A_65 = arith.constant 78 : i32
    %dma_wait3A = arith.constant 78 : i32
    %dma_wait3A_66 = arith.constant 0 : i32
    %dma_wait3A_67 = tpu.memref_slice %arg13[%dma_wait3A, %dma_wait3A_66] : memref<79x128xi32, #tpu.memory_space<vmem>> -> memref<1x16xi32, #tpu.memory_space<vmem>>
    %dma_wait3A_68 = tpu.memref_squeeze %dma_wait3A_67 : memref<1x16xi32, #tpu.memory_space<vmem>> -> memref<16xi32, #tpu.memory_space<vmem>>
    %dma_wait3A_69 = arith.constant 0 : i32
    %dma_wait3A_70 = arith.constant 0 : i32
    %dma_wait3A_71 = tpu.memref_slice %arg22[%dma_wait3A_69, %dma_wait3A_70] : memref<10112x128xf32, #tpu.memory_space<vmem_shared>> -> memref<10112x128xf32, #tpu.memory_space<vmem_shared>>
    tpu.wait_indirect_dma semaphore(%arg23 : memref<!tpu.dma_semaphore, #tpu.memory_space<semaphore_mem>>) src(%arg14 : memref<16x128xf32, #tpu.memory_space<vmem>>) dst(%dma_wait3A_71 : memref<10112x128xf32, #tpu.memory_space<vmem_shared>>)
    %dma_wait3A_72 = arith.constant 78 : i32
    %dma_wait3A_73 = arith.constant 16 : i32
    %dma_wait3A_74 = tpu.memref_slice %arg13[%dma_wait3A_72, %dma_wait3A_73] : memref<79x128xi32, #tpu.memory_space<vmem>> -> memref<1x16xi32, #tpu.memory_space<vmem>>
    %dma_wait3A_75 = tpu.memref_squeeze %dma_wait3A_74 : memref<1x16xi32, #tpu.memory_space<vmem>> -> memref<16xi32, #tpu.memory_space<vmem>>
    %dma_wait3A_76 = arith.constant 0 : i32
    %dma_wait3A_77 = arith.constant 0 : i32
    %dma_wait3A_78 = tpu.memref_slice %arg22[%dma_wait3A_76, %dma_wait3A_77] : memref<10112x128xf32, #tpu.memory_space<vmem_shared>> -> memref<10112x128xf32, #tpu.memory_space<vmem_shared>>
    tpu.wait_indirect_dma semaphore(%arg24 : memref<!tpu.dma_semaphore, #tpu.memory_space<semaphore_mem>>) src(%arg14 : memref<16x128xf32, #tpu.memory_space<vmem>>) dst(%dma_wait3A_78 : memref<10112x128xf32, #tpu.memory_space<vmem_shared>>)
    %dma_wait3A_79 = arith.constant 78 : i32
    %dma_wait3A_80 = arith.constant 32 : i32
    %dma_wait3A_81 = tpu.memref_slice %arg13[%dma_wait3A_79, %dma_wait3A_80] : memref<79x128xi32, #tpu.memory_space<vmem>> -> memref<1x16xi32, #tpu.memory_space<vmem>>
    %dma_wait3A_82 = tpu.memref_squeeze %dma_wait3A_81 : memref<1x16xi32, #tpu.memory_space<vmem>> -> memref<16xi32, #tpu.memory_space<vmem>>
    %dma_wait3A_83 = arith.constant 0 : i32
    %dma_wait3A_84 = arith.constant 0 : i32
    %dma_wait3A_85 = tpu.memref_slice %arg22[%dma_wait3A_83, %dma_wait3A_84] : memref<10112x128xf32, #tpu.memory_space<vmem_shared>> -> memref<10112x128xf32, #tpu.memory_space<vmem_shared>>
    tpu.wait_indirect_dma semaphore(%arg25 : memref<!tpu.dma_semaphore, #tpu.memory_space<semaphore_mem>>) src(%arg14 : memref<16x128xf32, #tpu.memory_space<vmem>>) dst(%dma_wait3A_85 : memref<10112x128xf32, #tpu.memory_space<vmem_shared>>)
    %dma_wait3A_86 = arith.constant 78 : i32
    %dma_wait3A_87 = arith.constant 48 : i32
    %dma_wait3A_88 = tpu.memref_slice %arg13[%dma_wait3A_86, %dma_wait3A_87] : memref<79x128xi32, #tpu.memory_space<vmem>> -> memref<1x16xi32, #tpu.memory_space<vmem>>
    %dma_wait3A_89 = tpu.memref_squeeze %dma_wait3A_88 : memref<1x16xi32, #tpu.memory_space<vmem>> -> memref<16xi32, #tpu.memory_space<vmem>>
    %dma_wait3A_90 = arith.constant 0 : i32
    %dma_wait3A_91 = arith.constant 0 : i32
    %dma_wait3A_92 = tpu.memref_slice %arg22[%dma_wait3A_90, %dma_wait3A_91] : memref<10112x128xf32, #tpu.memory_space<vmem_shared>> -> memref<10112x128xf32, #tpu.memory_space<vmem_shared>>
    tpu.wait_indirect_dma semaphore(%arg26 : memref<!tpu.dma_semaphore, #tpu.memory_space<semaphore_mem>>) src(%arg14 : memref<16x128xf32, #tpu.memory_space<vmem>>) dst(%dma_wait3A_92 : memref<10112x128xf32, #tpu.memory_space<vmem_shared>>)
    %dma_wait3A_93 = arith.constant 78 : i32
    %dma_wait3A_94 = arith.constant 64 : i32
    %dma_wait3A_95 = tpu.memref_slice %arg13[%dma_wait3A_93, %dma_wait3A_94] : memref<79x128xi32, #tpu.memory_space<vmem>> -> memref<1x16xi32, #tpu.memory_space<vmem>>
    %dma_wait3A_96 = tpu.memref_squeeze %dma_wait3A_95 : memref<1x16xi32, #tpu.memory_space<vmem>> -> memref<16xi32, #tpu.memory_space<vmem>>
    %dma_wait3A_97 = arith.constant 0 : i32
    %dma_wait3A_98 = arith.constant 0 : i32
    %dma_wait3A_99 = tpu.memref_slice %arg22[%dma_wait3A_97, %dma_wait3A_98] : memref<10112x128xf32, #tpu.memory_space<vmem_shared>> -> memref<10112x128xf32, #tpu.memory_space<vmem_shared>>
    tpu.wait_indirect_dma semaphore(%arg27 : memref<!tpu.dma_semaphore, #tpu.memory_space<semaphore_mem>>) src(%arg14 : memref<16x128xf32, #tpu.memory_space<vmem>>) dst(%dma_wait3A_99 : memref<10112x128xf32, #tpu.memory_space<vmem_shared>>)
    %dma_wait3A_100 = arith.constant 78 : i32
    %dma_wait3A_101 = arith.constant 80 : i32
    %dma_wait3A_102 = tpu.memref_slice %arg13[%dma_wait3A_100, %dma_wait3A_101] : memref<79x128xi32, #tpu.memory_space<vmem>> -> memref<1x16xi32, #tpu.memory_space<vmem>>
    %dma_wait3A_103 = tpu.memref_squeeze %dma_wait3A_102 : memref<1x16xi32, #tpu.memory_space<vmem>> -> memref<16xi32, #tpu.memory_space<vmem>>
    %dma_wait3A_104 = arith.constant 0 : i32
    %dma_wait3A_105 = arith.constant 0 : i32
    %dma_wait3A_106 = tpu.memref_slice %arg22[%dma_wait3A_104, %dma_wait3A_105] : memref<10112x128xf32, #tpu.memory_space<vmem_shared>> -> memref<10112x128xf32, #tpu.memory_space<vmem_shared>>
    tpu.wait_indirect_dma semaphore(%arg28 : memref<!tpu.dma_semaphore, #tpu.memory_space<semaphore_mem>>) src(%arg14 : memref<16x128xf32, #tpu.memory_space<vmem>>) dst(%dma_wait3A_106 : memref<10112x128xf32, #tpu.memory_space<vmem_shared>>)
    %dma_wait3A_107 = arith.constant 78 : i32
    %dma_wait3A_108 = arith.constant 96 : i32
    %dma_wait3A_109 = tpu.memref_slice %arg13[%dma_wait3A_107, %dma_wait3A_108] : memref<79x128xi32, #tpu.memory_space<vmem>> -> memref<1x16xi32, #tpu.memory_space<vmem>>
    %dma_wait3A_110 = tpu.memref_squeeze %dma_wait3A_109 : memref<1x16xi32, #tpu.memory_space<vmem>> -> memref<16xi32, #tpu.memory_space<vmem>>
    %dma_wait3A_111 = arith.constant 0 : i32
    %dma_wait3A_112 = arith.constant 0 : i32
    %dma_wait3A_113 = tpu.memref_slice %arg22[%dma_wait3A_111, %dma_wait3A_112] : memref<10112x128xf32, #tpu.memory_space<vmem_shared>> -> memref<10112x128xf32, #tpu.memory_space<vmem_shared>>
    tpu.wait_indirect_dma semaphore(%arg29 : memref<!tpu.dma_semaphore, #tpu.memory_space<semaphore_mem>>) src(%arg14 : memref<16x128xf32, #tpu.memory_space<vmem>>) dst(%dma_wait3A_113 : memref<10112x128xf32, #tpu.memory_space<vmem_shared>>)
    %dma_wait3A_114 = arith.constant 78 : i32
    %dma_wait3A_115 = arith.constant 112 : i32
    %dma_wait3A_116 = tpu.memref_slice %arg13[%dma_wait3A_114, %dma_wait3A_115] : memref<79x128xi32, #tpu.memory_space<vmem>> -> memref<1x16xi32, #tpu.memory_space<vmem>>
    %dma_wait3A_117 = tpu.memref_squeeze %dma_wait3A_116 : memref<1x16xi32, #tpu.memory_space<vmem>> -> memref<16xi32, #tpu.memory_space<vmem>>
    %dma_wait3A_118 = arith.constant 0 : i32
    %dma_wait3A_119 = arith.constant 0 : i32
    %dma_wait3A_120 = tpu.memref_slice %arg22[%dma_wait3A_118, %dma_wait3A_119] : memref<10112x128xf32, #tpu.memory_space<vmem_shared>> -> memref<10112x128xf32, #tpu.memory_space<vmem_shared>>
    tpu.wait_indirect_dma semaphore(%arg30 : memref<!tpu.dma_semaphore, #tpu.memory_space<semaphore_mem>>) src(%arg14 : memref<16x128xf32, #tpu.memory_space<vmem>>) dst(%dma_wait3A_120 : memref<10112x128xf32, #tpu.memory_space<vmem_shared>>)
    "tpu.region"() ({
      %run_scoped3A_519 = tpu.sem_alloc : memref<!tpu.dma_semaphore, #tpu.memory_space<semaphore_mem>>
      %dma_start3A_520 = arith.constant 0 : i32
      %dma_start3A_521 = arith.constant 0 : i32
      %dma_start3A_522 = tpu.memref_slice %arg6[%add3A, %dma_start3A_520, %dma_start3A_521] : memref<32x79x128xi32, #tpu.memory_space<hbm>> -> memref<1x79x128xi32, #tpu.memory_space<hbm>>
      %dma_start3A_523 = tpu.memref_squeeze %dma_start3A_522 : memref<1x79x128xi32, #tpu.memory_space<hbm>> -> memref<79x128xi32, #tpu.memory_space<hbm>>
      %dma_start3A_524 = arith.constant 0 : i32
      %dma_start3A_525 = arith.constant 0 : i32
      %dma_start3A_526 = tpu.memref_slice %arg6[%add3A, %dma_start3A_524, %dma_start3A_525] : memref<32x79x128xi32, #tpu.memory_space<hbm>> -> memref<1x79x128xi32, #tpu.memory_space<hbm>>
      %dma_start3A_527 = tpu.memref_squeeze %dma_start3A_526 : memref<1x79x128xi32, #tpu.memory_space<hbm>> -> memref<79x128xi32, #tpu.memory_space<hbm>>
      tpu.enqueue_dma source(%dma_start3A_527 : memref<79x128xi32, #tpu.memory_space<hbm>>) target(%arg13 : memref<79x128xi32, #tpu.memory_space<vmem>>) target_semaphore(%run_scoped3A_519 : memref<!tpu.dma_semaphore, #tpu.memory_space<semaphore_mem>>)
      %dma_wait3A_528 = arith.constant 0 : i32
      %dma_wait3A_529 = arith.constant 0 : i32
      %dma_wait3A_530 = tpu.memref_slice %arg6[%add3A, %dma_wait3A_528, %dma_wait3A_529] : memref<32x79x128xi32, #tpu.memory_space<hbm>> -> memref<1x79x128xi32, #tpu.memory_space<hbm>>
      %dma_wait3A_531 = tpu.memref_squeeze %dma_wait3A_530 : memref<1x79x128xi32, #tpu.memory_space<hbm>> -> memref<79x128xi32, #tpu.memory_space<hbm>>
      %dma_wait3A_532 = arith.constant 0 : i32
      %dma_wait3A_533 = arith.constant 0 : i32
      %dma_wait3A_534 = tpu.memref_slice %arg6[%add3A, %dma_wait3A_532, %dma_wait3A_533] : memref<32x79x128xi32, #tpu.memory_space<hbm>> -> memref<1x79x128xi32, #tpu.memory_space<hbm>>
      %dma_wait3A_535 = tpu.memref_squeeze %dma_wait3A_534 : memref<1x79x128xi32, #tpu.memory_space<hbm>> -> memref<79x128xi32, #tpu.memory_space<hbm>>
      tpu.wait_dma2 semaphore(%run_scoped3A_519 : memref<!tpu.dma_semaphore, #tpu.memory_space<semaphore_mem>>) src(%dma_wait3A_535 : memref<79x128xi32, #tpu.memory_space<hbm>>) dst(%arg13 : memref<79x128xi32, #tpu.memory_space<vmem>>)
      tpu.yield
    }) : () -> ()
    %dma_start3A_121 = arith.constant 0 : i32
    %dma_start3A_122 = arith.constant 0 : i32
    %dma_start3A_123 = tpu.memref_slice %arg13[%dma_start3A_121, %dma_start3A_122] : memref<79x128xi32, #tpu.memory_space<vmem>> -> memref<1x16xi32, #tpu.memory_space<vmem>>
    %dma_start3A_124 = tpu.memref_squeeze %dma_start3A_123 : memref<1x16xi32, #tpu.memory_space<vmem>> -> memref<16xi32, #tpu.memory_space<vmem>>
    %dma_start3A_125 = arith.constant 0 : i32
    %dma_start3A_126 = arith.constant 0 : i32
    %dma_start3A_127 = tpu.memref_slice %arg22[%dma_start3A_125, %dma_start3A_126] : memref<10112x128xf32, #tpu.memory_space<vmem_shared>> -> memref<10112x128xf32, #tpu.memory_space<vmem_shared>>
    tpu.enqueue_indirect_dma source(%arg15 : memref<16x128xf32, #tpu.memory_space<vmem>>) target(%dma_start3A_127 : memref<10112x128xf32, #tpu.memory_space<vmem_shared>>) offsets(%dma_start3A_124 : memref<16xi32, #tpu.memory_space<vmem>>) semaphore(%arg23 : memref<!tpu.dma_semaphore, #tpu.memory_space<semaphore_mem>>) {add = true}
    %dma_start3A_128 = arith.constant 0 : i32
    %dma_start3A_129 = arith.constant 16 : i32
    %dma_start3A_130 = tpu.memref_slice %arg13[%dma_start3A_128, %dma_start3A_129] : memref<79x128xi32, #tpu.memory_space<vmem>> -> memref<1x16xi32, #tpu.memory_space<vmem>>
    %dma_start3A_131 = tpu.memref_squeeze %dma_start3A_130 : memref<1x16xi32, #tpu.memory_space<vmem>> -> memref<16xi32, #tpu.memory_space<vmem>>
    %dma_start3A_132 = arith.constant 0 : i32
    %dma_start3A_133 = arith.constant 0 : i32
    %dma_start3A_134 = tpu.memref_slice %arg22[%dma_start3A_132, %dma_start3A_133] : memref<10112x128xf32, #tpu.memory_space<vmem_shared>> -> memref<10112x128xf32, #tpu.memory_space<vmem_shared>>
    tpu.enqueue_indirect_dma source(%arg15 : memref<16x128xf32, #tpu.memory_space<vmem>>) target(%dma_start3A_134 : memref<10112x128xf32, #tpu.memory_space<vmem_shared>>) offsets(%dma_start3A_131 : memref<16xi32, #tpu.memory_space<vmem>>) semaphore(%arg24 : memref<!tpu.dma_semaphore, #tpu.memory_space<semaphore_mem>>) {add = true}
    %dma_start3A_135 = arith.constant 0 : i32
    %dma_start3A_136 = arith.constant 32 : i32
    %dma_start3A_137 = tpu.memref_slice %arg13[%dma_start3A_135, %dma_start3A_136] : memref<79x128xi32, #tpu.memory_space<vmem>> -> memref<1x16xi32, #tpu.memory_space<vmem>>
    %dma_start3A_138 = tpu.memref_squeeze %dma_start3A_137 : memref<1x16xi32, #tpu.memory_space<vmem>> -> memref<16xi32, #tpu.memory_space<vmem>>
    %dma_start3A_139 = arith.constant 0 : i32
    %dma_start3A_140 = arith.constant 0 : i32
    %dma_start3A_141 = tpu.memref_slice %arg22[%dma_start3A_139, %dma_start3A_140] : memref<10112x128xf32, #tpu.memory_space<vmem_shared>> -> memref<10112x128xf32, #tpu.memory_space<vmem_shared>>
    tpu.enqueue_indirect_dma source(%arg15 : memref<16x128xf32, #tpu.memory_space<vmem>>) target(%dma_start3A_141 : memref<10112x128xf32, #tpu.memory_space<vmem_shared>>) offsets(%dma_start3A_138 : memref<16xi32, #tpu.memory_space<vmem>>) semaphore(%arg25 : memref<!tpu.dma_semaphore, #tpu.memory_space<semaphore_mem>>) {add = true}
    %dma_start3A_142 = arith.constant 0 : i32
    %dma_start3A_143 = arith.constant 48 : i32
    %dma_start3A_144 = tpu.memref_slice %arg13[%dma_start3A_142, %dma_start3A_143] : memref<79x128xi32, #tpu.memory_space<vmem>> -> memref<1x16xi32, #tpu.memory_space<vmem>>
    %dma_start3A_145 = tpu.memref_squeeze %dma_start3A_144 : memref<1x16xi32, #tpu.memory_space<vmem>> -> memref<16xi32, #tpu.memory_space<vmem>>
    %dma_start3A_146 = arith.constant 0 : i32
    %dma_start3A_147 = arith.constant 0 : i32
    %dma_start3A_148 = tpu.memref_slice %arg22[%dma_start3A_146, %dma_start3A_147] : memref<10112x128xf32, #tpu.memory_space<vmem_shared>> -> memref<10112x128xf32, #tpu.memory_space<vmem_shared>>
    tpu.enqueue_indirect_dma source(%arg15 : memref<16x128xf32, #tpu.memory_space<vmem>>) target(%dma_start3A_148 : memref<10112x128xf32, #tpu.memory_space<vmem_shared>>) offsets(%dma_start3A_145 : memref<16xi32, #tpu.memory_space<vmem>>) semaphore(%arg26 : memref<!tpu.dma_semaphore, #tpu.memory_space<semaphore_mem>>) {add = true}
    %dma_start3A_149 = arith.constant 0 : i32
    %dma_start3A_150 = arith.constant 64 : i32
    %dma_start3A_151 = tpu.memref_slice %arg13[%dma_start3A_149, %dma_start3A_150] : memref<79x128xi32, #tpu.memory_space<vmem>> -> memref<1x16xi32, #tpu.memory_space<vmem>>
    %dma_start3A_152 = tpu.memref_squeeze %dma_start3A_151 : memref<1x16xi32, #tpu.memory_space<vmem>> -> memref<16xi32, #tpu.memory_space<vmem>>
    %dma_start3A_153 = arith.constant 0 : i32
    %dma_start3A_154 = arith.constant 0 : i32
    %dma_start3A_155 = tpu.memref_slice %arg22[%dma_start3A_153, %dma_start3A_154] : memref<10112x128xf32, #tpu.memory_space<vmem_shared>> -> memref<10112x128xf32, #tpu.memory_space<vmem_shared>>
    tpu.enqueue_indirect_dma source(%arg15 : memref<16x128xf32, #tpu.memory_space<vmem>>) target(%dma_start3A_155 : memref<10112x128xf32, #tpu.memory_space<vmem_shared>>) offsets(%dma_start3A_152 : memref<16xi32, #tpu.memory_space<vmem>>) semaphore(%arg27 : memref<!tpu.dma_semaphore, #tpu.memory_space<semaphore_mem>>) {add = true}
    %dma_start3A_156 = arith.constant 0 : i32
    %dma_start3A_157 = arith.constant 80 : i32
    %dma_start3A_158 = tpu.memref_slice %arg13[%dma_start3A_156, %dma_start3A_157] : memref<79x128xi32, #tpu.memory_space<vmem>> -> memref<1x16xi32, #tpu.memory_space<vmem>>
    %dma_start3A_159 = tpu.memref_squeeze %dma_start3A_158 : memref<1x16xi32, #tpu.memory_space<vmem>> -> memref<16xi32, #tpu.memory_space<vmem>>
    %dma_start3A_160 = arith.constant 0 : i32
    %dma_start3A_161 = arith.constant 0 : i32
    %dma_start3A_162 = tpu.memref_slice %arg22[%dma_start3A_160, %dma_start3A_161] : memref<10112x128xf32, #tpu.memory_space<vmem_shared>> -> memref<10112x128xf32, #tpu.memory_space<vmem_shared>>
    tpu.enqueue_indirect_dma source(%arg15 : memref<16x128xf32, #tpu.memory_space<vmem>>) target(%dma_start3A_162 : memref<10112x128xf32, #tpu.memory_space<vmem_shared>>) offsets(%dma_start3A_159 : memref<16xi32, #tpu.memory_space<vmem>>) semaphore(%arg28 : memref<!tpu.dma_semaphore, #tpu.memory_space<semaphore_mem>>) {add = true}
    %dma_start3A_163 = arith.constant 0 : i32
    %dma_start3A_164 = arith.constant 96 : i32
    %dma_start3A_165 = tpu.memref_slice %arg13[%dma_start3A_163, %dma_start3A_164] : memref<79x128xi32, #tpu.memory_space<vmem>> -> memref<1x16xi32, #tpu.memory_space<vmem>>
    %dma_start3A_166 = tpu.memref_squeeze %dma_start3A_165 : memref<1x16xi32, #tpu.memory_space<vmem>> -> memref<16xi32, #tpu.memory_space<vmem>>
    %dma_start3A_167 = arith.constant 0 : i32
    %dma_start3A_168 = arith.constant 0 : i32
    %dma_start3A_169 = tpu.memref_slice %arg22[%dma_start3A_167, %dma_start3A_168] : memref<10112x128xf32, #tpu.memory_space<vmem_shared>> -> memref<10112x128xf32, #tpu.memory_space<vmem_shared>>
    tpu.enqueue_indirect_dma source(%arg15 : memref<16x128xf32, #tpu.memory_space<vmem>>) target(%dma_start3A_169 : memref<10112x128xf32, #tpu.memory_space<vmem_shared>>) offsets(%dma_start3A_166 : memref<16xi32, #tpu.memory_space<vmem>>) semaphore(%arg29 : memref<!tpu.dma_semaphore, #tpu.memory_space<semaphore_mem>>) {add = true}
    %dma_start3A_170 = arith.constant 0 : i32
    %dma_start3A_171 = arith.constant 112 : i32
    %dma_start3A_172 = tpu.memref_slice %arg13[%dma_start3A_170, %dma_start3A_171] : memref<79x128xi32, #tpu.memory_space<vmem>> -> memref<1x16xi32, #tpu.memory_space<vmem>>
    %dma_start3A_173 = tpu.memref_squeeze %dma_start3A_172 : memref<1x16xi32, #tpu.memory_space<vmem>> -> memref<16xi32, #tpu.memory_space<vmem>>
    %dma_start3A_174 = arith.constant 0 : i32
    %dma_start3A_175 = arith.constant 0 : i32
    %dma_start3A_176 = tpu.memref_slice %arg22[%dma_start3A_174, %dma_start3A_175] : memref<10112x128xf32, #tpu.memory_space<vmem_shared>> -> memref<10112x128xf32, #tpu.memory_space<vmem_shared>>
    tpu.enqueue_indirect_dma source(%arg15 : memref<16x128xf32, #tpu.memory_space<vmem>>) target(%dma_start3A_176 : memref<10112x128xf32, #tpu.memory_space<vmem_shared>>) offsets(%dma_start3A_173 : memref<16xi32, #tpu.memory_space<vmem>>) semaphore(%arg30 : memref<!tpu.dma_semaphore, #tpu.memory_space<semaphore_mem>>) {add = true}
    %scan3A_177 = arith.constant 0 : i32
    %scan3A_178 = arith.constant 0 : i32
    %scan3A_179 = arith.constant 78 : i32
    %scan3A_180 = arith.addi %scan3A_178, %scan3A_179 : i32
    %scan3A_181 = arith.constant 1 : i32
    scf.for %scan3A_519 = %scan3A_178 to %scan3A_180 step %scan3A_181  : i32 {
      %dma_wait3A_520 = arith.constant 0 : i32
      %dma_wait3A_521 = tpu.memref_slice %arg13[%scan3A_519, %dma_wait3A_520] : memref<79x128xi32, #tpu.memory_space<vmem>> -> memref<1x16xi32, #tpu.memory_space<vmem>>
      %dma_wait3A_522 = tpu.memref_squeeze %dma_wait3A_521 : memref<1x16xi32, #tpu.memory_space<vmem>> -> memref<16xi32, #tpu.memory_space<vmem>>
      %dma_wait3A_523 = arith.constant 0 : i32
      %dma_wait3A_524 = arith.constant 0 : i32
      %dma_wait3A_525 = tpu.memref_slice %arg22[%dma_wait3A_523, %dma_wait3A_524] : memref<10112x128xf32, #tpu.memory_space<vmem_shared>> -> memref<10112x128xf32, #tpu.memory_space<vmem_shared>>
      tpu.wait_indirect_dma semaphore(%arg23 : memref<!tpu.dma_semaphore, #tpu.memory_space<semaphore_mem>>) src(%arg15 : memref<16x128xf32, #tpu.memory_space<vmem>>) dst(%dma_wait3A_525 : memref<10112x128xf32, #tpu.memory_space<vmem_shared>>)
      %add3A_526 = arith.constant 1 : i32
      %add3A_527 = arith.addi %scan3A_519, %add3A_526 : i32
      %dma_start3A_528 = arith.constant 0 : i32
      %dma_start3A_529 = tpu.memref_slice %arg13[%add3A_527, %dma_start3A_528] : memref<79x128xi32, #tpu.memory_space<vmem>> -> memref<1x16xi32, #tpu.memory_space<vmem>>
      %dma_start3A_530 = tpu.memref_squeeze %dma_start3A_529 : memref<1x16xi32, #tpu.memory_space<vmem>> -> memref<16xi32, #tpu.memory_space<vmem>>
      %dma_start3A_531 = arith.constant 0 : i32
      %dma_start3A_532 = arith.constant 0 : i32
      %dma_start3A_533 = tpu.memref_slice %arg22[%dma_start3A_531, %dma_start3A_532] : memref<10112x128xf32, #tpu.memory_space<vmem_shared>> -> memref<10112x128xf32, #tpu.memory_space<vmem_shared>>
      tpu.enqueue_indirect_dma source(%arg15 : memref<16x128xf32, #tpu.memory_space<vmem>>) target(%dma_start3A_533 : memref<10112x128xf32, #tpu.memory_space<vmem_shared>>) offsets(%dma_start3A_530 : memref<16xi32, #tpu.memory_space<vmem>>) semaphore(%arg23 : memref<!tpu.dma_semaphore, #tpu.memory_space<semaphore_mem>>) {add = true}
      %dma_wait3A_534 = arith.constant 16 : i32
      %dma_wait3A_535 = tpu.memref_slice %arg13[%scan3A_519, %dma_wait3A_534] : memref<79x128xi32, #tpu.memory_space<vmem>> -> memref<1x16xi32, #tpu.memory_space<vmem>>
      %dma_wait3A_536 = tpu.memref_squeeze %dma_wait3A_535 : memref<1x16xi32, #tpu.memory_space<vmem>> -> memref<16xi32, #tpu.memory_space<vmem>>
      %dma_wait3A_537 = arith.constant 0 : i32
      %dma_wait3A_538 = arith.constant 0 : i32
      %dma_wait3A_539 = tpu.memref_slice %arg22[%dma_wait3A_537, %dma_wait3A_538] : memref<10112x128xf32, #tpu.memory_space<vmem_shared>> -> memref<10112x128xf32, #tpu.memory_space<vmem_shared>>
      tpu.wait_indirect_dma semaphore(%arg24 : memref<!tpu.dma_semaphore, #tpu.memory_space<semaphore_mem>>) src(%arg15 : memref<16x128xf32, #tpu.memory_space<vmem>>) dst(%dma_wait3A_539 : memref<10112x128xf32, #tpu.memory_space<vmem_shared>>)
      %add3A_540 = arith.constant 1 : i32
      %add3A_541 = arith.addi %scan3A_519, %add3A_540 : i32
      %dma_start3A_542 = arith.constant 16 : i32
      %dma_start3A_543 = tpu.memref_slice %arg13[%add3A_541, %dma_start3A_542] : memref<79x128xi32, #tpu.memory_space<vmem>> -> memref<1x16xi32, #tpu.memory_space<vmem>>
      %dma_start3A_544 = tpu.memref_squeeze %dma_start3A_543 : memref<1x16xi32, #tpu.memory_space<vmem>> -> memref<16xi32, #tpu.memory_space<vmem>>
      %dma_start3A_545 = arith.constant 0 : i32
      %dma_start3A_546 = arith.constant 0 : i32
      %dma_start3A_547 = tpu.memref_slice %arg22[%dma_start3A_545, %dma_start3A_546] : memref<10112x128xf32, #tpu.memory_space<vmem_shared>> -> memref<10112x128xf32, #tpu.memory_space<vmem_shared>>
      tpu.enqueue_indirect_dma source(%arg15 : memref<16x128xf32, #tpu.memory_space<vmem>>) target(%dma_start3A_547 : memref<10112x128xf32, #tpu.memory_space<vmem_shared>>) offsets(%dma_start3A_544 : memref<16xi32, #tpu.memory_space<vmem>>) semaphore(%arg24 : memref<!tpu.dma_semaphore, #tpu.memory_space<semaphore_mem>>) {add = true}
      %dma_wait3A_548 = arith.constant 32 : i32
      %dma_wait3A_549 = tpu.memref_slice %arg13[%scan3A_519, %dma_wait3A_548] : memref<79x128xi32, #tpu.memory_space<vmem>> -> memref<1x16xi32, #tpu.memory_space<vmem>>
      %dma_wait3A_550 = tpu.memref_squeeze %dma_wait3A_549 : memref<1x16xi32, #tpu.memory_space<vmem>> -> memref<16xi32, #tpu.memory_space<vmem>>
      %dma_wait3A_551 = arith.constant 0 : i32
      %dma_wait3A_552 = arith.constant 0 : i32
      %dma_wait3A_553 = tpu.memref_slice %arg22[%dma_wait3A_551, %dma_wait3A_552] : memref<10112x128xf32, #tpu.memory_space<vmem_shared>> -> memref<10112x128xf32, #tpu.memory_space<vmem_shared>>
      tpu.wait_indirect_dma semaphore(%arg25 : memref<!tpu.dma_semaphore, #tpu.memory_space<semaphore_mem>>) src(%arg15 : memref<16x128xf32, #tpu.memory_space<vmem>>) dst(%dma_wait3A_553 : memref<10112x128xf32, #tpu.memory_space<vmem_shared>>)
      %add3A_554 = arith.constant 1 : i32
      %add3A_555 = arith.addi %scan3A_519, %add3A_554 : i32
      %dma_start3A_556 = arith.constant 32 : i32
      %dma_start3A_557 = tpu.memref_slice %arg13[%add3A_555, %dma_start3A_556] : memref<79x128xi32, #tpu.memory_space<vmem>> -> memref<1x16xi32, #tpu.memory_space<vmem>>
      %dma_start3A_558 = tpu.memref_squeeze %dma_start3A_557 : memref<1x16xi32, #tpu.memory_space<vmem>> -> memref<16xi32, #tpu.memory_space<vmem>>
      %dma_start3A_559 = arith.constant 0 : i32
      %dma_start3A_560 = arith.constant 0 : i32
      %dma_start3A_561 = tpu.memref_slice %arg22[%dma_start3A_559, %dma_start3A_560] : memref<10112x128xf32, #tpu.memory_space<vmem_shared>> -> memref<10112x128xf32, #tpu.memory_space<vmem_shared>>
      tpu.enqueue_indirect_dma source(%arg15 : memref<16x128xf32, #tpu.memory_space<vmem>>) target(%dma_start3A_561 : memref<10112x128xf32, #tpu.memory_space<vmem_shared>>) offsets(%dma_start3A_558 : memref<16xi32, #tpu.memory_space<vmem>>) semaphore(%arg25 : memref<!tpu.dma_semaphore, #tpu.memory_space<semaphore_mem>>) {add = true}
      %dma_wait3A_562 = arith.constant 48 : i32
      %dma_wait3A_563 = tpu.memref_slice %arg13[%scan3A_519, %dma_wait3A_562] : memref<79x128xi32, #tpu.memory_space<vmem>> -> memref<1x16xi32, #tpu.memory_space<vmem>>
      %dma_wait3A_564 = tpu.memref_squeeze %dma_wait3A_563 : memref<1x16xi32, #tpu.memory_space<vmem>> -> memref<16xi32, #tpu.memory_space<vmem>>
      %dma_wait3A_565 = arith.constant 0 : i32
      %dma_wait3A_566 = arith.constant 0 : i32
      %dma_wait3A_567 = tpu.memref_slice %arg22[%dma_wait3A_565, %dma_wait3A_566] : memref<10112x128xf32, #tpu.memory_space<vmem_shared>> -> memref<10112x128xf32, #tpu.memory_space<vmem_shared>>
      tpu.wait_indirect_dma semaphore(%arg26 : memref<!tpu.dma_semaphore, #tpu.memory_space<semaphore_mem>>) src(%arg15 : memref<16x128xf32, #tpu.memory_space<vmem>>) dst(%dma_wait3A_567 : memref<10112x128xf32, #tpu.memory_space<vmem_shared>>)
      %add3A_568 = arith.constant 1 : i32
      %add3A_569 = arith.addi %scan3A_519, %add3A_568 : i32
      %dma_start3A_570 = arith.constant 48 : i32
      %dma_start3A_571 = tpu.memref_slice %arg13[%add3A_569, %dma_start3A_570] : memref<79x128xi32, #tpu.memory_space<vmem>> -> memref<1x16xi32, #tpu.memory_space<vmem>>
      %dma_start3A_572 = tpu.memref_squeeze %dma_start3A_571 : memref<1x16xi32, #tpu.memory_space<vmem>> -> memref<16xi32, #tpu.memory_space<vmem>>
      %dma_start3A_573 = arith.constant 0 : i32
      %dma_start3A_574 = arith.constant 0 : i32
      %dma_start3A_575 = tpu.memref_slice %arg22[%dma_start3A_573, %dma_start3A_574] : memref<10112x128xf32, #tpu.memory_space<vmem_shared>> -> memref<10112x128xf32, #tpu.memory_space<vmem_shared>>
      tpu.enqueue_indirect_dma source(%arg15 : memref<16x128xf32, #tpu.memory_space<vmem>>) target(%dma_start3A_575 : memref<10112x128xf32, #tpu.memory_space<vmem_shared>>) offsets(%dma_start3A_572 : memref<16xi32, #tpu.memory_space<vmem>>) semaphore(%arg26 : memref<!tpu.dma_semaphore, #tpu.memory_space<semaphore_mem>>) {add = true}
      %dma_wait3A_576 = arith.constant 64 : i32
      %dma_wait3A_577 = tpu.memref_slice %arg13[%scan3A_519, %dma_wait3A_576] : memref<79x128xi32, #tpu.memory_space<vmem>> -> memref<1x16xi32, #tpu.memory_space<vmem>>
      %dma_wait3A_578 = tpu.memref_squeeze %dma_wait3A_577 : memref<1x16xi32, #tpu.memory_space<vmem>> -> memref<16xi32, #tpu.memory_space<vmem>>
      %dma_wait3A_579 = arith.constant 0 : i32
      %dma_wait3A_580 = arith.constant 0 : i32
      %dma_wait3A_581 = tpu.memref_slice %arg22[%dma_wait3A_579, %dma_wait3A_580] : memref<10112x128xf32, #tpu.memory_space<vmem_shared>> -> memref<10112x128xf32, #tpu.memory_space<vmem_shared>>
      tpu.wait_indirect_dma semaphore(%arg27 : memref<!tpu.dma_semaphore, #tpu.memory_space<semaphore_mem>>) src(%arg15 : memref<16x128xf32, #tpu.memory_space<vmem>>) dst(%dma_wait3A_581 : memref<10112x128xf32, #tpu.memory_space<vmem_shared>>)
      %add3A_582 = arith.constant 1 : i32
      %add3A_583 = arith.addi %scan3A_519, %add3A_582 : i32
      %dma_start3A_584 = arith.constant 64 : i32
      %dma_start3A_585 = tpu.memref_slice %arg13[%add3A_583, %dma_start3A_584] : memref<79x128xi32, #tpu.memory_space<vmem>> -> memref<1x16xi32, #tpu.memory_space<vmem>>
      %dma_start3A_586 = tpu.memref_squeeze %dma_start3A_585 : memref<1x16xi32, #tpu.memory_space<vmem>> -> memref<16xi32, #tpu.memory_space<vmem>>
      %dma_start3A_587 = arith.constant 0 : i32
      %dma_start3A_588 = arith.constant 0 : i32
      %dma_start3A_589 = tpu.memref_slice %arg22[%dma_start3A_587, %dma_start3A_588] : memref<10112x128xf32, #tpu.memory_space<vmem_shared>> -> memref<10112x128xf32, #tpu.memory_space<vmem_shared>>
      tpu.enqueue_indirect_dma source(%arg15 : memref<16x128xf32, #tpu.memory_space<vmem>>) target(%dma_start3A_589 : memref<10112x128xf32, #tpu.memory_space<vmem_shared>>) offsets(%dma_start3A_586 : memref<16xi32, #tpu.memory_space<vmem>>) semaphore(%arg27 : memref<!tpu.dma_semaphore, #tpu.memory_space<semaphore_mem>>) {add = true}
      %dma_wait3A_590 = arith.constant 80 : i32
      %dma_wait3A_591 = tpu.memref_slice %arg13[%scan3A_519, %dma_wait3A_590] : memref<79x128xi32, #tpu.memory_space<vmem>> -> memref<1x16xi32, #tpu.memory_space<vmem>>
      %dma_wait3A_592 = tpu.memref_squeeze %dma_wait3A_591 : memref<1x16xi32, #tpu.memory_space<vmem>> -> memref<16xi32, #tpu.memory_space<vmem>>
      %dma_wait3A_593 = arith.constant 0 : i32
      %dma_wait3A_594 = arith.constant 0 : i32
      %dma_wait3A_595 = tpu.memref_slice %arg22[%dma_wait3A_593, %dma_wait3A_594] : memref<10112x128xf32, #tpu.memory_space<vmem_shared>> -> memref<10112x128xf32, #tpu.memory_space<vmem_shared>>
      tpu.wait_indirect_dma semaphore(%arg28 : memref<!tpu.dma_semaphore, #tpu.memory_space<semaphore_mem>>) src(%arg15 : memref<16x128xf32, #tpu.memory_space<vmem>>) dst(%dma_wait3A_595 : memref<10112x128xf32, #tpu.memory_space<vmem_shared>>)
      %add3A_596 = arith.constant 1 : i32
      %add3A_597 = arith.addi %scan3A_519, %add3A_596 : i32
      %dma_start3A_598 = arith.constant 80 : i32
      %dma_start3A_599 = tpu.memref_slice %arg13[%add3A_597, %dma_start3A_598] : memref<79x128xi32, #tpu.memory_space<vmem>> -> memref<1x16xi32, #tpu.memory_space<vmem>>
      %dma_start3A_600 = tpu.memref_squeeze %dma_start3A_599 : memref<1x16xi32, #tpu.memory_space<vmem>> -> memref<16xi32, #tpu.memory_space<vmem>>
      %dma_start3A_601 = arith.constant 0 : i32
      %dma_start3A_602 = arith.constant 0 : i32
      %dma_start3A_603 = tpu.memref_slice %arg22[%dma_start3A_601, %dma_start3A_602] : memref<10112x128xf32, #tpu.memory_space<vmem_shared>> -> memref<10112x128xf32, #tpu.memory_space<vmem_shared>>
      tpu.enqueue_indirect_dma source(%arg15 : memref<16x128xf32, #tpu.memory_space<vmem>>) target(%dma_start3A_603 : memref<10112x128xf32, #tpu.memory_space<vmem_shared>>) offsets(%dma_start3A_600 : memref<16xi32, #tpu.memory_space<vmem>>) semaphore(%arg28 : memref<!tpu.dma_semaphore, #tpu.memory_space<semaphore_mem>>) {add = true}
      %dma_wait3A_604 = arith.constant 96 : i32
      %dma_wait3A_605 = tpu.memref_slice %arg13[%scan3A_519, %dma_wait3A_604] : memref<79x128xi32, #tpu.memory_space<vmem>> -> memref<1x16xi32, #tpu.memory_space<vmem>>
      %dma_wait3A_606 = tpu.memref_squeeze %dma_wait3A_605 : memref<1x16xi32, #tpu.memory_space<vmem>> -> memref<16xi32, #tpu.memory_space<vmem>>
      %dma_wait3A_607 = arith.constant 0 : i32
      %dma_wait3A_608 = arith.constant 0 : i32
      %dma_wait3A_609 = tpu.memref_slice %arg22[%dma_wait3A_607, %dma_wait3A_608] : memref<10112x128xf32, #tpu.memory_space<vmem_shared>> -> memref<10112x128xf32, #tpu.memory_space<vmem_shared>>
      tpu.wait_indirect_dma semaphore(%arg29 : memref<!tpu.dma_semaphore, #tpu.memory_space<semaphore_mem>>) src(%arg15 : memref<16x128xf32, #tpu.memory_space<vmem>>) dst(%dma_wait3A_609 : memref<10112x128xf32, #tpu.memory_space<vmem_shared>>)
      %add3A_610 = arith.constant 1 : i32
      %add3A_611 = arith.addi %scan3A_519, %add3A_610 : i32
      %dma_start3A_612 = arith.constant 96 : i32
      %dma_start3A_613 = tpu.memref_slice %arg13[%add3A_611, %dma_start3A_612] : memref<79x128xi32, #tpu.memory_space<vmem>> -> memref<1x16xi32, #tpu.memory_space<vmem>>
      %dma_start3A_614 = tpu.memref_squeeze %dma_start3A_613 : memref<1x16xi32, #tpu.memory_space<vmem>> -> memref<16xi32, #tpu.memory_space<vmem>>
      %dma_start3A_615 = arith.constant 0 : i32
      %dma_start3A_616 = arith.constant 0 : i32
      %dma_start3A_617 = tpu.memref_slice %arg22[%dma_start3A_615, %dma_start3A_616] : memref<10112x128xf32, #tpu.memory_space<vmem_shared>> -> memref<10112x128xf32, #tpu.memory_space<vmem_shared>>
      tpu.enqueue_indirect_dma source(%arg15 : memref<16x128xf32, #tpu.memory_space<vmem>>) target(%dma_start3A_617 : memref<10112x128xf32, #tpu.memory_space<vmem_shared>>) offsets(%dma_start3A_614 : memref<16xi32, #tpu.memory_space<vmem>>) semaphore(%arg29 : memref<!tpu.dma_semaphore, #tpu.memory_space<semaphore_mem>>) {add = true}
      %dma_wait3A_618 = arith.constant 112 : i32
      %dma_wait3A_619 = tpu.memref_slice %arg13[%scan3A_519, %dma_wait3A_618] : memref<79x128xi32, #tpu.memory_space<vmem>> -> memref<1x16xi32, #tpu.memory_space<vmem>>
      %dma_wait3A_620 = tpu.memref_squeeze %dma_wait3A_619 : memref<1x16xi32, #tpu.memory_space<vmem>> -> memref<16xi32, #tpu.memory_space<vmem>>
      %dma_wait3A_621 = arith.constant 0 : i32
      %dma_wait3A_622 = arith.constant 0 : i32
      %dma_wait3A_623 = tpu.memref_slice %arg22[%dma_wait3A_621, %dma_wait3A_622] : memref<10112x128xf32, #tpu.memory_space<vmem_shared>> -> memref<10112x128xf32, #tpu.memory_space<vmem_shared>>
      tpu.wait_indirect_dma semaphore(%arg30 : memref<!tpu.dma_semaphore, #tpu.memory_space<semaphore_mem>>) src(%arg15 : memref<16x128xf32, #tpu.memory_space<vmem>>) dst(%dma_wait3A_623 : memref<10112x128xf32, #tpu.memory_space<vmem_shared>>)
      %add3A_624 = arith.constant 1 : i32
      %add3A_625 = arith.addi %scan3A_519, %add3A_624 : i32
      %dma_start3A_626 = arith.constant 112 : i32
      %dma_start3A_627 = tpu.memref_slice %arg13[%add3A_625, %dma_start3A_626] : memref<79x128xi32, #tpu.memory_space<vmem>> -> memref<1x16xi32, #tpu.memory_space<vmem>>
      %dma_start3A_628 = tpu.memref_squeeze %dma_start3A_627 : memref<1x16xi32, #tpu.memory_space<vmem>> -> memref<16xi32, #tpu.memory_space<vmem>>
      %dma_start3A_629 = arith.constant 0 : i32
      %dma_start3A_630 = arith.constant 0 : i32
      %dma_start3A_631 = tpu.memref_slice %arg22[%dma_start3A_629, %dma_start3A_630] : memref<10112x128xf32, #tpu.memory_space<vmem_shared>> -> memref<10112x128xf32, #tpu.memory_space<vmem_shared>>
      tpu.enqueue_indirect_dma source(%arg15 : memref<16x128xf32, #tpu.memory_space<vmem>>) target(%dma_start3A_631 : memref<10112x128xf32, #tpu.memory_space<vmem_shared>>) offsets(%dma_start3A_628 : memref<16xi32, #tpu.memory_space<vmem>>) semaphore(%arg30 : memref<!tpu.dma_semaphore, #tpu.memory_space<semaphore_mem>>) {add = true}
    }
    %scan3A_182 = arith.constant 78 : i32
    %dma_wait3A_183 = arith.constant 78 : i32
    %dma_wait3A_184 = arith.constant 0 : i32
    %dma_wait3A_185 = tpu.memref_slice %arg13[%dma_wait3A_183, %dma_wait3A_184] : memref<79x128xi32, #tpu.memory_space<vmem>> -> memref<1x16xi32, #tpu.memory_space<vmem>>
    %dma_wait3A_186 = tpu.memref_squeeze %dma_wait3A_185 : memref<1x16xi32, #tpu.memory_space<vmem>> -> memref<16xi32, #tpu.memory_space<vmem>>
    %dma_wait3A_187 = arith.constant 0 : i32
    %dma_wait3A_188 = arith.constant 0 : i32
    %dma_wait3A_189 = tpu.memref_slice %arg22[%dma_wait3A_187, %dma_wait3A_188] : memref<10112x128xf32, #tpu.memory_space<vmem_shared>> -> memref<10112x128xf32, #tpu.memory_space<vmem_shared>>
    tpu.wait_indirect_dma semaphore(%arg23 : memref<!tpu.dma_semaphore, #tpu.memory_space<semaphore_mem>>) src(%arg15 : memref<16x128xf32, #tpu.memory_space<vmem>>) dst(%dma_wait3A_189 : memref<10112x128xf32, #tpu.memory_space<vmem_shared>>)
    %dma_wait3A_190 = arith.constant 78 : i32
    %dma_wait3A_191 = arith.constant 16 : i32
    %dma_wait3A_192 = tpu.memref_slice %arg13[%dma_wait3A_190, %dma_wait3A_191] : memref<79x128xi32, #tpu.memory_space<vmem>> -> memref<1x16xi32, #tpu.memory_space<vmem>>
    %dma_wait3A_193 = tpu.memref_squeeze %dma_wait3A_192 : memref<1x16xi32, #tpu.memory_space<vmem>> -> memref<16xi32, #tpu.memory_space<vmem>>
    %dma_wait3A_194 = arith.constant 0 : i32
    %dma_wait3A_195 = arith.constant 0 : i32
    %dma_wait3A_196 = tpu.memref_slice %arg22[%dma_wait3A_194, %dma_wait3A_195] : memref<10112x128xf32, #tpu.memory_space<vmem_shared>> -> memref<10112x128xf32, #tpu.memory_space<vmem_shared>>
    tpu.wait_indirect_dma semaphore(%arg24 : memref<!tpu.dma_semaphore, #tpu.memory_space<semaphore_mem>>) src(%arg15 : memref<16x128xf32, #tpu.memory_space<vmem>>) dst(%dma_wait3A_196 : memref<10112x128xf32, #tpu.memory_space<vmem_shared>>)
    %dma_wait3A_197 = arith.constant 78 : i32
    %dma_wait3A_198 = arith.constant 32 : i32
    %dma_wait3A_199 = tpu.memref_slice %arg13[%dma_wait3A_197, %dma_wait3A_198] : memref<79x128xi32, #tpu.memory_space<vmem>> -> memref<1x16xi32, #tpu.memory_space<vmem>>
    %dma_wait3A_200 = tpu.memref_squeeze %dma_wait3A_199 : memref<1x16xi32, #tpu.memory_space<vmem>> -> memref<16xi32, #tpu.memory_space<vmem>>
    %dma_wait3A_201 = arith.constant 0 : i32
    %dma_wait3A_202 = arith.constant 0 : i32
    %dma_wait3A_203 = tpu.memref_slice %arg22[%dma_wait3A_201, %dma_wait3A_202] : memref<10112x128xf32, #tpu.memory_space<vmem_shared>> -> memref<10112x128xf32, #tpu.memory_space<vmem_shared>>
    tpu.wait_indirect_dma semaphore(%arg25 : memref<!tpu.dma_semaphore, #tpu.memory_space<semaphore_mem>>) src(%arg15 : memref<16x128xf32, #tpu.memory_space<vmem>>) dst(%dma_wait3A_203 : memref<10112x128xf32, #tpu.memory_space<vmem_shared>>)
    %dma_wait3A_204 = arith.constant 78 : i32
    %dma_wait3A_205 = arith.constant 48 : i32
    %dma_wait3A_206 = tpu.memref_slice %arg13[%dma_wait3A_204, %dma_wait3A_205] : memref<79x128xi32, #tpu.memory_space<vmem>> -> memref<1x16xi32, #tpu.memory_space<vmem>>
    %dma_wait3A_207 = tpu.memref_squeeze %dma_wait3A_206 : memref<1x16xi32, #tpu.memory_space<vmem>> -> memref<16xi32, #tpu.memory_space<vmem>>
    %dma_wait3A_208 = arith.constant 0 : i32
    %dma_wait3A_209 = arith.constant 0 : i32
    %dma_wait3A_210 = tpu.memref_slice %arg22[%dma_wait3A_208, %dma_wait3A_209] : memref<10112x128xf32, #tpu.memory_space<vmem_shared>> -> memref<10112x128xf32, #tpu.memory_space<vmem_shared>>
    tpu.wait_indirect_dma semaphore(%arg26 : memref<!tpu.dma_semaphore, #tpu.memory_space<semaphore_mem>>) src(%arg15 : memref<16x128xf32, #tpu.memory_space<vmem>>) dst(%dma_wait3A_210 : memref<10112x128xf32, #tpu.memory_space<vmem_shared>>)
    %dma_wait3A_211 = arith.constant 78 : i32
    %dma_wait3A_212 = arith.constant 64 : i32
    %dma_wait3A_213 = tpu.memref_slice %arg13[%dma_wait3A_211, %dma_wait3A_212] : memref<79x128xi32, #tpu.memory_space<vmem>> -> memref<1x16xi32, #tpu.memory_space<vmem>>
    %dma_wait3A_214 = tpu.memref_squeeze %dma_wait3A_213 : memref<1x16xi32, #tpu.memory_space<vmem>> -> memref<16xi32, #tpu.memory_space<vmem>>
    %dma_wait3A_215 = arith.constant 0 : i32
    %dma_wait3A_216 = arith.constant 0 : i32
    %dma_wait3A_217 = tpu.memref_slice %arg22[%dma_wait3A_215, %dma_wait3A_216] : memref<10112x128xf32, #tpu.memory_space<vmem_shared>> -> memref<10112x128xf32, #tpu.memory_space<vmem_shared>>
    tpu.wait_indirect_dma semaphore(%arg27 : memref<!tpu.dma_semaphore, #tpu.memory_space<semaphore_mem>>) src(%arg15 : memref<16x128xf32, #tpu.memory_space<vmem>>) dst(%dma_wait3A_217 : memref<10112x128xf32, #tpu.memory_space<vmem_shared>>)
    %dma_wait3A_218 = arith.constant 78 : i32
    %dma_wait3A_219 = arith.constant 80 : i32
    %dma_wait3A_220 = tpu.memref_slice %arg13[%dma_wait3A_218, %dma_wait3A_219] : memref<79x128xi32, #tpu.memory_space<vmem>> -> memref<1x16xi32, #tpu.memory_space<vmem>>
    %dma_wait3A_221 = tpu.memref_squeeze %dma_wait3A_220 : memref<1x16xi32, #tpu.memory_space<vmem>> -> memref<16xi32, #tpu.memory_space<vmem>>
    %dma_wait3A_222 = arith.constant 0 : i32
    %dma_wait3A_223 = arith.constant 0 : i32
    %dma_wait3A_224 = tpu.memref_slice %arg22[%dma_wait3A_222, %dma_wait3A_223] : memref<10112x128xf32, #tpu.memory_space<vmem_shared>> -> memref<10112x128xf32, #tpu.memory_space<vmem_shared>>
    tpu.wait_indirect_dma semaphore(%arg28 : memref<!tpu.dma_semaphore, #tpu.memory_space<semaphore_mem>>) src(%arg15 : memref<16x128xf32, #tpu.memory_space<vmem>>) dst(%dma_wait3A_224 : memref<10112x128xf32, #tpu.memory_space<vmem_shared>>)
    %dma_wait3A_225 = arith.constant 78 : i32
    %dma_wait3A_226 = arith.constant 96 : i32
    %dma_wait3A_227 = tpu.memref_slice %arg13[%dma_wait3A_225, %dma_wait3A_226] : memref<79x128xi32, #tpu.memory_space<vmem>> -> memref<1x16xi32, #tpu.memory_space<vmem>>
    %dma_wait3A_228 = tpu.memref_squeeze %dma_wait3A_227 : memref<1x16xi32, #tpu.memory_space<vmem>> -> memref<16xi32, #tpu.memory_space<vmem>>
    %dma_wait3A_229 = arith.constant 0 : i32
    %dma_wait3A_230 = arith.constant 0 : i32
    %dma_wait3A_231 = tpu.memref_slice %arg22[%dma_wait3A_229, %dma_wait3A_230] : memref<10112x128xf32, #tpu.memory_space<vmem_shared>> -> memref<10112x128xf32, #tpu.memory_space<vmem_shared>>
    tpu.wait_indirect_dma semaphore(%arg29 : memref<!tpu.dma_semaphore, #tpu.memory_space<semaphore_mem>>) src(%arg15 : memref<16x128xf32, #tpu.memory_space<vmem>>) dst(%dma_wait3A_231 : memref<10112x128xf32, #tpu.memory_space<vmem_shared>>)
    %dma_wait3A_232 = arith.constant 78 : i32
    %dma_wait3A_233 = arith.constant 112 : i32
    %dma_wait3A_234 = tpu.memref_slice %arg13[%dma_wait3A_232, %dma_wait3A_233] : memref<79x128xi32, #tpu.memory_space<vmem>> -> memref<1x16xi32, #tpu.memory_space<vmem>>
    %dma_wait3A_235 = tpu.memref_squeeze %dma_wait3A_234 : memref<1x16xi32, #tpu.memory_space<vmem>> -> memref<16xi32, #tpu.memory_space<vmem>>
    %dma_wait3A_236 = arith.constant 0 : i32
    %dma_wait3A_237 = arith.constant 0 : i32
    %dma_wait3A_238 = tpu.memref_slice %arg22[%dma_wait3A_236, %dma_wait3A_237] : memref<10112x128xf32, #tpu.memory_space<vmem_shared>> -> memref<10112x128xf32, #tpu.memory_space<vmem_shared>>
    tpu.wait_indirect_dma semaphore(%arg30 : memref<!tpu.dma_semaphore, #tpu.memory_space<semaphore_mem>>) src(%arg15 : memref<16x128xf32, #tpu.memory_space<vmem>>) dst(%dma_wait3A_238 : memref<10112x128xf32, #tpu.memory_space<vmem_shared>>)
    %barrier3A_239 = arith.constant 0 : index
    tpu.barrier barrier_id(%barrier3A_239)
    %mul3A_240 = arith.constant 632 : i32
    %mul3A_241 = arith.muli %arg1, %mul3A_240 : i32
    %mul3A_242 = arith.constant 632 : i32
    %mul3A_243 = arith.muli %arg1, %mul3A_242 : i32
    "tpu.region"() ({
      %run_scoped3A_519 = tpu.sem_alloc : memref<!tpu.dma_semaphore, #tpu.memory_space<semaphore_mem>>
      %dma_start3A_520 = arith.constant 0 : i32
      %dma_start3A_521 = tpu.memref_slice %arg9[%arg0, %mul3A_243, %dma_start3A_520] : memref<2x10112x128xf32, #tpu.memory_space<hbm>> -> memref<1x632x128xf32, #tpu.memory_space<hbm>>
      %dma_start3A_522 = tpu.memref_squeeze %dma_start3A_521 : memref<1x632x128xf32, #tpu.memory_space<hbm>> -> memref<632x128xf32, #tpu.memory_space<hbm>>
      %dma_start3A_523 = arith.constant 0 : i32
      %dma_start3A_524 = tpu.memref_slice %arg22[%mul3A_241, %dma_start3A_523] : memref<10112x128xf32, #tpu.memory_space<vmem_shared>> -> memref<632x128xf32, #tpu.memory_space<vmem_shared>>
      tpu.enqueue_dma source(%dma_start3A_524 : memref<632x128xf32, #tpu.memory_space<vmem_shared>>) target(%dma_start3A_522 : memref<632x128xf32, #tpu.memory_space<hbm>>) target_semaphore(%run_scoped3A_519 : memref<!tpu.dma_semaphore, #tpu.memory_space<semaphore_mem>>)
      %dma_wait3A_525 = arith.constant 0 : i32
      %dma_wait3A_526 = tpu.memref_slice %arg9[%arg0, %mul3A_243, %dma_wait3A_525] : memref<2x10112x128xf32, #tpu.memory_space<hbm>> -> memref<1x632x128xf32, #tpu.memory_space<hbm>>
      %dma_wait3A_527 = tpu.memref_squeeze %dma_wait3A_526 : memref<1x632x128xf32, #tpu.memory_space<hbm>> -> memref<632x128xf32, #tpu.memory_space<hbm>>
      %dma_wait3A_528 = arith.constant 0 : i32
      %dma_wait3A_529 = tpu.memref_slice %arg22[%mul3A_241, %dma_wait3A_528] : memref<10112x128xf32, #tpu.memory_space<vmem_shared>> -> memref<632x128xf32, #tpu.memory_space<vmem_shared>>
      tpu.wait_dma2 semaphore(%run_scoped3A_519 : memref<!tpu.dma_semaphore, #tpu.memory_space<semaphore_mem>>) src(%dma_wait3A_529 : memref<632x128xf32, #tpu.memory_space<vmem_shared>>) dst(%dma_wait3A_527 : memref<632x128xf32, #tpu.memory_space<hbm>>)
      tpu.yield
    }) : () -> ()
    %barrier3A_244 = arith.constant 0 : index
    tpu.barrier barrier_id(%barrier3A_244)
    "tpu.region"() ({
      %run_scoped3A_519 = tpu.sem_alloc : memref<!tpu.dma_semaphore, #tpu.memory_space<semaphore_mem>>
      %dma_start3A_520 = arith.constant 0 : i32
      %dma_start3A_521 = arith.constant 0 : i32
      %dma_start3A_522 = tpu.memref_slice %arg3[%add3A, %dma_start3A_520, %dma_start3A_521] : memref<32x79x128xi32, #tpu.memory_space<hbm>> -> memref<1x79x128xi32, #tpu.memory_space<hbm>>
      %dma_start3A_523 = tpu.memref_squeeze %dma_start3A_522 : memref<1x79x128xi32, #tpu.memory_space<hbm>> -> memref<79x128xi32, #tpu.memory_space<hbm>>
      %dma_start3A_524 = arith.constant 0 : i32
      %dma_start3A_525 = arith.constant 0 : i32
      %dma_start3A_526 = tpu.memref_slice %arg3[%add3A, %dma_start3A_524, %dma_start3A_525] : memref<32x79x128xi32, #tpu.memory_space<hbm>> -> memref<1x79x128xi32, #tpu.memory_space<hbm>>
      %dma_start3A_527 = tpu.memref_squeeze %dma_start3A_526 : memref<1x79x128xi32, #tpu.memory_space<hbm>> -> memref<79x128xi32, #tpu.memory_space<hbm>>
      tpu.enqueue_dma source(%dma_start3A_527 : memref<79x128xi32, #tpu.memory_space<hbm>>) target(%arg12 : memref<79x128xi32, #tpu.memory_space<vmem>>) target_semaphore(%run_scoped3A_519 : memref<!tpu.dma_semaphore, #tpu.memory_space<semaphore_mem>>)
      %dma_wait3A_528 = arith.constant 0 : i32
      %dma_wait3A_529 = arith.constant 0 : i32
      %dma_wait3A_530 = tpu.memref_slice %arg3[%add3A, %dma_wait3A_528, %dma_wait3A_529] : memref<32x79x128xi32, #tpu.memory_space<hbm>> -> memref<1x79x128xi32, #tpu.memory_space<hbm>>
      %dma_wait3A_531 = tpu.memref_squeeze %dma_wait3A_530 : memref<1x79x128xi32, #tpu.memory_space<hbm>> -> memref<79x128xi32, #tpu.memory_space<hbm>>
      %dma_wait3A_532 = arith.constant 0 : i32
      %dma_wait3A_533 = arith.constant 0 : i32
      %dma_wait3A_534 = tpu.memref_slice %arg3[%add3A, %dma_wait3A_532, %dma_wait3A_533] : memref<32x79x128xi32, #tpu.memory_space<hbm>> -> memref<1x79x128xi32, #tpu.memory_space<hbm>>
      %dma_wait3A_535 = tpu.memref_squeeze %dma_wait3A_534 : memref<1x79x128xi32, #tpu.memory_space<hbm>> -> memref<79x128xi32, #tpu.memory_space<hbm>>
      tpu.wait_dma2 semaphore(%run_scoped3A_519 : memref<!tpu.dma_semaphore, #tpu.memory_space<semaphore_mem>>) src(%dma_wait3A_535 : memref<79x128xi32, #tpu.memory_space<hbm>>) dst(%arg12 : memref<79x128xi32, #tpu.memory_space<vmem>>)
      tpu.yield
    }) : () -> ()
    "tpu.region"() ({
      %run_scoped3A_519 = tpu.sem_alloc : memref<!tpu.dma_semaphore, #tpu.memory_space<semaphore_mem>>
      %dma_start3A_520 = arith.constant 0 : i32
      %dma_start3A_521 = arith.constant 0 : i32
      %dma_start3A_522 = tpu.memref_slice %arg4[%add3A, %dma_start3A_520, %dma_start3A_521] : memref<32x79x128xi32, #tpu.memory_space<hbm>> -> memref<1x79x128xi32, #tpu.memory_space<hbm>>
      %dma_start3A_523 = tpu.memref_squeeze %dma_start3A_522 : memref<1x79x128xi32, #tpu.memory_space<hbm>> -> memref<79x128xi32, #tpu.memory_space<hbm>>
      %dma_start3A_524 = arith.constant 0 : i32
      %dma_start3A_525 = arith.constant 0 : i32
      %dma_start3A_526 = tpu.memref_slice %arg4[%add3A, %dma_start3A_524, %dma_start3A_525] : memref<32x79x128xi32, #tpu.memory_space<hbm>> -> memref<1x79x128xi32, #tpu.memory_space<hbm>>
      %dma_start3A_527 = tpu.memref_squeeze %dma_start3A_526 : memref<1x79x128xi32, #tpu.memory_space<hbm>> -> memref<79x128xi32, #tpu.memory_space<hbm>>
      tpu.enqueue_dma source(%dma_start3A_527 : memref<79x128xi32, #tpu.memory_space<hbm>>) target(%arg13 : memref<79x128xi32, #tpu.memory_space<vmem>>) target_semaphore(%run_scoped3A_519 : memref<!tpu.dma_semaphore, #tpu.memory_space<semaphore_mem>>)
      %dma_wait3A_528 = arith.constant 0 : i32
      %dma_wait3A_529 = arith.constant 0 : i32
      %dma_wait3A_530 = tpu.memref_slice %arg4[%add3A, %dma_wait3A_528, %dma_wait3A_529] : memref<32x79x128xi32, #tpu.memory_space<hbm>> -> memref<1x79x128xi32, #tpu.memory_space<hbm>>
      %dma_wait3A_531 = tpu.memref_squeeze %dma_wait3A_530 : memref<1x79x128xi32, #tpu.memory_space<hbm>> -> memref<79x128xi32, #tpu.memory_space<hbm>>
      %dma_wait3A_532 = arith.constant 0 : i32
      %dma_wait3A_533 = arith.constant 0 : i32
      %dma_wait3A_534 = tpu.memref_slice %arg4[%add3A, %dma_wait3A_532, %dma_wait3A_533] : memref<32x79x128xi32, #tpu.memory_space<hbm>> -> memref<1x79x128xi32, #tpu.memory_space<hbm>>
      %dma_wait3A_535 = tpu.memref_squeeze %dma_wait3A_534 : memref<1x79x128xi32, #tpu.memory_space<hbm>> -> memref<79x128xi32, #tpu.memory_space<hbm>>
      tpu.wait_dma2 semaphore(%run_scoped3A_519 : memref<!tpu.dma_semaphore, #tpu.memory_space<semaphore_mem>>) src(%dma_wait3A_535 : memref<79x128xi32, #tpu.memory_space<hbm>>) dst(%arg13 : memref<79x128xi32, #tpu.memory_space<vmem>>)
      tpu.yield
    }) : () -> ()
    %mul3A_245 = arith.constant 632 : i32
    %mul3A_246 = arith.muli %arg1, %mul3A_245 : i32
    %mul3A_247 = arith.constant 632 : i32
    %mul3A_248 = arith.muli %arg1, %mul3A_247 : i32
    "tpu.region"() ({
      %run_scoped3A_519 = tpu.sem_alloc : memref<!tpu.dma_semaphore, #tpu.memory_space<semaphore_mem>>
      %dma_start3A_520 = arith.constant 0 : i32
      %dma_start3A_521 = tpu.memref_slice %arg22[%mul3A_248, %dma_start3A_520] : memref<10112x128xf32, #tpu.memory_space<vmem_shared>> -> memref<632x128xf32, #tpu.memory_space<vmem_shared>>
      %dma_start3A_522 = arith.constant 0 : i32
      %dma_start3A_523 = tpu.memref_slice %arg7[%mul3A_246, %dma_start3A_522] : memref<10112x128xf32, #tpu.memory_space<hbm>> -> memref<632x128xf32, #tpu.memory_space<hbm>>
      tpu.enqueue_dma source(%dma_start3A_523 : memref<632x128xf32, #tpu.memory_space<hbm>>) target(%dma_start3A_521 : memref<632x128xf32, #tpu.memory_space<vmem_shared>>) target_semaphore(%run_scoped3A_519 : memref<!tpu.dma_semaphore, #tpu.memory_space<semaphore_mem>>)
      %dma_wait3A_524 = arith.constant 0 : i32
      %dma_wait3A_525 = tpu.memref_slice %arg22[%mul3A_248, %dma_wait3A_524] : memref<10112x128xf32, #tpu.memory_space<vmem_shared>> -> memref<632x128xf32, #tpu.memory_space<vmem_shared>>
      %dma_wait3A_526 = arith.constant 0 : i32
      %dma_wait3A_527 = tpu.memref_slice %arg7[%mul3A_246, %dma_wait3A_526] : memref<10112x128xf32, #tpu.memory_space<hbm>> -> memref<632x128xf32, #tpu.memory_space<hbm>>
      tpu.wait_dma2 semaphore(%run_scoped3A_519 : memref<!tpu.dma_semaphore, #tpu.memory_space<semaphore_mem>>) src(%dma_wait3A_527 : memref<632x128xf32, #tpu.memory_space<hbm>>) dst(%dma_wait3A_525 : memref<632x128xf32, #tpu.memory_space<vmem_shared>>)
      tpu.yield
    }) : () -> ()
    %barrier3A_249 = arith.constant 0 : index
    tpu.barrier barrier_id(%barrier3A_249)
    %dma_start3A_250 = arith.constant 0 : i32
    %dma_start3A_251 = arith.constant 0 : i32
    %dma_start3A_252 = tpu.memref_slice %arg12[%dma_start3A_250, %dma_start3A_251] : memref<79x128xi32, #tpu.memory_space<vmem>> -> memref<1x16xi32, #tpu.memory_space<vmem>>
    %dma_start3A_253 = tpu.memref_squeeze %dma_start3A_252 : memref<1x16xi32, #tpu.memory_space<vmem>> -> memref<16xi32, #tpu.memory_space<vmem>>
    %dma_start3A_254 = arith.constant 0 : i32
    %dma_start3A_255 = arith.constant 0 : i32
    %dma_start3A_256 = tpu.memref_slice %arg2[%dma_start3A_254, %dma_start3A_255] : memref<10000x128xf32, #tpu.memory_space<hbm>> -> memref<10000x128xf32, #tpu.memory_space<hbm>>
    tpu.enqueue_indirect_dma source(%dma_start3A_256 : memref<10000x128xf32, #tpu.memory_space<hbm>>) target(%arg14 : memref<16x128xf32, #tpu.memory_space<vmem>>) offsets(%dma_start3A_253 : memref<16xi32, #tpu.memory_space<vmem>>) semaphore(%arg23 : memref<!tpu.dma_semaphore, #tpu.memory_space<semaphore_mem>>)
    %dma_start3A_257 = arith.constant 0 : i32
    %dma_start3A_258 = arith.constant 16 : i32
    %dma_start3A_259 = tpu.memref_slice %arg12[%dma_start3A_257, %dma_start3A_258] : memref<79x128xi32, #tpu.memory_space<vmem>> -> memref<1x16xi32, #tpu.memory_space<vmem>>
    %dma_start3A_260 = tpu.memref_squeeze %dma_start3A_259 : memref<1x16xi32, #tpu.memory_space<vmem>> -> memref<16xi32, #tpu.memory_space<vmem>>
    %dma_start3A_261 = arith.constant 0 : i32
    %dma_start3A_262 = arith.constant 0 : i32
    %dma_start3A_263 = tpu.memref_slice %arg2[%dma_start3A_261, %dma_start3A_262] : memref<10000x128xf32, #tpu.memory_space<hbm>> -> memref<10000x128xf32, #tpu.memory_space<hbm>>
    tpu.enqueue_indirect_dma source(%dma_start3A_263 : memref<10000x128xf32, #tpu.memory_space<hbm>>) target(%arg15 : memref<16x128xf32, #tpu.memory_space<vmem>>) offsets(%dma_start3A_260 : memref<16xi32, #tpu.memory_space<vmem>>) semaphore(%arg24 : memref<!tpu.dma_semaphore, #tpu.memory_space<semaphore_mem>>)
    %dma_start3A_264 = arith.constant 0 : i32
    %dma_start3A_265 = arith.constant 32 : i32
    %dma_start3A_266 = tpu.memref_slice %arg12[%dma_start3A_264, %dma_start3A_265] : memref<79x128xi32, #tpu.memory_space<vmem>> -> memref<1x16xi32, #tpu.memory_space<vmem>>
    %dma_start3A_267 = tpu.memref_squeeze %dma_start3A_266 : memref<1x16xi32, #tpu.memory_space<vmem>> -> memref<16xi32, #tpu.memory_space<vmem>>
    %dma_start3A_268 = arith.constant 0 : i32
    %dma_start3A_269 = arith.constant 0 : i32
    %dma_start3A_270 = tpu.memref_slice %arg2[%dma_start3A_268, %dma_start3A_269] : memref<10000x128xf32, #tpu.memory_space<hbm>> -> memref<10000x128xf32, #tpu.memory_space<hbm>>
    tpu.enqueue_indirect_dma source(%dma_start3A_270 : memref<10000x128xf32, #tpu.memory_space<hbm>>) target(%arg16 : memref<16x128xf32, #tpu.memory_space<vmem>>) offsets(%dma_start3A_267 : memref<16xi32, #tpu.memory_space<vmem>>) semaphore(%arg25 : memref<!tpu.dma_semaphore, #tpu.memory_space<semaphore_mem>>)
    %dma_start3A_271 = arith.constant 0 : i32
    %dma_start3A_272 = arith.constant 48 : i32
    %dma_start3A_273 = tpu.memref_slice %arg12[%dma_start3A_271, %dma_start3A_272] : memref<79x128xi32, #tpu.memory_space<vmem>> -> memref<1x16xi32, #tpu.memory_space<vmem>>
    %dma_start3A_274 = tpu.memref_squeeze %dma_start3A_273 : memref<1x16xi32, #tpu.memory_space<vmem>> -> memref<16xi32, #tpu.memory_space<vmem>>
    %dma_start3A_275 = arith.constant 0 : i32
    %dma_start3A_276 = arith.constant 0 : i32
    %dma_start3A_277 = tpu.memref_slice %arg2[%dma_start3A_275, %dma_start3A_276] : memref<10000x128xf32, #tpu.memory_space<hbm>> -> memref<10000x128xf32, #tpu.memory_space<hbm>>
    tpu.enqueue_indirect_dma source(%dma_start3A_277 : memref<10000x128xf32, #tpu.memory_space<hbm>>) target(%arg17 : memref<16x128xf32, #tpu.memory_space<vmem>>) offsets(%dma_start3A_274 : memref<16xi32, #tpu.memory_space<vmem>>) semaphore(%arg26 : memref<!tpu.dma_semaphore, #tpu.memory_space<semaphore_mem>>)
    %dma_start3A_278 = arith.constant 0 : i32
    %dma_start3A_279 = arith.constant 64 : i32
    %dma_start3A_280 = tpu.memref_slice %arg12[%dma_start3A_278, %dma_start3A_279] : memref<79x128xi32, #tpu.memory_space<vmem>> -> memref<1x16xi32, #tpu.memory_space<vmem>>
    %dma_start3A_281 = tpu.memref_squeeze %dma_start3A_280 : memref<1x16xi32, #tpu.memory_space<vmem>> -> memref<16xi32, #tpu.memory_space<vmem>>
    %dma_start3A_282 = arith.constant 0 : i32
    %dma_start3A_283 = arith.constant 0 : i32
    %dma_start3A_284 = tpu.memref_slice %arg2[%dma_start3A_282, %dma_start3A_283] : memref<10000x128xf32, #tpu.memory_space<hbm>> -> memref<10000x128xf32, #tpu.memory_space<hbm>>
    tpu.enqueue_indirect_dma source(%dma_start3A_284 : memref<10000x128xf32, #tpu.memory_space<hbm>>) target(%arg18 : memref<16x128xf32, #tpu.memory_space<vmem>>) offsets(%dma_start3A_281 : memref<16xi32, #tpu.memory_space<vmem>>) semaphore(%arg27 : memref<!tpu.dma_semaphore, #tpu.memory_space<semaphore_mem>>)
    %dma_start3A_285 = arith.constant 0 : i32
    %dma_start3A_286 = arith.constant 80 : i32
    %dma_start3A_287 = tpu.memref_slice %arg12[%dma_start3A_285, %dma_start3A_286] : memref<79x128xi32, #tpu.memory_space<vmem>> -> memref<1x16xi32, #tpu.memory_space<vmem>>
    %dma_start3A_288 = tpu.memref_squeeze %dma_start3A_287 : memref<1x16xi32, #tpu.memory_space<vmem>> -> memref<16xi32, #tpu.memory_space<vmem>>
    %dma_start3A_289 = arith.constant 0 : i32
    %dma_start3A_290 = arith.constant 0 : i32
    %dma_start3A_291 = tpu.memref_slice %arg2[%dma_start3A_289, %dma_start3A_290] : memref<10000x128xf32, #tpu.memory_space<hbm>> -> memref<10000x128xf32, #tpu.memory_space<hbm>>
    tpu.enqueue_indirect_dma source(%dma_start3A_291 : memref<10000x128xf32, #tpu.memory_space<hbm>>) target(%arg19 : memref<16x128xf32, #tpu.memory_space<vmem>>) offsets(%dma_start3A_288 : memref<16xi32, #tpu.memory_space<vmem>>) semaphore(%arg28 : memref<!tpu.dma_semaphore, #tpu.memory_space<semaphore_mem>>)
    %dma_start3A_292 = arith.constant 0 : i32
    %dma_start3A_293 = arith.constant 96 : i32
    %dma_start3A_294 = tpu.memref_slice %arg12[%dma_start3A_292, %dma_start3A_293] : memref<79x128xi32, #tpu.memory_space<vmem>> -> memref<1x16xi32, #tpu.memory_space<vmem>>
    %dma_start3A_295 = tpu.memref_squeeze %dma_start3A_294 : memref<1x16xi32, #tpu.memory_space<vmem>> -> memref<16xi32, #tpu.memory_space<vmem>>
    %dma_start3A_296 = arith.constant 0 : i32
    %dma_start3A_297 = arith.constant 0 : i32
    %dma_start3A_298 = tpu.memref_slice %arg2[%dma_start3A_296, %dma_start3A_297] : memref<10000x128xf32, #tpu.memory_space<hbm>> -> memref<10000x128xf32, #tpu.memory_space<hbm>>
    tpu.enqueue_indirect_dma source(%dma_start3A_298 : memref<10000x128xf32, #tpu.memory_space<hbm>>) target(%arg20 : memref<16x128xf32, #tpu.memory_space<vmem>>) offsets(%dma_start3A_295 : memref<16xi32, #tpu.memory_space<vmem>>) semaphore(%arg29 : memref<!tpu.dma_semaphore, #tpu.memory_space<semaphore_mem>>)
    %dma_start3A_299 = arith.constant 0 : i32
    %dma_start3A_300 = arith.constant 112 : i32
    %dma_start3A_301 = tpu.memref_slice %arg12[%dma_start3A_299, %dma_start3A_300] : memref<79x128xi32, #tpu.memory_space<vmem>> -> memref<1x16xi32, #tpu.memory_space<vmem>>
    %dma_start3A_302 = tpu.memref_squeeze %dma_start3A_301 : memref<1x16xi32, #tpu.memory_space<vmem>> -> memref<16xi32, #tpu.memory_space<vmem>>
    %dma_start3A_303 = arith.constant 0 : i32
    %dma_start3A_304 = arith.constant 0 : i32
    %dma_start3A_305 = tpu.memref_slice %arg2[%dma_start3A_303, %dma_start3A_304] : memref<10000x128xf32, #tpu.memory_space<hbm>> -> memref<10000x128xf32, #tpu.memory_space<hbm>>
    tpu.enqueue_indirect_dma source(%dma_start3A_305 : memref<10000x128xf32, #tpu.memory_space<hbm>>) target(%arg21 : memref<16x128xf32, #tpu.memory_space<vmem>>) offsets(%dma_start3A_302 : memref<16xi32, #tpu.memory_space<vmem>>) semaphore(%arg30 : memref<!tpu.dma_semaphore, #tpu.memory_space<semaphore_mem>>)
    %scan3A_306 = arith.constant 0 : i32
    %scan3A_307 = arith.constant 0 : i32
    %scan3A_308 = arith.constant 78 : i32
    %scan3A_309 = arith.addi %scan3A_307, %scan3A_308 : i32
    %scan3A_310 = arith.constant 1 : i32
    scf.for %scan3A_519 = %scan3A_307 to %scan3A_309 step %scan3A_310  : i32 {
      %dma_wait3A_520 = arith.constant 0 : i32
      %dma_wait3A_521 = tpu.memref_slice %arg12[%scan3A_519, %dma_wait3A_520] : memref<79x128xi32, #tpu.memory_space<vmem>> -> memref<1x16xi32, #tpu.memory_space<vmem>>
      %dma_wait3A_522 = tpu.memref_squeeze %dma_wait3A_521 : memref<1x16xi32, #tpu.memory_space<vmem>> -> memref<16xi32, #tpu.memory_space<vmem>>
      %dma_wait3A_523 = arith.constant 0 : i32
      %dma_wait3A_524 = arith.constant 0 : i32
      %dma_wait3A_525 = tpu.memref_slice %arg2[%dma_wait3A_523, %dma_wait3A_524] : memref<10000x128xf32, #tpu.memory_space<hbm>> -> memref<10000x128xf32, #tpu.memory_space<hbm>>
      tpu.wait_indirect_dma semaphore(%arg23 : memref<!tpu.dma_semaphore, #tpu.memory_space<semaphore_mem>>) src(%dma_wait3A_525 : memref<10000x128xf32, #tpu.memory_space<hbm>>) dst(%arg14 : memref<16x128xf32, #tpu.memory_space<vmem>>)
      "tpu.region"() ({
        %run_scoped3A_632 = tpu.sem_alloc : memref<!tpu.dma_semaphore, #tpu.memory_space<semaphore_mem>>
        %dma_start3A_633 = arith.constant 0 : i32
        %dma_start3A_634 = tpu.memref_slice %arg13[%scan3A_519, %dma_start3A_633] : memref<79x128xi32, #tpu.memory_space<vmem>> -> memref<1x16xi32, #tpu.memory_space<vmem>>
        %dma_start3A_635 = tpu.memref_squeeze %dma_start3A_634 : memref<1x16xi32, #tpu.memory_space<vmem>> -> memref<16xi32, #tpu.memory_space<vmem>>
        %dma_start3A_636 = arith.constant 0 : i32
        %dma_start3A_637 = arith.constant 0 : i32
        %dma_start3A_638 = tpu.memref_slice %arg22[%dma_start3A_636, %dma_start3A_637] : memref<10112x128xf32, #tpu.memory_space<vmem_shared>> -> memref<10112x128xf32, #tpu.memory_space<vmem_shared>>
        tpu.enqueue_indirect_dma source(%arg14 : memref<16x128xf32, #tpu.memory_space<vmem>>) target(%dma_start3A_638 : memref<10112x128xf32, #tpu.memory_space<vmem_shared>>) offsets(%dma_start3A_635 : memref<16xi32, #tpu.memory_space<vmem>>) semaphore(%run_scoped3A_632 : memref<!tpu.dma_semaphore, #tpu.memory_space<semaphore_mem>>) {add = true}
        %dma_wait3A_639 = arith.constant 0 : i32
        %dma_wait3A_640 = tpu.memref_slice %arg13[%scan3A_519, %dma_wait3A_639] : memref<79x128xi32, #tpu.memory_space<vmem>> -> memref<1x16xi32, #tpu.memory_space<vmem>>
        %dma_wait3A_641 = tpu.memref_squeeze %dma_wait3A_640 : memref<1x16xi32, #tpu.memory_space<vmem>> -> memref<16xi32, #tpu.memory_space<vmem>>
        %dma_wait3A_642 = arith.constant 0 : i32
        %dma_wait3A_643 = arith.constant 0 : i32
        %dma_wait3A_644 = tpu.memref_slice %arg22[%dma_wait3A_642, %dma_wait3A_643] : memref<10112x128xf32, #tpu.memory_space<vmem_shared>> -> memref<10112x128xf32, #tpu.memory_space<vmem_shared>>
        tpu.wait_indirect_dma semaphore(%run_scoped3A_632 : memref<!tpu.dma_semaphore, #tpu.memory_space<semaphore_mem>>) src(%arg14 : memref<16x128xf32, #tpu.memory_space<vmem>>) dst(%dma_wait3A_644 : memref<10112x128xf32, #tpu.memory_space<vmem_shared>>)
        tpu.yield
      }) : () -> ()
      %add3A_526 = arith.constant 1 : i32
      %add3A_527 = arith.addi %scan3A_519, %add3A_526 : i32
      %dma_start3A_528 = arith.constant 0 : i32
      %dma_start3A_529 = tpu.memref_slice %arg12[%add3A_527, %dma_start3A_528] : memref<79x128xi32, #tpu.memory_space<vmem>> -> memref<1x16xi32, #tpu.memory_space<vmem>>
      %dma_start3A_530 = tpu.memref_squeeze %dma_start3A_529 : memref<1x16xi32, #tpu.memory_space<vmem>> -> memref<16xi32, #tpu.memory_space<vmem>>
      %dma_start3A_531 = arith.constant 0 : i32
      %dma_start3A_532 = arith.constant 0 : i32
      %dma_start3A_533 = tpu.memref_slice %arg2[%dma_start3A_531, %dma_start3A_532] : memref<10000x128xf32, #tpu.memory_space<hbm>> -> memref<10000x128xf32, #tpu.memory_space<hbm>>
      tpu.enqueue_indirect_dma source(%dma_start3A_533 : memref<10000x128xf32, #tpu.memory_space<hbm>>) target(%arg14 : memref<16x128xf32, #tpu.memory_space<vmem>>) offsets(%dma_start3A_530 : memref<16xi32, #tpu.memory_space<vmem>>) semaphore(%arg23 : memref<!tpu.dma_semaphore, #tpu.memory_space<semaphore_mem>>)
      %dma_wait3A_534 = arith.constant 16 : i32
      %dma_wait3A_535 = tpu.memref_slice %arg12[%scan3A_519, %dma_wait3A_534] : memref<79x128xi32, #tpu.memory_space<vmem>> -> memref<1x16xi32, #tpu.memory_space<vmem>>
      %dma_wait3A_536 = tpu.memref_squeeze %dma_wait3A_535 : memref<1x16xi32, #tpu.memory_space<vmem>> -> memref<16xi32, #tpu.memory_space<vmem>>
      %dma_wait3A_537 = arith.constant 0 : i32
      %dma_wait3A_538 = arith.constant 0 : i32
      %dma_wait3A_539 = tpu.memref_slice %arg2[%dma_wait3A_537, %dma_wait3A_538] : memref<10000x128xf32, #tpu.memory_space<hbm>> -> memref<10000x128xf32, #tpu.memory_space<hbm>>
      tpu.wait_indirect_dma semaphore(%arg24 : memref<!tpu.dma_semaphore, #tpu.memory_space<semaphore_mem>>) src(%dma_wait3A_539 : memref<10000x128xf32, #tpu.memory_space<hbm>>) dst(%arg15 : memref<16x128xf32, #tpu.memory_space<vmem>>)
      "tpu.region"() ({
        %run_scoped3A_632 = tpu.sem_alloc : memref<!tpu.dma_semaphore, #tpu.memory_space<semaphore_mem>>
        %dma_start3A_633 = arith.constant 16 : i32
        %dma_start3A_634 = tpu.memref_slice %arg13[%scan3A_519, %dma_start3A_633] : memref<79x128xi32, #tpu.memory_space<vmem>> -> memref<1x16xi32, #tpu.memory_space<vmem>>
        %dma_start3A_635 = tpu.memref_squeeze %dma_start3A_634 : memref<1x16xi32, #tpu.memory_space<vmem>> -> memref<16xi32, #tpu.memory_space<vmem>>
        %dma_start3A_636 = arith.constant 0 : i32
        %dma_start3A_637 = arith.constant 0 : i32
        %dma_start3A_638 = tpu.memref_slice %arg22[%dma_start3A_636, %dma_start3A_637] : memref<10112x128xf32, #tpu.memory_space<vmem_shared>> -> memref<10112x128xf32, #tpu.memory_space<vmem_shared>>
        tpu.enqueue_indirect_dma source(%arg15 : memref<16x128xf32, #tpu.memory_space<vmem>>) target(%dma_start3A_638 : memref<10112x128xf32, #tpu.memory_space<vmem_shared>>) offsets(%dma_start3A_635 : memref<16xi32, #tpu.memory_space<vmem>>) semaphore(%run_scoped3A_632 : memref<!tpu.dma_semaphore, #tpu.memory_space<semaphore_mem>>) {add = true}
        %dma_wait3A_639 = arith.constant 16 : i32
        %dma_wait3A_640 = tpu.memref_slice %arg13[%scan3A_519, %dma_wait3A_639] : memref<79x128xi32, #tpu.memory_space<vmem>> -> memref<1x16xi32, #tpu.memory_space<vmem>>
        %dma_wait3A_641 = tpu.memref_squeeze %dma_wait3A_640 : memref<1x16xi32, #tpu.memory_space<vmem>> -> memref<16xi32, #tpu.memory_space<vmem>>
        %dma_wait3A_642 = arith.constant 0 : i32
        %dma_wait3A_643 = arith.constant 0 : i32
        %dma_wait3A_644 = tpu.memref_slice %arg22[%dma_wait3A_642, %dma_wait3A_643] : memref<10112x128xf32, #tpu.memory_space<vmem_shared>> -> memref<10112x128xf32, #tpu.memory_space<vmem_shared>>
        tpu.wait_indirect_dma semaphore(%run_scoped3A_632 : memref<!tpu.dma_semaphore, #tpu.memory_space<semaphore_mem>>) src(%arg15 : memref<16x128xf32, #tpu.memory_space<vmem>>) dst(%dma_wait3A_644 : memref<10112x128xf32, #tpu.memory_space<vmem_shared>>)
        tpu.yield
      }) : () -> ()
      %add3A_540 = arith.constant 1 : i32
      %add3A_541 = arith.addi %scan3A_519, %add3A_540 : i32
      %dma_start3A_542 = arith.constant 16 : i32
      %dma_start3A_543 = tpu.memref_slice %arg12[%add3A_541, %dma_start3A_542] : memref<79x128xi32, #tpu.memory_space<vmem>> -> memref<1x16xi32, #tpu.memory_space<vmem>>
      %dma_start3A_544 = tpu.memref_squeeze %dma_start3A_543 : memref<1x16xi32, #tpu.memory_space<vmem>> -> memref<16xi32, #tpu.memory_space<vmem>>
      %dma_start3A_545 = arith.constant 0 : i32
      %dma_start3A_546 = arith.constant 0 : i32
      %dma_start3A_547 = tpu.memref_slice %arg2[%dma_start3A_545, %dma_start3A_546] : memref<10000x128xf32, #tpu.memory_space<hbm>> -> memref<10000x128xf32, #tpu.memory_space<hbm>>
      tpu.enqueue_indirect_dma source(%dma_start3A_547 : memref<10000x128xf32, #tpu.memory_space<hbm>>) target(%arg15 : memref<16x128xf32, #tpu.memory_space<vmem>>) offsets(%dma_start3A_544 : memref<16xi32, #tpu.memory_space<vmem>>) semaphore(%arg24 : memref<!tpu.dma_semaphore, #tpu.memory_space<semaphore_mem>>)
      %dma_wait3A_548 = arith.constant 32 : i32
      %dma_wait3A_549 = tpu.memref_slice %arg12[%scan3A_519, %dma_wait3A_548] : memref<79x128xi32, #tpu.memory_space<vmem>> -> memref<1x16xi32, #tpu.memory_space<vmem>>
      %dma_wait3A_550 = tpu.memref_squeeze %dma_wait3A_549 : memref<1x16xi32, #tpu.memory_space<vmem>> -> memref<16xi32, #tpu.memory_space<vmem>>
      %dma_wait3A_551 = arith.constant 0 : i32
      %dma_wait3A_552 = arith.constant 0 : i32
      %dma_wait3A_553 = tpu.memref_slice %arg2[%dma_wait3A_551, %dma_wait3A_552] : memref<10000x128xf32, #tpu.memory_space<hbm>> -> memref<10000x128xf32, #tpu.memory_space<hbm>>
      tpu.wait_indirect_dma semaphore(%arg25 : memref<!tpu.dma_semaphore, #tpu.memory_space<semaphore_mem>>) src(%dma_wait3A_553 : memref<10000x128xf32, #tpu.memory_space<hbm>>) dst(%arg16 : memref<16x128xf32, #tpu.memory_space<vmem>>)
      "tpu.region"() ({
        %run_scoped3A_632 = tpu.sem_alloc : memref<!tpu.dma_semaphore, #tpu.memory_space<semaphore_mem>>
        %dma_start3A_633 = arith.constant 32 : i32
        %dma_start3A_634 = tpu.memref_slice %arg13[%scan3A_519, %dma_start3A_633] : memref<79x128xi32, #tpu.memory_space<vmem>> -> memref<1x16xi32, #tpu.memory_space<vmem>>
        %dma_start3A_635 = tpu.memref_squeeze %dma_start3A_634 : memref<1x16xi32, #tpu.memory_space<vmem>> -> memref<16xi32, #tpu.memory_space<vmem>>
        %dma_start3A_636 = arith.constant 0 : i32
        %dma_start3A_637 = arith.constant 0 : i32
        %dma_start3A_638 = tpu.memref_slice %arg22[%dma_start3A_636, %dma_start3A_637] : memref<10112x128xf32, #tpu.memory_space<vmem_shared>> -> memref<10112x128xf32, #tpu.memory_space<vmem_shared>>
        tpu.enqueue_indirect_dma source(%arg16 : memref<16x128xf32, #tpu.memory_space<vmem>>) target(%dma_start3A_638 : memref<10112x128xf32, #tpu.memory_space<vmem_shared>>) offsets(%dma_start3A_635 : memref<16xi32, #tpu.memory_space<vmem>>) semaphore(%run_scoped3A_632 : memref<!tpu.dma_semaphore, #tpu.memory_space<semaphore_mem>>) {add = true}
        %dma_wait3A_639 = arith.constant 32 : i32
        %dma_wait3A_640 = tpu.memref_slice %arg13[%scan3A_519, %dma_wait3A_639] : memref<79x128xi32, #tpu.memory_space<vmem>> -> memref<1x16xi32, #tpu.memory_space<vmem>>
        %dma_wait3A_641 = tpu.memref_squeeze %dma_wait3A_640 : memref<1x16xi32, #tpu.memory_space<vmem>> -> memref<16xi32, #tpu.memory_space<vmem>>
        %dma_wait3A_642 = arith.constant 0 : i32
        %dma_wait3A_643 = arith.constant 0 : i32
        %dma_wait3A_644 = tpu.memref_slice %arg22[%dma_wait3A_642, %dma_wait3A_643] : memref<10112x128xf32, #tpu.memory_space<vmem_shared>> -> memref<10112x128xf32, #tpu.memory_space<vmem_shared>>
        tpu.wait_indirect_dma semaphore(%run_scoped3A_632 : memref<!tpu.dma_semaphore, #tpu.memory_space<semaphore_mem>>) src(%arg16 : memref<16x128xf32, #tpu.memory_space<vmem>>) dst(%dma_wait3A_644 : memref<10112x128xf32, #tpu.memory_space<vmem_shared>>)
        tpu.yield
      }) : () -> ()
      %add3A_554 = arith.constant 1 : i32
      %add3A_555 = arith.addi %scan3A_519, %add3A_554 : i32
      %dma_start3A_556 = arith.constant 32 : i32
      %dma_start3A_557 = tpu.memref_slice %arg12[%add3A_555, %dma_start3A_556] : memref<79x128xi32, #tpu.memory_space<vmem>> -> memref<1x16xi32, #tpu.memory_space<vmem>>
      %dma_start3A_558 = tpu.memref_squeeze %dma_start3A_557 : memref<1x16xi32, #tpu.memory_space<vmem>> -> memref<16xi32, #tpu.memory_space<vmem>>
      %dma_start3A_559 = arith.constant 0 : i32
      %dma_start3A_560 = arith.constant 0 : i32
      %dma_start3A_561 = tpu.memref_slice %arg2[%dma_start3A_559, %dma_start3A_560] : memref<10000x128xf32, #tpu.memory_space<hbm>> -> memref<10000x128xf32, #tpu.memory_space<hbm>>
      tpu.enqueue_indirect_dma source(%dma_start3A_561 : memref<10000x128xf32, #tpu.memory_space<hbm>>) target(%arg16 : memref<16x128xf32, #tpu.memory_space<vmem>>) offsets(%dma_start3A_558 : memref<16xi32, #tpu.memory_space<vmem>>) semaphore(%arg25 : memref<!tpu.dma_semaphore, #tpu.memory_space<semaphore_mem>>)
      %dma_wait3A_562 = arith.constant 48 : i32
      %dma_wait3A_563 = tpu.memref_slice %arg12[%scan3A_519, %dma_wait3A_562] : memref<79x128xi32, #tpu.memory_space<vmem>> -> memref<1x16xi32, #tpu.memory_space<vmem>>
      %dma_wait3A_564 = tpu.memref_squeeze %dma_wait3A_563 : memref<1x16xi32, #tpu.memory_space<vmem>> -> memref<16xi32, #tpu.memory_space<vmem>>
      %dma_wait3A_565 = arith.constant 0 : i32
      %dma_wait3A_566 = arith.constant 0 : i32
      %dma_wait3A_567 = tpu.memref_slice %arg2[%dma_wait3A_565, %dma_wait3A_566] : memref<10000x128xf32, #tpu.memory_space<hbm>> -> memref<10000x128xf32, #tpu.memory_space<hbm>>
      tpu.wait_indirect_dma semaphore(%arg26 : memref<!tpu.dma_semaphore, #tpu.memory_space<semaphore_mem>>) src(%dma_wait3A_567 : memref<10000x128xf32, #tpu.memory_space<hbm>>) dst(%arg17 : memref<16x128xf32, #tpu.memory_space<vmem>>)
      "tpu.region"() ({
        %run_scoped3A_632 = tpu.sem_alloc : memref<!tpu.dma_semaphore, #tpu.memory_space<semaphore_mem>>
        %dma_start3A_633 = arith.constant 48 : i32
        %dma_start3A_634 = tpu.memref_slice %arg13[%scan3A_519, %dma_start3A_633] : memref<79x128xi32, #tpu.memory_space<vmem>> -> memref<1x16xi32, #tpu.memory_space<vmem>>
        %dma_start3A_635 = tpu.memref_squeeze %dma_start3A_634 : memref<1x16xi32, #tpu.memory_space<vmem>> -> memref<16xi32, #tpu.memory_space<vmem>>
        %dma_start3A_636 = arith.constant 0 : i32
        %dma_start3A_637 = arith.constant 0 : i32
        %dma_start3A_638 = tpu.memref_slice %arg22[%dma_start3A_636, %dma_start3A_637] : memref<10112x128xf32, #tpu.memory_space<vmem_shared>> -> memref<10112x128xf32, #tpu.memory_space<vmem_shared>>
        tpu.enqueue_indirect_dma source(%arg17 : memref<16x128xf32, #tpu.memory_space<vmem>>) target(%dma_start3A_638 : memref<10112x128xf32, #tpu.memory_space<vmem_shared>>) offsets(%dma_start3A_635 : memref<16xi32, #tpu.memory_space<vmem>>) semaphore(%run_scoped3A_632 : memref<!tpu.dma_semaphore, #tpu.memory_space<semaphore_mem>>) {add = true}
        %dma_wait3A_639 = arith.constant 48 : i32
        %dma_wait3A_640 = tpu.memref_slice %arg13[%scan3A_519, %dma_wait3A_639] : memref<79x128xi32, #tpu.memory_space<vmem>> -> memref<1x16xi32, #tpu.memory_space<vmem>>
        %dma_wait3A_641 = tpu.memref_squeeze %dma_wait3A_640 : memref<1x16xi32, #tpu.memory_space<vmem>> -> memref<16xi32, #tpu.memory_space<vmem>>
        %dma_wait3A_642 = arith.constant 0 : i32
        %dma_wait3A_643 = arith.constant 0 : i32
        %dma_wait3A_644 = tpu.memref_slice %arg22[%dma_wait3A_642, %dma_wait3A_643] : memref<10112x128xf32, #tpu.memory_space<vmem_shared>> -> memref<10112x128xf32, #tpu.memory_space<vmem_shared>>
        tpu.wait_indirect_dma semaphore(%run_scoped3A_632 : memref<!tpu.dma_semaphore, #tpu.memory_space<semaphore_mem>>) src(%arg17 : memref<16x128xf32, #tpu.memory_space<vmem>>) dst(%dma_wait3A_644 : memref<10112x128xf32, #tpu.memory_space<vmem_shared>>)
        tpu.yield
      }) : () -> ()
      %add3A_568 = arith.constant 1 : i32
      %add3A_569 = arith.addi %scan3A_519, %add3A_568 : i32
      %dma_start3A_570 = arith.constant 48 : i32
      %dma_start3A_571 = tpu.memref_slice %arg12[%add3A_569, %dma_start3A_570] : memref<79x128xi32, #tpu.memory_space<vmem>> -> memref<1x16xi32, #tpu.memory_space<vmem>>
      %dma_start3A_572 = tpu.memref_squeeze %dma_start3A_571 : memref<1x16xi32, #tpu.memory_space<vmem>> -> memref<16xi32, #tpu.memory_space<vmem>>
      %dma_start3A_573 = arith.constant 0 : i32
      %dma_start3A_574 = arith.constant 0 : i32
      %dma_start3A_575 = tpu.memref_slice %arg2[%dma_start3A_573, %dma_start3A_574] : memref<10000x128xf32, #tpu.memory_space<hbm>> -> memref<10000x128xf32, #tpu.memory_space<hbm>>
      tpu.enqueue_indirect_dma source(%dma_start3A_575 : memref<10000x128xf32, #tpu.memory_space<hbm>>) target(%arg17 : memref<16x128xf32, #tpu.memory_space<vmem>>) offsets(%dma_start3A_572 : memref<16xi32, #tpu.memory_space<vmem>>) semaphore(%arg26 : memref<!tpu.dma_semaphore, #tpu.memory_space<semaphore_mem>>)
      %dma_wait3A_576 = arith.constant 64 : i32
      %dma_wait3A_577 = tpu.memref_slice %arg12[%scan3A_519, %dma_wait3A_576] : memref<79x128xi32, #tpu.memory_space<vmem>> -> memref<1x16xi32, #tpu.memory_space<vmem>>
      %dma_wait3A_578 = tpu.memref_squeeze %dma_wait3A_577 : memref<1x16xi32, #tpu.memory_space<vmem>> -> memref<16xi32, #tpu.memory_space<vmem>>
      %dma_wait3A_579 = arith.constant 0 : i32
      %dma_wait3A_580 = arith.constant 0 : i32
      %dma_wait3A_581 = tpu.memref_slice %arg2[%dma_wait3A_579, %dma_wait3A_580] : memref<10000x128xf32, #tpu.memory_space<hbm>> -> memref<10000x128xf32, #tpu.memory_space<hbm>>
      tpu.wait_indirect_dma semaphore(%arg27 : memref<!tpu.dma_semaphore, #tpu.memory_space<semaphore_mem>>) src(%dma_wait3A_581 : memref<10000x128xf32, #tpu.memory_space<hbm>>) dst(%arg18 : memref<16x128xf32, #tpu.memory_space<vmem>>)
      "tpu.region"() ({
        %run_scoped3A_632 = tpu.sem_alloc : memref<!tpu.dma_semaphore, #tpu.memory_space<semaphore_mem>>
        %dma_start3A_633 = arith.constant 64 : i32
        %dma_start3A_634 = tpu.memref_slice %arg13[%scan3A_519, %dma_start3A_633] : memref<79x128xi32, #tpu.memory_space<vmem>> -> memref<1x16xi32, #tpu.memory_space<vmem>>
        %dma_start3A_635 = tpu.memref_squeeze %dma_start3A_634 : memref<1x16xi32, #tpu.memory_space<vmem>> -> memref<16xi32, #tpu.memory_space<vmem>>
        %dma_start3A_636 = arith.constant 0 : i32
        %dma_start3A_637 = arith.constant 0 : i32
        %dma_start3A_638 = tpu.memref_slice %arg22[%dma_start3A_636, %dma_start3A_637] : memref<10112x128xf32, #tpu.memory_space<vmem_shared>> -> memref<10112x128xf32, #tpu.memory_space<vmem_shared>>
        tpu.enqueue_indirect_dma source(%arg18 : memref<16x128xf32, #tpu.memory_space<vmem>>) target(%dma_start3A_638 : memref<10112x128xf32, #tpu.memory_space<vmem_shared>>) offsets(%dma_start3A_635 : memref<16xi32, #tpu.memory_space<vmem>>) semaphore(%run_scoped3A_632 : memref<!tpu.dma_semaphore, #tpu.memory_space<semaphore_mem>>) {add = true}
        %dma_wait3A_639 = arith.constant 64 : i32
        %dma_wait3A_640 = tpu.memref_slice %arg13[%scan3A_519, %dma_wait3A_639] : memref<79x128xi32, #tpu.memory_space<vmem>> -> memref<1x16xi32, #tpu.memory_space<vmem>>
        %dma_wait3A_641 = tpu.memref_squeeze %dma_wait3A_640 : memref<1x16xi32, #tpu.memory_space<vmem>> -> memref<16xi32, #tpu.memory_space<vmem>>
        %dma_wait3A_642 = arith.constant 0 : i32
        %dma_wait3A_643 = arith.constant 0 : i32
        %dma_wait3A_644 = tpu.memref_slice %arg22[%dma_wait3A_642, %dma_wait3A_643] : memref<10112x128xf32, #tpu.memory_space<vmem_shared>> -> memref<10112x128xf32, #tpu.memory_space<vmem_shared>>
        tpu.wait_indirect_dma semaphore(%run_scoped3A_632 : memref<!tpu.dma_semaphore, #tpu.memory_space<semaphore_mem>>) src(%arg18 : memref<16x128xf32, #tpu.memory_space<vmem>>) dst(%dma_wait3A_644 : memref<10112x128xf32, #tpu.memory_space<vmem_shared>>)
        tpu.yield
      }) : () -> ()
      %add3A_582 = arith.constant 1 : i32
      %add3A_583 = arith.addi %scan3A_519, %add3A_582 : i32
      %dma_start3A_584 = arith.constant 64 : i32
      %dma_start3A_585 = tpu.memref_slice %arg12[%add3A_583, %dma_start3A_584] : memref<79x128xi32, #tpu.memory_space<vmem>> -> memref<1x16xi32, #tpu.memory_space<vmem>>
      %dma_start3A_586 = tpu.memref_squeeze %dma_start3A_585 : memref<1x16xi32, #tpu.memory_space<vmem>> -> memref<16xi32, #tpu.memory_space<vmem>>
      %dma_start3A_587 = arith.constant 0 : i32
      %dma_start3A_588 = arith.constant 0 : i32
      %dma_start3A_589 = tpu.memref_slice %arg2[%dma_start3A_587, %dma_start3A_588] : memref<10000x128xf32, #tpu.memory_space<hbm>> -> memref<10000x128xf32, #tpu.memory_space<hbm>>
      tpu.enqueue_indirect_dma source(%dma_start3A_589 : memref<10000x128xf32, #tpu.memory_space<hbm>>) target(%arg18 : memref<16x128xf32, #tpu.memory_space<vmem>>) offsets(%dma_start3A_586 : memref<16xi32, #tpu.memory_space<vmem>>) semaphore(%arg27 : memref<!tpu.dma_semaphore, #tpu.memory_space<semaphore_mem>>)
      %dma_wait3A_590 = arith.constant 80 : i32
      %dma_wait3A_591 = tpu.memref_slice %arg12[%scan3A_519, %dma_wait3A_590] : memref<79x128xi32, #tpu.memory_space<vmem>> -> memref<1x16xi32, #tpu.memory_space<vmem>>
      %dma_wait3A_592 = tpu.memref_squeeze %dma_wait3A_591 : memref<1x16xi32, #tpu.memory_space<vmem>> -> memref<16xi32, #tpu.memory_space<vmem>>
      %dma_wait3A_593 = arith.constant 0 : i32
      %dma_wait3A_594 = arith.constant 0 : i32
      %dma_wait3A_595 = tpu.memref_slice %arg2[%dma_wait3A_593, %dma_wait3A_594] : memref<10000x128xf32, #tpu.memory_space<hbm>> -> memref<10000x128xf32, #tpu.memory_space<hbm>>
      tpu.wait_indirect_dma semaphore(%arg28 : memref<!tpu.dma_semaphore, #tpu.memory_space<semaphore_mem>>) src(%dma_wait3A_595 : memref<10000x128xf32, #tpu.memory_space<hbm>>) dst(%arg19 : memref<16x128xf32, #tpu.memory_space<vmem>>)
      "tpu.region"() ({
        %run_scoped3A_632 = tpu.sem_alloc : memref<!tpu.dma_semaphore, #tpu.memory_space<semaphore_mem>>
        %dma_start3A_633 = arith.constant 80 : i32
        %dma_start3A_634 = tpu.memref_slice %arg13[%scan3A_519, %dma_start3A_633] : memref<79x128xi32, #tpu.memory_space<vmem>> -> memref<1x16xi32, #tpu.memory_space<vmem>>
        %dma_start3A_635 = tpu.memref_squeeze %dma_start3A_634 : memref<1x16xi32, #tpu.memory_space<vmem>> -> memref<16xi32, #tpu.memory_space<vmem>>
        %dma_start3A_636 = arith.constant 0 : i32
        %dma_start3A_637 = arith.constant 0 : i32
        %dma_start3A_638 = tpu.memref_slice %arg22[%dma_start3A_636, %dma_start3A_637] : memref<10112x128xf32, #tpu.memory_space<vmem_shared>> -> memref<10112x128xf32, #tpu.memory_space<vmem_shared>>
        tpu.enqueue_indirect_dma source(%arg19 : memref<16x128xf32, #tpu.memory_space<vmem>>) target(%dma_start3A_638 : memref<10112x128xf32, #tpu.memory_space<vmem_shared>>) offsets(%dma_start3A_635 : memref<16xi32, #tpu.memory_space<vmem>>) semaphore(%run_scoped3A_632 : memref<!tpu.dma_semaphore, #tpu.memory_space<semaphore_mem>>) {add = true}
        %dma_wait3A_639 = arith.constant 80 : i32
        %dma_wait3A_640 = tpu.memref_slice %arg13[%scan3A_519, %dma_wait3A_639] : memref<79x128xi32, #tpu.memory_space<vmem>> -> memref<1x16xi32, #tpu.memory_space<vmem>>
        %dma_wait3A_641 = tpu.memref_squeeze %dma_wait3A_640 : memref<1x16xi32, #tpu.memory_space<vmem>> -> memref<16xi32, #tpu.memory_space<vmem>>
        %dma_wait3A_642 = arith.constant 0 : i32
        %dma_wait3A_643 = arith.constant 0 : i32
        %dma_wait3A_644 = tpu.memref_slice %arg22[%dma_wait3A_642, %dma_wait3A_643] : memref<10112x128xf32, #tpu.memory_space<vmem_shared>> -> memref<10112x128xf32, #tpu.memory_space<vmem_shared>>
        tpu.wait_indirect_dma semaphore(%run_scoped3A_632 : memref<!tpu.dma_semaphore, #tpu.memory_space<semaphore_mem>>) src(%arg19 : memref<16x128xf32, #tpu.memory_space<vmem>>) dst(%dma_wait3A_644 : memref<10112x128xf32, #tpu.memory_space<vmem_shared>>)
        tpu.yield
      }) : () -> ()
      %add3A_596 = arith.constant 1 : i32
      %add3A_597 = arith.addi %scan3A_519, %add3A_596 : i32
      %dma_start3A_598 = arith.constant 80 : i32
      %dma_start3A_599 = tpu.memref_slice %arg12[%add3A_597, %dma_start3A_598] : memref<79x128xi32, #tpu.memory_space<vmem>> -> memref<1x16xi32, #tpu.memory_space<vmem>>
      %dma_start3A_600 = tpu.memref_squeeze %dma_start3A_599 : memref<1x16xi32, #tpu.memory_space<vmem>> -> memref<16xi32, #tpu.memory_space<vmem>>
      %dma_start3A_601 = arith.constant 0 : i32
      %dma_start3A_602 = arith.constant 0 : i32
      %dma_start3A_603 = tpu.memref_slice %arg2[%dma_start3A_601, %dma_start3A_602] : memref<10000x128xf32, #tpu.memory_space<hbm>> -> memref<10000x128xf32, #tpu.memory_space<hbm>>
      tpu.enqueue_indirect_dma source(%dma_start3A_603 : memref<10000x128xf32, #tpu.memory_space<hbm>>) target(%arg19 : memref<16x128xf32, #tpu.memory_space<vmem>>) offsets(%dma_start3A_600 : memref<16xi32, #tpu.memory_space<vmem>>) semaphore(%arg28 : memref<!tpu.dma_semaphore, #tpu.memory_space<semaphore_mem>>)
      %dma_wait3A_604 = arith.constant 96 : i32
      %dma_wait3A_605 = tpu.memref_slice %arg12[%scan3A_519, %dma_wait3A_604] : memref<79x128xi32, #tpu.memory_space<vmem>> -> memref<1x16xi32, #tpu.memory_space<vmem>>
      %dma_wait3A_606 = tpu.memref_squeeze %dma_wait3A_605 : memref<1x16xi32, #tpu.memory_space<vmem>> -> memref<16xi32, #tpu.memory_space<vmem>>
      %dma_wait3A_607 = arith.constant 0 : i32
      %dma_wait3A_608 = arith.constant 0 : i32
      %dma_wait3A_609 = tpu.memref_slice %arg2[%dma_wait3A_607, %dma_wait3A_608] : memref<10000x128xf32, #tpu.memory_space<hbm>> -> memref<10000x128xf32, #tpu.memory_space<hbm>>
      tpu.wait_indirect_dma semaphore(%arg29 : memref<!tpu.dma_semaphore, #tpu.memory_space<semaphore_mem>>) src(%dma_wait3A_609 : memref<10000x128xf32, #tpu.memory_space<hbm>>) dst(%arg20 : memref<16x128xf32, #tpu.memory_space<vmem>>)
      "tpu.region"() ({
        %run_scoped3A_632 = tpu.sem_alloc : memref<!tpu.dma_semaphore, #tpu.memory_space<semaphore_mem>>
        %dma_start3A_633 = arith.constant 96 : i32
        %dma_start3A_634 = tpu.memref_slice %arg13[%scan3A_519, %dma_start3A_633] : memref<79x128xi32, #tpu.memory_space<vmem>> -> memref<1x16xi32, #tpu.memory_space<vmem>>
        %dma_start3A_635 = tpu.memref_squeeze %dma_start3A_634 : memref<1x16xi32, #tpu.memory_space<vmem>> -> memref<16xi32, #tpu.memory_space<vmem>>
        %dma_start3A_636 = arith.constant 0 : i32
        %dma_start3A_637 = arith.constant 0 : i32
        %dma_start3A_638 = tpu.memref_slice %arg22[%dma_start3A_636, %dma_start3A_637] : memref<10112x128xf32, #tpu.memory_space<vmem_shared>> -> memref<10112x128xf32, #tpu.memory_space<vmem_shared>>
        tpu.enqueue_indirect_dma source(%arg20 : memref<16x128xf32, #tpu.memory_space<vmem>>) target(%dma_start3A_638 : memref<10112x128xf32, #tpu.memory_space<vmem_shared>>) offsets(%dma_start3A_635 : memref<16xi32, #tpu.memory_space<vmem>>) semaphore(%run_scoped3A_632 : memref<!tpu.dma_semaphore, #tpu.memory_space<semaphore_mem>>) {add = true}
        %dma_wait3A_639 = arith.constant 96 : i32
        %dma_wait3A_640 = tpu.memref_slice %arg13[%scan3A_519, %dma_wait3A_639] : memref<79x128xi32, #tpu.memory_space<vmem>> -> memref<1x16xi32, #tpu.memory_space<vmem>>
        %dma_wait3A_641 = tpu.memref_squeeze %dma_wait3A_640 : memref<1x16xi32, #tpu.memory_space<vmem>> -> memref<16xi32, #tpu.memory_space<vmem>>
        %dma_wait3A_642 = arith.constant 0 : i32
        %dma_wait3A_643 = arith.constant 0 : i32
        %dma_wait3A_644 = tpu.memref_slice %arg22[%dma_wait3A_642, %dma_wait3A_643] : memref<10112x128xf32, #tpu.memory_space<vmem_shared>> -> memref<10112x128xf32, #tpu.memory_space<vmem_shared>>
        tpu.wait_indirect_dma semaphore(%run_scoped3A_632 : memref<!tpu.dma_semaphore, #tpu.memory_space<semaphore_mem>>) src(%arg20 : memref<16x128xf32, #tpu.memory_space<vmem>>) dst(%dma_wait3A_644 : memref<10112x128xf32, #tpu.memory_space<vmem_shared>>)
        tpu.yield
      }) : () -> ()
      %add3A_610 = arith.constant 1 : i32
      %add3A_611 = arith.addi %scan3A_519, %add3A_610 : i32
      %dma_start3A_612 = arith.constant 96 : i32
      %dma_start3A_613 = tpu.memref_slice %arg12[%add3A_611, %dma_start3A_612] : memref<79x128xi32, #tpu.memory_space<vmem>> -> memref<1x16xi32, #tpu.memory_space<vmem>>
      %dma_start3A_614 = tpu.memref_squeeze %dma_start3A_613 : memref<1x16xi32, #tpu.memory_space<vmem>> -> memref<16xi32, #tpu.memory_space<vmem>>
      %dma_start3A_615 = arith.constant 0 : i32
      %dma_start3A_616 = arith.constant 0 : i32
      %dma_start3A_617 = tpu.memref_slice %arg2[%dma_start3A_615, %dma_start3A_616] : memref<10000x128xf32, #tpu.memory_space<hbm>> -> memref<10000x128xf32, #tpu.memory_space<hbm>>
      tpu.enqueue_indirect_dma source(%dma_start3A_617 : memref<10000x128xf32, #tpu.memory_space<hbm>>) target(%arg20 : memref<16x128xf32, #tpu.memory_space<vmem>>) offsets(%dma_start3A_614 : memref<16xi32, #tpu.memory_space<vmem>>) semaphore(%arg29 : memref<!tpu.dma_semaphore, #tpu.memory_space<semaphore_mem>>)
      %dma_wait3A_618 = arith.constant 112 : i32
      %dma_wait3A_619 = tpu.memref_slice %arg12[%scan3A_519, %dma_wait3A_618] : memref<79x128xi32, #tpu.memory_space<vmem>> -> memref<1x16xi32, #tpu.memory_space<vmem>>
      %dma_wait3A_620 = tpu.memref_squeeze %dma_wait3A_619 : memref<1x16xi32, #tpu.memory_space<vmem>> -> memref<16xi32, #tpu.memory_space<vmem>>
      %dma_wait3A_621 = arith.constant 0 : i32
      %dma_wait3A_622 = arith.constant 0 : i32
      %dma_wait3A_623 = tpu.memref_slice %arg2[%dma_wait3A_621, %dma_wait3A_622] : memref<10000x128xf32, #tpu.memory_space<hbm>> -> memref<10000x128xf32, #tpu.memory_space<hbm>>
      tpu.wait_indirect_dma semaphore(%arg30 : memref<!tpu.dma_semaphore, #tpu.memory_space<semaphore_mem>>) src(%dma_wait3A_623 : memref<10000x128xf32, #tpu.memory_space<hbm>>) dst(%arg21 : memref<16x128xf32, #tpu.memory_space<vmem>>)
      "tpu.region"() ({
        %run_scoped3A_632 = tpu.sem_alloc : memref<!tpu.dma_semaphore, #tpu.memory_space<semaphore_mem>>
        %dma_start3A_633 = arith.constant 112 : i32
        %dma_start3A_634 = tpu.memref_slice %arg13[%scan3A_519, %dma_start3A_633] : memref<79x128xi32, #tpu.memory_space<vmem>> -> memref<1x16xi32, #tpu.memory_space<vmem>>
        %dma_start3A_635 = tpu.memref_squeeze %dma_start3A_634 : memref<1x16xi32, #tpu.memory_space<vmem>> -> memref<16xi32, #tpu.memory_space<vmem>>
        %dma_start3A_636 = arith.constant 0 : i32
        %dma_start3A_637 = arith.constant 0 : i32
        %dma_start3A_638 = tpu.memref_slice %arg22[%dma_start3A_636, %dma_start3A_637] : memref<10112x128xf32, #tpu.memory_space<vmem_shared>> -> memref<10112x128xf32, #tpu.memory_space<vmem_shared>>
        tpu.enqueue_indirect_dma source(%arg21 : memref<16x128xf32, #tpu.memory_space<vmem>>) target(%dma_start3A_638 : memref<10112x128xf32, #tpu.memory_space<vmem_shared>>) offsets(%dma_start3A_635 : memref<16xi32, #tpu.memory_space<vmem>>) semaphore(%run_scoped3A_632 : memref<!tpu.dma_semaphore, #tpu.memory_space<semaphore_mem>>) {add = true}
        %dma_wait3A_639 = arith.constant 112 : i32
        %dma_wait3A_640 = tpu.memref_slice %arg13[%scan3A_519, %dma_wait3A_639] : memref<79x128xi32, #tpu.memory_space<vmem>> -> memref<1x16xi32, #tpu.memory_space<vmem>>
        %dma_wait3A_641 = tpu.memref_squeeze %dma_wait3A_640 : memref<1x16xi32, #tpu.memory_space<vmem>> -> memref<16xi32, #tpu.memory_space<vmem>>
        %dma_wait3A_642 = arith.constant 0 : i32
        %dma_wait3A_643 = arith.constant 0 : i32
        %dma_wait3A_644 = tpu.memref_slice %arg22[%dma_wait3A_642, %dma_wait3A_643] : memref<10112x128xf32, #tpu.memory_space<vmem_shared>> -> memref<10112x128xf32, #tpu.memory_space<vmem_shared>>
        tpu.wait_indirect_dma semaphore(%run_scoped3A_632 : memref<!tpu.dma_semaphore, #tpu.memory_space<semaphore_mem>>) src(%arg21 : memref<16x128xf32, #tpu.memory_space<vmem>>) dst(%dma_wait3A_644 : memref<10112x128xf32, #tpu.memory_space<vmem_shared>>)
        tpu.yield
      }) : () -> ()
      %add3A_624 = arith.constant 1 : i32
      %add3A_625 = arith.addi %scan3A_519, %add3A_624 : i32
      %dma_start3A_626 = arith.constant 112 : i32
      %dma_start3A_627 = tpu.memref_slice %arg12[%add3A_625, %dma_start3A_626] : memref<79x128xi32, #tpu.memory_space<vmem>> -> memref<1x16xi32, #tpu.memory_space<vmem>>
      %dma_start3A_628 = tpu.memref_squeeze %dma_start3A_627 : memref<1x16xi32, #tpu.memory_space<vmem>> -> memref<16xi32, #tpu.memory_space<vmem>>
      %dma_start3A_629 = arith.constant 0 : i32
      %dma_start3A_630 = arith.constant 0 : i32
      %dma_start3A_631 = tpu.memref_slice %arg2[%dma_start3A_629, %dma_start3A_630] : memref<10000x128xf32, #tpu.memory_space<hbm>> -> memref<10000x128xf32, #tpu.memory_space<hbm>>
      tpu.enqueue_indirect_dma source(%dma_start3A_631 : memref<10000x128xf32, #tpu.memory_space<hbm>>) target(%arg21 : memref<16x128xf32, #tpu.memory_space<vmem>>) offsets(%dma_start3A_628 : memref<16xi32, #tpu.memory_space<vmem>>) semaphore(%arg30 : memref<!tpu.dma_semaphore, #tpu.memory_space<semaphore_mem>>)
    }
    %scan3A_311 = arith.constant 78 : i32
    %dma_wait3A_312 = arith.constant 78 : i32
    %dma_wait3A_313 = arith.constant 0 : i32
    %dma_wait3A_314 = tpu.memref_slice %arg12[%dma_wait3A_312, %dma_wait3A_313] : memref<79x128xi32, #tpu.memory_space<vmem>> -> memref<1x16xi32, #tpu.memory_space<vmem>>
    %dma_wait3A_315 = tpu.memref_squeeze %dma_wait3A_314 : memref<1x16xi32, #tpu.memory_space<vmem>> -> memref<16xi32, #tpu.memory_space<vmem>>
    %dma_wait3A_316 = arith.constant 0 : i32
    %dma_wait3A_317 = arith.constant 0 : i32
    %dma_wait3A_318 = tpu.memref_slice %arg2[%dma_wait3A_316, %dma_wait3A_317] : memref<10000x128xf32, #tpu.memory_space<hbm>> -> memref<10000x128xf32, #tpu.memory_space<hbm>>
    tpu.wait_indirect_dma semaphore(%arg23 : memref<!tpu.dma_semaphore, #tpu.memory_space<semaphore_mem>>) src(%dma_wait3A_318 : memref<10000x128xf32, #tpu.memory_space<hbm>>) dst(%arg14 : memref<16x128xf32, #tpu.memory_space<vmem>>)
    %run_scoped3A_319 = arith.constant 78 : i32
    "tpu.region"() ({
      %run_scoped3A_519 = tpu.sem_alloc : memref<!tpu.dma_semaphore, #tpu.memory_space<semaphore_mem>>
      %dma_start3A_520 = arith.constant 0 : i32
      %dma_start3A_521 = tpu.memref_slice %arg13[%run_scoped3A_319, %dma_start3A_520] : memref<79x128xi32, #tpu.memory_space<vmem>> -> memref<1x16xi32, #tpu.memory_space<vmem>>
      %dma_start3A_522 = tpu.memref_squeeze %dma_start3A_521 : memref<1x16xi32, #tpu.memory_space<vmem>> -> memref<16xi32, #tpu.memory_space<vmem>>
      %dma_start3A_523 = arith.constant 0 : i32
      %dma_start3A_524 = arith.constant 0 : i32
      %dma_start3A_525 = tpu.memref_slice %arg22[%dma_start3A_523, %dma_start3A_524] : memref<10112x128xf32, #tpu.memory_space<vmem_shared>> -> memref<10112x128xf32, #tpu.memory_space<vmem_shared>>
      tpu.enqueue_indirect_dma source(%arg14 : memref<16x128xf32, #tpu.memory_space<vmem>>) target(%dma_start3A_525 : memref<10112x128xf32, #tpu.memory_space<vmem_shared>>) offsets(%dma_start3A_522 : memref<16xi32, #tpu.memory_space<vmem>>) semaphore(%run_scoped3A_519 : memref<!tpu.dma_semaphore, #tpu.memory_space<semaphore_mem>>) {add = true}
      %dma_wait3A_526 = arith.constant 0 : i32
      %dma_wait3A_527 = tpu.memref_slice %arg13[%run_scoped3A_319, %dma_wait3A_526] : memref<79x128xi32, #tpu.memory_space<vmem>> -> memref<1x16xi32, #tpu.memory_space<vmem>>
      %dma_wait3A_528 = tpu.memref_squeeze %dma_wait3A_527 : memref<1x16xi32, #tpu.memory_space<vmem>> -> memref<16xi32, #tpu.memory_space<vmem>>
      %dma_wait3A_529 = arith.constant 0 : i32
      %dma_wait3A_530 = arith.constant 0 : i32
      %dma_wait3A_531 = tpu.memref_slice %arg22[%dma_wait3A_529, %dma_wait3A_530] : memref<10112x128xf32, #tpu.memory_space<vmem_shared>> -> memref<10112x128xf32, #tpu.memory_space<vmem_shared>>
      tpu.wait_indirect_dma semaphore(%run_scoped3A_519 : memref<!tpu.dma_semaphore, #tpu.memory_space<semaphore_mem>>) src(%arg14 : memref<16x128xf32, #tpu.memory_space<vmem>>) dst(%dma_wait3A_531 : memref<10112x128xf32, #tpu.memory_space<vmem_shared>>)
      tpu.yield
    }) : () -> ()
    %dma_wait3A_320 = arith.constant 78 : i32
    %dma_wait3A_321 = arith.constant 16 : i32
    %dma_wait3A_322 = tpu.memref_slice %arg12[%dma_wait3A_320, %dma_wait3A_321] : memref<79x128xi32, #tpu.memory_space<vmem>> -> memref<1x16xi32, #tpu.memory_space<vmem>>
    %dma_wait3A_323 = tpu.memref_squeeze %dma_wait3A_322 : memref<1x16xi32, #tpu.memory_space<vmem>> -> memref<16xi32, #tpu.memory_space<vmem>>
    %dma_wait3A_324 = arith.constant 0 : i32
    %dma_wait3A_325 = arith.constant 0 : i32
    %dma_wait3A_326 = tpu.memref_slice %arg2[%dma_wait3A_324, %dma_wait3A_325] : memref<10000x128xf32, #tpu.memory_space<hbm>> -> memref<10000x128xf32, #tpu.memory_space<hbm>>
    tpu.wait_indirect_dma semaphore(%arg24 : memref<!tpu.dma_semaphore, #tpu.memory_space<semaphore_mem>>) src(%dma_wait3A_326 : memref<10000x128xf32, #tpu.memory_space<hbm>>) dst(%arg15 : memref<16x128xf32, #tpu.memory_space<vmem>>)
    %run_scoped3A_327 = arith.constant 78 : i32
    "tpu.region"() ({
      %run_scoped3A_519 = tpu.sem_alloc : memref<!tpu.dma_semaphore, #tpu.memory_space<semaphore_mem>>
      %dma_start3A_520 = arith.constant 16 : i32
      %dma_start3A_521 = tpu.memref_slice %arg13[%run_scoped3A_327, %dma_start3A_520] : memref<79x128xi32, #tpu.memory_space<vmem>> -> memref<1x16xi32, #tpu.memory_space<vmem>>
      %dma_start3A_522 = tpu.memref_squeeze %dma_start3A_521 : memref<1x16xi32, #tpu.memory_space<vmem>> -> memref<16xi32, #tpu.memory_space<vmem>>
      %dma_start3A_523 = arith.constant 0 : i32
      %dma_start3A_524 = arith.constant 0 : i32
      %dma_start3A_525 = tpu.memref_slice %arg22[%dma_start3A_523, %dma_start3A_524] : memref<10112x128xf32, #tpu.memory_space<vmem_shared>> -> memref<10112x128xf32, #tpu.memory_space<vmem_shared>>
      tpu.enqueue_indirect_dma source(%arg15 : memref<16x128xf32, #tpu.memory_space<vmem>>) target(%dma_start3A_525 : memref<10112x128xf32, #tpu.memory_space<vmem_shared>>) offsets(%dma_start3A_522 : memref<16xi32, #tpu.memory_space<vmem>>) semaphore(%run_scoped3A_519 : memref<!tpu.dma_semaphore, #tpu.memory_space<semaphore_mem>>) {add = true}
      %dma_wait3A_526 = arith.constant 16 : i32
      %dma_wait3A_527 = tpu.memref_slice %arg13[%run_scoped3A_327, %dma_wait3A_526] : memref<79x128xi32, #tpu.memory_space<vmem>> -> memref<1x16xi32, #tpu.memory_space<vmem>>
      %dma_wait3A_528 = tpu.memref_squeeze %dma_wait3A_527 : memref<1x16xi32, #tpu.memory_space<vmem>> -> memref<16xi32, #tpu.memory_space<vmem>>
      %dma_wait3A_529 = arith.constant 0 : i32
      %dma_wait3A_530 = arith.constant 0 : i32
      %dma_wait3A_531 = tpu.memref_slice %arg22[%dma_wait3A_529, %dma_wait3A_530] : memref<10112x128xf32, #tpu.memory_space<vmem_shared>> -> memref<10112x128xf32, #tpu.memory_space<vmem_shared>>
      tpu.wait_indirect_dma semaphore(%run_scoped3A_519 : memref<!tpu.dma_semaphore, #tpu.memory_space<semaphore_mem>>) src(%arg15 : memref<16x128xf32, #tpu.memory_space<vmem>>) dst(%dma_wait3A_531 : memref<10112x128xf32, #tpu.memory_space<vmem_shared>>)
      tpu.yield
    }) : () -> ()
    %dma_wait3A_328 = arith.constant 78 : i32
    %dma_wait3A_329 = arith.constant 32 : i32
    %dma_wait3A_330 = tpu.memref_slice %arg12[%dma_wait3A_328, %dma_wait3A_329] : memref<79x128xi32, #tpu.memory_space<vmem>> -> memref<1x16xi32, #tpu.memory_space<vmem>>
    %dma_wait3A_331 = tpu.memref_squeeze %dma_wait3A_330 : memref<1x16xi32, #tpu.memory_space<vmem>> -> memref<16xi32, #tpu.memory_space<vmem>>
    %dma_wait3A_332 = arith.constant 0 : i32
    %dma_wait3A_333 = arith.constant 0 : i32
    %dma_wait3A_334 = tpu.memref_slice %arg2[%dma_wait3A_332, %dma_wait3A_333] : memref<10000x128xf32, #tpu.memory_space<hbm>> -> memref<10000x128xf32, #tpu.memory_space<hbm>>
    tpu.wait_indirect_dma semaphore(%arg25 : memref<!tpu.dma_semaphore, #tpu.memory_space<semaphore_mem>>) src(%dma_wait3A_334 : memref<10000x128xf32, #tpu.memory_space<hbm>>) dst(%arg16 : memref<16x128xf32, #tpu.memory_space<vmem>>)
    %run_scoped3A_335 = arith.constant 78 : i32
    "tpu.region"() ({
      %run_scoped3A_519 = tpu.sem_alloc : memref<!tpu.dma_semaphore, #tpu.memory_space<semaphore_mem>>
      %dma_start3A_520 = arith.constant 32 : i32
      %dma_start3A_521 = tpu.memref_slice %arg13[%run_scoped3A_335, %dma_start3A_520] : memref<79x128xi32, #tpu.memory_space<vmem>> -> memref<1x16xi32, #tpu.memory_space<vmem>>
      %dma_start3A_522 = tpu.memref_squeeze %dma_start3A_521 : memref<1x16xi32, #tpu.memory_space<vmem>> -> memref<16xi32, #tpu.memory_space<vmem>>
      %dma_start3A_523 = arith.constant 0 : i32
      %dma_start3A_524 = arith.constant 0 : i32
      %dma_start3A_525 = tpu.memref_slice %arg22[%dma_start3A_523, %dma_start3A_524] : memref<10112x128xf32, #tpu.memory_space<vmem_shared>> -> memref<10112x128xf32, #tpu.memory_space<vmem_shared>>
      tpu.enqueue_indirect_dma source(%arg16 : memref<16x128xf32, #tpu.memory_space<vmem>>) target(%dma_start3A_525 : memref<10112x128xf32, #tpu.memory_space<vmem_shared>>) offsets(%dma_start3A_522 : memref<16xi32, #tpu.memory_space<vmem>>) semaphore(%run_scoped3A_519 : memref<!tpu.dma_semaphore, #tpu.memory_space<semaphore_mem>>) {add = true}
      %dma_wait3A_526 = arith.constant 32 : i32
      %dma_wait3A_527 = tpu.memref_slice %arg13[%run_scoped3A_335, %dma_wait3A_526] : memref<79x128xi32, #tpu.memory_space<vmem>> -> memref<1x16xi32, #tpu.memory_space<vmem>>
      %dma_wait3A_528 = tpu.memref_squeeze %dma_wait3A_527 : memref<1x16xi32, #tpu.memory_space<vmem>> -> memref<16xi32, #tpu.memory_space<vmem>>
      %dma_wait3A_529 = arith.constant 0 : i32
      %dma_wait3A_530 = arith.constant 0 : i32
      %dma_wait3A_531 = tpu.memref_slice %arg22[%dma_wait3A_529, %dma_wait3A_530] : memref<10112x128xf32, #tpu.memory_space<vmem_shared>> -> memref<10112x128xf32, #tpu.memory_space<vmem_shared>>
      tpu.wait_indirect_dma semaphore(%run_scoped3A_519 : memref<!tpu.dma_semaphore, #tpu.memory_space<semaphore_mem>>) src(%arg16 : memref<16x128xf32, #tpu.memory_space<vmem>>) dst(%dma_wait3A_531 : memref<10112x128xf32, #tpu.memory_space<vmem_shared>>)
      tpu.yield
    }) : () -> ()
    %dma_wait3A_336 = arith.constant 78 : i32
    %dma_wait3A_337 = arith.constant 48 : i32
    %dma_wait3A_338 = tpu.memref_slice %arg12[%dma_wait3A_336, %dma_wait3A_337] : memref<79x128xi32, #tpu.memory_space<vmem>> -> memref<1x16xi32, #tpu.memory_space<vmem>>
    %dma_wait3A_339 = tpu.memref_squeeze %dma_wait3A_338 : memref<1x16xi32, #tpu.memory_space<vmem>> -> memref<16xi32, #tpu.memory_space<vmem>>
    %dma_wait3A_340 = arith.constant 0 : i32
    %dma_wait3A_341 = arith.constant 0 : i32
    %dma_wait3A_342 = tpu.memref_slice %arg2[%dma_wait3A_340, %dma_wait3A_341] : memref<10000x128xf32, #tpu.memory_space<hbm>> -> memref<10000x128xf32, #tpu.memory_space<hbm>>
    tpu.wait_indirect_dma semaphore(%arg26 : memref<!tpu.dma_semaphore, #tpu.memory_space<semaphore_mem>>) src(%dma_wait3A_342 : memref<10000x128xf32, #tpu.memory_space<hbm>>) dst(%arg17 : memref<16x128xf32, #tpu.memory_space<vmem>>)
    %run_scoped3A_343 = arith.constant 78 : i32
    "tpu.region"() ({
      %run_scoped3A_519 = tpu.sem_alloc : memref<!tpu.dma_semaphore, #tpu.memory_space<semaphore_mem>>
      %dma_start3A_520 = arith.constant 48 : i32
      %dma_start3A_521 = tpu.memref_slice %arg13[%run_scoped3A_343, %dma_start3A_520] : memref<79x128xi32, #tpu.memory_space<vmem>> -> memref<1x16xi32, #tpu.memory_space<vmem>>
      %dma_start3A_522 = tpu.memref_squeeze %dma_start3A_521 : memref<1x16xi32, #tpu.memory_space<vmem>> -> memref<16xi32, #tpu.memory_space<vmem>>
      %dma_start3A_523 = arith.constant 0 : i32
      %dma_start3A_524 = arith.constant 0 : i32
      %dma_start3A_525 = tpu.memref_slice %arg22[%dma_start3A_523, %dma_start3A_524] : memref<10112x128xf32, #tpu.memory_space<vmem_shared>> -> memref<10112x128xf32, #tpu.memory_space<vmem_shared>>
      tpu.enqueue_indirect_dma source(%arg17 : memref<16x128xf32, #tpu.memory_space<vmem>>) target(%dma_start3A_525 : memref<10112x128xf32, #tpu.memory_space<vmem_shared>>) offsets(%dma_start3A_522 : memref<16xi32, #tpu.memory_space<vmem>>) semaphore(%run_scoped3A_519 : memref<!tpu.dma_semaphore, #tpu.memory_space<semaphore_mem>>) {add = true}
      %dma_wait3A_526 = arith.constant 48 : i32
      %dma_wait3A_527 = tpu.memref_slice %arg13[%run_scoped3A_343, %dma_wait3A_526] : memref<79x128xi32, #tpu.memory_space<vmem>> -> memref<1x16xi32, #tpu.memory_space<vmem>>
      %dma_wait3A_528 = tpu.memref_squeeze %dma_wait3A_527 : memref<1x16xi32, #tpu.memory_space<vmem>> -> memref<16xi32, #tpu.memory_space<vmem>>
      %dma_wait3A_529 = arith.constant 0 : i32
      %dma_wait3A_530 = arith.constant 0 : i32
      %dma_wait3A_531 = tpu.memref_slice %arg22[%dma_wait3A_529, %dma_wait3A_530] : memref<10112x128xf32, #tpu.memory_space<vmem_shared>> -> memref<10112x128xf32, #tpu.memory_space<vmem_shared>>
      tpu.wait_indirect_dma semaphore(%run_scoped3A_519 : memref<!tpu.dma_semaphore, #tpu.memory_space<semaphore_mem>>) src(%arg17 : memref<16x128xf32, #tpu.memory_space<vmem>>) dst(%dma_wait3A_531 : memref<10112x128xf32, #tpu.memory_space<vmem_shared>>)
      tpu.yield
    }) : () -> ()
    %dma_wait3A_344 = arith.constant 78 : i32
    %dma_wait3A_345 = arith.constant 64 : i32
    %dma_wait3A_346 = tpu.memref_slice %arg12[%dma_wait3A_344, %dma_wait3A_345] : memref<79x128xi32, #tpu.memory_space<vmem>> -> memref<1x16xi32, #tpu.memory_space<vmem>>
    %dma_wait3A_347 = tpu.memref_squeeze %dma_wait3A_346 : memref<1x16xi32, #tpu.memory_space<vmem>> -> memref<16xi32, #tpu.memory_space<vmem>>
    %dma_wait3A_348 = arith.constant 0 : i32
    %dma_wait3A_349 = arith.constant 0 : i32
    %dma_wait3A_350 = tpu.memref_slice %arg2[%dma_wait3A_348, %dma_wait3A_349] : memref<10000x128xf32, #tpu.memory_space<hbm>> -> memref<10000x128xf32, #tpu.memory_space<hbm>>
    tpu.wait_indirect_dma semaphore(%arg27 : memref<!tpu.dma_semaphore, #tpu.memory_space<semaphore_mem>>) src(%dma_wait3A_350 : memref<10000x128xf32, #tpu.memory_space<hbm>>) dst(%arg18 : memref<16x128xf32, #tpu.memory_space<vmem>>)
    %run_scoped3A_351 = arith.constant 78 : i32
    "tpu.region"() ({
      %run_scoped3A_519 = tpu.sem_alloc : memref<!tpu.dma_semaphore, #tpu.memory_space<semaphore_mem>>
      %dma_start3A_520 = arith.constant 64 : i32
      %dma_start3A_521 = tpu.memref_slice %arg13[%run_scoped3A_351, %dma_start3A_520] : memref<79x128xi32, #tpu.memory_space<vmem>> -> memref<1x16xi32, #tpu.memory_space<vmem>>
      %dma_start3A_522 = tpu.memref_squeeze %dma_start3A_521 : memref<1x16xi32, #tpu.memory_space<vmem>> -> memref<16xi32, #tpu.memory_space<vmem>>
      %dma_start3A_523 = arith.constant 0 : i32
      %dma_start3A_524 = arith.constant 0 : i32
      %dma_start3A_525 = tpu.memref_slice %arg22[%dma_start3A_523, %dma_start3A_524] : memref<10112x128xf32, #tpu.memory_space<vmem_shared>> -> memref<10112x128xf32, #tpu.memory_space<vmem_shared>>
      tpu.enqueue_indirect_dma source(%arg18 : memref<16x128xf32, #tpu.memory_space<vmem>>) target(%dma_start3A_525 : memref<10112x128xf32, #tpu.memory_space<vmem_shared>>) offsets(%dma_start3A_522 : memref<16xi32, #tpu.memory_space<vmem>>) semaphore(%run_scoped3A_519 : memref<!tpu.dma_semaphore, #tpu.memory_space<semaphore_mem>>) {add = true}
      %dma_wait3A_526 = arith.constant 64 : i32
      %dma_wait3A_527 = tpu.memref_slice %arg13[%run_scoped3A_351, %dma_wait3A_526] : memref<79x128xi32, #tpu.memory_space<vmem>> -> memref<1x16xi32, #tpu.memory_space<vmem>>
      %dma_wait3A_528 = tpu.memref_squeeze %dma_wait3A_527 : memref<1x16xi32, #tpu.memory_space<vmem>> -> memref<16xi32, #tpu.memory_space<vmem>>
      %dma_wait3A_529 = arith.constant 0 : i32
      %dma_wait3A_530 = arith.constant 0 : i32
      %dma_wait3A_531 = tpu.memref_slice %arg22[%dma_wait3A_529, %dma_wait3A_530] : memref<10112x128xf32, #tpu.memory_space<vmem_shared>> -> memref<10112x128xf32, #tpu.memory_space<vmem_shared>>
      tpu.wait_indirect_dma semaphore(%run_scoped3A_519 : memref<!tpu.dma_semaphore, #tpu.memory_space<semaphore_mem>>) src(%arg18 : memref<16x128xf32, #tpu.memory_space<vmem>>) dst(%dma_wait3A_531 : memref<10112x128xf32, #tpu.memory_space<vmem_shared>>)
      tpu.yield
    }) : () -> ()
    %dma_wait3A_352 = arith.constant 78 : i32
    %dma_wait3A_353 = arith.constant 80 : i32
    %dma_wait3A_354 = tpu.memref_slice %arg12[%dma_wait3A_352, %dma_wait3A_353] : memref<79x128xi32, #tpu.memory_space<vmem>> -> memref<1x16xi32, #tpu.memory_space<vmem>>
    %dma_wait3A_355 = tpu.memref_squeeze %dma_wait3A_354 : memref<1x16xi32, #tpu.memory_space<vmem>> -> memref<16xi32, #tpu.memory_space<vmem>>
    %dma_wait3A_356 = arith.constant 0 : i32
    %dma_wait3A_357 = arith.constant 0 : i32
    %dma_wait3A_358 = tpu.memref_slice %arg2[%dma_wait3A_356, %dma_wait3A_357] : memref<10000x128xf32, #tpu.memory_space<hbm>> -> memref<10000x128xf32, #tpu.memory_space<hbm>>
    tpu.wait_indirect_dma semaphore(%arg28 : memref<!tpu.dma_semaphore, #tpu.memory_space<semaphore_mem>>) src(%dma_wait3A_358 : memref<10000x128xf32, #tpu.memory_space<hbm>>) dst(%arg19 : memref<16x128xf32, #tpu.memory_space<vmem>>)
    %run_scoped3A_359 = arith.constant 78 : i32
    "tpu.region"() ({
      %run_scoped3A_519 = tpu.sem_alloc : memref<!tpu.dma_semaphore, #tpu.memory_space<semaphore_mem>>
      %dma_start3A_520 = arith.constant 80 : i32
      %dma_start3A_521 = tpu.memref_slice %arg13[%run_scoped3A_359, %dma_start3A_520] : memref<79x128xi32, #tpu.memory_space<vmem>> -> memref<1x16xi32, #tpu.memory_space<vmem>>
      %dma_start3A_522 = tpu.memref_squeeze %dma_start3A_521 : memref<1x16xi32, #tpu.memory_space<vmem>> -> memref<16xi32, #tpu.memory_space<vmem>>
      %dma_start3A_523 = arith.constant 0 : i32
      %dma_start3A_524 = arith.constant 0 : i32
      %dma_start3A_525 = tpu.memref_slice %arg22[%dma_start3A_523, %dma_start3A_524] : memref<10112x128xf32, #tpu.memory_space<vmem_shared>> -> memref<10112x128xf32, #tpu.memory_space<vmem_shared>>
      tpu.enqueue_indirect_dma source(%arg19 : memref<16x128xf32, #tpu.memory_space<vmem>>) target(%dma_start3A_525 : memref<10112x128xf32, #tpu.memory_space<vmem_shared>>) offsets(%dma_start3A_522 : memref<16xi32, #tpu.memory_space<vmem>>) semaphore(%run_scoped3A_519 : memref<!tpu.dma_semaphore, #tpu.memory_space<semaphore_mem>>) {add = true}
      %dma_wait3A_526 = arith.constant 80 : i32
      %dma_wait3A_527 = tpu.memref_slice %arg13[%run_scoped3A_359, %dma_wait3A_526] : memref<79x128xi32, #tpu.memory_space<vmem>> -> memref<1x16xi32, #tpu.memory_space<vmem>>
      %dma_wait3A_528 = tpu.memref_squeeze %dma_wait3A_527 : memref<1x16xi32, #tpu.memory_space<vmem>> -> memref<16xi32, #tpu.memory_space<vmem>>
      %dma_wait3A_529 = arith.constant 0 : i32
      %dma_wait3A_530 = arith.constant 0 : i32
      %dma_wait3A_531 = tpu.memref_slice %arg22[%dma_wait3A_529, %dma_wait3A_530] : memref<10112x128xf32, #tpu.memory_space<vmem_shared>> -> memref<10112x128xf32, #tpu.memory_space<vmem_shared>>
      tpu.wait_indirect_dma semaphore(%run_scoped3A_519 : memref<!tpu.dma_semaphore, #tpu.memory_space<semaphore_mem>>) src(%arg19 : memref<16x128xf32, #tpu.memory_space<vmem>>) dst(%dma_wait3A_531 : memref<10112x128xf32, #tpu.memory_space<vmem_shared>>)
      tpu.yield
    }) : () -> ()
    %dma_wait3A_360 = arith.constant 78 : i32
    %dma_wait3A_361 = arith.constant 96 : i32
    %dma_wait3A_362 = tpu.memref_slice %arg12[%dma_wait3A_360, %dma_wait3A_361] : memref<79x128xi32, #tpu.memory_space<vmem>> -> memref<1x16xi32, #tpu.memory_space<vmem>>
    %dma_wait3A_363 = tpu.memref_squeeze %dma_wait3A_362 : memref<1x16xi32, #tpu.memory_space<vmem>> -> memref<16xi32, #tpu.memory_space<vmem>>
    %dma_wait3A_364 = arith.constant 0 : i32
    %dma_wait3A_365 = arith.constant 0 : i32
    %dma_wait3A_366 = tpu.memref_slice %arg2[%dma_wait3A_364, %dma_wait3A_365] : memref<10000x128xf32, #tpu.memory_space<hbm>> -> memref<10000x128xf32, #tpu.memory_space<hbm>>
    tpu.wait_indirect_dma semaphore(%arg29 : memref<!tpu.dma_semaphore, #tpu.memory_space<semaphore_mem>>) src(%dma_wait3A_366 : memref<10000x128xf32, #tpu.memory_space<hbm>>) dst(%arg20 : memref<16x128xf32, #tpu.memory_space<vmem>>)
    %run_scoped3A_367 = arith.constant 78 : i32
    "tpu.region"() ({
      %run_scoped3A_519 = tpu.sem_alloc : memref<!tpu.dma_semaphore, #tpu.memory_space<semaphore_mem>>
      %dma_start3A_520 = arith.constant 96 : i32
      %dma_start3A_521 = tpu.memref_slice %arg13[%run_scoped3A_367, %dma_start3A_520] : memref<79x128xi32, #tpu.memory_space<vmem>> -> memref<1x16xi32, #tpu.memory_space<vmem>>
      %dma_start3A_522 = tpu.memref_squeeze %dma_start3A_521 : memref<1x16xi32, #tpu.memory_space<vmem>> -> memref<16xi32, #tpu.memory_space<vmem>>
      %dma_start3A_523 = arith.constant 0 : i32
      %dma_start3A_524 = arith.constant 0 : i32
      %dma_start3A_525 = tpu.memref_slice %arg22[%dma_start3A_523, %dma_start3A_524] : memref<10112x128xf32, #tpu.memory_space<vmem_shared>> -> memref<10112x128xf32, #tpu.memory_space<vmem_shared>>
      tpu.enqueue_indirect_dma source(%arg20 : memref<16x128xf32, #tpu.memory_space<vmem>>) target(%dma_start3A_525 : memref<10112x128xf32, #tpu.memory_space<vmem_shared>>) offsets(%dma_start3A_522 : memref<16xi32, #tpu.memory_space<vmem>>) semaphore(%run_scoped3A_519 : memref<!tpu.dma_semaphore, #tpu.memory_space<semaphore_mem>>) {add = true}
      %dma_wait3A_526 = arith.constant 96 : i32
      %dma_wait3A_527 = tpu.memref_slice %arg13[%run_scoped3A_367, %dma_wait3A_526] : memref<79x128xi32, #tpu.memory_space<vmem>> -> memref<1x16xi32, #tpu.memory_space<vmem>>
      %dma_wait3A_528 = tpu.memref_squeeze %dma_wait3A_527 : memref<1x16xi32, #tpu.memory_space<vmem>> -> memref<16xi32, #tpu.memory_space<vmem>>
      %dma_wait3A_529 = arith.constant 0 : i32
      %dma_wait3A_530 = arith.constant 0 : i32
      %dma_wait3A_531 = tpu.memref_slice %arg22[%dma_wait3A_529, %dma_wait3A_530] : memref<10112x128xf32, #tpu.memory_space<vmem_shared>> -> memref<10112x128xf32, #tpu.memory_space<vmem_shared>>
      tpu.wait_indirect_dma semaphore(%run_scoped3A_519 : memref<!tpu.dma_semaphore, #tpu.memory_space<semaphore_mem>>) src(%arg20 : memref<16x128xf32, #tpu.memory_space<vmem>>) dst(%dma_wait3A_531 : memref<10112x128xf32, #tpu.memory_space<vmem_shared>>)
      tpu.yield
    }) : () -> ()
    %dma_wait3A_368 = arith.constant 78 : i32
    %dma_wait3A_369 = arith.constant 112 : i32
    %dma_wait3A_370 = tpu.memref_slice %arg12[%dma_wait3A_368, %dma_wait3A_369] : memref<79x128xi32, #tpu.memory_space<vmem>> -> memref<1x16xi32, #tpu.memory_space<vmem>>
    %dma_wait3A_371 = tpu.memref_squeeze %dma_wait3A_370 : memref<1x16xi32, #tpu.memory_space<vmem>> -> memref<16xi32, #tpu.memory_space<vmem>>
    %dma_wait3A_372 = arith.constant 0 : i32
    %dma_wait3A_373 = arith.constant 0 : i32
    %dma_wait3A_374 = tpu.memref_slice %arg2[%dma_wait3A_372, %dma_wait3A_373] : memref<10000x128xf32, #tpu.memory_space<hbm>> -> memref<10000x128xf32, #tpu.memory_space<hbm>>
    tpu.wait_indirect_dma semaphore(%arg30 : memref<!tpu.dma_semaphore, #tpu.memory_space<semaphore_mem>>) src(%dma_wait3A_374 : memref<10000x128xf32, #tpu.memory_space<hbm>>) dst(%arg21 : memref<16x128xf32, #tpu.memory_space<vmem>>)
    %run_scoped3A_375 = arith.constant 78 : i32
    "tpu.region"() ({
      %run_scoped3A_519 = tpu.sem_alloc : memref<!tpu.dma_semaphore, #tpu.memory_space<semaphore_mem>>
      %dma_start3A_520 = arith.constant 112 : i32
      %dma_start3A_521 = tpu.memref_slice %arg13[%run_scoped3A_375, %dma_start3A_520] : memref<79x128xi32, #tpu.memory_space<vmem>> -> memref<1x16xi32, #tpu.memory_space<vmem>>
      %dma_start3A_522 = tpu.memref_squeeze %dma_start3A_521 : memref<1x16xi32, #tpu.memory_space<vmem>> -> memref<16xi32, #tpu.memory_space<vmem>>
      %dma_start3A_523 = arith.constant 0 : i32
      %dma_start3A_524 = arith.constant 0 : i32
      %dma_start3A_525 = tpu.memref_slice %arg22[%dma_start3A_523, %dma_start3A_524] : memref<10112x128xf32, #tpu.memory_space<vmem_shared>> -> memref<10112x128xf32, #tpu.memory_space<vmem_shared>>
      tpu.enqueue_indirect_dma source(%arg21 : memref<16x128xf32, #tpu.memory_space<vmem>>) target(%dma_start3A_525 : memref<10112x128xf32, #tpu.memory_space<vmem_shared>>) offsets(%dma_start3A_522 : memref<16xi32, #tpu.memory_space<vmem>>) semaphore(%run_scoped3A_519 : memref<!tpu.dma_semaphore, #tpu.memory_space<semaphore_mem>>) {add = true}
      %dma_wait3A_526 = arith.constant 112 : i32
      %dma_wait3A_527 = tpu.memref_slice %arg13[%run_scoped3A_375, %dma_wait3A_526] : memref<79x128xi32, #tpu.memory_space<vmem>> -> memref<1x16xi32, #tpu.memory_space<vmem>>
      %dma_wait3A_528 = tpu.memref_squeeze %dma_wait3A_527 : memref<1x16xi32, #tpu.memory_space<vmem>> -> memref<16xi32, #tpu.memory_space<vmem>>
      %dma_wait3A_529 = arith.constant 0 : i32
      %dma_wait3A_530 = arith.constant 0 : i32
      %dma_wait3A_531 = tpu.memref_slice %arg22[%dma_wait3A_529, %dma_wait3A_530] : memref<10112x128xf32, #tpu.memory_space<vmem_shared>> -> memref<10112x128xf32, #tpu.memory_space<vmem_shared>>
      tpu.wait_indirect_dma semaphore(%run_scoped3A_519 : memref<!tpu.dma_semaphore, #tpu.memory_space<semaphore_mem>>) src(%arg21 : memref<16x128xf32, #tpu.memory_space<vmem>>) dst(%dma_wait3A_531 : memref<10112x128xf32, #tpu.memory_space<vmem_shared>>)
      tpu.yield
    }) : () -> ()
    %barrier3A_376 = arith.constant 0 : index
    tpu.barrier barrier_id(%barrier3A_376)
    %mul3A_377 = arith.constant 632 : i32
    %mul3A_378 = arith.muli %arg1, %mul3A_377 : i32
    %mul3A_379 = arith.constant 632 : i32
    %mul3A_380 = arith.muli %arg1, %mul3A_379 : i32
    "tpu.region"() ({
      %run_scoped3A_519 = tpu.sem_alloc : memref<!tpu.dma_semaphore, #tpu.memory_space<semaphore_mem>>
      %dma_start3A_520 = arith.constant 0 : i32
      %dma_start3A_521 = tpu.memref_slice %arg10[%arg0, %mul3A_380, %dma_start3A_520] : memref<2x10112x128xf32, #tpu.memory_space<hbm>> -> memref<1x632x128xf32, #tpu.memory_space<hbm>>
      %dma_start3A_522 = tpu.memref_squeeze %dma_start3A_521 : memref<1x632x128xf32, #tpu.memory_space<hbm>> -> memref<632x128xf32, #tpu.memory_space<hbm>>
      %dma_start3A_523 = arith.constant 0 : i32
      %dma_start3A_524 = tpu.memref_slice %arg22[%mul3A_378, %dma_start3A_523] : memref<10112x128xf32, #tpu.memory_space<vmem_shared>> -> memref<632x128xf32, #tpu.memory_space<vmem_shared>>
      tpu.enqueue_dma source(%dma_start3A_524 : memref<632x128xf32, #tpu.memory_space<vmem_shared>>) target(%dma_start3A_522 : memref<632x128xf32, #tpu.memory_space<hbm>>) target_semaphore(%run_scoped3A_519 : memref<!tpu.dma_semaphore, #tpu.memory_space<semaphore_mem>>)
      %dma_wait3A_525 = arith.constant 0 : i32
      %dma_wait3A_526 = tpu.memref_slice %arg10[%arg0, %mul3A_380, %dma_wait3A_525] : memref<2x10112x128xf32, #tpu.memory_space<hbm>> -> memref<1x632x128xf32, #tpu.memory_space<hbm>>
      %dma_wait3A_527 = tpu.memref_squeeze %dma_wait3A_526 : memref<1x632x128xf32, #tpu.memory_space<hbm>> -> memref<632x128xf32, #tpu.memory_space<hbm>>
      %dma_wait3A_528 = arith.constant 0 : i32
      %dma_wait3A_529 = tpu.memref_slice %arg22[%mul3A_378, %dma_wait3A_528] : memref<10112x128xf32, #tpu.memory_space<vmem_shared>> -> memref<632x128xf32, #tpu.memory_space<vmem_shared>>
      tpu.wait_dma2 semaphore(%run_scoped3A_519 : memref<!tpu.dma_semaphore, #tpu.memory_space<semaphore_mem>>) src(%dma_wait3A_529 : memref<632x128xf32, #tpu.memory_space<vmem_shared>>) dst(%dma_wait3A_527 : memref<632x128xf32, #tpu.memory_space<hbm>>)
      tpu.yield
    }) : () -> ()
    %barrier3A_381 = arith.constant 0 : index
    tpu.barrier barrier_id(%barrier3A_381)
    "tpu.region"() ({
      %run_scoped3A_519 = tpu.sem_alloc : memref<!tpu.dma_semaphore, #tpu.memory_space<semaphore_mem>>
      %dma_start3A_520 = arith.constant 0 : i32
      %dma_start3A_521 = arith.constant 0 : i32
      %dma_start3A_522 = tpu.memref_slice %arg5[%add3A, %dma_start3A_520, %dma_start3A_521] : memref<32x79x128xi32, #tpu.memory_space<hbm>> -> memref<1x79x128xi32, #tpu.memory_space<hbm>>
      %dma_start3A_523 = tpu.memref_squeeze %dma_start3A_522 : memref<1x79x128xi32, #tpu.memory_space<hbm>> -> memref<79x128xi32, #tpu.memory_space<hbm>>
      %dma_start3A_524 = arith.constant 0 : i32
      %dma_start3A_525 = arith.constant 0 : i32
      %dma_start3A_526 = tpu.memref_slice %arg5[%add3A, %dma_start3A_524, %dma_start3A_525] : memref<32x79x128xi32, #tpu.memory_space<hbm>> -> memref<1x79x128xi32, #tpu.memory_space<hbm>>
      %dma_start3A_527 = tpu.memref_squeeze %dma_start3A_526 : memref<1x79x128xi32, #tpu.memory_space<hbm>> -> memref<79x128xi32, #tpu.memory_space<hbm>>
      tpu.enqueue_dma source(%dma_start3A_527 : memref<79x128xi32, #tpu.memory_space<hbm>>) target(%arg12 : memref<79x128xi32, #tpu.memory_space<vmem>>) target_semaphore(%run_scoped3A_519 : memref<!tpu.dma_semaphore, #tpu.memory_space<semaphore_mem>>)
      %dma_wait3A_528 = arith.constant 0 : i32
      %dma_wait3A_529 = arith.constant 0 : i32
      %dma_wait3A_530 = tpu.memref_slice %arg5[%add3A, %dma_wait3A_528, %dma_wait3A_529] : memref<32x79x128xi32, #tpu.memory_space<hbm>> -> memref<1x79x128xi32, #tpu.memory_space<hbm>>
      %dma_wait3A_531 = tpu.memref_squeeze %dma_wait3A_530 : memref<1x79x128xi32, #tpu.memory_space<hbm>> -> memref<79x128xi32, #tpu.memory_space<hbm>>
      %dma_wait3A_532 = arith.constant 0 : i32
      %dma_wait3A_533 = arith.constant 0 : i32
      %dma_wait3A_534 = tpu.memref_slice %arg5[%add3A, %dma_wait3A_532, %dma_wait3A_533] : memref<32x79x128xi32, #tpu.memory_space<hbm>> -> memref<1x79x128xi32, #tpu.memory_space<hbm>>
      %dma_wait3A_535 = tpu.memref_squeeze %dma_wait3A_534 : memref<1x79x128xi32, #tpu.memory_space<hbm>> -> memref<79x128xi32, #tpu.memory_space<hbm>>
      tpu.wait_dma2 semaphore(%run_scoped3A_519 : memref<!tpu.dma_semaphore, #tpu.memory_space<semaphore_mem>>) src(%dma_wait3A_535 : memref<79x128xi32, #tpu.memory_space<hbm>>) dst(%arg12 : memref<79x128xi32, #tpu.memory_space<vmem>>)
      tpu.yield
    }) : () -> ()
    "tpu.region"() ({
      %run_scoped3A_519 = tpu.sem_alloc : memref<!tpu.dma_semaphore, #tpu.memory_space<semaphore_mem>>
      %dma_start3A_520 = arith.constant 0 : i32
      %dma_start3A_521 = arith.constant 0 : i32
      %dma_start3A_522 = tpu.memref_slice %arg6[%add3A, %dma_start3A_520, %dma_start3A_521] : memref<32x79x128xi32, #tpu.memory_space<hbm>> -> memref<1x79x128xi32, #tpu.memory_space<hbm>>
      %dma_start3A_523 = tpu.memref_squeeze %dma_start3A_522 : memref<1x79x128xi32, #tpu.memory_space<hbm>> -> memref<79x128xi32, #tpu.memory_space<hbm>>
      %dma_start3A_524 = arith.constant 0 : i32
      %dma_start3A_525 = arith.constant 0 : i32
      %dma_start3A_526 = tpu.memref_slice %arg6[%add3A, %dma_start3A_524, %dma_start3A_525] : memref<32x79x128xi32, #tpu.memory_space<hbm>> -> memref<1x79x128xi32, #tpu.memory_space<hbm>>
      %dma_start3A_527 = tpu.memref_squeeze %dma_start3A_526 : memref<1x79x128xi32, #tpu.memory_space<hbm>> -> memref<79x128xi32, #tpu.memory_space<hbm>>
      tpu.enqueue_dma source(%dma_start3A_527 : memref<79x128xi32, #tpu.memory_space<hbm>>) target(%arg13 : memref<79x128xi32, #tpu.memory_space<vmem>>) target_semaphore(%run_scoped3A_519 : memref<!tpu.dma_semaphore, #tpu.memory_space<semaphore_mem>>)
      %dma_wait3A_528 = arith.constant 0 : i32
      %dma_wait3A_529 = arith.constant 0 : i32
      %dma_wait3A_530 = tpu.memref_slice %arg6[%add3A, %dma_wait3A_528, %dma_wait3A_529] : memref<32x79x128xi32, #tpu.memory_space<hbm>> -> memref<1x79x128xi32, #tpu.memory_space<hbm>>
      %dma_wait3A_531 = tpu.memref_squeeze %dma_wait3A_530 : memref<1x79x128xi32, #tpu.memory_space<hbm>> -> memref<79x128xi32, #tpu.memory_space<hbm>>
      %dma_wait3A_532 = arith.constant 0 : i32
      %dma_wait3A_533 = arith.constant 0 : i32
      %dma_wait3A_534 = tpu.memref_slice %arg6[%add3A, %dma_wait3A_532, %dma_wait3A_533] : memref<32x79x128xi32, #tpu.memory_space<hbm>> -> memref<1x79x128xi32, #tpu.memory_space<hbm>>
      %dma_wait3A_535 = tpu.memref_squeeze %dma_wait3A_534 : memref<1x79x128xi32, #tpu.memory_space<hbm>> -> memref<79x128xi32, #tpu.memory_space<hbm>>
      tpu.wait_dma2 semaphore(%run_scoped3A_519 : memref<!tpu.dma_semaphore, #tpu.memory_space<semaphore_mem>>) src(%dma_wait3A_535 : memref<79x128xi32, #tpu.memory_space<hbm>>) dst(%arg13 : memref<79x128xi32, #tpu.memory_space<vmem>>)
      tpu.yield
    }) : () -> ()
    %mul3A_382 = arith.constant 632 : i32
    %mul3A_383 = arith.muli %arg1, %mul3A_382 : i32
    %mul3A_384 = arith.constant 632 : i32
    %mul3A_385 = arith.muli %arg1, %mul3A_384 : i32
    "tpu.region"() ({
      %run_scoped3A_519 = tpu.sem_alloc : memref<!tpu.dma_semaphore, #tpu.memory_space<semaphore_mem>>
      %dma_start3A_520 = arith.constant 0 : i32
      %dma_start3A_521 = tpu.memref_slice %arg22[%mul3A_385, %dma_start3A_520] : memref<10112x128xf32, #tpu.memory_space<vmem_shared>> -> memref<632x128xf32, #tpu.memory_space<vmem_shared>>
      %dma_start3A_522 = arith.constant 0 : i32
      %dma_start3A_523 = tpu.memref_slice %arg7[%mul3A_383, %dma_start3A_522] : memref<10112x128xf32, #tpu.memory_space<hbm>> -> memref<632x128xf32, #tpu.memory_space<hbm>>
      tpu.enqueue_dma source(%dma_start3A_523 : memref<632x128xf32, #tpu.memory_space<hbm>>) target(%dma_start3A_521 : memref<632x128xf32, #tpu.memory_space<vmem_shared>>) target_semaphore(%run_scoped3A_519 : memref<!tpu.dma_semaphore, #tpu.memory_space<semaphore_mem>>)
      %dma_wait3A_524 = arith.constant 0 : i32
      %dma_wait3A_525 = tpu.memref_slice %arg22[%mul3A_385, %dma_wait3A_524] : memref<10112x128xf32, #tpu.memory_space<vmem_shared>> -> memref<632x128xf32, #tpu.memory_space<vmem_shared>>
      %dma_wait3A_526 = arith.constant 0 : i32
      %dma_wait3A_527 = tpu.memref_slice %arg7[%mul3A_383, %dma_wait3A_526] : memref<10112x128xf32, #tpu.memory_space<hbm>> -> memref<632x128xf32, #tpu.memory_space<hbm>>
      tpu.wait_dma2 semaphore(%run_scoped3A_519 : memref<!tpu.dma_semaphore, #tpu.memory_space<semaphore_mem>>) src(%dma_wait3A_527 : memref<632x128xf32, #tpu.memory_space<hbm>>) dst(%dma_wait3A_525 : memref<632x128xf32, #tpu.memory_space<vmem_shared>>)
      tpu.yield
    }) : () -> ()
    %barrier3A_386 = arith.constant 0 : index
    tpu.barrier barrier_id(%barrier3A_386)
    %dma_start3A_387 = arith.constant 0 : i32
    %dma_start3A_388 = arith.constant 0 : i32
    %dma_start3A_389 = tpu.memref_slice %arg12[%dma_start3A_387, %dma_start3A_388] : memref<79x128xi32, #tpu.memory_space<vmem>> -> memref<1x16xi32, #tpu.memory_space<vmem>>
    %dma_start3A_390 = tpu.memref_squeeze %dma_start3A_389 : memref<1x16xi32, #tpu.memory_space<vmem>> -> memref<16xi32, #tpu.memory_space<vmem>>
    %dma_start3A_391 = arith.constant 0 : i32
    %dma_start3A_392 = arith.constant 0 : i32
    %dma_start3A_393 = tpu.memref_slice %arg2[%dma_start3A_391, %dma_start3A_392] : memref<10000x128xf32, #tpu.memory_space<hbm>> -> memref<10000x128xf32, #tpu.memory_space<hbm>>
    tpu.enqueue_indirect_dma source(%dma_start3A_393 : memref<10000x128xf32, #tpu.memory_space<hbm>>) target(%arg14 : memref<16x128xf32, #tpu.memory_space<vmem>>) offsets(%dma_start3A_390 : memref<16xi32, #tpu.memory_space<vmem>>) semaphore(%arg23 : memref<!tpu.dma_semaphore, #tpu.memory_space<semaphore_mem>>)
    %dma_start3A_394 = arith.constant 0 : i32
    %dma_start3A_395 = arith.constant 16 : i32
    %dma_start3A_396 = tpu.memref_slice %arg12[%dma_start3A_394, %dma_start3A_395] : memref<79x128xi32, #tpu.memory_space<vmem>> -> memref<1x16xi32, #tpu.memory_space<vmem>>
    %dma_start3A_397 = tpu.memref_squeeze %dma_start3A_396 : memref<1x16xi32, #tpu.memory_space<vmem>> -> memref<16xi32, #tpu.memory_space<vmem>>
    %dma_start3A_398 = arith.constant 0 : i32
    %dma_start3A_399 = arith.constant 0 : i32
    %dma_start3A_400 = tpu.memref_slice %arg2[%dma_start3A_398, %dma_start3A_399] : memref<10000x128xf32, #tpu.memory_space<hbm>> -> memref<10000x128xf32, #tpu.memory_space<hbm>>
    tpu.enqueue_indirect_dma source(%dma_start3A_400 : memref<10000x128xf32, #tpu.memory_space<hbm>>) target(%arg15 : memref<16x128xf32, #tpu.memory_space<vmem>>) offsets(%dma_start3A_397 : memref<16xi32, #tpu.memory_space<vmem>>) semaphore(%arg24 : memref<!tpu.dma_semaphore, #tpu.memory_space<semaphore_mem>>)
    %dma_start3A_401 = arith.constant 0 : i32
    %dma_start3A_402 = arith.constant 32 : i32
    %dma_start3A_403 = tpu.memref_slice %arg12[%dma_start3A_401, %dma_start3A_402] : memref<79x128xi32, #tpu.memory_space<vmem>> -> memref<1x16xi32, #tpu.memory_space<vmem>>
    %dma_start3A_404 = tpu.memref_squeeze %dma_start3A_403 : memref<1x16xi32, #tpu.memory_space<vmem>> -> memref<16xi32, #tpu.memory_space<vmem>>
    %dma_start3A_405 = arith.constant 0 : i32
    %dma_start3A_406 = arith.constant 0 : i32
    %dma_start3A_407 = tpu.memref_slice %arg2[%dma_start3A_405, %dma_start3A_406] : memref<10000x128xf32, #tpu.memory_space<hbm>> -> memref<10000x128xf32, #tpu.memory_space<hbm>>
    tpu.enqueue_indirect_dma source(%dma_start3A_407 : memref<10000x128xf32, #tpu.memory_space<hbm>>) target(%arg16 : memref<16x128xf32, #tpu.memory_space<vmem>>) offsets(%dma_start3A_404 : memref<16xi32, #tpu.memory_space<vmem>>) semaphore(%arg25 : memref<!tpu.dma_semaphore, #tpu.memory_space<semaphore_mem>>)
    %dma_start3A_408 = arith.constant 0 : i32
    %dma_start3A_409 = arith.constant 48 : i32
    %dma_start3A_410 = tpu.memref_slice %arg12[%dma_start3A_408, %dma_start3A_409] : memref<79x128xi32, #tpu.memory_space<vmem>> -> memref<1x16xi32, #tpu.memory_space<vmem>>
    %dma_start3A_411 = tpu.memref_squeeze %dma_start3A_410 : memref<1x16xi32, #tpu.memory_space<vmem>> -> memref<16xi32, #tpu.memory_space<vmem>>
    %dma_start3A_412 = arith.constant 0 : i32
    %dma_start3A_413 = arith.constant 0 : i32
    %dma_start3A_414 = tpu.memref_slice %arg2[%dma_start3A_412, %dma_start3A_413] : memref<10000x128xf32, #tpu.memory_space<hbm>> -> memref<10000x128xf32, #tpu.memory_space<hbm>>
    tpu.enqueue_indirect_dma source(%dma_start3A_414 : memref<10000x128xf32, #tpu.memory_space<hbm>>) target(%arg17 : memref<16x128xf32, #tpu.memory_space<vmem>>) offsets(%dma_start3A_411 : memref<16xi32, #tpu.memory_space<vmem>>) semaphore(%arg26 : memref<!tpu.dma_semaphore, #tpu.memory_space<semaphore_mem>>)
    %dma_start3A_415 = arith.constant 0 : i32
    %dma_start3A_416 = arith.constant 64 : i32
    %dma_start3A_417 = tpu.memref_slice %arg12[%dma_start3A_415, %dma_start3A_416] : memref<79x128xi32, #tpu.memory_space<vmem>> -> memref<1x16xi32, #tpu.memory_space<vmem>>
    %dma_start3A_418 = tpu.memref_squeeze %dma_start3A_417 : memref<1x16xi32, #tpu.memory_space<vmem>> -> memref<16xi32, #tpu.memory_space<vmem>>
    %dma_start3A_419 = arith.constant 0 : i32
    %dma_start3A_420 = arith.constant 0 : i32
    %dma_start3A_421 = tpu.memref_slice %arg2[%dma_start3A_419, %dma_start3A_420] : memref<10000x128xf32, #tpu.memory_space<hbm>> -> memref<10000x128xf32, #tpu.memory_space<hbm>>
    tpu.enqueue_indirect_dma source(%dma_start3A_421 : memref<10000x128xf32, #tpu.memory_space<hbm>>) target(%arg18 : memref<16x128xf32, #tpu.memory_space<vmem>>) offsets(%dma_start3A_418 : memref<16xi32, #tpu.memory_space<vmem>>) semaphore(%arg27 : memref<!tpu.dma_semaphore, #tpu.memory_space<semaphore_mem>>)
    %dma_start3A_422 = arith.constant 0 : i32
    %dma_start3A_423 = arith.constant 80 : i32
    %dma_start3A_424 = tpu.memref_slice %arg12[%dma_start3A_422, %dma_start3A_423] : memref<79x128xi32, #tpu.memory_space<vmem>> -> memref<1x16xi32, #tpu.memory_space<vmem>>
    %dma_start3A_425 = tpu.memref_squeeze %dma_start3A_424 : memref<1x16xi32, #tpu.memory_space<vmem>> -> memref<16xi32, #tpu.memory_space<vmem>>
    %dma_start3A_426 = arith.constant 0 : i32
    %dma_start3A_427 = arith.constant 0 : i32
    %dma_start3A_428 = tpu.memref_slice %arg2[%dma_start3A_426, %dma_start3A_427] : memref<10000x128xf32, #tpu.memory_space<hbm>> -> memref<10000x128xf32, #tpu.memory_space<hbm>>
    tpu.enqueue_indirect_dma source(%dma_start3A_428 : memref<10000x128xf32, #tpu.memory_space<hbm>>) target(%arg19 : memref<16x128xf32, #tpu.memory_space<vmem>>) offsets(%dma_start3A_425 : memref<16xi32, #tpu.memory_space<vmem>>) semaphore(%arg28 : memref<!tpu.dma_semaphore, #tpu.memory_space<semaphore_mem>>)
    %dma_start3A_429 = arith.constant 0 : i32
    %dma_start3A_430 = arith.constant 96 : i32
    %dma_start3A_431 = tpu.memref_slice %arg12[%dma_start3A_429, %dma_start3A_430] : memref<79x128xi32, #tpu.memory_space<vmem>> -> memref<1x16xi32, #tpu.memory_space<vmem>>
    %dma_start3A_432 = tpu.memref_squeeze %dma_start3A_431 : memref<1x16xi32, #tpu.memory_space<vmem>> -> memref<16xi32, #tpu.memory_space<vmem>>
    %dma_start3A_433 = arith.constant 0 : i32
    %dma_start3A_434 = arith.constant 0 : i32
    %dma_start3A_435 = tpu.memref_slice %arg2[%dma_start3A_433, %dma_start3A_434] : memref<10000x128xf32, #tpu.memory_space<hbm>> -> memref<10000x128xf32, #tpu.memory_space<hbm>>
    tpu.enqueue_indirect_dma source(%dma_start3A_435 : memref<10000x128xf32, #tpu.memory_space<hbm>>) target(%arg20 : memref<16x128xf32, #tpu.memory_space<vmem>>) offsets(%dma_start3A_432 : memref<16xi32, #tpu.memory_space<vmem>>) semaphore(%arg29 : memref<!tpu.dma_semaphore, #tpu.memory_space<semaphore_mem>>)
    %dma_start3A_436 = arith.constant 0 : i32
    %dma_start3A_437 = arith.constant 112 : i32
    %dma_start3A_438 = tpu.memref_slice %arg12[%dma_start3A_436, %dma_start3A_437] : memref<79x128xi32, #tpu.memory_space<vmem>> -> memref<1x16xi32, #tpu.memory_space<vmem>>
    %dma_start3A_439 = tpu.memref_squeeze %dma_start3A_438 : memref<1x16xi32, #tpu.memory_space<vmem>> -> memref<16xi32, #tpu.memory_space<vmem>>
    %dma_start3A_440 = arith.constant 0 : i32
    %dma_start3A_441 = arith.constant 0 : i32
    %dma_start3A_442 = tpu.memref_slice %arg2[%dma_start3A_440, %dma_start3A_441] : memref<10000x128xf32, #tpu.memory_space<hbm>> -> memref<10000x128xf32, #tpu.memory_space<hbm>>
    tpu.enqueue_indirect_dma source(%dma_start3A_442 : memref<10000x128xf32, #tpu.memory_space<hbm>>) target(%arg21 : memref<16x128xf32, #tpu.memory_space<vmem>>) offsets(%dma_start3A_439 : memref<16xi32, #tpu.memory_space<vmem>>) semaphore(%arg30 : memref<!tpu.dma_semaphore, #tpu.memory_space<semaphore_mem>>)
    %scan3A_443 = arith.constant 0 : i32
    %scan3A_444 = arith.constant 0 : i32
    %scan3A_445 = arith.constant 78 : i32
    %scan3A_446 = arith.addi %scan3A_444, %scan3A_445 : i32
    %scan3A_447 = arith.constant 1 : i32
    scf.for %scan3A_519 = %scan3A_444 to %scan3A_446 step %scan3A_447  : i32 {
      %dma_wait3A_520 = arith.constant 0 : i32
      %dma_wait3A_521 = tpu.memref_slice %arg12[%scan3A_519, %dma_wait3A_520] : memref<79x128xi32, #tpu.memory_space<vmem>> -> memref<1x16xi32, #tpu.memory_space<vmem>>
      %dma_wait3A_522 = tpu.memref_squeeze %dma_wait3A_521 : memref<1x16xi32, #tpu.memory_space<vmem>> -> memref<16xi32, #tpu.memory_space<vmem>>
      %dma_wait3A_523 = arith.constant 0 : i32
      %dma_wait3A_524 = arith.constant 0 : i32
      %dma_wait3A_525 = tpu.memref_slice %arg2[%dma_wait3A_523, %dma_wait3A_524] : memref<10000x128xf32, #tpu.memory_space<hbm>> -> memref<10000x128xf32, #tpu.memory_space<hbm>>
      tpu.wait_indirect_dma semaphore(%arg23 : memref<!tpu.dma_semaphore, #tpu.memory_space<semaphore_mem>>) src(%dma_wait3A_525 : memref<10000x128xf32, #tpu.memory_space<hbm>>) dst(%arg14 : memref<16x128xf32, #tpu.memory_space<vmem>>)
      "tpu.region"() ({
        %run_scoped3A_632 = tpu.sem_alloc : memref<!tpu.dma_semaphore, #tpu.memory_space<semaphore_mem>>
        %dma_start3A_633 = arith.constant 0 : i32
        %dma_start3A_634 = tpu.memref_slice %arg13[%scan3A_519, %dma_start3A_633] : memref<79x128xi32, #tpu.memory_space<vmem>> -> memref<1x16xi32, #tpu.memory_space<vmem>>
        %dma_start3A_635 = tpu.memref_squeeze %dma_start3A_634 : memref<1x16xi32, #tpu.memory_space<vmem>> -> memref<16xi32, #tpu.memory_space<vmem>>
        %dma_start3A_636 = arith.constant 0 : i32
        %dma_start3A_637 = arith.constant 0 : i32
        %dma_start3A_638 = tpu.memref_slice %arg22[%dma_start3A_636, %dma_start3A_637] : memref<10112x128xf32, #tpu.memory_space<vmem_shared>> -> memref<10112x128xf32, #tpu.memory_space<vmem_shared>>
        tpu.enqueue_indirect_dma source(%arg14 : memref<16x128xf32, #tpu.memory_space<vmem>>) target(%dma_start3A_638 : memref<10112x128xf32, #tpu.memory_space<vmem_shared>>) offsets(%dma_start3A_635 : memref<16xi32, #tpu.memory_space<vmem>>) semaphore(%run_scoped3A_632 : memref<!tpu.dma_semaphore, #tpu.memory_space<semaphore_mem>>) {add = true}
        %dma_wait3A_639 = arith.constant 0 : i32
        %dma_wait3A_640 = tpu.memref_slice %arg13[%scan3A_519, %dma_wait3A_639] : memref<79x128xi32, #tpu.memory_space<vmem>> -> memref<1x16xi32, #tpu.memory_space<vmem>>
        %dma_wait3A_641 = tpu.memref_squeeze %dma_wait3A_640 : memref<1x16xi32, #tpu.memory_space<vmem>> -> memref<16xi32, #tpu.memory_space<vmem>>
        %dma_wait3A_642 = arith.constant 0 : i32
        %dma_wait3A_643 = arith.constant 0 : i32
        %dma_wait3A_644 = tpu.memref_slice %arg22[%dma_wait3A_642, %dma_wait3A_643] : memref<10112x128xf32, #tpu.memory_space<vmem_shared>> -> memref<10112x128xf32, #tpu.memory_space<vmem_shared>>
        tpu.wait_indirect_dma semaphore(%run_scoped3A_632 : memref<!tpu.dma_semaphore, #tpu.memory_space<semaphore_mem>>) src(%arg14 : memref<16x128xf32, #tpu.memory_space<vmem>>) dst(%dma_wait3A_644 : memref<10112x128xf32, #tpu.memory_space<vmem_shared>>)
        tpu.yield
      }) : () -> ()
      %add3A_526 = arith.constant 1 : i32
      %add3A_527 = arith.addi %scan3A_519, %add3A_526 : i32
      %dma_start3A_528 = arith.constant 0 : i32
      %dma_start3A_529 = tpu.memref_slice %arg12[%add3A_527, %dma_start3A_528] : memref<79x128xi32, #tpu.memory_space<vmem>> -> memref<1x16xi32, #tpu.memory_space<vmem>>
      %dma_start3A_530 = tpu.memref_squeeze %dma_start3A_529 : memref<1x16xi32, #tpu.memory_space<vmem>> -> memref<16xi32, #tpu.memory_space<vmem>>
      %dma_start3A_531 = arith.constant 0 : i32
      %dma_start3A_532 = arith.constant 0 : i32
      %dma_start3A_533 = tpu.memref_slice %arg2[%dma_start3A_531, %dma_start3A_532] : memref<10000x128xf32, #tpu.memory_space<hbm>> -> memref<10000x128xf32, #tpu.memory_space<hbm>>
      tpu.enqueue_indirect_dma source(%dma_start3A_533 : memref<10000x128xf32, #tpu.memory_space<hbm>>) target(%arg14 : memref<16x128xf32, #tpu.memory_space<vmem>>) offsets(%dma_start3A_530 : memref<16xi32, #tpu.memory_space<vmem>>) semaphore(%arg23 : memref<!tpu.dma_semaphore, #tpu.memory_space<semaphore_mem>>)
      %dma_wait3A_534 = arith.constant 16 : i32
      %dma_wait3A_535 = tpu.memref_slice %arg12[%scan3A_519, %dma_wait3A_534] : memref<79x128xi32, #tpu.memory_space<vmem>> -> memref<1x16xi32, #tpu.memory_space<vmem>>
      %dma_wait3A_536 = tpu.memref_squeeze %dma_wait3A_535 : memref<1x16xi32, #tpu.memory_space<vmem>> -> memref<16xi32, #tpu.memory_space<vmem>>
      %dma_wait3A_537 = arith.constant 0 : i32
      %dma_wait3A_538 = arith.constant 0 : i32
      %dma_wait3A_539 = tpu.memref_slice %arg2[%dma_wait3A_537, %dma_wait3A_538] : memref<10000x128xf32, #tpu.memory_space<hbm>> -> memref<10000x128xf32, #tpu.memory_space<hbm>>
      tpu.wait_indirect_dma semaphore(%arg24 : memref<!tpu.dma_semaphore, #tpu.memory_space<semaphore_mem>>) src(%dma_wait3A_539 : memref<10000x128xf32, #tpu.memory_space<hbm>>) dst(%arg15 : memref<16x128xf32, #tpu.memory_space<vmem>>)
      "tpu.region"() ({
        %run_scoped3A_632 = tpu.sem_alloc : memref<!tpu.dma_semaphore, #tpu.memory_space<semaphore_mem>>
        %dma_start3A_633 = arith.constant 16 : i32
        %dma_start3A_634 = tpu.memref_slice %arg13[%scan3A_519, %dma_start3A_633] : memref<79x128xi32, #tpu.memory_space<vmem>> -> memref<1x16xi32, #tpu.memory_space<vmem>>
        %dma_start3A_635 = tpu.memref_squeeze %dma_start3A_634 : memref<1x16xi32, #tpu.memory_space<vmem>> -> memref<16xi32, #tpu.memory_space<vmem>>
        %dma_start3A_636 = arith.constant 0 : i32
        %dma_start3A_637 = arith.constant 0 : i32
        %dma_start3A_638 = tpu.memref_slice %arg22[%dma_start3A_636, %dma_start3A_637] : memref<10112x128xf32, #tpu.memory_space<vmem_shared>> -> memref<10112x128xf32, #tpu.memory_space<vmem_shared>>
        tpu.enqueue_indirect_dma source(%arg15 : memref<16x128xf32, #tpu.memory_space<vmem>>) target(%dma_start3A_638 : memref<10112x128xf32, #tpu.memory_space<vmem_shared>>) offsets(%dma_start3A_635 : memref<16xi32, #tpu.memory_space<vmem>>) semaphore(%run_scoped3A_632 : memref<!tpu.dma_semaphore, #tpu.memory_space<semaphore_mem>>) {add = true}
        %dma_wait3A_639 = arith.constant 16 : i32
        %dma_wait3A_640 = tpu.memref_slice %arg13[%scan3A_519, %dma_wait3A_639] : memref<79x128xi32, #tpu.memory_space<vmem>> -> memref<1x16xi32, #tpu.memory_space<vmem>>
        %dma_wait3A_641 = tpu.memref_squeeze %dma_wait3A_640 : memref<1x16xi32, #tpu.memory_space<vmem>> -> memref<16xi32, #tpu.memory_space<vmem>>
        %dma_wait3A_642 = arith.constant 0 : i32
        %dma_wait3A_643 = arith.constant 0 : i32
        %dma_wait3A_644 = tpu.memref_slice %arg22[%dma_wait3A_642, %dma_wait3A_643] : memref<10112x128xf32, #tpu.memory_space<vmem_shared>> -> memref<10112x128xf32, #tpu.memory_space<vmem_shared>>
        tpu.wait_indirect_dma semaphore(%run_scoped3A_632 : memref<!tpu.dma_semaphore, #tpu.memory_space<semaphore_mem>>) src(%arg15 : memref<16x128xf32, #tpu.memory_space<vmem>>) dst(%dma_wait3A_644 : memref<10112x128xf32, #tpu.memory_space<vmem_shared>>)
        tpu.yield
      }) : () -> ()
      %add3A_540 = arith.constant 1 : i32
      %add3A_541 = arith.addi %scan3A_519, %add3A_540 : i32
      %dma_start3A_542 = arith.constant 16 : i32
      %dma_start3A_543 = tpu.memref_slice %arg12[%add3A_541, %dma_start3A_542] : memref<79x128xi32, #tpu.memory_space<vmem>> -> memref<1x16xi32, #tpu.memory_space<vmem>>
      %dma_start3A_544 = tpu.memref_squeeze %dma_start3A_543 : memref<1x16xi32, #tpu.memory_space<vmem>> -> memref<16xi32, #tpu.memory_space<vmem>>
      %dma_start3A_545 = arith.constant 0 : i32
      %dma_start3A_546 = arith.constant 0 : i32
      %dma_start3A_547 = tpu.memref_slice %arg2[%dma_start3A_545, %dma_start3A_546] : memref<10000x128xf32, #tpu.memory_space<hbm>> -> memref<10000x128xf32, #tpu.memory_space<hbm>>
      tpu.enqueue_indirect_dma source(%dma_start3A_547 : memref<10000x128xf32, #tpu.memory_space<hbm>>) target(%arg15 : memref<16x128xf32, #tpu.memory_space<vmem>>) offsets(%dma_start3A_544 : memref<16xi32, #tpu.memory_space<vmem>>) semaphore(%arg24 : memref<!tpu.dma_semaphore, #tpu.memory_space<semaphore_mem>>)
      %dma_wait3A_548 = arith.constant 32 : i32
      %dma_wait3A_549 = tpu.memref_slice %arg12[%scan3A_519, %dma_wait3A_548] : memref<79x128xi32, #tpu.memory_space<vmem>> -> memref<1x16xi32, #tpu.memory_space<vmem>>
      %dma_wait3A_550 = tpu.memref_squeeze %dma_wait3A_549 : memref<1x16xi32, #tpu.memory_space<vmem>> -> memref<16xi32, #tpu.memory_space<vmem>>
      %dma_wait3A_551 = arith.constant 0 : i32
      %dma_wait3A_552 = arith.constant 0 : i32
      %dma_wait3A_553 = tpu.memref_slice %arg2[%dma_wait3A_551, %dma_wait3A_552] : memref<10000x128xf32, #tpu.memory_space<hbm>> -> memref<10000x128xf32, #tpu.memory_space<hbm>>
      tpu.wait_indirect_dma semaphore(%arg25 : memref<!tpu.dma_semaphore, #tpu.memory_space<semaphore_mem>>) src(%dma_wait3A_553 : memref<10000x128xf32, #tpu.memory_space<hbm>>) dst(%arg16 : memref<16x128xf32, #tpu.memory_space<vmem>>)
      "tpu.region"() ({
        %run_scoped3A_632 = tpu.sem_alloc : memref<!tpu.dma_semaphore, #tpu.memory_space<semaphore_mem>>
        %dma_start3A_633 = arith.constant 32 : i32
        %dma_start3A_634 = tpu.memref_slice %arg13[%scan3A_519, %dma_start3A_633] : memref<79x128xi32, #tpu.memory_space<vmem>> -> memref<1x16xi32, #tpu.memory_space<vmem>>
        %dma_start3A_635 = tpu.memref_squeeze %dma_start3A_634 : memref<1x16xi32, #tpu.memory_space<vmem>> -> memref<16xi32, #tpu.memory_space<vmem>>
        %dma_start3A_636 = arith.constant 0 : i32
        %dma_start3A_637 = arith.constant 0 : i32
        %dma_start3A_638 = tpu.memref_slice %arg22[%dma_start3A_636, %dma_start3A_637] : memref<10112x128xf32, #tpu.memory_space<vmem_shared>> -> memref<10112x128xf32, #tpu.memory_space<vmem_shared>>
        tpu.enqueue_indirect_dma source(%arg16 : memref<16x128xf32, #tpu.memory_space<vmem>>) target(%dma_start3A_638 : memref<10112x128xf32, #tpu.memory_space<vmem_shared>>) offsets(%dma_start3A_635 : memref<16xi32, #tpu.memory_space<vmem>>) semaphore(%run_scoped3A_632 : memref<!tpu.dma_semaphore, #tpu.memory_space<semaphore_mem>>) {add = true}
        %dma_wait3A_639 = arith.constant 32 : i32
        %dma_wait3A_640 = tpu.memref_slice %arg13[%scan3A_519, %dma_wait3A_639] : memref<79x128xi32, #tpu.memory_space<vmem>> -> memref<1x16xi32, #tpu.memory_space<vmem>>
        %dma_wait3A_641 = tpu.memref_squeeze %dma_wait3A_640 : memref<1x16xi32, #tpu.memory_space<vmem>> -> memref<16xi32, #tpu.memory_space<vmem>>
        %dma_wait3A_642 = arith.constant 0 : i32
        %dma_wait3A_643 = arith.constant 0 : i32
        %dma_wait3A_644 = tpu.memref_slice %arg22[%dma_wait3A_642, %dma_wait3A_643] : memref<10112x128xf32, #tpu.memory_space<vmem_shared>> -> memref<10112x128xf32, #tpu.memory_space<vmem_shared>>
        tpu.wait_indirect_dma semaphore(%run_scoped3A_632 : memref<!tpu.dma_semaphore, #tpu.memory_space<semaphore_mem>>) src(%arg16 : memref<16x128xf32, #tpu.memory_space<vmem>>) dst(%dma_wait3A_644 : memref<10112x128xf32, #tpu.memory_space<vmem_shared>>)
        tpu.yield
      }) : () -> ()
      %add3A_554 = arith.constant 1 : i32
      %add3A_555 = arith.addi %scan3A_519, %add3A_554 : i32
      %dma_start3A_556 = arith.constant 32 : i32
      %dma_start3A_557 = tpu.memref_slice %arg12[%add3A_555, %dma_start3A_556] : memref<79x128xi32, #tpu.memory_space<vmem>> -> memref<1x16xi32, #tpu.memory_space<vmem>>
      %dma_start3A_558 = tpu.memref_squeeze %dma_start3A_557 : memref<1x16xi32, #tpu.memory_space<vmem>> -> memref<16xi32, #tpu.memory_space<vmem>>
      %dma_start3A_559 = arith.constant 0 : i32
      %dma_start3A_560 = arith.constant 0 : i32
      %dma_start3A_561 = tpu.memref_slice %arg2[%dma_start3A_559, %dma_start3A_560] : memref<10000x128xf32, #tpu.memory_space<hbm>> -> memref<10000x128xf32, #tpu.memory_space<hbm>>
      tpu.enqueue_indirect_dma source(%dma_start3A_561 : memref<10000x128xf32, #tpu.memory_space<hbm>>) target(%arg16 : memref<16x128xf32, #tpu.memory_space<vmem>>) offsets(%dma_start3A_558 : memref<16xi32, #tpu.memory_space<vmem>>) semaphore(%arg25 : memref<!tpu.dma_semaphore, #tpu.memory_space<semaphore_mem>>)
      %dma_wait3A_562 = arith.constant 48 : i32
      %dma_wait3A_563 = tpu.memref_slice %arg12[%scan3A_519, %dma_wait3A_562] : memref<79x128xi32, #tpu.memory_space<vmem>> -> memref<1x16xi32, #tpu.memory_space<vmem>>
      %dma_wait3A_564 = tpu.memref_squeeze %dma_wait3A_563 : memref<1x16xi32, #tpu.memory_space<vmem>> -> memref<16xi32, #tpu.memory_space<vmem>>
      %dma_wait3A_565 = arith.constant 0 : i32
      %dma_wait3A_566 = arith.constant 0 : i32
      %dma_wait3A_567 = tpu.memref_slice %arg2[%dma_wait3A_565, %dma_wait3A_566] : memref<10000x128xf32, #tpu.memory_space<hbm>> -> memref<10000x128xf32, #tpu.memory_space<hbm>>
      tpu.wait_indirect_dma semaphore(%arg26 : memref<!tpu.dma_semaphore, #tpu.memory_space<semaphore_mem>>) src(%dma_wait3A_567 : memref<10000x128xf32, #tpu.memory_space<hbm>>) dst(%arg17 : memref<16x128xf32, #tpu.memory_space<vmem>>)
      "tpu.region"() ({
        %run_scoped3A_632 = tpu.sem_alloc : memref<!tpu.dma_semaphore, #tpu.memory_space<semaphore_mem>>
        %dma_start3A_633 = arith.constant 48 : i32
        %dma_start3A_634 = tpu.memref_slice %arg13[%scan3A_519, %dma_start3A_633] : memref<79x128xi32, #tpu.memory_space<vmem>> -> memref<1x16xi32, #tpu.memory_space<vmem>>
        %dma_start3A_635 = tpu.memref_squeeze %dma_start3A_634 : memref<1x16xi32, #tpu.memory_space<vmem>> -> memref<16xi32, #tpu.memory_space<vmem>>
        %dma_start3A_636 = arith.constant 0 : i32
        %dma_start3A_637 = arith.constant 0 : i32
        %dma_start3A_638 = tpu.memref_slice %arg22[%dma_start3A_636, %dma_start3A_637] : memref<10112x128xf32, #tpu.memory_space<vmem_shared>> -> memref<10112x128xf32, #tpu.memory_space<vmem_shared>>
        tpu.enqueue_indirect_dma source(%arg17 : memref<16x128xf32, #tpu.memory_space<vmem>>) target(%dma_start3A_638 : memref<10112x128xf32, #tpu.memory_space<vmem_shared>>) offsets(%dma_start3A_635 : memref<16xi32, #tpu.memory_space<vmem>>) semaphore(%run_scoped3A_632 : memref<!tpu.dma_semaphore, #tpu.memory_space<semaphore_mem>>) {add = true}
        %dma_wait3A_639 = arith.constant 48 : i32
        %dma_wait3A_640 = tpu.memref_slice %arg13[%scan3A_519, %dma_wait3A_639] : memref<79x128xi32, #tpu.memory_space<vmem>> -> memref<1x16xi32, #tpu.memory_space<vmem>>
        %dma_wait3A_641 = tpu.memref_squeeze %dma_wait3A_640 : memref<1x16xi32, #tpu.memory_space<vmem>> -> memref<16xi32, #tpu.memory_space<vmem>>
        %dma_wait3A_642 = arith.constant 0 : i32
        %dma_wait3A_643 = arith.constant 0 : i32
        %dma_wait3A_644 = tpu.memref_slice %arg22[%dma_wait3A_642, %dma_wait3A_643] : memref<10112x128xf32, #tpu.memory_space<vmem_shared>> -> memref<10112x128xf32, #tpu.memory_space<vmem_shared>>
        tpu.wait_indirect_dma semaphore(%run_scoped3A_632 : memref<!tpu.dma_semaphore, #tpu.memory_space<semaphore_mem>>) src(%arg17 : memref<16x128xf32, #tpu.memory_space<vmem>>) dst(%dma_wait3A_644 : memref<10112x128xf32, #tpu.memory_space<vmem_shared>>)
        tpu.yield
      }) : () -> ()
      %add3A_568 = arith.constant 1 : i32
      %add3A_569 = arith.addi %scan3A_519, %add3A_568 : i32
      %dma_start3A_570 = arith.constant 48 : i32
      %dma_start3A_571 = tpu.memref_slice %arg12[%add3A_569, %dma_start3A_570] : memref<79x128xi32, #tpu.memory_space<vmem>> -> memref<1x16xi32, #tpu.memory_space<vmem>>
      %dma_start3A_572 = tpu.memref_squeeze %dma_start3A_571 : memref<1x16xi32, #tpu.memory_space<vmem>> -> memref<16xi32, #tpu.memory_space<vmem>>
      %dma_start3A_573 = arith.constant 0 : i32
      %dma_start3A_574 = arith.constant 0 : i32
      %dma_start3A_575 = tpu.memref_slice %arg2[%dma_start3A_573, %dma_start3A_574] : memref<10000x128xf32, #tpu.memory_space<hbm>> -> memref<10000x128xf32, #tpu.memory_space<hbm>>
      tpu.enqueue_indirect_dma source(%dma_start3A_575 : memref<10000x128xf32, #tpu.memory_space<hbm>>) target(%arg17 : memref<16x128xf32, #tpu.memory_space<vmem>>) offsets(%dma_start3A_572 : memref<16xi32, #tpu.memory_space<vmem>>) semaphore(%arg26 : memref<!tpu.dma_semaphore, #tpu.memory_space<semaphore_mem>>)
      %dma_wait3A_576 = arith.constant 64 : i32
      %dma_wait3A_577 = tpu.memref_slice %arg12[%scan3A_519, %dma_wait3A_576] : memref<79x128xi32, #tpu.memory_space<vmem>> -> memref<1x16xi32, #tpu.memory_space<vmem>>
      %dma_wait3A_578 = tpu.memref_squeeze %dma_wait3A_577 : memref<1x16xi32, #tpu.memory_space<vmem>> -> memref<16xi32, #tpu.memory_space<vmem>>
      %dma_wait3A_579 = arith.constant 0 : i32
      %dma_wait3A_580 = arith.constant 0 : i32
      %dma_wait3A_581 = tpu.memref_slice %arg2[%dma_wait3A_579, %dma_wait3A_580] : memref<10000x128xf32, #tpu.memory_space<hbm>> -> memref<10000x128xf32, #tpu.memory_space<hbm>>
      tpu.wait_indirect_dma semaphore(%arg27 : memref<!tpu.dma_semaphore, #tpu.memory_space<semaphore_mem>>) src(%dma_wait3A_581 : memref<10000x128xf32, #tpu.memory_space<hbm>>) dst(%arg18 : memref<16x128xf32, #tpu.memory_space<vmem>>)
      "tpu.region"() ({
        %run_scoped3A_632 = tpu.sem_alloc : memref<!tpu.dma_semaphore, #tpu.memory_space<semaphore_mem>>
        %dma_start3A_633 = arith.constant 64 : i32
        %dma_start3A_634 = tpu.memref_slice %arg13[%scan3A_519, %dma_start3A_633] : memref<79x128xi32, #tpu.memory_space<vmem>> -> memref<1x16xi32, #tpu.memory_space<vmem>>
        %dma_start3A_635 = tpu.memref_squeeze %dma_start3A_634 : memref<1x16xi32, #tpu.memory_space<vmem>> -> memref<16xi32, #tpu.memory_space<vmem>>
        %dma_start3A_636 = arith.constant 0 : i32
        %dma_start3A_637 = arith.constant 0 : i32
        %dma_start3A_638 = tpu.memref_slice %arg22[%dma_start3A_636, %dma_start3A_637] : memref<10112x128xf32, #tpu.memory_space<vmem_shared>> -> memref<10112x128xf32, #tpu.memory_space<vmem_shared>>
        tpu.enqueue_indirect_dma source(%arg18 : memref<16x128xf32, #tpu.memory_space<vmem>>) target(%dma_start3A_638 : memref<10112x128xf32, #tpu.memory_space<vmem_shared>>) offsets(%dma_start3A_635 : memref<16xi32, #tpu.memory_space<vmem>>) semaphore(%run_scoped3A_632 : memref<!tpu.dma_semaphore, #tpu.memory_space<semaphore_mem>>) {add = true}
        %dma_wait3A_639 = arith.constant 64 : i32
        %dma_wait3A_640 = tpu.memref_slice %arg13[%scan3A_519, %dma_wait3A_639] : memref<79x128xi32, #tpu.memory_space<vmem>> -> memref<1x16xi32, #tpu.memory_space<vmem>>
        %dma_wait3A_641 = tpu.memref_squeeze %dma_wait3A_640 : memref<1x16xi32, #tpu.memory_space<vmem>> -> memref<16xi32, #tpu.memory_space<vmem>>
        %dma_wait3A_642 = arith.constant 0 : i32
        %dma_wait3A_643 = arith.constant 0 : i32
        %dma_wait3A_644 = tpu.memref_slice %arg22[%dma_wait3A_642, %dma_wait3A_643] : memref<10112x128xf32, #tpu.memory_space<vmem_shared>> -> memref<10112x128xf32, #tpu.memory_space<vmem_shared>>
        tpu.wait_indirect_dma semaphore(%run_scoped3A_632 : memref<!tpu.dma_semaphore, #tpu.memory_space<semaphore_mem>>) src(%arg18 : memref<16x128xf32, #tpu.memory_space<vmem>>) dst(%dma_wait3A_644 : memref<10112x128xf32, #tpu.memory_space<vmem_shared>>)
        tpu.yield
      }) : () -> ()
      %add3A_582 = arith.constant 1 : i32
      %add3A_583 = arith.addi %scan3A_519, %add3A_582 : i32
      %dma_start3A_584 = arith.constant 64 : i32
      %dma_start3A_585 = tpu.memref_slice %arg12[%add3A_583, %dma_start3A_584] : memref<79x128xi32, #tpu.memory_space<vmem>> -> memref<1x16xi32, #tpu.memory_space<vmem>>
      %dma_start3A_586 = tpu.memref_squeeze %dma_start3A_585 : memref<1x16xi32, #tpu.memory_space<vmem>> -> memref<16xi32, #tpu.memory_space<vmem>>
      %dma_start3A_587 = arith.constant 0 : i32
      %dma_start3A_588 = arith.constant 0 : i32
      %dma_start3A_589 = tpu.memref_slice %arg2[%dma_start3A_587, %dma_start3A_588] : memref<10000x128xf32, #tpu.memory_space<hbm>> -> memref<10000x128xf32, #tpu.memory_space<hbm>>
      tpu.enqueue_indirect_dma source(%dma_start3A_589 : memref<10000x128xf32, #tpu.memory_space<hbm>>) target(%arg18 : memref<16x128xf32, #tpu.memory_space<vmem>>) offsets(%dma_start3A_586 : memref<16xi32, #tpu.memory_space<vmem>>) semaphore(%arg27 : memref<!tpu.dma_semaphore, #tpu.memory_space<semaphore_mem>>)
      %dma_wait3A_590 = arith.constant 80 : i32
      %dma_wait3A_591 = tpu.memref_slice %arg12[%scan3A_519, %dma_wait3A_590] : memref<79x128xi32, #tpu.memory_space<vmem>> -> memref<1x16xi32, #tpu.memory_space<vmem>>
      %dma_wait3A_592 = tpu.memref_squeeze %dma_wait3A_591 : memref<1x16xi32, #tpu.memory_space<vmem>> -> memref<16xi32, #tpu.memory_space<vmem>>
      %dma_wait3A_593 = arith.constant 0 : i32
      %dma_wait3A_594 = arith.constant 0 : i32
      %dma_wait3A_595 = tpu.memref_slice %arg2[%dma_wait3A_593, %dma_wait3A_594] : memref<10000x128xf32, #tpu.memory_space<hbm>> -> memref<10000x128xf32, #tpu.memory_space<hbm>>
      tpu.wait_indirect_dma semaphore(%arg28 : memref<!tpu.dma_semaphore, #tpu.memory_space<semaphore_mem>>) src(%dma_wait3A_595 : memref<10000x128xf32, #tpu.memory_space<hbm>>) dst(%arg19 : memref<16x128xf32, #tpu.memory_space<vmem>>)
      "tpu.region"() ({
        %run_scoped3A_632 = tpu.sem_alloc : memref<!tpu.dma_semaphore, #tpu.memory_space<semaphore_mem>>
        %dma_start3A_633 = arith.constant 80 : i32
        %dma_start3A_634 = tpu.memref_slice %arg13[%scan3A_519, %dma_start3A_633] : memref<79x128xi32, #tpu.memory_space<vmem>> -> memref<1x16xi32, #tpu.memory_space<vmem>>
        %dma_start3A_635 = tpu.memref_squeeze %dma_start3A_634 : memref<1x16xi32, #tpu.memory_space<vmem>> -> memref<16xi32, #tpu.memory_space<vmem>>
        %dma_start3A_636 = arith.constant 0 : i32
        %dma_start3A_637 = arith.constant 0 : i32
        %dma_start3A_638 = tpu.memref_slice %arg22[%dma_start3A_636, %dma_start3A_637] : memref<10112x128xf32, #tpu.memory_space<vmem_shared>> -> memref<10112x128xf32, #tpu.memory_space<vmem_shared>>
        tpu.enqueue_indirect_dma source(%arg19 : memref<16x128xf32, #tpu.memory_space<vmem>>) target(%dma_start3A_638 : memref<10112x128xf32, #tpu.memory_space<vmem_shared>>) offsets(%dma_start3A_635 : memref<16xi32, #tpu.memory_space<vmem>>) semaphore(%run_scoped3A_632 : memref<!tpu.dma_semaphore, #tpu.memory_space<semaphore_mem>>) {add = true}
        %dma_wait3A_639 = arith.constant 80 : i32
        %dma_wait3A_640 = tpu.memref_slice %arg13[%scan3A_519, %dma_wait3A_639] : memref<79x128xi32, #tpu.memory_space<vmem>> -> memref<1x16xi32, #tpu.memory_space<vmem>>
        %dma_wait3A_641 = tpu.memref_squeeze %dma_wait3A_640 : memref<1x16xi32, #tpu.memory_space<vmem>> -> memref<16xi32, #tpu.memory_space<vmem>>
        %dma_wait3A_642 = arith.constant 0 : i32
        %dma_wait3A_643 = arith.constant 0 : i32
        %dma_wait3A_644 = tpu.memref_slice %arg22[%dma_wait3A_642, %dma_wait3A_643] : memref<10112x128xf32, #tpu.memory_space<vmem_shared>> -> memref<10112x128xf32, #tpu.memory_space<vmem_shared>>
        tpu.wait_indirect_dma semaphore(%run_scoped3A_632 : memref<!tpu.dma_semaphore, #tpu.memory_space<semaphore_mem>>) src(%arg19 : memref<16x128xf32, #tpu.memory_space<vmem>>) dst(%dma_wait3A_644 : memref<10112x128xf32, #tpu.memory_space<vmem_shared>>)
        tpu.yield
      }) : () -> ()
      %add3A_596 = arith.constant 1 : i32
      %add3A_597 = arith.addi %scan3A_519, %add3A_596 : i32
      %dma_start3A_598 = arith.constant 80 : i32
      %dma_start3A_599 = tpu.memref_slice %arg12[%add3A_597, %dma_start3A_598] : memref<79x128xi32, #tpu.memory_space<vmem>> -> memref<1x16xi32, #tpu.memory_space<vmem>>
      %dma_start3A_600 = tpu.memref_squeeze %dma_start3A_599 : memref<1x16xi32, #tpu.memory_space<vmem>> -> memref<16xi32, #tpu.memory_space<vmem>>
      %dma_start3A_601 = arith.constant 0 : i32
      %dma_start3A_602 = arith.constant 0 : i32
      %dma_start3A_603 = tpu.memref_slice %arg2[%dma_start3A_601, %dma_start3A_602] : memref<10000x128xf32, #tpu.memory_space<hbm>> -> memref<10000x128xf32, #tpu.memory_space<hbm>>
      tpu.enqueue_indirect_dma source(%dma_start3A_603 : memref<10000x128xf32, #tpu.memory_space<hbm>>) target(%arg19 : memref<16x128xf32, #tpu.memory_space<vmem>>) offsets(%dma_start3A_600 : memref<16xi32, #tpu.memory_space<vmem>>) semaphore(%arg28 : memref<!tpu.dma_semaphore, #tpu.memory_space<semaphore_mem>>)
      %dma_wait3A_604 = arith.constant 96 : i32
      %dma_wait3A_605 = tpu.memref_slice %arg12[%scan3A_519, %dma_wait3A_604] : memref<79x128xi32, #tpu.memory_space<vmem>> -> memref<1x16xi32, #tpu.memory_space<vmem>>
      %dma_wait3A_606 = tpu.memref_squeeze %dma_wait3A_605 : memref<1x16xi32, #tpu.memory_space<vmem>> -> memref<16xi32, #tpu.memory_space<vmem>>
      %dma_wait3A_607 = arith.constant 0 : i32
      %dma_wait3A_608 = arith.constant 0 : i32
      %dma_wait3A_609 = tpu.memref_slice %arg2[%dma_wait3A_607, %dma_wait3A_608] : memref<10000x128xf32, #tpu.memory_space<hbm>> -> memref<10000x128xf32, #tpu.memory_space<hbm>>
      tpu.wait_indirect_dma semaphore(%arg29 : memref<!tpu.dma_semaphore, #tpu.memory_space<semaphore_mem>>) src(%dma_wait3A_609 : memref<10000x128xf32, #tpu.memory_space<hbm>>) dst(%arg20 : memref<16x128xf32, #tpu.memory_space<vmem>>)
      "tpu.region"() ({
        %run_scoped3A_632 = tpu.sem_alloc : memref<!tpu.dma_semaphore, #tpu.memory_space<semaphore_mem>>
        %dma_start3A_633 = arith.constant 96 : i32
        %dma_start3A_634 = tpu.memref_slice %arg13[%scan3A_519, %dma_start3A_633] : memref<79x128xi32, #tpu.memory_space<vmem>> -> memref<1x16xi32, #tpu.memory_space<vmem>>
        %dma_start3A_635 = tpu.memref_squeeze %dma_start3A_634 : memref<1x16xi32, #tpu.memory_space<vmem>> -> memref<16xi32, #tpu.memory_space<vmem>>
        %dma_start3A_636 = arith.constant 0 : i32
        %dma_start3A_637 = arith.constant 0 : i32
        %dma_start3A_638 = tpu.memref_slice %arg22[%dma_start3A_636, %dma_start3A_637] : memref<10112x128xf32, #tpu.memory_space<vmem_shared>> -> memref<10112x128xf32, #tpu.memory_space<vmem_shared>>
        tpu.enqueue_indirect_dma source(%arg20 : memref<16x128xf32, #tpu.memory_space<vmem>>) target(%dma_start3A_638 : memref<10112x128xf32, #tpu.memory_space<vmem_shared>>) offsets(%dma_start3A_635 : memref<16xi32, #tpu.memory_space<vmem>>) semaphore(%run_scoped3A_632 : memref<!tpu.dma_semaphore, #tpu.memory_space<semaphore_mem>>) {add = true}
        %dma_wait3A_639 = arith.constant 96 : i32
        %dma_wait3A_640 = tpu.memref_slice %arg13[%scan3A_519, %dma_wait3A_639] : memref<79x128xi32, #tpu.memory_space<vmem>> -> memref<1x16xi32, #tpu.memory_space<vmem>>
        %dma_wait3A_641 = tpu.memref_squeeze %dma_wait3A_640 : memref<1x16xi32, #tpu.memory_space<vmem>> -> memref<16xi32, #tpu.memory_space<vmem>>
        %dma_wait3A_642 = arith.constant 0 : i32
        %dma_wait3A_643 = arith.constant 0 : i32
        %dma_wait3A_644 = tpu.memref_slice %arg22[%dma_wait3A_642, %dma_wait3A_643] : memref<10112x128xf32, #tpu.memory_space<vmem_shared>> -> memref<10112x128xf32, #tpu.memory_space<vmem_shared>>
        tpu.wait_indirect_dma semaphore(%run_scoped3A_632 : memref<!tpu.dma_semaphore, #tpu.memory_space<semaphore_mem>>) src(%arg20 : memref<16x128xf32, #tpu.memory_space<vmem>>) dst(%dma_wait3A_644 : memref<10112x128xf32, #tpu.memory_space<vmem_shared>>)
        tpu.yield
      }) : () -> ()
      %add3A_610 = arith.constant 1 : i32
      %add3A_611 = arith.addi %scan3A_519, %add3A_610 : i32
      %dma_start3A_612 = arith.constant 96 : i32
      %dma_start3A_613 = tpu.memref_slice %arg12[%add3A_611, %dma_start3A_612] : memref<79x128xi32, #tpu.memory_space<vmem>> -> memref<1x16xi32, #tpu.memory_space<vmem>>
      %dma_start3A_614 = tpu.memref_squeeze %dma_start3A_613 : memref<1x16xi32, #tpu.memory_space<vmem>> -> memref<16xi32, #tpu.memory_space<vmem>>
      %dma_start3A_615 = arith.constant 0 : i32
      %dma_start3A_616 = arith.constant 0 : i32
      %dma_start3A_617 = tpu.memref_slice %arg2[%dma_start3A_615, %dma_start3A_616] : memref<10000x128xf32, #tpu.memory_space<hbm>> -> memref<10000x128xf32, #tpu.memory_space<hbm>>
      tpu.enqueue_indirect_dma source(%dma_start3A_617 : memref<10000x128xf32, #tpu.memory_space<hbm>>) target(%arg20 : memref<16x128xf32, #tpu.memory_space<vmem>>) offsets(%dma_start3A_614 : memref<16xi32, #tpu.memory_space<vmem>>) semaphore(%arg29 : memref<!tpu.dma_semaphore, #tpu.memory_space<semaphore_mem>>)
      %dma_wait3A_618 = arith.constant 112 : i32
      %dma_wait3A_619 = tpu.memref_slice %arg12[%scan3A_519, %dma_wait3A_618] : memref<79x128xi32, #tpu.memory_space<vmem>> -> memref<1x16xi32, #tpu.memory_space<vmem>>
      %dma_wait3A_620 = tpu.memref_squeeze %dma_wait3A_619 : memref<1x16xi32, #tpu.memory_space<vmem>> -> memref<16xi32, #tpu.memory_space<vmem>>
      %dma_wait3A_621 = arith.constant 0 : i32
      %dma_wait3A_622 = arith.constant 0 : i32
      %dma_wait3A_623 = tpu.memref_slice %arg2[%dma_wait3A_621, %dma_wait3A_622] : memref<10000x128xf32, #tpu.memory_space<hbm>> -> memref<10000x128xf32, #tpu.memory_space<hbm>>
      tpu.wait_indirect_dma semaphore(%arg30 : memref<!tpu.dma_semaphore, #tpu.memory_space<semaphore_mem>>) src(%dma_wait3A_623 : memref<10000x128xf32, #tpu.memory_space<hbm>>) dst(%arg21 : memref<16x128xf32, #tpu.memory_space<vmem>>)
      "tpu.region"() ({
        %run_scoped3A_632 = tpu.sem_alloc : memref<!tpu.dma_semaphore, #tpu.memory_space<semaphore_mem>>
        %dma_start3A_633 = arith.constant 112 : i32
        %dma_start3A_634 = tpu.memref_slice %arg13[%scan3A_519, %dma_start3A_633] : memref<79x128xi32, #tpu.memory_space<vmem>> -> memref<1x16xi32, #tpu.memory_space<vmem>>
        %dma_start3A_635 = tpu.memref_squeeze %dma_start3A_634 : memref<1x16xi32, #tpu.memory_space<vmem>> -> memref<16xi32, #tpu.memory_space<vmem>>
        %dma_start3A_636 = arith.constant 0 : i32
        %dma_start3A_637 = arith.constant 0 : i32
        %dma_start3A_638 = tpu.memref_slice %arg22[%dma_start3A_636, %dma_start3A_637] : memref<10112x128xf32, #tpu.memory_space<vmem_shared>> -> memref<10112x128xf32, #tpu.memory_space<vmem_shared>>
        tpu.enqueue_indirect_dma source(%arg21 : memref<16x128xf32, #tpu.memory_space<vmem>>) target(%dma_start3A_638 : memref<10112x128xf32, #tpu.memory_space<vmem_shared>>) offsets(%dma_start3A_635 : memref<16xi32, #tpu.memory_space<vmem>>) semaphore(%run_scoped3A_632 : memref<!tpu.dma_semaphore, #tpu.memory_space<semaphore_mem>>) {add = true}
        %dma_wait3A_639 = arith.constant 112 : i32
        %dma_wait3A_640 = tpu.memref_slice %arg13[%scan3A_519, %dma_wait3A_639] : memref<79x128xi32, #tpu.memory_space<vmem>> -> memref<1x16xi32, #tpu.memory_space<vmem>>
        %dma_wait3A_641 = tpu.memref_squeeze %dma_wait3A_640 : memref<1x16xi32, #tpu.memory_space<vmem>> -> memref<16xi32, #tpu.memory_space<vmem>>
        %dma_wait3A_642 = arith.constant 0 : i32
        %dma_wait3A_643 = arith.constant 0 : i32
        %dma_wait3A_644 = tpu.memref_slice %arg22[%dma_wait3A_642, %dma_wait3A_643] : memref<10112x128xf32, #tpu.memory_space<vmem_shared>> -> memref<10112x128xf32, #tpu.memory_space<vmem_shared>>
        tpu.wait_indirect_dma semaphore(%run_scoped3A_632 : memref<!tpu.dma_semaphore, #tpu.memory_space<semaphore_mem>>) src(%arg21 : memref<16x128xf32, #tpu.memory_space<vmem>>) dst(%dma_wait3A_644 : memref<10112x128xf32, #tpu.memory_space<vmem_shared>>)
        tpu.yield
      }) : () -> ()
      %add3A_624 = arith.constant 1 : i32
      %add3A_625 = arith.addi %scan3A_519, %add3A_624 : i32
      %dma_start3A_626 = arith.constant 112 : i32
      %dma_start3A_627 = tpu.memref_slice %arg12[%add3A_625, %dma_start3A_626] : memref<79x128xi32, #tpu.memory_space<vmem>> -> memref<1x16xi32, #tpu.memory_space<vmem>>
      %dma_start3A_628 = tpu.memref_squeeze %dma_start3A_627 : memref<1x16xi32, #tpu.memory_space<vmem>> -> memref<16xi32, #tpu.memory_space<vmem>>
      %dma_start3A_629 = arith.constant 0 : i32
      %dma_start3A_630 = arith.constant 0 : i32
      %dma_start3A_631 = tpu.memref_slice %arg2[%dma_start3A_629, %dma_start3A_630] : memref<10000x128xf32, #tpu.memory_space<hbm>> -> memref<10000x128xf32, #tpu.memory_space<hbm>>
      tpu.enqueue_indirect_dma source(%dma_start3A_631 : memref<10000x128xf32, #tpu.memory_space<hbm>>) target(%arg21 : memref<16x128xf32, #tpu.memory_space<vmem>>) offsets(%dma_start3A_628 : memref<16xi32, #tpu.memory_space<vmem>>) semaphore(%arg30 : memref<!tpu.dma_semaphore, #tpu.memory_space<semaphore_mem>>)
    }
    %scan3A_448 = arith.constant 78 : i32
    %dma_wait3A_449 = arith.constant 78 : i32
    %dma_wait3A_450 = arith.constant 0 : i32
    %dma_wait3A_451 = tpu.memref_slice %arg12[%dma_wait3A_449, %dma_wait3A_450] : memref<79x128xi32, #tpu.memory_space<vmem>> -> memref<1x16xi32, #tpu.memory_space<vmem>>
    %dma_wait3A_452 = tpu.memref_squeeze %dma_wait3A_451 : memref<1x16xi32, #tpu.memory_space<vmem>> -> memref<16xi32, #tpu.memory_space<vmem>>
    %dma_wait3A_453 = arith.constant 0 : i32
    %dma_wait3A_454 = arith.constant 0 : i32
    %dma_wait3A_455 = tpu.memref_slice %arg2[%dma_wait3A_453, %dma_wait3A_454] : memref<10000x128xf32, #tpu.memory_space<hbm>> -> memref<10000x128xf32, #tpu.memory_space<hbm>>
    tpu.wait_indirect_dma semaphore(%arg23 : memref<!tpu.dma_semaphore, #tpu.memory_space<semaphore_mem>>) src(%dma_wait3A_455 : memref<10000x128xf32, #tpu.memory_space<hbm>>) dst(%arg14 : memref<16x128xf32, #tpu.memory_space<vmem>>)
    %run_scoped3A_456 = arith.constant 78 : i32
    "tpu.region"() ({
      %run_scoped3A_519 = tpu.sem_alloc : memref<!tpu.dma_semaphore, #tpu.memory_space<semaphore_mem>>
      %dma_start3A_520 = arith.constant 0 : i32
      %dma_start3A_521 = tpu.memref_slice %arg13[%run_scoped3A_456, %dma_start3A_520] : memref<79x128xi32, #tpu.memory_space<vmem>> -> memref<1x16xi32, #tpu.memory_space<vmem>>
      %dma_start3A_522 = tpu.memref_squeeze %dma_start3A_521 : memref<1x16xi32, #tpu.memory_space<vmem>> -> memref<16xi32, #tpu.memory_space<vmem>>
      %dma_start3A_523 = arith.constant 0 : i32
      %dma_start3A_524 = arith.constant 0 : i32
      %dma_start3A_525 = tpu.memref_slice %arg22[%dma_start3A_523, %dma_start3A_524] : memref<10112x128xf32, #tpu.memory_space<vmem_shared>> -> memref<10112x128xf32, #tpu.memory_space<vmem_shared>>
      tpu.enqueue_indirect_dma source(%arg14 : memref<16x128xf32, #tpu.memory_space<vmem>>) target(%dma_start3A_525 : memref<10112x128xf32, #tpu.memory_space<vmem_shared>>) offsets(%dma_start3A_522 : memref<16xi32, #tpu.memory_space<vmem>>) semaphore(%run_scoped3A_519 : memref<!tpu.dma_semaphore, #tpu.memory_space<semaphore_mem>>) {add = true}
      %dma_wait3A_526 = arith.constant 0 : i32
      %dma_wait3A_527 = tpu.memref_slice %arg13[%run_scoped3A_456, %dma_wait3A_526] : memref<79x128xi32, #tpu.memory_space<vmem>> -> memref<1x16xi32, #tpu.memory_space<vmem>>
      %dma_wait3A_528 = tpu.memref_squeeze %dma_wait3A_527 : memref<1x16xi32, #tpu.memory_space<vmem>> -> memref<16xi32, #tpu.memory_space<vmem>>
      %dma_wait3A_529 = arith.constant 0 : i32
      %dma_wait3A_530 = arith.constant 0 : i32
      %dma_wait3A_531 = tpu.memref_slice %arg22[%dma_wait3A_529, %dma_wait3A_530] : memref<10112x128xf32, #tpu.memory_space<vmem_shared>> -> memref<10112x128xf32, #tpu.memory_space<vmem_shared>>
      tpu.wait_indirect_dma semaphore(%run_scoped3A_519 : memref<!tpu.dma_semaphore, #tpu.memory_space<semaphore_mem>>) src(%arg14 : memref<16x128xf32, #tpu.memory_space<vmem>>) dst(%dma_wait3A_531 : memref<10112x128xf32, #tpu.memory_space<vmem_shared>>)
      tpu.yield
    }) : () -> ()
    %dma_wait3A_457 = arith.constant 78 : i32
    %dma_wait3A_458 = arith.constant 16 : i32
    %dma_wait3A_459 = tpu.memref_slice %arg12[%dma_wait3A_457, %dma_wait3A_458] : memref<79x128xi32, #tpu.memory_space<vmem>> -> memref<1x16xi32, #tpu.memory_space<vmem>>
    %dma_wait3A_460 = tpu.memref_squeeze %dma_wait3A_459 : memref<1x16xi32, #tpu.memory_space<vmem>> -> memref<16xi32, #tpu.memory_space<vmem>>
    %dma_wait3A_461 = arith.constant 0 : i32
    %dma_wait3A_462 = arith.constant 0 : i32
    %dma_wait3A_463 = tpu.memref_slice %arg2[%dma_wait3A_461, %dma_wait3A_462] : memref<10000x128xf32, #tpu.memory_space<hbm>> -> memref<10000x128xf32, #tpu.memory_space<hbm>>
    tpu.wait_indirect_dma semaphore(%arg24 : memref<!tpu.dma_semaphore, #tpu.memory_space<semaphore_mem>>) src(%dma_wait3A_463 : memref<10000x128xf32, #tpu.memory_space<hbm>>) dst(%arg15 : memref<16x128xf32, #tpu.memory_space<vmem>>)
    %run_scoped3A_464 = arith.constant 78 : i32
    "tpu.region"() ({
      %run_scoped3A_519 = tpu.sem_alloc : memref<!tpu.dma_semaphore, #tpu.memory_space<semaphore_mem>>
      %dma_start3A_520 = arith.constant 16 : i32
      %dma_start3A_521 = tpu.memref_slice %arg13[%run_scoped3A_464, %dma_start3A_520] : memref<79x128xi32, #tpu.memory_space<vmem>> -> memref<1x16xi32, #tpu.memory_space<vmem>>
      %dma_start3A_522 = tpu.memref_squeeze %dma_start3A_521 : memref<1x16xi32, #tpu.memory_space<vmem>> -> memref<16xi32, #tpu.memory_space<vmem>>
      %dma_start3A_523 = arith.constant 0 : i32
      %dma_start3A_524 = arith.constant 0 : i32
      %dma_start3A_525 = tpu.memref_slice %arg22[%dma_start3A_523, %dma_start3A_524] : memref<10112x128xf32, #tpu.memory_space<vmem_shared>> -> memref<10112x128xf32, #tpu.memory_space<vmem_shared>>
      tpu.enqueue_indirect_dma source(%arg15 : memref<16x128xf32, #tpu.memory_space<vmem>>) target(%dma_start3A_525 : memref<10112x128xf32, #tpu.memory_space<vmem_shared>>) offsets(%dma_start3A_522 : memref<16xi32, #tpu.memory_space<vmem>>) semaphore(%run_scoped3A_519 : memref<!tpu.dma_semaphore, #tpu.memory_space<semaphore_mem>>) {add = true}
      %dma_wait3A_526 = arith.constant 16 : i32
      %dma_wait3A_527 = tpu.memref_slice %arg13[%run_scoped3A_464, %dma_wait3A_526] : memref<79x128xi32, #tpu.memory_space<vmem>> -> memref<1x16xi32, #tpu.memory_space<vmem>>
      %dma_wait3A_528 = tpu.memref_squeeze %dma_wait3A_527 : memref<1x16xi32, #tpu.memory_space<vmem>> -> memref<16xi32, #tpu.memory_space<vmem>>
      %dma_wait3A_529 = arith.constant 0 : i32
      %dma_wait3A_530 = arith.constant 0 : i32
      %dma_wait3A_531 = tpu.memref_slice %arg22[%dma_wait3A_529, %dma_wait3A_530] : memref<10112x128xf32, #tpu.memory_space<vmem_shared>> -> memref<10112x128xf32, #tpu.memory_space<vmem_shared>>
      tpu.wait_indirect_dma semaphore(%run_scoped3A_519 : memref<!tpu.dma_semaphore, #tpu.memory_space<semaphore_mem>>) src(%arg15 : memref<16x128xf32, #tpu.memory_space<vmem>>) dst(%dma_wait3A_531 : memref<10112x128xf32, #tpu.memory_space<vmem_shared>>)
      tpu.yield
    }) : () -> ()
    %dma_wait3A_465 = arith.constant 78 : i32
    %dma_wait3A_466 = arith.constant 32 : i32
    %dma_wait3A_467 = tpu.memref_slice %arg12[%dma_wait3A_465, %dma_wait3A_466] : memref<79x128xi32, #tpu.memory_space<vmem>> -> memref<1x16xi32, #tpu.memory_space<vmem>>
    %dma_wait3A_468 = tpu.memref_squeeze %dma_wait3A_467 : memref<1x16xi32, #tpu.memory_space<vmem>> -> memref<16xi32, #tpu.memory_space<vmem>>
    %dma_wait3A_469 = arith.constant 0 : i32
    %dma_wait3A_470 = arith.constant 0 : i32
    %dma_wait3A_471 = tpu.memref_slice %arg2[%dma_wait3A_469, %dma_wait3A_470] : memref<10000x128xf32, #tpu.memory_space<hbm>> -> memref<10000x128xf32, #tpu.memory_space<hbm>>
    tpu.wait_indirect_dma semaphore(%arg25 : memref<!tpu.dma_semaphore, #tpu.memory_space<semaphore_mem>>) src(%dma_wait3A_471 : memref<10000x128xf32, #tpu.memory_space<hbm>>) dst(%arg16 : memref<16x128xf32, #tpu.memory_space<vmem>>)
    %run_scoped3A_472 = arith.constant 78 : i32
    "tpu.region"() ({
      %run_scoped3A_519 = tpu.sem_alloc : memref<!tpu.dma_semaphore, #tpu.memory_space<semaphore_mem>>
      %dma_start3A_520 = arith.constant 32 : i32
      %dma_start3A_521 = tpu.memref_slice %arg13[%run_scoped3A_472, %dma_start3A_520] : memref<79x128xi32, #tpu.memory_space<vmem>> -> memref<1x16xi32, #tpu.memory_space<vmem>>
      %dma_start3A_522 = tpu.memref_squeeze %dma_start3A_521 : memref<1x16xi32, #tpu.memory_space<vmem>> -> memref<16xi32, #tpu.memory_space<vmem>>
      %dma_start3A_523 = arith.constant 0 : i32
      %dma_start3A_524 = arith.constant 0 : i32
      %dma_start3A_525 = tpu.memref_slice %arg22[%dma_start3A_523, %dma_start3A_524] : memref<10112x128xf32, #tpu.memory_space<vmem_shared>> -> memref<10112x128xf32, #tpu.memory_space<vmem_shared>>
      tpu.enqueue_indirect_dma source(%arg16 : memref<16x128xf32, #tpu.memory_space<vmem>>) target(%dma_start3A_525 : memref<10112x128xf32, #tpu.memory_space<vmem_shared>>) offsets(%dma_start3A_522 : memref<16xi32, #tpu.memory_space<vmem>>) semaphore(%run_scoped3A_519 : memref<!tpu.dma_semaphore, #tpu.memory_space<semaphore_mem>>) {add = true}
      %dma_wait3A_526 = arith.constant 32 : i32
      %dma_wait3A_527 = tpu.memref_slice %arg13[%run_scoped3A_472, %dma_wait3A_526] : memref<79x128xi32, #tpu.memory_space<vmem>> -> memref<1x16xi32, #tpu.memory_space<vmem>>
      %dma_wait3A_528 = tpu.memref_squeeze %dma_wait3A_527 : memref<1x16xi32, #tpu.memory_space<vmem>> -> memref<16xi32, #tpu.memory_space<vmem>>
      %dma_wait3A_529 = arith.constant 0 : i32
      %dma_wait3A_530 = arith.constant 0 : i32
      %dma_wait3A_531 = tpu.memref_slice %arg22[%dma_wait3A_529, %dma_wait3A_530] : memref<10112x128xf32, #tpu.memory_space<vmem_shared>> -> memref<10112x128xf32, #tpu.memory_space<vmem_shared>>
      tpu.wait_indirect_dma semaphore(%run_scoped3A_519 : memref<!tpu.dma_semaphore, #tpu.memory_space<semaphore_mem>>) src(%arg16 : memref<16x128xf32, #tpu.memory_space<vmem>>) dst(%dma_wait3A_531 : memref<10112x128xf32, #tpu.memory_space<vmem_shared>>)
      tpu.yield
    }) : () -> ()
    %dma_wait3A_473 = arith.constant 78 : i32
    %dma_wait3A_474 = arith.constant 48 : i32
    %dma_wait3A_475 = tpu.memref_slice %arg12[%dma_wait3A_473, %dma_wait3A_474] : memref<79x128xi32, #tpu.memory_space<vmem>> -> memref<1x16xi32, #tpu.memory_space<vmem>>
    %dma_wait3A_476 = tpu.memref_squeeze %dma_wait3A_475 : memref<1x16xi32, #tpu.memory_space<vmem>> -> memref<16xi32, #tpu.memory_space<vmem>>
    %dma_wait3A_477 = arith.constant 0 : i32
    %dma_wait3A_478 = arith.constant 0 : i32
    %dma_wait3A_479 = tpu.memref_slice %arg2[%dma_wait3A_477, %dma_wait3A_478] : memref<10000x128xf32, #tpu.memory_space<hbm>> -> memref<10000x128xf32, #tpu.memory_space<hbm>>
    tpu.wait_indirect_dma semaphore(%arg26 : memref<!tpu.dma_semaphore, #tpu.memory_space<semaphore_mem>>) src(%dma_wait3A_479 : memref<10000x128xf32, #tpu.memory_space<hbm>>) dst(%arg17 : memref<16x128xf32, #tpu.memory_space<vmem>>)
    %run_scoped3A_480 = arith.constant 78 : i32
    "tpu.region"() ({
      %run_scoped3A_519 = tpu.sem_alloc : memref<!tpu.dma_semaphore, #tpu.memory_space<semaphore_mem>>
      %dma_start3A_520 = arith.constant 48 : i32
      %dma_start3A_521 = tpu.memref_slice %arg13[%run_scoped3A_480, %dma_start3A_520] : memref<79x128xi32, #tpu.memory_space<vmem>> -> memref<1x16xi32, #tpu.memory_space<vmem>>
      %dma_start3A_522 = tpu.memref_squeeze %dma_start3A_521 : memref<1x16xi32, #tpu.memory_space<vmem>> -> memref<16xi32, #tpu.memory_space<vmem>>
      %dma_start3A_523 = arith.constant 0 : i32
      %dma_start3A_524 = arith.constant 0 : i32
      %dma_start3A_525 = tpu.memref_slice %arg22[%dma_start3A_523, %dma_start3A_524] : memref<10112x128xf32, #tpu.memory_space<vmem_shared>> -> memref<10112x128xf32, #tpu.memory_space<vmem_shared>>
      tpu.enqueue_indirect_dma source(%arg17 : memref<16x128xf32, #tpu.memory_space<vmem>>) target(%dma_start3A_525 : memref<10112x128xf32, #tpu.memory_space<vmem_shared>>) offsets(%dma_start3A_522 : memref<16xi32, #tpu.memory_space<vmem>>) semaphore(%run_scoped3A_519 : memref<!tpu.dma_semaphore, #tpu.memory_space<semaphore_mem>>) {add = true}
      %dma_wait3A_526 = arith.constant 48 : i32
      %dma_wait3A_527 = tpu.memref_slice %arg13[%run_scoped3A_480, %dma_wait3A_526] : memref<79x128xi32, #tpu.memory_space<vmem>> -> memref<1x16xi32, #tpu.memory_space<vmem>>
      %dma_wait3A_528 = tpu.memref_squeeze %dma_wait3A_527 : memref<1x16xi32, #tpu.memory_space<vmem>> -> memref<16xi32, #tpu.memory_space<vmem>>
      %dma_wait3A_529 = arith.constant 0 : i32
      %dma_wait3A_530 = arith.constant 0 : i32
      %dma_wait3A_531 = tpu.memref_slice %arg22[%dma_wait3A_529, %dma_wait3A_530] : memref<10112x128xf32, #tpu.memory_space<vmem_shared>> -> memref<10112x128xf32, #tpu.memory_space<vmem_shared>>
      tpu.wait_indirect_dma semaphore(%run_scoped3A_519 : memref<!tpu.dma_semaphore, #tpu.memory_space<semaphore_mem>>) src(%arg17 : memref<16x128xf32, #tpu.memory_space<vmem>>) dst(%dma_wait3A_531 : memref<10112x128xf32, #tpu.memory_space<vmem_shared>>)
      tpu.yield
    }) : () -> ()
    %dma_wait3A_481 = arith.constant 78 : i32
    %dma_wait3A_482 = arith.constant 64 : i32
    %dma_wait3A_483 = tpu.memref_slice %arg12[%dma_wait3A_481, %dma_wait3A_482] : memref<79x128xi32, #tpu.memory_space<vmem>> -> memref<1x16xi32, #tpu.memory_space<vmem>>
    %dma_wait3A_484 = tpu.memref_squeeze %dma_wait3A_483 : memref<1x16xi32, #tpu.memory_space<vmem>> -> memref<16xi32, #tpu.memory_space<vmem>>
    %dma_wait3A_485 = arith.constant 0 : i32
    %dma_wait3A_486 = arith.constant 0 : i32
    %dma_wait3A_487 = tpu.memref_slice %arg2[%dma_wait3A_485, %dma_wait3A_486] : memref<10000x128xf32, #tpu.memory_space<hbm>> -> memref<10000x128xf32, #tpu.memory_space<hbm>>
    tpu.wait_indirect_dma semaphore(%arg27 : memref<!tpu.dma_semaphore, #tpu.memory_space<semaphore_mem>>) src(%dma_wait3A_487 : memref<10000x128xf32, #tpu.memory_space<hbm>>) dst(%arg18 : memref<16x128xf32, #tpu.memory_space<vmem>>)
    %run_scoped3A_488 = arith.constant 78 : i32
    "tpu.region"() ({
      %run_scoped3A_519 = tpu.sem_alloc : memref<!tpu.dma_semaphore, #tpu.memory_space<semaphore_mem>>
      %dma_start3A_520 = arith.constant 64 : i32
      %dma_start3A_521 = tpu.memref_slice %arg13[%run_scoped3A_488, %dma_start3A_520] : memref<79x128xi32, #tpu.memory_space<vmem>> -> memref<1x16xi32, #tpu.memory_space<vmem>>
      %dma_start3A_522 = tpu.memref_squeeze %dma_start3A_521 : memref<1x16xi32, #tpu.memory_space<vmem>> -> memref<16xi32, #tpu.memory_space<vmem>>
      %dma_start3A_523 = arith.constant 0 : i32
      %dma_start3A_524 = arith.constant 0 : i32
      %dma_start3A_525 = tpu.memref_slice %arg22[%dma_start3A_523, %dma_start3A_524] : memref<10112x128xf32, #tpu.memory_space<vmem_shared>> -> memref<10112x128xf32, #tpu.memory_space<vmem_shared>>
      tpu.enqueue_indirect_dma source(%arg18 : memref<16x128xf32, #tpu.memory_space<vmem>>) target(%dma_start3A_525 : memref<10112x128xf32, #tpu.memory_space<vmem_shared>>) offsets(%dma_start3A_522 : memref<16xi32, #tpu.memory_space<vmem>>) semaphore(%run_scoped3A_519 : memref<!tpu.dma_semaphore, #tpu.memory_space<semaphore_mem>>) {add = true}
      %dma_wait3A_526 = arith.constant 64 : i32
      %dma_wait3A_527 = tpu.memref_slice %arg13[%run_scoped3A_488, %dma_wait3A_526] : memref<79x128xi32, #tpu.memory_space<vmem>> -> memref<1x16xi32, #tpu.memory_space<vmem>>
      %dma_wait3A_528 = tpu.memref_squeeze %dma_wait3A_527 : memref<1x16xi32, #tpu.memory_space<vmem>> -> memref<16xi32, #tpu.memory_space<vmem>>
      %dma_wait3A_529 = arith.constant 0 : i32
      %dma_wait3A_530 = arith.constant 0 : i32
      %dma_wait3A_531 = tpu.memref_slice %arg22[%dma_wait3A_529, %dma_wait3A_530] : memref<10112x128xf32, #tpu.memory_space<vmem_shared>> -> memref<10112x128xf32, #tpu.memory_space<vmem_shared>>
      tpu.wait_indirect_dma semaphore(%run_scoped3A_519 : memref<!tpu.dma_semaphore, #tpu.memory_space<semaphore_mem>>) src(%arg18 : memref<16x128xf32, #tpu.memory_space<vmem>>) dst(%dma_wait3A_531 : memref<10112x128xf32, #tpu.memory_space<vmem_shared>>)
      tpu.yield
    }) : () -> ()
    %dma_wait3A_489 = arith.constant 78 : i32
    %dma_wait3A_490 = arith.constant 80 : i32
    %dma_wait3A_491 = tpu.memref_slice %arg12[%dma_wait3A_489, %dma_wait3A_490] : memref<79x128xi32, #tpu.memory_space<vmem>> -> memref<1x16xi32, #tpu.memory_space<vmem>>
    %dma_wait3A_492 = tpu.memref_squeeze %dma_wait3A_491 : memref<1x16xi32, #tpu.memory_space<vmem>> -> memref<16xi32, #tpu.memory_space<vmem>>
    %dma_wait3A_493 = arith.constant 0 : i32
    %dma_wait3A_494 = arith.constant 0 : i32
    %dma_wait3A_495 = tpu.memref_slice %arg2[%dma_wait3A_493, %dma_wait3A_494] : memref<10000x128xf32, #tpu.memory_space<hbm>> -> memref<10000x128xf32, #tpu.memory_space<hbm>>
    tpu.wait_indirect_dma semaphore(%arg28 : memref<!tpu.dma_semaphore, #tpu.memory_space<semaphore_mem>>) src(%dma_wait3A_495 : memref<10000x128xf32, #tpu.memory_space<hbm>>) dst(%arg19 : memref<16x128xf32, #tpu.memory_space<vmem>>)
    %run_scoped3A_496 = arith.constant 78 : i32
    "tpu.region"() ({
      %run_scoped3A_519 = tpu.sem_alloc : memref<!tpu.dma_semaphore, #tpu.memory_space<semaphore_mem>>
      %dma_start3A_520 = arith.constant 80 : i32
      %dma_start3A_521 = tpu.memref_slice %arg13[%run_scoped3A_496, %dma_start3A_520] : memref<79x128xi32, #tpu.memory_space<vmem>> -> memref<1x16xi32, #tpu.memory_space<vmem>>
      %dma_start3A_522 = tpu.memref_squeeze %dma_start3A_521 : memref<1x16xi32, #tpu.memory_space<vmem>> -> memref<16xi32, #tpu.memory_space<vmem>>
      %dma_start3A_523 = arith.constant 0 : i32
      %dma_start3A_524 = arith.constant 0 : i32
      %dma_start3A_525 = tpu.memref_slice %arg22[%dma_start3A_523, %dma_start3A_524] : memref<10112x128xf32, #tpu.memory_space<vmem_shared>> -> memref<10112x128xf32, #tpu.memory_space<vmem_shared>>
      tpu.enqueue_indirect_dma source(%arg19 : memref<16x128xf32, #tpu.memory_space<vmem>>) target(%dma_start3A_525 : memref<10112x128xf32, #tpu.memory_space<vmem_shared>>) offsets(%dma_start3A_522 : memref<16xi32, #tpu.memory_space<vmem>>) semaphore(%run_scoped3A_519 : memref<!tpu.dma_semaphore, #tpu.memory_space<semaphore_mem>>) {add = true}
      %dma_wait3A_526 = arith.constant 80 : i32
      %dma_wait3A_527 = tpu.memref_slice %arg13[%run_scoped3A_496, %dma_wait3A_526] : memref<79x128xi32, #tpu.memory_space<vmem>> -> memref<1x16xi32, #tpu.memory_space<vmem>>
      %dma_wait3A_528 = tpu.memref_squeeze %dma_wait3A_527 : memref<1x16xi32, #tpu.memory_space<vmem>> -> memref<16xi32, #tpu.memory_space<vmem>>
      %dma_wait3A_529 = arith.constant 0 : i32
      %dma_wait3A_530 = arith.constant 0 : i32
      %dma_wait3A_531 = tpu.memref_slice %arg22[%dma_wait3A_529, %dma_wait3A_530] : memref<10112x128xf32, #tpu.memory_space<vmem_shared>> -> memref<10112x128xf32, #tpu.memory_space<vmem_shared>>
      tpu.wait_indirect_dma semaphore(%run_scoped3A_519 : memref<!tpu.dma_semaphore, #tpu.memory_space<semaphore_mem>>) src(%arg19 : memref<16x128xf32, #tpu.memory_space<vmem>>) dst(%dma_wait3A_531 : memref<10112x128xf32, #tpu.memory_space<vmem_shared>>)
      tpu.yield
    }) : () -> ()
    %dma_wait3A_497 = arith.constant 78 : i32
    %dma_wait3A_498 = arith.constant 96 : i32
    %dma_wait3A_499 = tpu.memref_slice %arg12[%dma_wait3A_497, %dma_wait3A_498] : memref<79x128xi32, #tpu.memory_space<vmem>> -> memref<1x16xi32, #tpu.memory_space<vmem>>
    %dma_wait3A_500 = tpu.memref_squeeze %dma_wait3A_499 : memref<1x16xi32, #tpu.memory_space<vmem>> -> memref<16xi32, #tpu.memory_space<vmem>>
    %dma_wait3A_501 = arith.constant 0 : i32
    %dma_wait3A_502 = arith.constant 0 : i32
    %dma_wait3A_503 = tpu.memref_slice %arg2[%dma_wait3A_501, %dma_wait3A_502] : memref<10000x128xf32, #tpu.memory_space<hbm>> -> memref<10000x128xf32, #tpu.memory_space<hbm>>
    tpu.wait_indirect_dma semaphore(%arg29 : memref<!tpu.dma_semaphore, #tpu.memory_space<semaphore_mem>>) src(%dma_wait3A_503 : memref<10000x128xf32, #tpu.memory_space<hbm>>) dst(%arg20 : memref<16x128xf32, #tpu.memory_space<vmem>>)
    %run_scoped3A_504 = arith.constant 78 : i32
    "tpu.region"() ({
      %run_scoped3A_519 = tpu.sem_alloc : memref<!tpu.dma_semaphore, #tpu.memory_space<semaphore_mem>>
      %dma_start3A_520 = arith.constant 96 : i32
      %dma_start3A_521 = tpu.memref_slice %arg13[%run_scoped3A_504, %dma_start3A_520] : memref<79x128xi32, #tpu.memory_space<vmem>> -> memref<1x16xi32, #tpu.memory_space<vmem>>
      %dma_start3A_522 = tpu.memref_squeeze %dma_start3A_521 : memref<1x16xi32, #tpu.memory_space<vmem>> -> memref<16xi32, #tpu.memory_space<vmem>>
      %dma_start3A_523 = arith.constant 0 : i32
      %dma_start3A_524 = arith.constant 0 : i32
      %dma_start3A_525 = tpu.memref_slice %arg22[%dma_start3A_523, %dma_start3A_524] : memref<10112x128xf32, #tpu.memory_space<vmem_shared>> -> memref<10112x128xf32, #tpu.memory_space<vmem_shared>>
      tpu.enqueue_indirect_dma source(%arg20 : memref<16x128xf32, #tpu.memory_space<vmem>>) target(%dma_start3A_525 : memref<10112x128xf32, #tpu.memory_space<vmem_shared>>) offsets(%dma_start3A_522 : memref<16xi32, #tpu.memory_space<vmem>>) semaphore(%run_scoped3A_519 : memref<!tpu.dma_semaphore, #tpu.memory_space<semaphore_mem>>) {add = true}
      %dma_wait3A_526 = arith.constant 96 : i32
      %dma_wait3A_527 = tpu.memref_slice %arg13[%run_scoped3A_504, %dma_wait3A_526] : memref<79x128xi32, #tpu.memory_space<vmem>> -> memref<1x16xi32, #tpu.memory_space<vmem>>
      %dma_wait3A_528 = tpu.memref_squeeze %dma_wait3A_527 : memref<1x16xi32, #tpu.memory_space<vmem>> -> memref<16xi32, #tpu.memory_space<vmem>>
      %dma_wait3A_529 = arith.constant 0 : i32
      %dma_wait3A_530 = arith.constant 0 : i32
      %dma_wait3A_531 = tpu.memref_slice %arg22[%dma_wait3A_529, %dma_wait3A_530] : memref<10112x128xf32, #tpu.memory_space<vmem_shared>> -> memref<10112x128xf32, #tpu.memory_space<vmem_shared>>
      tpu.wait_indirect_dma semaphore(%run_scoped3A_519 : memref<!tpu.dma_semaphore, #tpu.memory_space<semaphore_mem>>) src(%arg20 : memref<16x128xf32, #tpu.memory_space<vmem>>) dst(%dma_wait3A_531 : memref<10112x128xf32, #tpu.memory_space<vmem_shared>>)
      tpu.yield
    }) : () -> ()
    %dma_wait3A_505 = arith.constant 78 : i32
    %dma_wait3A_506 = arith.constant 112 : i32
    %dma_wait3A_507 = tpu.memref_slice %arg12[%dma_wait3A_505, %dma_wait3A_506] : memref<79x128xi32, #tpu.memory_space<vmem>> -> memref<1x16xi32, #tpu.memory_space<vmem>>
    %dma_wait3A_508 = tpu.memref_squeeze %dma_wait3A_507 : memref<1x16xi32, #tpu.memory_space<vmem>> -> memref<16xi32, #tpu.memory_space<vmem>>
    %dma_wait3A_509 = arith.constant 0 : i32
    %dma_wait3A_510 = arith.constant 0 : i32
    %dma_wait3A_511 = tpu.memref_slice %arg2[%dma_wait3A_509, %dma_wait3A_510] : memref<10000x128xf32, #tpu.memory_space<hbm>> -> memref<10000x128xf32, #tpu.memory_space<hbm>>
    tpu.wait_indirect_dma semaphore(%arg30 : memref<!tpu.dma_semaphore, #tpu.memory_space<semaphore_mem>>) src(%dma_wait3A_511 : memref<10000x128xf32, #tpu.memory_space<hbm>>) dst(%arg21 : memref<16x128xf32, #tpu.memory_space<vmem>>)
    %run_scoped3A_512 = arith.constant 78 : i32
    "tpu.region"() ({
      %run_scoped3A_519 = tpu.sem_alloc : memref<!tpu.dma_semaphore, #tpu.memory_space<semaphore_mem>>
      %dma_start3A_520 = arith.constant 112 : i32
      %dma_start3A_521 = tpu.memref_slice %arg13[%run_scoped3A_512, %dma_start3A_520] : memref<79x128xi32, #tpu.memory_space<vmem>> -> memref<1x16xi32, #tpu.memory_space<vmem>>
      %dma_start3A_522 = tpu.memref_squeeze %dma_start3A_521 : memref<1x16xi32, #tpu.memory_space<vmem>> -> memref<16xi32, #tpu.memory_space<vmem>>
      %dma_start3A_523 = arith.constant 0 : i32
      %dma_start3A_524 = arith.constant 0 : i32
      %dma_start3A_525 = tpu.memref_slice %arg22[%dma_start3A_523, %dma_start3A_524] : memref<10112x128xf32, #tpu.memory_space<vmem_shared>> -> memref<10112x128xf32, #tpu.memory_space<vmem_shared>>
      tpu.enqueue_indirect_dma source(%arg21 : memref<16x128xf32, #tpu.memory_space<vmem>>) target(%dma_start3A_525 : memref<10112x128xf32, #tpu.memory_space<vmem_shared>>) offsets(%dma_start3A_522 : memref<16xi32, #tpu.memory_space<vmem>>) semaphore(%run_scoped3A_519 : memref<!tpu.dma_semaphore, #tpu.memory_space<semaphore_mem>>) {add = true}
      %dma_wait3A_526 = arith.constant 112 : i32
      %dma_wait3A_527 = tpu.memref_slice %arg13[%run_scoped3A_512, %dma_wait3A_526] : memref<79x128xi32, #tpu.memory_space<vmem>> -> memref<1x16xi32, #tpu.memory_space<vmem>>
      %dma_wait3A_528 = tpu.memref_squeeze %dma_wait3A_527 : memref<1x16xi32, #tpu.memory_space<vmem>> -> memref<16xi32, #tpu.memory_space<vmem>>
      %dma_wait3A_529 = arith.constant 0 : i32
      %dma_wait3A_530 = arith.constant 0 : i32
      %dma_wait3A_531 = tpu.memref_slice %arg22[%dma_wait3A_529, %dma_wait3A_530] : memref<10112x128xf32, #tpu.memory_space<vmem_shared>> -> memref<10112x128xf32, #tpu.memory_space<vmem_shared>>
      tpu.wait_indirect_dma semaphore(%run_scoped3A_519 : memref<!tpu.dma_semaphore, #tpu.memory_space<semaphore_mem>>) src(%arg21 : memref<16x128xf32, #tpu.memory_space<vmem>>) dst(%dma_wait3A_531 : memref<10112x128xf32, #tpu.memory_space<vmem_shared>>)
      tpu.yield
    }) : () -> ()
    %barrier3A_513 = arith.constant 0 : index
    tpu.barrier barrier_id(%barrier3A_513)
    %mul3A_514 = arith.constant 632 : i32
    %mul3A_515 = arith.muli %arg1, %mul3A_514 : i32
    %mul3A_516 = arith.constant 632 : i32
    %mul3A_517 = arith.muli %arg1, %mul3A_516 : i32
    "tpu.region"() ({
      %run_scoped3A_519 = tpu.sem_alloc : memref<!tpu.dma_semaphore, #tpu.memory_space<semaphore_mem>>
      %dma_start3A_520 = arith.constant 0 : i32
      %dma_start3A_521 = tpu.memref_slice %arg11[%arg0, %mul3A_517, %dma_start3A_520] : memref<2x10112x128xf32, #tpu.memory_space<hbm>> -> memref<1x632x128xf32, #tpu.memory_space<hbm>>
      %dma_start3A_522 = tpu.memref_squeeze %dma_start3A_521 : memref<1x632x128xf32, #tpu.memory_space<hbm>> -> memref<632x128xf32, #tpu.memory_space<hbm>>
      %dma_start3A_523 = arith.constant 0 : i32
      %dma_start3A_524 = tpu.memref_slice %arg22[%mul3A_515, %dma_start3A_523] : memref<10112x128xf32, #tpu.memory_space<vmem_shared>> -> memref<632x128xf32, #tpu.memory_space<vmem_shared>>
      tpu.enqueue_dma source(%dma_start3A_524 : memref<632x128xf32, #tpu.memory_space<vmem_shared>>) target(%dma_start3A_522 : memref<632x128xf32, #tpu.memory_space<hbm>>) target_semaphore(%run_scoped3A_519 : memref<!tpu.dma_semaphore, #tpu.memory_space<semaphore_mem>>)
      %dma_wait3A_525 = arith.constant 0 : i32
      %dma_wait3A_526 = tpu.memref_slice %arg11[%arg0, %mul3A_517, %dma_wait3A_525] : memref<2x10112x128xf32, #tpu.memory_space<hbm>> -> memref<1x632x128xf32, #tpu.memory_space<hbm>>
      %dma_wait3A_527 = tpu.memref_squeeze %dma_wait3A_526 : memref<1x632x128xf32, #tpu.memory_space<hbm>> -> memref<632x128xf32, #tpu.memory_space<hbm>>
      %dma_wait3A_528 = arith.constant 0 : i32
      %dma_wait3A_529 = tpu.memref_slice %arg22[%mul3A_515, %dma_wait3A_528] : memref<10112x128xf32, #tpu.memory_space<vmem_shared>> -> memref<632x128xf32, #tpu.memory_space<vmem_shared>>
      tpu.wait_dma2 semaphore(%run_scoped3A_519 : memref<!tpu.dma_semaphore, #tpu.memory_space<semaphore_mem>>) src(%dma_wait3A_529 : memref<632x128xf32, #tpu.memory_space<vmem_shared>>) dst(%dma_wait3A_527 : memref<632x128xf32, #tpu.memory_space<hbm>>)
      tpu.yield
    }) : () -> ()
    %barrier3A_518 = arith.constant 0 : index
    tpu.barrier barrier_id(%barrier3A_518)
    return
  }
}

module attributes {stable_mosaic.version = 14 : i64} {
  func.func @_combine_kernel(%arg0: i32, %arg1: memref<2x1000x128xf32, #tpu.memory_space<vmem>>, %arg2: memref<2x1000x128xf32, #tpu.memory_space<vmem>>, %arg3: memref<2x1000x128xf32, #tpu.memory_space<vmem>>, %arg4: memref<1000x128xf32, #tpu.memory_space<vmem>>, %arg5: memref<384x128xf32, #tpu.memory_space<vmem>>, %arg6: memref<1x128xf32, #tpu.memory_space<vmem>>, %arg7: memref<1000x128xf32, #tpu.memory_space<vmem>>) attributes {dimension_semantics = [#tpu.dimension_semantics<arbitrary>], iteration_bounds = array<i64: 10>, scalar_prefetch = 0 : i64, scratch_operands = 0 : i64, tpu.core_type = #tpu.core_type<tc>, window_params = [{transform_indices = @transform_0, window_bounds = array<i64: 2, 1000, 128>}, {transform_indices = @transform_1, window_bounds = array<i64: 2, 1000, 128>}, {transform_indices = @transform_2, window_bounds = array<i64: 2, 1000, 128>}, {transform_indices = @transform_3, window_bounds = array<i64: 1000, 128>}, {pipeline_mode = #tpu.pipeline_mode<synchronous>, transform_indices = @transform_4, window_bounds = array<i64: 384, 128>}, {pipeline_mode = #tpu.pipeline_mode<synchronous>, transform_indices = @transform_5, window_bounds = array<i64: 1, 128>}, {transform_indices = @transform_6, window_bounds = array<i64: 1000, 128>}]} {
    %get3A = arith.constant 0 : index
    %get3A_0 = arith.constant 0 : index
    %get3A_1 = arith.constant 0 : index
    %get3A_2 = vector.load %arg1[%get3A, %get3A_0, %get3A_1] : memref<2x1000x128xf32, #tpu.memory_space<vmem>>, vector<1x1000x128xf32>
    %get3A_3 = vector.shape_cast %get3A_2 : vector<1x1000x128xf32> to vector<1000x128xf32>
    %get3A_4 = arith.constant 1 : index
    %get3A_5 = arith.constant 0 : index
    %get3A_6 = arith.constant 0 : index
    %get3A_7 = vector.load %arg1[%get3A_4, %get3A_5, %get3A_6] : memref<2x1000x128xf32, #tpu.memory_space<vmem>>, vector<1x1000x128xf32>
    %get3A_8 = vector.shape_cast %get3A_7 : vector<1x1000x128xf32> to vector<1000x128xf32>
    %add3A = arith.addf %get3A_3, %get3A_8 : vector<1000x128xf32>
    %get3A_9 = arith.constant 0 : index
    %get3A_10 = arith.constant 0 : index
    %get3A_11 = arith.constant 0 : index
    %get3A_12 = vector.load %arg2[%get3A_9, %get3A_10, %get3A_11] : memref<2x1000x128xf32, #tpu.memory_space<vmem>>, vector<1x1000x128xf32>
    %get3A_13 = vector.shape_cast %get3A_12 : vector<1x1000x128xf32> to vector<1000x128xf32>
    %get3A_14 = arith.constant 1 : index
    %get3A_15 = arith.constant 0 : index
    %get3A_16 = arith.constant 0 : index
    %get3A_17 = vector.load %arg2[%get3A_14, %get3A_15, %get3A_16] : memref<2x1000x128xf32, #tpu.memory_space<vmem>>, vector<1x1000x128xf32>
    %get3A_18 = vector.shape_cast %get3A_17 : vector<1x1000x128xf32> to vector<1000x128xf32>
    %add3A_19 = arith.addf %get3A_13, %get3A_18 : vector<1000x128xf32>
    %get3A_20 = arith.constant 0 : index
    %get3A_21 = arith.constant 0 : index
    %get3A_22 = arith.constant 0 : index
    %get3A_23 = vector.load %arg3[%get3A_20, %get3A_21, %get3A_22] : memref<2x1000x128xf32, #tpu.memory_space<vmem>>, vector<1x1000x1xf32>
    %get3A_24 = vector.shape_cast %get3A_23 : vector<1x1000x1xf32> to vector<1000x1xf32>
    %get3A_25 = arith.constant 1 : index
    %get3A_26 = arith.constant 0 : index
    %get3A_27 = arith.constant 0 : index
    %get3A_28 = vector.load %arg3[%get3A_25, %get3A_26, %get3A_27] : memref<2x1000x128xf32, #tpu.memory_space<vmem>>, vector<1x1000x1xf32>
    %get3A_29 = vector.shape_cast %get3A_28 : vector<1x1000x1xf32> to vector<1000x1xf32>
    %add3A_30 = arith.addf %get3A_24, %get3A_29 : vector<1000x1xf32>
    %get3A_31 = arith.constant 0 : index
    %get3A_32 = arith.constant 0 : index
    %get3A_33 = arith.constant 64 : index
    %get3A_34 = vector.load %arg3[%get3A_31, %get3A_32, %get3A_33] : memref<2x1000x128xf32, #tpu.memory_space<vmem>>, vector<1x1000x1xf32>
    %get3A_35 = vector.shape_cast %get3A_34 : vector<1x1000x1xf32> to vector<1000x1xf32>
    %get3A_36 = arith.constant 1 : index
    %get3A_37 = arith.constant 0 : index
    %get3A_38 = arith.constant 64 : index
    %get3A_39 = vector.load %arg3[%get3A_36, %get3A_37, %get3A_38] : memref<2x1000x128xf32, #tpu.memory_space<vmem>>, vector<1x1000x1xf32>
    %get3A_40 = vector.shape_cast %get3A_39 : vector<1x1000x1xf32> to vector<1000x1xf32>
    %add3A_41 = arith.addf %get3A_35, %get3A_40 : vector<1000x1xf32>
    %max3A = arith.constant 1.000000e+00 : f32
    %max3A_42 = vector.broadcast %max3A : f32 to vector<1000x1xf32>
    %max3A_43 = arith.maximumf %add3A_30, %max3A_42 : vector<1000x1xf32>
    %div3A = vector.broadcast %max3A_43 : vector<1000x1xf32> to vector<1000x128xf32>
    %div3A_44 = arith.divf %add3A, %div3A : vector<1000x128xf32>
    %max3A_45 = arith.constant 1.000000e+00 : f32
    %max3A_46 = vector.broadcast %max3A_45 : f32 to vector<1000x1xf32>
    %max3A_47 = arith.maximumf %add3A_41, %max3A_46 : vector<1000x1xf32>
    %div3A_48 = vector.broadcast %max3A_47 : vector<1000x1xf32> to vector<1000x128xf32>
    %div3A_49 = arith.divf %add3A_19, %div3A_48 : vector<1000x128xf32>
    %get3A_50 = arith.constant 0 : index
    %get3A_51 = arith.constant 0 : index
    %get3A_52 = vector.load %arg5[%get3A_50, %get3A_51] : memref<384x128xf32, #tpu.memory_space<vmem>>, vector<128x128xf32>
    %dot_general3A = arith.constant dense<0.000000e+00> : vector<1000x128xf32>
    %dot_general3A_53 = tpu.matmul %div3A_44, %get3A_52, %dot_general3A {dimension_numbers = #tpu.dot_dimension_numbers<[1], [0], [0], [1], [0, 0, 1, 1], [], []>, transpose_lhs_hint = false} : vector<1000x128xf32>, vector<128x128xf32>, vector<1000x128xf32> -> vector<1000x128xf32>
    %get3A_54 = arith.constant 128 : index
    %get3A_55 = arith.constant 0 : index
    %get3A_56 = vector.load %arg5[%get3A_54, %get3A_55] : memref<384x128xf32, #tpu.memory_space<vmem>>, vector<128x128xf32>
    %dot_general3A_57 = arith.constant dense<0.000000e+00> : vector<1000x128xf32>
    %dot_general3A_58 = tpu.matmul %div3A_49, %get3A_56, %dot_general3A_57 {dimension_numbers = #tpu.dot_dimension_numbers<[1], [0], [0], [1], [0, 0, 1, 1], [], []>, transpose_lhs_hint = false} : vector<1000x128xf32>, vector<128x128xf32>, vector<1000x128xf32> -> vector<1000x128xf32>
    %add3A_59 = arith.addf %dot_general3A_53, %dot_general3A_58 : vector<1000x128xf32>
    %get3A_60 = arith.constant 0 : index
    %get3A_61 = arith.constant 0 : index
    %get3A_62 = vector.load %arg4[%get3A_60, %get3A_61] : memref<1000x128xf32, #tpu.memory_space<vmem>>, vector<1000x128xf32>
    %get3A_63 = arith.constant 256 : index
    %get3A_64 = arith.constant 0 : index
    %get3A_65 = vector.load %arg5[%get3A_63, %get3A_64] : memref<384x128xf32, #tpu.memory_space<vmem>>, vector<128x128xf32>
    %dot_general3A_66 = arith.constant dense<0.000000e+00> : vector<1000x128xf32>
    %dot_general3A_67 = tpu.matmul %get3A_62, %get3A_65, %dot_general3A_66 {dimension_numbers = #tpu.dot_dimension_numbers<[1], [0], [0], [1], [0, 0, 1, 1], [], []>, transpose_lhs_hint = false} : vector<1000x128xf32>, vector<128x128xf32>, vector<1000x128xf32> -> vector<1000x128xf32>
    %add3A_68 = arith.addf %add3A_59, %dot_general3A_67 : vector<1000x128xf32>
    %get3A_69 = arith.constant 0 : index
    %get3A_70 = arith.constant 0 : index
    %get3A_71 = vector.load %arg6[%get3A_69, %get3A_70] : memref<1x128xf32, #tpu.memory_space<vmem>>, vector<1x128xf32>
    %add3A_72 = vector.broadcast %get3A_71 : vector<1x128xf32> to vector<1000x128xf32>
    %add3A_73 = arith.addf %add3A_68, %add3A_72 : vector<1000x128xf32>
    %swap3A = arith.constant 0 : index
    %swap3A_74 = arith.constant 0 : index
    %swap3A_75 = vector.load %arg7[%swap3A, %swap3A_74] : memref<1000x128xf32, #tpu.memory_space<vmem>>, vector<1000x128xf32>
    tpu.vector_store %arg7[%swap3A, %swap3A_74], %add3A_73 {strides = array<i32>} : memref<1000x128xf32, #tpu.memory_space<vmem>>, vector<1000x128xf32>,
    return
  }
  func.func @transform_0(%arg0: i32) -> (i32, i32, i32) {
    %c0_i32 = arith.constant 0 : i32
    %c0_i32_0 = arith.constant 0 : i32
    %c0_i32_1 = arith.constant 0 : i32
    return %c0_i32, %arg0, %c0_i32_0 : i32, i32, i32
  }
  func.func @transform_1(%arg0: i32) -> (i32, i32, i32) {
    %c0_i32 = arith.constant 0 : i32
    %c0_i32_0 = arith.constant 0 : i32
    %c0_i32_1 = arith.constant 0 : i32
    return %c0_i32, %arg0, %c0_i32_0 : i32, i32, i32
  }
  func.func @transform_2(%arg0: i32) -> (i32, i32, i32) {
    %c0_i32 = arith.constant 0 : i32
    %c0_i32_0 = arith.constant 0 : i32
    %c0_i32_1 = arith.constant 0 : i32
    return %c0_i32, %arg0, %c0_i32_0 : i32, i32, i32
  }
  func.func @transform_3(%arg0: i32) -> (i32, i32) {
    %c0_i32 = arith.constant 0 : i32
    %c0_i32_0 = arith.constant 0 : i32
    return %arg0, %c0_i32 : i32, i32
  }
  func.func @transform_4(%arg0: i32) -> (i32, i32) {
    %c0_i32 = arith.constant 0 : i32
    %c0_i32_0 = arith.constant 0 : i32
    %c0_i32_1 = arith.constant 0 : i32
    return %c0_i32, %c0_i32_0 : i32, i32
  }
  func.func @transform_5(%arg0: i32) -> (i32, i32) {
    %c0_i32 = arith.constant 0 : i32
    %c0_i32_0 = arith.constant 0 : i32
    %c0_i32_1 = arith.constant 0 : i32
    return %c0_i32, %c0_i32_0 : i32, i32
  }
  func.func @transform_6(%arg0: i32) -> (i32, i32) {
    %c0_i32 = arith.constant 0 : i32
    %c0_i32_0 = arith.constant 0 : i32
    return %arg0, %c0_i32 : i32, i32
  }
}

module attributes {stable_mosaic.version = 14 : i64} {
  func.func @_combine_kernel(%arg0: i32, %arg1: memref<2x1000x128xf32, #tpu.memory_space<vmem>>, %arg2: memref<2x1000x128xf32, #tpu.memory_space<vmem>>, %arg3: memref<2x1000x128xf32, #tpu.memory_space<vmem>>, %arg4: memref<1000x128xf32, #tpu.memory_space<vmem>>, %arg5: memref<384x128xf32, #tpu.memory_space<vmem>>, %arg6: memref<1x128xf32, #tpu.memory_space<vmem>>, %arg7: memref<1000x128xf32, #tpu.memory_space<vmem>>) attributes {dimension_semantics = [#tpu.dimension_semantics<arbitrary>], iteration_bounds = array<i64: 10>, scalar_prefetch = 0 : i64, scratch_operands = 0 : i64, tpu.core_type = #tpu.core_type<tc>, window_params = [{transform_indices = @transform_0, window_bounds = array<i64: 2, 1000, 128>}, {transform_indices = @transform_1, window_bounds = array<i64: 2, 1000, 128>}, {transform_indices = @transform_2, window_bounds = array<i64: 2, 1000, 128>}, {transform_indices = @transform_3, window_bounds = array<i64: 1000, 128>}, {pipeline_mode = #tpu.pipeline_mode<synchronous>, transform_indices = @transform_4, window_bounds = array<i64: 384, 128>}, {pipeline_mode = #tpu.pipeline_mode<synchronous>, transform_indices = @transform_5, window_bounds = array<i64: 1, 128>}, {transform_indices = @transform_6, window_bounds = array<i64: 1000, 128>}]} {
    %get3A = arith.constant 0 : index
    %get3A_0 = arith.constant 0 : index
    %get3A_1 = arith.constant 0 : index
    %get3A_2 = vector.load %arg1[%get3A, %get3A_0, %get3A_1] : memref<2x1000x128xf32, #tpu.memory_space<vmem>>, vector<1x1000x128xf32>
    %get3A_3 = vector.shape_cast %get3A_2 : vector<1x1000x128xf32> to vector<1000x128xf32>
    %get3A_4 = arith.constant 1 : index
    %get3A_5 = arith.constant 0 : index
    %get3A_6 = arith.constant 0 : index
    %get3A_7 = vector.load %arg1[%get3A_4, %get3A_5, %get3A_6] : memref<2x1000x128xf32, #tpu.memory_space<vmem>>, vector<1x1000x128xf32>
    %get3A_8 = vector.shape_cast %get3A_7 : vector<1x1000x128xf32> to vector<1000x128xf32>
    %add3A = arith.addf %get3A_3, %get3A_8 : vector<1000x128xf32>
    %get3A_9 = arith.constant 0 : index
    %get3A_10 = arith.constant 0 : index
    %get3A_11 = arith.constant 0 : index
    %get3A_12 = vector.load %arg2[%get3A_9, %get3A_10, %get3A_11] : memref<2x1000x128xf32, #tpu.memory_space<vmem>>, vector<1x1000x128xf32>
    %get3A_13 = vector.shape_cast %get3A_12 : vector<1x1000x128xf32> to vector<1000x128xf32>
    %get3A_14 = arith.constant 1 : index
    %get3A_15 = arith.constant 0 : index
    %get3A_16 = arith.constant 0 : index
    %get3A_17 = vector.load %arg2[%get3A_14, %get3A_15, %get3A_16] : memref<2x1000x128xf32, #tpu.memory_space<vmem>>, vector<1x1000x128xf32>
    %get3A_18 = vector.shape_cast %get3A_17 : vector<1x1000x128xf32> to vector<1000x128xf32>
    %add3A_19 = arith.addf %get3A_13, %get3A_18 : vector<1000x128xf32>
    %get3A_20 = arith.constant 0 : index
    %get3A_21 = arith.constant 0 : index
    %get3A_22 = arith.constant 0 : index
    %get3A_23 = vector.load %arg3[%get3A_20, %get3A_21, %get3A_22] : memref<2x1000x128xf32, #tpu.memory_space<vmem>>, vector<1x1000x1xf32>
    %get3A_24 = vector.shape_cast %get3A_23 : vector<1x1000x1xf32> to vector<1000x1xf32>
    %get3A_25 = arith.constant 1 : index
    %get3A_26 = arith.constant 0 : index
    %get3A_27 = arith.constant 0 : index
    %get3A_28 = vector.load %arg3[%get3A_25, %get3A_26, %get3A_27] : memref<2x1000x128xf32, #tpu.memory_space<vmem>>, vector<1x1000x1xf32>
    %get3A_29 = vector.shape_cast %get3A_28 : vector<1x1000x1xf32> to vector<1000x1xf32>
    %add3A_30 = arith.addf %get3A_24, %get3A_29 : vector<1000x1xf32>
    %get3A_31 = arith.constant 0 : index
    %get3A_32 = arith.constant 0 : index
    %get3A_33 = arith.constant 64 : index
    %get3A_34 = vector.load %arg3[%get3A_31, %get3A_32, %get3A_33] : memref<2x1000x128xf32, #tpu.memory_space<vmem>>, vector<1x1000x1xf32>
    %get3A_35 = vector.shape_cast %get3A_34 : vector<1x1000x1xf32> to vector<1000x1xf32>
    %get3A_36 = arith.constant 1 : index
    %get3A_37 = arith.constant 0 : index
    %get3A_38 = arith.constant 64 : index
    %get3A_39 = vector.load %arg3[%get3A_36, %get3A_37, %get3A_38] : memref<2x1000x128xf32, #tpu.memory_space<vmem>>, vector<1x1000x1xf32>
    %get3A_40 = vector.shape_cast %get3A_39 : vector<1x1000x1xf32> to vector<1000x1xf32>
    %add3A_41 = arith.addf %get3A_35, %get3A_40 : vector<1000x1xf32>
    %max3A = arith.constant 1.000000e+00 : f32
    %max3A_42 = vector.broadcast %max3A : f32 to vector<1000x1xf32>
    %max3A_43 = arith.maximumf %add3A_30, %max3A_42 : vector<1000x1xf32>
    %div3A = vector.broadcast %max3A_43 : vector<1000x1xf32> to vector<1000x128xf32>
    %div3A_44 = arith.divf %add3A, %div3A : vector<1000x128xf32>
    %max3A_45 = arith.constant 1.000000e+00 : f32
    %max3A_46 = vector.broadcast %max3A_45 : f32 to vector<1000x1xf32>
    %max3A_47 = arith.maximumf %add3A_41, %max3A_46 : vector<1000x1xf32>
    %div3A_48 = vector.broadcast %max3A_47 : vector<1000x1xf32> to vector<1000x128xf32>
    %div3A_49 = arith.divf %add3A_19, %div3A_48 : vector<1000x128xf32>
    %get3A_50 = arith.constant 0 : index
    %get3A_51 = arith.constant 0 : index
    %get3A_52 = vector.load %arg5[%get3A_50, %get3A_51] : memref<384x128xf32, #tpu.memory_space<vmem>>, vector<128x128xf32>
    %dot_general3A = arith.constant dense<0.000000e+00> : vector<1000x128xf32>
    %dot_general3A_53 = tpu.matmul %div3A_44, %get3A_52, %dot_general3A {dimension_numbers = #tpu.dot_dimension_numbers<[1], [0], [0], [1], [0, 0, 1, 1], [], []>, transpose_lhs_hint = false} : vector<1000x128xf32>, vector<128x128xf32>, vector<1000x128xf32> -> vector<1000x128xf32>
    %get3A_54 = arith.constant 128 : index
    %get3A_55 = arith.constant 0 : index
    %get3A_56 = vector.load %arg5[%get3A_54, %get3A_55] : memref<384x128xf32, #tpu.memory_space<vmem>>, vector<128x128xf32>
    %dot_general3A_57 = arith.constant dense<0.000000e+00> : vector<1000x128xf32>
    %dot_general3A_58 = tpu.matmul %div3A_49, %get3A_56, %dot_general3A_57 {dimension_numbers = #tpu.dot_dimension_numbers<[1], [0], [0], [1], [0, 0, 1, 1], [], []>, transpose_lhs_hint = false} : vector<1000x128xf32>, vector<128x128xf32>, vector<1000x128xf32> -> vector<1000x128xf32>
    %add3A_59 = arith.addf %dot_general3A_53, %dot_general3A_58 : vector<1000x128xf32>
    %get3A_60 = arith.constant 0 : index
    %get3A_61 = arith.constant 0 : index
    %get3A_62 = vector.load %arg4[%get3A_60, %get3A_61] : memref<1000x128xf32, #tpu.memory_space<vmem>>, vector<1000x128xf32>
    %get3A_63 = arith.constant 256 : index
    %get3A_64 = arith.constant 0 : index
    %get3A_65 = vector.load %arg5[%get3A_63, %get3A_64] : memref<384x128xf32, #tpu.memory_space<vmem>>, vector<128x128xf32>
    %dot_general3A_66 = arith.constant dense<0.000000e+00> : vector<1000x128xf32>
    %dot_general3A_67 = tpu.matmul %get3A_62, %get3A_65, %dot_general3A_66 {dimension_numbers = #tpu.dot_dimension_numbers<[1], [0], [0], [1], [0, 0, 1, 1], [], []>, transpose_lhs_hint = false} : vector<1000x128xf32>, vector<128x128xf32>, vector<1000x128xf32> -> vector<1000x128xf32>
    %add3A_68 = arith.addf %add3A_59, %dot_general3A_67 : vector<1000x128xf32>
    %get3A_69 = arith.constant 0 : index
    %get3A_70 = arith.constant 0 : index
    %get3A_71 = vector.load %arg6[%get3A_69, %get3A_70] : memref<1x128xf32, #tpu.memory_space<vmem>>, vector<1x128xf32>
    %add3A_72 = vector.broadcast %get3A_71 : vector<1x128xf32> to vector<1000x128xf32>
    %add3A_73 = arith.addf %add3A_68, %add3A_72 : vector<1000x128xf32>
    %swap3A = arith.constant 0 : index
    %swap3A_74 = arith.constant 0 : index
    %swap3A_75 = vector.load %arg7[%swap3A, %swap3A_74] : memref<1000x128xf32, #tpu.memory_space<vmem>>, vector<1000x128xf32>
    tpu.vector_store %arg7[%swap3A, %swap3A_74], %add3A_73 {strides = array<i32>} : memref<1000x128xf32, #tpu.memory_space<vmem>>, vector<1000x128xf32>,
    return
  }
  func.func @transform_0(%arg0: i32) -> (i32, i32, i32) {
    %c0_i32 = arith.constant 0 : i32
    %c0_i32_0 = arith.constant 0 : i32
    %c0_i32_1 = arith.constant 0 : i32
    return %c0_i32, %arg0, %c0_i32_0 : i32, i32, i32
  }
  func.func @transform_1(%arg0: i32) -> (i32, i32, i32) {
    %c0_i32 = arith.constant 0 : i32
    %c0_i32_0 = arith.constant 0 : i32
    %c0_i32_1 = arith.constant 0 : i32
    return %c0_i32, %arg0, %c0_i32_0 : i32, i32, i32
  }
  func.func @transform_2(%arg0: i32) -> (i32, i32, i32) {
    %c0_i32 = arith.constant 0 : i32
    %c0_i32_0 = arith.constant 0 : i32
    %c0_i32_1 = arith.constant 0 : i32
    return %c0_i32, %arg0, %c0_i32_0 : i32, i32, i32
  }
  func.func @transform_3(%arg0: i32) -> (i32, i32) {
    %c0_i32 = arith.constant 0 : i32
    %c0_i32_0 = arith.constant 0 : i32
    return %arg0, %c0_i32 : i32, i32
  }
  func.func @transform_4(%arg0: i32) -> (i32, i32) {
    %c0_i32 = arith.constant 0 : i32
    %c0_i32_0 = arith.constant 0 : i32
    %c0_i32_1 = arith.constant 0 : i32
    return %c0_i32, %c0_i32_0 : i32, i32
  }
  func.func @transform_5(%arg0: i32) -> (i32, i32) {
    %c0_i32 = arith.constant 0 : i32
    %c0_i32_0 = arith.constant 0 : i32
    %c0_i32_1 = arith.constant 0 : i32
    return %c0_i32, %c0_i32_0 : i32, i32
  }
  func.func @transform_6(%arg0: i32) -> (i32, i32) {
    %c0_i32 = arith.constant 0 : i32
    %c0_i32_0 = arith.constant 0 : i32
    return %arg0, %c0_i32 : i32, i32
  }
}

</mosaic_0001>

<sc_bundles>
// kernel: kernel.6.cloned.1.call-start
scs
__scs_entry_jumppad:
0x0: {  	(pc) =	sbr.rel $0x88, $3  }
0x1: {  	(tag) =	ssettag $0x0;
	lr =	simm.s32 $0x1  }
0x2: {  	[smem:$0x3F92] =	sst lr;
	_ =	strace $0xD0000000  }
0x3: {  	_ = 	snop  }
0x4: {  	_ = 	snop  }
0x5: {  	_ = 	snop  }
0x6: {  	_ = 	snop  }
0x7: {  	_ = 	snop  }
__scs_overlays_trampoline_lowered:
0x8: {  	[smem:$0x3FA1] =	sst s0  }
0x9: {  	[smem:$0x3FA2] =	sst s1  }
0xa: {  	[smem:$0x3FA3] =	sst s2  }
0xb: {  	[smem:$0x3FA4] =	sst s3  }
0xc: {  	[smem:$0x3FA5] =	sst s4  }
0xd: {  	[smem:$0x3FA6] =	sst s5  }
0xe: {  	[smem:$0x3FA7] =	sst s6  }
0xf: {  	[smem:$0x3FA8] =	sst s7  }
0x10: {  	[smem:$0x3FA9] =	sst s8  }
0x11: {  	[smem:$0x3FAA] =	sst s9;
	s0 =	simm.s32 @!p0 $0x0  }
0x12: {  	s1 =	sld [smem:$0x3F90];
	s0 =	simm.s32 @p0 $0x1  }
0x13: {  	[smem:$0x3FAB] =	sst s0;
	s0 =	simm.s32 @!p1 $0x0  }
0x14: {  	s2 =	sld [smem:$0x3F8F];
	s0 =	simm.s32 @p1 $0x1  }
0x15: {  	[smem:$0x3FAC] =	sst s0;
	s0 =	simm.s32 @!p2 $0x0  }
0x16: {  	s3 =	sld [smem:$0x3FDB];
	s0 =	simm.s32 @p2 $0x1  }
0x17: {  	s4 =	simm.s32 $0x1BF5;
	[smem:$0x3FAE] =	sst s0  }
0x18: {  	s0 =	sld [smem:$0x3F91];
	_ =	swait.ge [sflag:s4], $0x0  }
0x19: {  	s7 =	sld [smem:$0x3F92]  }
0x1a: {  	s8 =	sadd.s32 $0xFFFFE003, lr  }
0x1b: {  	s9 =	sadd.s32 $0xFFFFFEF7, lr;
	s5 =	simm.s32 $0xFFFFFFFF;
	p2 =	slt.u32 s8, $0xFFFFF086  }
0x1c: {  	p1 =	slt.u32 s9, $0xF7A;
	s5 =	simm.s32 @!p2 $0x0  }
0x1d: {  	s5 =	simm.s32 @p1 $0x1;
	p0 =	seq.s32 s7, s2  }
0x1e: {  	s7 =	smul.u32 @!p0 $0xF7A, s2;
	p2 =	seq.s32 @!p0 s5, $0x0  }
0x1f: {  	s9 =	smul.u32 $0xF7A, s1;
	s8 =	simm.s32 @!p0 $0x1BF5;
	p2 =	por !p2, p0  }
0x20: {  	[sflag:s8] =	ssyncset.s32 @!p0 $0xFFFFF086;
	s6 =	sadd.s32 @!p0 s3, s7;
	s7 =	simm.s32 @!p0 $0x108  }
0x21: {  	s3 =	sadd.s32 s3, s9;
	s6 =	sadd.s32 @!p0 $0x88, s6;
	s7 =	simm.s32 @p2 $0x1082  }
0x22: {  	[simem:s7], [sflag:s8] =	dma.local @!p0 [hbm:s6], $0xF7A  }
0x23: {  	s9 =	sor.u32 $0xD0000000, s2;
	s6 =	simm.s32 $0x108;
	_ =	swait.ge @!p0 [sflag:s8], $0x0  }
0x24: {  	s3 =	sadd.s32 $0x88, s3;
	s6 =	simm.s32 @!p1 $0x1082;
	[sflag:s4] =	ssyncset.s32 $0xFFFFF086  }
0x25: {  	[simem:s6], [sflag:s4] =	dma.local [hbm:s3], $0xF7A  }
0x26: {  	[smem:$0x3F92] =	sst s1;
	(tag) =	ssettag s2;
	_ =	strace s9  }
0x27: {  	s1 =	sld [smem:$0x3FA2]  }
0x28: {  	s2 =	sld [smem:$0x3FA3]  }
0x29: {  	s4 =	sld [smem:$0x3FA5]  }
0x2a: {  	p0 =	seq.s32 s5, $0x0;
	s5 =	sld [smem:$0x3FA6]  }
0x2b: {  	s6 =	sld [smem:$0x3FA7]  }
0x2c: {  	s7 =	sld [smem:$0x3FA8]  }
0x2d: {  	s3 =	simm.s32 $0x108;
	s8 =	sld [smem:$0x3FA9]  }
0x2e: {  	s3 =	simm.s32 @!p0 $0x1082;
	s9 =	sld [smem:$0x3FAA]  }
0x2f: {  	lr =	sadd.s32 s0, s3;
	s0 =	sld [smem:$0x3FA1]  }
0x30: {  	s3 =	sld [smem:$0x3FA4]  }
0x31: {  	[smem:$0x3FAD] =	sst s10  }
0x32: {  	s10 =	sld [smem:$0x3FAB];
	_ =	sdelay $0x3  }
0x33: {  	p0 =	seq.s32 s10, $0x1;
	s10 =	sld [smem:$0x3FAD];
	_ =	sdelay $0x3  }
0x34: {  	[smem:$0x3FAD] =	sst s10  }
0x35: {  	s10 =	sld [smem:$0x3FAC];
	_ =	sdelay $0x3  }
0x36: {  	p1 =	seq.s32 s10, $0x1;
	s10 =	sld [smem:$0x3FAD];
	_ =	sdelay $0x3  }
0x37: {  	[smem:$0x3FAD] =	sst s10  }
0x38: {  	s10 =	sld [smem:$0x3FAE]  }
0x39: {  	_ = 	snop;
	(pc) =	sbr.ind lr, $3  }
0x3a: {  	_ = 	snop  }
0x3b: {  	_ = 	snop  }
0x3c: {  	p2 =	seq.s32 s10, $0x1;
	s10 =	sld [smem:$0x3FAD]  }
0x3d: {  	_ =	shalt  }
0x3e: {  	_ =	shalt  }
0x3f: {  	_ =	shalt  }
0x40: {  	_ =	shalt  }
0x41: {  	_ =	shalt  }
0x42: {  	_ =	shalt  }
0x43: {  	_ =	shalt  }
0x44: {  	_ =	shalt  }
0x45: {  	_ =	shalt  }
0x46: {  	_ =	shalt  }
0x47: {  	_ =	shalt  }
0x48: {  	_ =	shalt  }
0x49: {  	_ =	shalt  }
0x4a: {  	_ =	shalt  }
0x4b: {  	_ =	shalt  }
0x4c: {  	_ =	shalt  }
0x4d: {  	_ =	shalt  }
0x4e: {  	_ =	shalt  }
0x4f: {  	_ =	shalt  }
0x50: {  	_ =	shalt  }
0x51: {  	_ =	shalt  }
0x52: {  	_ =	shalt  }
0x53: {  	_ =	shalt  }
0x54: {  	_ =	shalt  }
0x55: {  	_ =	shalt  }
0x56: {  	_ =	shalt  }
0x57: {  	_ =	shalt  }
0x58: {  	_ =	shalt  }
0x59: {  	_ =	shalt  }
0x5a: {  	_ =	shalt  }
0x5b: {  	_ =	shalt  }
0x5c: {  	_ =	shalt  }
0x5d: {  	_ =	shalt  }
0x5e: {  	_ =	shalt  }
0x5f: {  	_ =	shalt  }
0x60: {  	_ =	shalt  }
0x61: {  	_ =	shalt  }
0x62: {  	_ =	shalt  }
0x63: {  	_ =	shalt  }
0x64: {  	_ =	shalt  }
0x65: {  	_ =	shalt  }
0x66: {  	_ =	shalt  }
0x67: {  	_ =	shalt  }
0x68: {  	_ =	shalt  }
0x69: {  	_ =	shalt  }
0x6a: {  	_ =	shalt  }
0x6b: {  	_ =	shalt  }
0x6c: {  	_ =	shalt  }
0x6d: {  	_ =	shalt  }
0x6e: {  	_ =	shalt  }
0x6f: {  	_ =	shalt  }
0x70: {  	_ =	shalt  }
0x71: {  	_ =	shalt  }
0x72: {  	_ =	shalt  }
0x73: {  	_ =	shalt  }
0x74: {  	_ =	shalt  }
0x75: {  	_ =	shalt  }
0x76: {  	_ =	shalt  }
0x77: {  	_ =	shalt  }
0x78: {  	_ =	shalt  }
0x79: {  	_ =	shalt  }
0x7a: {  	_ =	shalt  }
0x7b: {  	_ =	shalt  }
0x7c: {  	_ =	shalt  }
0x7d: {  	_ =	shalt  }
0x7e: {  	_ =	shalt  }
0x7f: {  	_ =	shalt  }
0x80: {  	_ =	shalt  }
0x81: {  	_ =	shalt  }
0x82: {  	_ =	shalt  }
0x83: {  	_ =	shalt  }
0x84: {  	_ =	shalt  }
0x85: {  	_ =	shalt  }
0x86: {  	_ =	shalt  }
0x87: {  	_ =	shalt  }
.Lfunc_end0:
.L_simem_size_0:
called_computation_lowered:
.L_overlay_start_0:
0x88: {  	s2 =	sld [smem:$0x3FD9]  }
0x89: {  	s3 =	sld [smem:$0x3FFE];
	_ =	sdelay $0x1  }
0x8a: {  	s1 =	srdreg.scid  }
0x8b: {  	s0 =	sand.u32 $0x1, s1  }
0x8c: {  	s17 =	sshll.u32 s0, $0xA;
	s2 =	sadd.s32 s3, s2  }
0x8d: {  	s2 =	sadd.s32 s2, s17  }
0x8e: {  	[smem:$0x3FB9] =	sst s2  }
0x8f: {  	_ = 	snop  }
0x90: {  	s2 =	sld [smem:$0x3FC9]  }
0x91: {  	s18 =	sld [smem:$0x3FD0];
	(tm) =	ssettm $0x1  }
0x92: {  	s4 =	sld [smem:$0x3FFB];
	_ =	sdelay $0x3  }
0x93: {  	_ =	strace s4  }
0x94: {  	s4 =	sld [smem:$0x3FFC];
	_ =	sdelay $0x3  }
0x95: {  	_ =	strace s4  }
0x96: {  	s4 =	sld [smem:$0x3FFD];
	_ =	sdelay $0x3  }
0x97: {  	_ =	strace s4  }
0x98: {  	_ =	strace $0x8FFFFFFF  }
0x99: {  	s19 =	sld [smem:$0x3FDB];
	_ =	sdelay $0x1  }
0x9a: {  	s5 =	simm.s32 $_scs_section_size  }
0x9b: {  	s6 =	simm.s32 $_size__tile_overlayer_lowered;
	s7 =	simm.s32 $_tile_overlayer_lowered  }
0x9c: {  	s22 =	simm.s32 $0x1BFF;
	s21 =	sshll.u32 s7, $0x1;
	s4 =	sadd.s32 s5, s19  }
0x9d: {  	s8 =	simm.s32 $0x0;
	s20 =	sshll.u32 s6, $0x1;
	s6 =	sadd.s32 s21, s4  }
0x9e: {  	[timem:s8], [sflag:s22] =	dma.local [hbm:s6], s20  }
0x9f: {  	_ =	swait.ge [sflag:s22], s20  }
0xa0: {  	s5 =	ssub.s32 $0x0, s20;
	[sflag:s22] =	ssyncset.done $0x0  }
0xa1: {  	[sflag:s22] =	ssyncadd.s32 s5;
	_ =	sdelay $0x1  }
0xa2: {  	s23 =	simm.s32 $0x1B8B  }
0xa3: {  	_ =	swait.ge [sflag:s23], $0x1  }
0xa4: {  	[sflag:s23] =	ssyncset.done $0x0  }
0xa5: {  	s25 =	simm.s32 $0x1B8E;
	s24 =	sld [smem:$0x3FFE];
	[sflag:s23] =	ssyncadd.s32 $0xFFFFFFFF  }
0xa6: {  	s26 =	simm.s32 $execute0_lowered;
	[smem:$0x3FD2] =	sst s25  }
0xa7: {  	s6 =	sshll.u32 s26, $0x1;
	_ =	strace $0x80000046;
	[dreg:$0x1] =	wrdreg $0xFFFFFFFF  }
0xa8: {  	s28 =	simm.s32 $_size_execute0_lowered;
	s4 =	sadd.s32 s4, s6;
	[dreg:$0x0] =	wrdreg $0x0  }
0xa9: {  	s6 =	sshll.u32 s28, $0x1;
	[dreg:$0x2] =	wrdreg s4  }
0xaa: {  	[dreg:$0x3] =	wrdreg s6  }
0xab: {  	[dreg:$0x4] =	wrdreg $0xC0  }
0xac: {  	_ =	task [dreg:s8], $0x5FFFF  }
0xad: {  	[dreg:$0x1] =	wrdreg $0xFFFFFFFF  }
0xae: {  	[dreg:$0x0] =	wrdreg $0x60  }
0xaf: {  	[dreg:$0x2] =	wrdreg s2  }
0xb0: {  	[dreg:$0x3] =	wrdreg s24  }
0xb1: {  	[dreg:$0x4] =	wrdreg s18  }
0xb2: {  	[dreg:$0x5] =	wrdreg $0x90000  }
0xb3: {  	[dreg:$0x6] =	wrdreg $0x9  }
0xb4: {  	_ =	task.clear_ibuf [dreg:s8], $0x7FFFF;
	_ =	strace $0x90000046  }
0xb5: {  	s29 =	simm.s32 $0x9;
	_ =	strace $0x80000048  }
0xb6: {  	_ =	swait.ge [sflag:s29], $0x1  }
0xb7: {  	[sflag:s29] =	ssyncadd.s32 $0xFFFFFFFF  }
0xb8: {  	_ =	strace $0x90000048  }
0xb9: {  	_ =	sfence  }
0xba: {  	s30 =	sld [smem:$0x0];
	_ =	sdelay $0x2  }
0xbb: {  	s31 =	sshll.u32 s1, $0xD;
	s1 =	sshrl.u32 s1, $0x2  }
0xbc: {  	s3 =	sand.u32 $0x4000, s31;
	s1 =	sadd.s32 s1, s30  }
0xbd: {  	s0 =	sor.u32 s3, s0;
	s1 =	sshll.u32 s1, $0x11  }
0xbe: {  	s0 =	sor.u32 s1, s0  }
0xbf: {  	s0 =	sadd.s32 $0x8F2B, s0  }
0xc0: {  	[sflag:s0] =	ssyncadd.remote.s32 $0x1  }
0xc1: {  	_ =	sfence.sel $0xFFFF  }
0xc2: {  	[dreg:$0x0] =	wrdreg $0xFFFFFFFF;
	(pc) =	sbr.abs _section_cstart, $3  }
0xc3: {  	[dreg:$0x1] =	wrdreg $0xFFFFFFFF  }
0xc4: {  	_ =	task.clear_ibuf [dreg:s8], $0x2FFFF;
	_ =	strace $0x9FFFFFFF  }
0xc5: {  	(tm) =	ssettm $0x7FFFFFFF  }
tec
execute0_lowered:
.L_overlay_start_1:
0x0: {  	(tag) =	ssettag $0x1  }
0x1: {  	s1 =	rddreg [dreg:$0x0]  }
0x2: {  	s2 =	rddreg [dreg:$0x1]  }
0x3: {  	s0 =	srdreg.scid;
	s9 =	rddreg [dreg:$0x2]  }
0x4: {  	s10 =	stileid.u32;
	s4 =	rddreg [dreg:$0x3];
	s5 =	simm.s32 $0x0  }
0x5: {  	s16 =	simm.s32 $0x5000;
	s17 =	simm.s32 $0x9;
	s18 =	simm.s32 $0x5800  }
0x6: {  	s21 =	simm.s32 $0x2800;
	s31 =	simm.s32 $0x1;
	s12 =	simm.s32 $0x6800  }
0x7: {  	s13 =	simm.s32 $0x7000;
	s14 =	simm.s32 $0x7800;
	s15 =	simm.s32 $0x8000  }
0x8: {  	s28 =	simm.s32 $0x0;
	s0 =	sand.u32 $0x1, s0;
	s6 =	smul.u32 $0x13C00, s10  }
0x9: {  	s3 =	sshll.u32 s10, $0x1;
	[smem:$0x7FF] =	sst s5;
	s22 =	smul.u32 $0x4F000, s10  }
0xa: {  	s24 =	sadd.s32 $0x100, s9;
	s30 =	sshll.u32 s10, $0x6;
	s10 =	simm.s32 $0x8  }
0xb: {  	s3 =	sor.u32 s0, s3;
	s7 =	smul.u32 $0x13C000, s0;
	_ =	strace $0x80000047  }
0xc: {  	s0 =	ssub.s32 $0x2, s0;
	[dreg:$0x5] =	wrdreg s24;
	s19 =	sor.u32 $0x1C09, s30  }
0xd: {  	s24 =	simm.s32 $0x7;
	s3 =	smul.u32 $0x500, s3;
	s8 =	sshrl.u32 s6, $0x3  }
0xe: {  	s23 =	sshrl.u32 s0, $0x1;
	s25 =	sshrl.u32 s22, $0x2;
	s22 =	simm.s32 $0x10  }
0xf: {  	s6 =	sadd.s32 s6, s7;
	s8 =	sadd.s32 s8, s2;
	s0 =	ssub.s32 s0, s23  }
0x10: {  	s23 =	simm.s32 $0x6;
	s3 =	sadd.s32 s3, s2;
	s6 =	sshrl.u32 s6, $0x3  }
0x11: {  	s7 =	sadd.s32 $0x2B000, s8;
	s0 =	smax.u32 s0, $0x1;
	s2 =	sadd.s32 s6, s2  }
0x12: {  	s6 =	sadd.s32 s25, s4;
	s8 =	sadd.s32 $0xD000, s3;
	s9 =	sadd.s32 $0x21000, s3  }
0x13: {  	s26 =	sadd.s32 $0x3000, s3;
	s3 =	sadd.s32 $0x17000, s3;
	[dreg:$0xb] =	wrdreg s0  }
0x14: {  	s0 =	simm.s32 $0x3;
	s11 =	sadd.s32 $0xF0800, s2;
	[dreg:$0x7] =	wrdreg s26  }
0x15: {  	s29 =	sadd.s32 $0x52800, s2;
	[dreg:$0x9] =	wrdreg s3;
	s2 =	sadd.s32 $0xA1800, s2  }
0x16: {  	s20 =	sshrl.u32 s6, $0x3;
	s3 =	simm.s32 $0x4;
	[dreg:$0x6] =	wrdreg s11  }
0x17: {  	s6 =	simm.s32 $0x5;
	s26 =	simm.s32 $0x8800;
	[dreg:$0x8] =	wrdreg s29  }
0x18: {  	[dreg:$0xa] =	wrdreg s2;
	s2 =	simm.s32 $0x2;
	s11 =	simm.s32 $0x6000  }
.LBB2_1:
0x19: {  	s25 =	rddreg [dreg:$0x2]  }
0x1a: {  	[tilespmem:s16], [sflag:$0x9] =	stream.linear.gather [hbm4b:s25+s5], $0x800, $0x38;
	[tilespmem:$0x1CC00] =	vst v63  }
0x1b: {  	_ =	swait.ge [sflag:s17], $0x800  }
0x1c: {  	[sflag:s17] =	ssyncset.done $0x0  }
0x1d: {  	s25 =	rddreg [dreg:$0x5];
	[sflag:s17] =	ssyncadd.s32 $0xFFFFF800  }
0x1e: {  	[tilespmem:s18], [sflag:$0x9] =	stream.linear.gather [hbm4b:s25+s5], $0x800, $0x38;
	[tilespmem:$0x1CC00] =	vst v63  }
0x1f: {  	_ =	swait.ge [sflag:s17], $0x800  }
0x20: {  	[sflag:s17] =	ssyncset.done $0x0  }
0x21: {  	[sflag:s17] =	ssyncadd.s32 $0xFFFFF800  }
0x22: {  	[spmem:s20], [sflag:s19] =	dma.local [hbm:s7], $0x2780  }
0x23: {  	_ =	swait.ge [sflag:s17], $0x2780  }
0x24: {  	[sflag:s17] =	ssyncset.done $0x0  }
0x25: {  	[sflag:s17] =	ssyncadd.s32 $0xFFFFD880  }
0x26: {  	[tilespmem:s21], [sflag:$0x9] =	stream.linear.gather [hbm4b:s8+s5], $0x2780, $0x38;
	[tilespmem:$0x1CC00] =	vst v63  }
0x27: {  	_ =	swait.ge [sflag:s17], $0x2780  }
0x28: {  	[sflag:s17] =	ssyncset.done $0x0  }
0x29: {  	[sflag:s17] =	ssyncadd.s32 $0xFFFFD880  }
0x2a: {  	[bflag:$0x0] =	sbarrier.arrive $0xFFFF  }
0x2b: {  	[spmem:s4] =	stream.indirect.scatter.add.f32 [tilespmem:s16], [sflag:$0x1], $0x80, s21, s22, $0xb8;
	[tilespmem:$0x1CC00] =	vst v63  }
0x2c: {  	s25 =	simm.s32 $0x2810  }
0x2d: {  	[spmem:s4] =	stream.indirect.scatter.add.f32 [tilespmem:s16], [sflag:$0x2], $0x80, s25, s22, $0xb8;
	[tilespmem:$0x1CC00] =	vst v63  }
0x2e: {  	s25 =	simm.s32 $0x2820  }
0x2f: {  	[spmem:s4] =	stream.indirect.scatter.add.f32 [tilespmem:s16], [sflag:$0x3], $0x80, s25, s22, $0xb8;
	[tilespmem:$0x1CC00] =	vst v63  }
0x30: {  	s25 =	simm.s32 $0x2830  }
0x31: {  	[spmem:s4] =	stream.indirect.scatter.add.f32 [tilespmem:s16], [sflag:$0x4], $0x80, s25, s22, $0xb8;
	[tilespmem:$0x1CC00] =	vst v63  }
0x32: {  	s25 =	simm.s32 $0x2840  }
0x33: {  	[spmem:s4] =	stream.indirect.scatter.add.f32 [tilespmem:s16], [sflag:$0x5], $0x80, s25, s22, $0xb8;
	[tilespmem:$0x1CC00] =	vst v63  }
0x34: {  	s25 =	simm.s32 $0x2850  }
0x35: {  	[spmem:s4] =	stream.indirect.scatter.add.f32 [tilespmem:s16], [sflag:$0x6], $0x80, s25, s22, $0xb8;
	[tilespmem:$0x1CC00] =	vst v63  }
0x36: {  	s25 =	simm.s32 $0x2860  }
0x37: {  	[spmem:s4] =	stream.indirect.scatter.add.f32 [tilespmem:s16], [sflag:$0x7], $0x80, s25, s22, $0xb8;
	[tilespmem:$0x1CC00] =	vst v63  }
0x38: {  	s25 =	simm.s32 $0x2870  }
0x39: {  	[spmem:s4] =	stream.indirect.scatter.add.f32 [tilespmem:s16], [sflag:$0x8], $0x80, s25, s22, $0xb8;
	[tilespmem:$0x1CC00] =	vst v63  }
0x3a: {  	_ =	swait.ge [sflag:s31], $0x800  }
0x3b: {  	[sflag:s31] =	ssyncset.done $0x0  }
0x3c: {  	s29 =	simm.s32 $0x2880;
	[sflag:s31] =	ssyncadd.s32 $0xFFFFF800  }
0x3d: {  	[spmem:s4] =	stream.indirect.scatter.add.f32 [tilespmem:s16], [sflag:$0x1], $0x80, s29, s22, $0xb8;
	[tilespmem:$0x1CC00] =	vst v63  }
0x3e: {  	_ =	swait.ge [sflag:s2], $0x800  }
0x3f: {  	[sflag:s2] =	ssyncset.done $0x0  }
0x40: {  	s29 =	simm.s32 $0x2890;
	[sflag:s2] =	ssyncadd.s32 $0xFFFFF800  }
0x41: {  	[spmem:s4] =	stream.indirect.scatter.add.f32 [tilespmem:s16], [sflag:$0x2], $0x80, s29, s22, $0xb8;
	[tilespmem:$0x1CC00] =	vst v63  }
0x42: {  	_ =	swait.ge [sflag:s0], $0x800  }
0x43: {  	[sflag:s0] =	ssyncset.done $0x0  }
0x44: {  	s29 =	simm.s32 $0x28A0;
	[sflag:s0] =	ssyncadd.s32 $0xFFFFF800  }
0x45: {  	[spmem:s4] =	stream.indirect.scatter.add.f32 [tilespmem:s16], [sflag:$0x3], $0x80, s29, s22, $0xb8;
	[tilespmem:$0x1CC00] =	vst v63  }
0x46: {  	_ =	swait.ge [sflag:s3], $0x800  }
0x47: {  	[sflag:s3] =	ssyncset.done $0x0  }
0x48: {  	s29 =	simm.s32 $0x28B0;
	[sflag:s3] =	ssyncadd.s32 $0xFFFFF800  }
0x49: {  	[spmem:s4] =	stream.indirect.scatter.add.f32 [tilespmem:s16], [sflag:$0x4], $0x80, s29, s22, $0xb8;
	[tilespmem:$0x1CC00] =	vst v63  }
0x4a: {  	_ =	swait.ge [sflag:s6], $0x800  }
0x4b: {  	[sflag:s6] =	ssyncset.done $0x0  }
0x4c: {  	s29 =	simm.s32 $0x28C0;
	[sflag:s6] =	ssyncadd.s32 $0xFFFFF800  }
0x4d: {  	[spmem:s4] =	stream.indirect.scatter.add.f32 [tilespmem:s16], [sflag:$0x5], $0x80, s29, s22, $0xb8;
	[tilespmem:$0x1CC00] =	vst v63  }
0x4e: {  	_ =	swait.ge [sflag:s23], $0x800  }
0x4f: {  	[sflag:s23] =	ssyncset.done $0x0  }
0x50: {  	s29 =	simm.s32 $0x28D0;
	[sflag:s23] =	ssyncadd.s32 $0xFFFFF800  }
0x51: {  	[spmem:s4] =	stream.indirect.scatter.add.f32 [tilespmem:s16], [sflag:$0x6], $0x80, s29, s22, $0xb8;
	[tilespmem:$0x1CC00] =	vst v63  }
0x52: {  	_ =	swait.ge [sflag:s24], $0x800  }
0x53: {  	[sflag:s24] =	ssyncset.done $0x0  }
0x54: {  	s29 =	simm.s32 $0x28E0;
	[sflag:s24] =	ssyncadd.s32 $0xFFFFF800  }
0x55: {  	[spmem:s4] =	stream.indirect.scatter.add.f32 [tilespmem:s16], [sflag:$0x7], $0x80, s29, s22, $0xb8;
	[tilespmem:$0x1CC00] =	vst v63  }
0x56: {  	_ =	swait.ge [sflag:s10], $0x800  }
0x57: {  	[sflag:s10] =	ssyncset.done $0x0  }
0x58: {  	s30 =	simm.s32 $0x28F0;
	s29 =	simm.s32 $0x200;
	[sflag:s10] =	ssyncadd.s32 $0xFFFFF800  }
.LBB2_2:
0x59: {  	[spmem:s4] =	stream.indirect.scatter.add.f32 [tilespmem:s16], [sflag:$0x8], $0x80, s30, s22, $0xb8;
	[tilespmem:$0x1CC00] =	vst v63  }
0x5a: {  	s30 =	smov.u32 s29  }
0x5b: {  	p0 =	sne.s32 s29, $0x9A00;
	s29 =	sadd.s32 $0x200, s29;
	_ =	swait.ge [sflag:s31], $0x800  }
0x5c: {  	s30 =	sshra.s32 s30, $0x2;
	[sflag:s31] =	ssyncset.done $0x0  }
0x5d: {  	s25 =	sadd.s32 $0x2880, s30;
	[sflag:s31] =	ssyncadd.s32 $0xFFFFF800  }
0x5e: {  	[spmem:s4] =	stream.indirect.scatter.add.f32 [tilespmem:s16], [sflag:$0x1], $0x80, s25, s22, $0xb8;
	[tilespmem:$0x1CC00] =	vst v63  }
0x5f: {  	_ =	swait.ge [sflag:s2], $0x800  }
0x60: {  	[sflag:s2] =	ssyncset.done $0x0  }
0x61: {  	s25 =	sadd.s32 $0x2890, s30;
	[sflag:s2] =	ssyncadd.s32 $0xFFFFF800  }
0x62: {  	[spmem:s4] =	stream.indirect.scatter.add.f32 [tilespmem:s16], [sflag:$0x2], $0x80, s25, s22, $0xb8;
	[tilespmem:$0x1CC00] =	vst v63  }
0x63: {  	_ =	swait.ge [sflag:s0], $0x800  }
0x64: {  	[sflag:s0] =	ssyncset.done $0x0  }
0x65: {  	s25 =	sadd.s32 $0x28A0, s30;
	[sflag:s0] =	ssyncadd.s32 $0xFFFFF800  }
0x66: {  	[spmem:s4] =	stream.indirect.scatter.add.f32 [tilespmem:s16], [sflag:$0x3], $0x80, s25, s22, $0xb8;
	[tilespmem:$0x1CC00] =	vst v63  }
0x67: {  	_ =	swait.ge [sflag:s3], $0x800  }
0x68: {  	[sflag:s3] =	ssyncset.done $0x0  }
0x69: {  	s25 =	sadd.s32 $0x28B0, s30;
	[sflag:s3] =	ssyncadd.s32 $0xFFFFF800  }
0x6a: {  	[spmem:s4] =	stream.indirect.scatter.add.f32 [tilespmem:s16], [sflag:$0x4], $0x80, s25, s22, $0xb8;
	[tilespmem:$0x1CC00] =	vst v63  }
0x6b: {  	_ =	swait.ge [sflag:s6], $0x800  }
0x6c: {  	[sflag:s6] =	ssyncset.done $0x0  }
0x6d: {  	s25 =	sadd.s32 $0x28C0, s30;
	[sflag:s6] =	ssyncadd.s32 $0xFFFFF800  }
0x6e: {  	[spmem:s4] =	stream.indirect.scatter.add.f32 [tilespmem:s16], [sflag:$0x5], $0x80, s25, s22, $0xb8;
	[tilespmem:$0x1CC00] =	vst v63  }
0x6f: {  	_ =	swait.ge [sflag:s23], $0x800  }
0x70: {  	[sflag:s23] =	ssyncset.done $0x0  }
0x71: {  	s25 =	sadd.s32 $0x28D0, s30;
	[sflag:s23] =	ssyncadd.s32 $0xFFFFF800  }
0x72: {  	[spmem:s4] =	stream.indirect.scatter.add.f32 [tilespmem:s16], [sflag:$0x6], $0x80, s25, s22, $0xb8;
	[tilespmem:$0x1CC00] =	vst v63  }
0x73: {  	_ =	swait.ge [sflag:s24], $0x800  }
0x74: {  	[sflag:s24] =	ssyncset.done $0x0  }
.Ltmp0:
0x75: {  	s25 =	sadd.s32 $0x28E0, s30;
	[sflag:s24] =	ssyncadd.s32 $0xFFFFF800;
	(pc) =	sbr.rel @p0 .LBB2_2-.Ltmp0, $4  }
0x76: {  	[spmem:s4] =	stream.indirect.scatter.add.f32 [tilespmem:s16], [sflag:$0x7], $0x80, s25, s22, $0xb8;
	[tilespmem:$0x1CC00] =	vst v63  }
0x77: {  	_ =	swait.ge [sflag:s10], $0x800  }
0x78: {  	[sflag:s10] =	ssyncset.done $0x0  }
0x79: {  	s30 =	sadd.s32 $0x28F0, s30;
	[sflag:s10] =	ssyncadd.s32 $0xFFFFF800  }
0x7a: {  	[spmem:s4] =	stream.indirect.scatter.add.f32 [tilespmem:s16], [sflag:$0x8], $0x80, s30, s22, $0xb8;
	[tilespmem:$0x1CC00] =	vst v63  }
0x7b: {  	_ =	swait.ge [sflag:s31], $0x800  }
0x7c: {  	[sflag:s31] =	ssyncset.done $0x0  }
0x7d: {  	[sflag:s31] =	ssyncadd.s32 $0xFFFFF800  }
0x7e: {  	_ =	swait.ge [sflag:s2], $0x800  }
0x7f: {  	[sflag:s2] =	ssyncset.done $0x0  }
0x80: {  	[sflag:s2] =	ssyncadd.s32 $0xFFFFF800  }
0x81: {  	_ =	swait.ge [sflag:s0], $0x800  }
0x82: {  	[sflag:s0] =	ssyncset.done $0x0  }
0x83: {  	[sflag:s0] =	ssyncadd.s32 $0xFFFFF800  }
0x84: {  	_ =	swait.ge [sflag:s3], $0x800  }
0x85: {  	[sflag:s3] =	ssyncset.done $0x0  }
0x86: {  	[sflag:s3] =	ssyncadd.s32 $0xFFFFF800  }
0x87: {  	_ =	swait.ge [sflag:s6], $0x800  }
0x88: {  	[sflag:s6] =	ssyncset.done $0x0  }
0x89: {  	[sflag:s6] =	ssyncadd.s32 $0xFFFFF800  }
0x8a: {  	_ =	swait.ge [sflag:s23], $0x800  }
0x8b: {  	[sflag:s23] =	ssyncset.done $0x0  }
0x8c: {  	[sflag:s23] =	ssyncadd.s32 $0xFFFFF800  }
0x8d: {  	_ =	swait.ge [sflag:s24], $0x800  }
0x8e: {  	[sflag:s24] =	ssyncset.done $0x0  }
0x8f: {  	[sflag:s24] =	ssyncadd.s32 $0xFFFFF800  }
0x90: {  	_ =	swait.ge [sflag:s10], $0x800  }
0x91: {  	[sflag:s10] =	ssyncset.done $0x0  }
0x92: {  	s25 =	simm.s32 $0x0;
	[sflag:s10] =	ssyncadd.s32 $0xFFFFF800  }
0x93: {  	[tilespmem:s21], [sflag:$0x9] =	stream.linear.gather [hbm4b:s9+s25], $0x2780, $0x38;
	[tilespmem:$0x1CC00] =	vst v63  }
0x94: {  	_ =	swait.ge [sflag:s17], $0x2780  }
0x95: {  	[sflag:s17] =	ssyncset.done $0x0  }
0x96: {  	[sflag:s17] =	ssyncadd.s32 $0xFFFFD880  }
0x97: {  	[spmem:s4] =	stream.indirect.scatter.add.f32 [tilespmem:s18], [sflag:$0x1], $0x80, s21, s22, $0xb8;
	[tilespmem:$0x1CC00] =	vst v63  }
0x98: {  	s25 =	simm.s32 $0x2810  }
0x99: {  	[spmem:s4] =	stream.indirect.scatter.add.f32 [tilespmem:s18], [sflag:$0x2], $0x80, s25, s22, $0xb8;
	[tilespmem:$0x1CC00] =	vst v63  }
0x9a: {  	s25 =	simm.s32 $0x2820  }
0x9b: {  	[spmem:s4] =	stream.indirect.scatter.add.f32 [tilespmem:s18], [sflag:$0x3], $0x80, s25, s22, $0xb8;
	[tilespmem:$0x1CC00] =	vst v63  }
0x9c: {  	s25 =	simm.s32 $0x2830  }
0x9d: {  	[spmem:s4] =	stream.indirect.scatter.add.f32 [tilespmem:s18], [sflag:$0x4], $0x80, s25, s22, $0xb8;
	[tilespmem:$0x1CC00] =	vst v63  }
0x9e: {  	s25 =	simm.s32 $0x2840  }
0x9f: {  	[spmem:s4] =	stream.indirect.scatter.add.f32 [tilespmem:s18], [sflag:$0x5], $0x80, s25, s22, $0xb8;
	[tilespmem:$0x1CC00] =	vst v63  }
0xa0: {  	s25 =	simm.s32 $0x2850  }
0xa1: {  	[spmem:s4] =	stream.indirect.scatter.add.f32 [tilespmem:s18], [sflag:$0x6], $0x80, s25, s22, $0xb8;
	[tilespmem:$0x1CC00] =	vst v63  }
0xa2: {  	s25 =	simm.s32 $0x2860  }
0xa3: {  	[spmem:s4] =	stream.indirect.scatter.add.f32 [tilespmem:s18], [sflag:$0x7], $0x80, s25, s22, $0xb8;
	[tilespmem:$0x1CC00] =	vst v63  }
0xa4: {  	s25 =	simm.s32 $0x2870  }
0xa5: {  	[spmem:s4] =	stream.indirect.scatter.add.f32 [tilespmem:s18], [sflag:$0x8], $0x80, s25, s22, $0xb8;
	[tilespmem:$0x1CC00] =	vst v63  }
0xa6: {  	_ =	swait.ge [sflag:s31], $0x800  }
0xa7: {  	[sflag:s31] =	ssyncset.done $0x0  }
0xa8: {  	s25 =	simm.s32 $0x2880;
	[sflag:s31] =	ssyncadd.s32 $0xFFFFF800  }
0xa9: {  	[spmem:s4] =	stream.indirect.scatter.add.f32 [tilespmem:s18], [sflag:$0x1], $0x80, s25, s22, $0xb8;
	[tilespmem:$0x1CC00] =	vst v63  }
0xaa: {  	_ =	swait.ge [sflag:s2], $0x800  }
0xab: {  	[sflag:s2] =	ssyncset.done $0x0  }
0xac: {  	s25 =	simm.s32 $0x2890;
	[sflag:s2] =	ssyncadd.s32 $0xFFFFF800  }
0xad: {  	[spmem:s4] =	stream.indirect.scatter.add.f32 [tilespmem:s18], [sflag:$0x2], $0x80, s25, s22, $0xb8;
	[tilespmem:$0x1CC00] =	vst v63  }
0xae: {  	_ =	swait.ge [sflag:s0], $0x800  }
0xaf: {  	[sflag:s0] =	ssyncset.done $0x0  }
0xb0: {  	s25 =	simm.s32 $0x28A0;
	[sflag:s0] =	ssyncadd.s32 $0xFFFFF800  }
0xb1: {  	[spmem:s4] =	stream.indirect.scatter.add.f32 [tilespmem:s18], [sflag:$0x3], $0x80, s25, s22, $0xb8;
	[tilespmem:$0x1CC00] =	vst v63  }
0xb2: {  	_ =	swait.ge [sflag:s3], $0x800  }
0xb3: {  	[sflag:s3] =	ssyncset.done $0x0  }
0xb4: {  	s25 =	simm.s32 $0x28B0;
	[sflag:s3] =	ssyncadd.s32 $0xFFFFF800  }
0xb5: {  	[spmem:s4] =	stream.indirect.scatter.add.f32 [tilespmem:s18], [sflag:$0x4], $0x80, s25, s22, $0xb8;
	[tilespmem:$0x1CC00] =	vst v63  }
0xb6: {  	_ =	swait.ge [sflag:s6], $0x800  }
0xb7: {  	[sflag:s6] =	ssyncset.done $0x0  }
0xb8: {  	s25 =	simm.s32 $0x28C0;
	[sflag:s6] =	ssyncadd.s32 $0xFFFFF800  }
0xb9: {  	[spmem:s4] =	stream.indirect.scatter.add.f32 [tilespmem:s18], [sflag:$0x5], $0x80, s25, s22, $0xb8;
	[tilespmem:$0x1CC00] =	vst v63  }
0xba: {  	_ =	swait.ge [sflag:s23], $0x800  }
0xbb: {  	[sflag:s23] =	ssyncset.done $0x0  }
0xbc: {  	s25 =	simm.s32 $0x28D0;
	[sflag:s23] =	ssyncadd.s32 $0xFFFFF800  }
0xbd: {  	[spmem:s4] =	stream.indirect.scatter.add.f32 [tilespmem:s18], [sflag:$0x6], $0x80, s25, s22, $0xb8;
	[tilespmem:$0x1CC00] =	vst v63  }
0xbe: {  	_ =	swait.ge [sflag:s24], $0x800  }
0xbf: {  	[sflag:s24] =	ssyncset.done $0x0  }
0xc0: {  	s25 =	simm.s32 $0x28E0;
	[sflag:s24] =	ssyncadd.s32 $0xFFFFF800  }
0xc1: {  	[spmem:s4] =	stream.indirect.scatter.add.f32 [tilespmem:s18], [sflag:$0x7], $0x80, s25, s22, $0xb8;
	[tilespmem:$0x1CC00] =	vst v63  }
0xc2: {  	_ =	swait.ge [sflag:s10], $0x800  }
0xc3: {  	[sflag:s10] =	ssyncset.done $0x0  }
0xc4: {  	s29 =	simm.s32 $0x200;
	s30 =	simm.s32 $0x28F0;
	[sflag:s10] =	ssyncadd.s32 $0xFFFFF800  }
.LBB2_4:
0xc5: {  	[spmem:s4] =	stream.indirect.scatter.add.f32 [tilespmem:s18], [sflag:$0x8], $0x80, s30, s22, $0xb8;
	[tilespmem:$0x1CC00] =	vst v63  }
0xc6: {  	s25 =	smov.u32 s29  }
0xc7: {  	p0 =	sne.s32 s29, $0x9A00;
	s29 =	sadd.s32 $0x200, s29;
	_ =	swait.ge [sflag:s31], $0x800  }
0xc8: {  	s30 =	sshra.s32 s25, $0x2;
	[sflag:s31] =	ssyncset.done $0x0  }
0xc9: {  	s25 =	sadd.s32 $0x2880, s30;
	[sflag:s31] =	ssyncadd.s32 $0xFFFFF800  }
0xca: {  	[spmem:s4] =	stream.indirect.scatter.add.f32 [tilespmem:s18], [sflag:$0x1], $0x80, s25, s22, $0xb8;
	[tilespmem:$0x1CC00] =	vst v63  }
0xcb: {  	_ =	swait.ge [sflag:s2], $0x800  }
0xcc: {  	[sflag:s2] =	ssyncset.done $0x0  }
0xcd: {  	s25 =	sadd.s32 $0x2890, s30;
	[sflag:s2] =	ssyncadd.s32 $0xFFFFF800  }
0xce: {  	[spmem:s4] =	stream.indirect.scatter.add.f32 [tilespmem:s18], [sflag:$0x2], $0x80, s25, s22, $0xb8;
	[tilespmem:$0x1CC00] =	vst v63  }
0xcf: {  	_ =	swait.ge [sflag:s0], $0x800  }
0xd0: {  	[sflag:s0] =	ssyncset.done $0x0  }
0xd1: {  	s25 =	sadd.s32 $0x28A0, s30;
	[sflag:s0] =	ssyncadd.s32 $0xFFFFF800  }
0xd2: {  	[spmem:s4] =	stream.indirect.scatter.add.f32 [tilespmem:s18], [sflag:$0x3], $0x80, s25, s22, $0xb8;
	[tilespmem:$0x1CC00] =	vst v63  }
0xd3: {  	_ =	swait.ge [sflag:s3], $0x800  }
0xd4: {  	[sflag:s3] =	ssyncset.done $0x0  }
0xd5: {  	s25 =	sadd.s32 $0x28B0, s30;
	[sflag:s3] =	ssyncadd.s32 $0xFFFFF800  }
0xd6: {  	[spmem:s4] =	stream.indirect.scatter.add.f32 [tilespmem:s18], [sflag:$0x4], $0x80, s25, s22, $0xb8;
	[tilespmem:$0x1CC00] =	vst v63  }
0xd7: {  	_ =	swait.ge [sflag:s6], $0x800  }
0xd8: {  	[sflag:s6] =	ssyncset.done $0x0  }
0xd9: {  	s25 =	sadd.s32 $0x28C0, s30;
	[sflag:s6] =	ssyncadd.s32 $0xFFFFF800  }
0xda: {  	[spmem:s4] =	stream.indirect.scatter.add.f32 [tilespmem:s18], [sflag:$0x5], $0x80, s25, s22, $0xb8;
	[tilespmem:$0x1CC00] =	vst v63  }
0xdb: {  	_ =	swait.ge [sflag:s23], $0x800  }
0xdc: {  	[sflag:s23] =	ssyncset.done $0x0  }
0xdd: {  	s25 =	sadd.s32 $0x28D0, s30;
	[sflag:s23] =	ssyncadd.s32 $0xFFFFF800  }
0xde: {  	[spmem:s4] =	stream.indirect.scatter.add.f32 [tilespmem:s18], [sflag:$0x6], $0x80, s25, s22, $0xb8;
	[tilespmem:$0x1CC00] =	vst v63  }
0xdf: {  	_ =	swait.ge [sflag:s24], $0x800  }
0xe0: {  	[sflag:s24] =	ssyncset.done $0x0  }
.Ltmp1:
0xe1: {  	s25 =	sadd.s32 $0x28E0, s30;
	[sflag:s24] =	ssyncadd.s32 $0xFFFFF800;
	(pc) =	sbr.rel @p0 .LBB2_4-.Ltmp1, $4  }
0xe2: {  	[spmem:s4] =	stream.indirect.scatter.add.f32 [tilespmem:s18], [sflag:$0x7], $0x80, s25, s22, $0xb8;
	[tilespmem:$0x1CC00] =	vst v63  }
0xe3: {  	_ =	swait.ge [sflag:s10], $0x800  }
0xe4: {  	[sflag:s10] =	ssyncset.done $0x0  }
0xe5: {  	s30 =	sadd.s32 $0x28F0, s30;
	[sflag:s10] =	ssyncadd.s32 $0xFFFFF800  }
0xe6: {  	[spmem:s4] =	stream.indirect.scatter.add.f32 [tilespmem:s18], [sflag:$0x8], $0x80, s30, s22, $0xb8;
	[tilespmem:$0x1CC00] =	vst v63  }
0xe7: {  	_ =	swait.ge [sflag:s31], $0x800  }
0xe8: {  	[sflag:s31] =	ssyncset.done $0x0  }
0xe9: {  	[sflag:s31] =	ssyncadd.s32 $0xFFFFF800  }
0xea: {  	_ =	swait.ge [sflag:s2], $0x800  }
0xeb: {  	[sflag:s2] =	ssyncset.done $0x0  }
0xec: {  	[sflag:s2] =	ssyncadd.s32 $0xFFFFF800  }
0xed: {  	_ =	swait.ge [sflag:s0], $0x800  }
0xee: {  	[sflag:s0] =	ssyncset.done $0x0  }
0xef: {  	[sflag:s0] =	ssyncadd.s32 $0xFFFFF800  }
0xf0: {  	_ =	swait.ge [sflag:s3], $0x800  }
0xf1: {  	[sflag:s3] =	ssyncset.done $0x0  }
0xf2: {  	[sflag:s3] =	ssyncadd.s32 $0xFFFFF800  }
0xf3: {  	_ =	swait.ge [sflag:s6], $0x800  }
0xf4: {  	[sflag:s6] =	ssyncset.done $0x0  }
0xf5: {  	[sflag:s6] =	ssyncadd.s32 $0xFFFFF800  }
0xf6: {  	_ =	swait.ge [sflag:s23], $0x800  }
0xf7: {  	[sflag:s23] =	ssyncset.done $0x0  }
0xf8: {  	[sflag:s23] =	ssyncadd.s32 $0xFFFFF800  }
0xf9: {  	_ =	swait.ge [sflag:s24], $0x800  }
0xfa: {  	[sflag:s24] =	ssyncset.done $0x0  }
0xfb: {  	[sflag:s24] =	ssyncadd.s32 $0xFFFFF800  }
0xfc: {  	_ =	swait.ge [sflag:s10], $0x800  }
0xfd: {  	[sflag:s10] =	ssyncset.done $0x0  }
0xfe: {  	[sflag:s10] =	ssyncadd.s32 $0xFFFFF800  }
0xff: {  	[bflag:$0x0] =	sbarrier.arrive $0xFFFF  }
0x100: {  	s25 =	rddreg [dreg:$0x6]  }
0x101: {  	[hbm:s25], [sflag:s19] =	dma.local [spmem:s20], $0x2780  }
0x102: {  	_ =	swait.ge [sflag:s17], $0x2780  }
0x103: {  	[sflag:s17] =	ssyncset.done $0x0  }
0x104: {  	[sflag:s17] =	ssyncadd.s32 $0xFFFFD880  }
0x105: {  	[bflag:$0x0] =	sbarrier.arrive $0xFFFF  }
0x106: {  	s25 =	simm.s32 $0x0;
	s29 =	rddreg [dreg:$0x7]  }
0x107: {  	[tilespmem:s25], [sflag:$0x9] =	stream.linear.gather [hbm4b:s29+s25], $0x2780, $0x38;
	[tilespmem:$0x1CC00] =	vst v63  }
0x108: {  	_ =	swait.ge [sflag:s17], $0x2780  }
0x109: {  	[sflag:s17] =	ssyncset.done $0x0  }
0x10a: {  	[sflag:s17] =	ssyncadd.s32 $0xFFFFD880  }
0x10b: {  	[tilespmem:s21], [sflag:$0x9] =	stream.linear.gather [hbm4b:s8+s25], $0x2780, $0x38;
	[tilespmem:$0x1CC00] =	vst v63  }
0x10c: {  	_ =	swait.ge [sflag:s17], $0x2780  }
0x10d: {  	[sflag:s17] =	ssyncset.done $0x0  }
0x10e: {  	[sflag:s17] =	ssyncadd.s32 $0xFFFFD880  }
0x10f: {  	[spmem:s20], [sflag:s19] =	dma.local [hbm:s7], $0x2780  }
0x110: {  	_ =	swait.ge [sflag:s17], $0x2780  }
0x111: {  	[sflag:s17] =	ssyncset.done $0x0  }
0x112: {  	[sflag:s17] =	ssyncadd.s32 $0xFFFFD880  }
0x113: {  	[bflag:$0x0] =	sbarrier.arrive $0xFFFF  }
0x114: {  	[tilespmem:s16], [sflag:$0x1] =	stream.indirect.gather [hbm4b:s1+s22], $0x80, s25, s22, $0xb8;
	[tilespmem:$0x1CC00] =	vst v63  }
0x115: {  	_ = 	snop  }
0x116: {  	[tilespmem:s18], [sflag:$0x2] =	stream.indirect.gather [hbm4b:s1+s22], $0x80, s22, s22, $0xb8;
	[tilespmem:$0x1CC00] =	vst v63  }
0x117: {  	s25 =	simm.s32 $0x20  }
0x118: {  	[tilespmem:s11], [sflag:$0x3] =	stream.indirect.gather [hbm4b:s1+s22], $0x80, s25, s22, $0xb8;
	[tilespmem:$0x1CC00] =	vst v63  }
0x119: {  	s25 =	simm.s32 $0x30  }
0x11a: {  	[tilespmem:s12], [sflag:$0x4] =	stream.indirect.gather [hbm4b:s1+s22], $0x80, s25, s22, $0xb8;
	[tilespmem:$0x1CC00] =	vst v63  }
0x11b: {  	s25 =	simm.s32 $0x40  }
0x11c: {  	[tilespmem:s13], [sflag:$0x5] =	stream.indirect.gather [hbm4b:s1+s22], $0x80, s25, s22, $0xb8;
	[tilespmem:$0x1CC00] =	vst v63  }
0x11d: {  	s25 =	simm.s32 $0x50  }
0x11e: {  	[tilespmem:s14], [sflag:$0x6] =	stream.indirect.gather [hbm4b:s1+s22], $0x80, s25, s22, $0xb8;
	[tilespmem:$0x1CC00] =	vst v63  }
0x11f: {  	s25 =	simm.s32 $0x60  }
0x120: {  	[tilespmem:s15], [sflag:$0x7] =	stream.indirect.gather [hbm4b:s1+s22], $0x80, s25, s22, $0xb8;
	[tilespmem:$0x1CC00] =	vst v63  }
0x121: {  	s25 =	simm.s32 $0x70  }
0x122: {  	[tilespmem:s26], [sflag:$0x8] =	stream.indirect.gather [hbm4b:s1+s22], $0x80, s25, s22, $0xb8;
	[tilespmem:$0x1CC00] =	vst v63  }
0x123: {  	_ =	swait.ge [sflag:s31], $0x800  }
0x124: {  	[sflag:s31] =	ssyncset.done $0x0  }
0x125: {  	s25 =	simm.s32 $0x2800;
	[sflag:s31] =	ssyncadd.s32 $0xFFFFF800  }
0x126: {  	[spmem:s4] =	stream.indirect.scatter.add.f32 [tilespmem:s16], [sflag:$0x9], $0x80, s25, s22, $0xb8;
	[tilespmem:$0x1CC00] =	vst v63  }
0x127: {  	_ =	swait.ge [sflag:s17], $0x800  }
0x128: {  	[sflag:s17] =	ssyncset.done $0x0  }
0x129: {  	s25 =	simm.s32 $0x80;
	[sflag:s17] =	ssyncadd.s32 $0xFFFFF800  }
0x12a: {  	[tilespmem:s16], [sflag:$0x1] =	stream.indirect.gather [hbm4b:s1+s22], $0x80, s25, s22, $0xb8;
	[tilespmem:$0x1CC00] =	vst v63  }
0x12b: {  	_ =	swait.ge [sflag:s2], $0x800  }
0x12c: {  	[sflag:s2] =	ssyncset.done $0x0  }
0x12d: {  	s25 =	simm.s32 $0x2810;
	[sflag:s2] =	ssyncadd.s32 $0xFFFFF800  }
0x12e: {  	[spmem:s4] =	stream.indirect.scatter.add.f32 [tilespmem:s18], [sflag:$0x9], $0x80, s25, s22, $0xb8;
	[tilespmem:$0x1CC00] =	vst v63  }
0x12f: {  	_ =	swait.ge [sflag:s17], $0x800  }
0x130: {  	[sflag:s17] =	ssyncset.done $0x0  }
0x131: {  	s25 =	simm.s32 $0x90;
	[sflag:s17] =	ssyncadd.s32 $0xFFFFF800  }
0x132: {  	[tilespmem:s18], [sflag:$0x2] =	stream.indirect.gather [hbm4b:s1+s22], $0x80, s25, s22, $0xb8;
	[tilespmem:$0x1CC00] =	vst v63  }
0x133: {  	_ =	swait.ge [sflag:s0], $0x800  }
0x134: {  	[sflag:s0] =	ssyncset.done $0x0  }
0x135: {  	s25 =	simm.s32 $0x2820;
	[sflag:s0] =	ssyncadd.s32 $0xFFFFF800  }
0x136: {  	[spmem:s4] =	stream.indirect.scatter.add.f32 [tilespmem:s11], [sflag:$0x9], $0x80, s25, s22, $0xb8;
	[tilespmem:$0x1CC00] =	vst v63  }
0x137: {  	_ =	swait.ge [sflag:s17], $0x800  }
0x138: {  	[sflag:s17] =	ssyncset.done $0x0  }
0x139: {  	s25 =	simm.s32 $0xA0;
	[sflag:s17] =	ssyncadd.s32 $0xFFFFF800  }
0x13a: {  	[tilespmem:s11], [sflag:$0x3] =	stream.indirect.gather [hbm4b:s1+s22], $0x80, s25, s22, $0xb8;
	[tilespmem:$0x1CC00] =	vst v63  }
0x13b: {  	_ =	swait.ge [sflag:s3], $0x800  }
0x13c: {  	[sflag:s3] =	ssyncset.done $0x0  }
0x13d: {  	s25 =	simm.s32 $0x2830;
	[sflag:s3] =	ssyncadd.s32 $0xFFFFF800  }
0x13e: {  	[spmem:s4] =	stream.indirect.scatter.add.f32 [tilespmem:s12], [sflag:$0x9], $0x80, s25, s22, $0xb8;
	[tilespmem:$0x1CC00] =	vst v63  }
0x13f: {  	_ =	swait.ge [sflag:s17], $0x800  }
0x140: {  	[sflag:s17] =	ssyncset.done $0x0  }
0x141: {  	s25 =	simm.s32 $0xB0;
	[sflag:s17] =	ssyncadd.s32 $0xFFFFF800  }
0x142: {  	[tilespmem:s12], [sflag:$0x4] =	stream.indirect.gather [hbm4b:s1+s22], $0x80, s25, s22, $0xb8;
	[tilespmem:$0x1CC00] =	vst v63  }
0x143: {  	_ =	swait.ge [sflag:s6], $0x800  }
0x144: {  	[sflag:s6] =	ssyncset.done $0x0  }
0x145: {  	s25 =	simm.s32 $0x2840;
	[sflag:s6] =	ssyncadd.s32 $0xFFFFF800  }
0x146: {  	[spmem:s4] =	stream.indirect.scatter.add.f32 [tilespmem:s13], [sflag:$0x9], $0x80, s25, s22, $0xb8;
	[tilespmem:$0x1CC00] =	vst v63  }
0x147: {  	_ =	swait.ge [sflag:s17], $0x800  }
0x148: {  	[sflag:s17] =	ssyncset.done $0x0  }
0x149: {  	s25 =	simm.s32 $0xC0;
	[sflag:s17] =	ssyncadd.s32 $0xFFFFF800  }
0x14a: {  	[tilespmem:s13], [sflag:$0x5] =	stream.indirect.gather [hbm4b:s1+s22], $0x80, s25, s22, $0xb8;
	[tilespmem:$0x1CC00] =	vst v63  }
0x14b: {  	_ =	swait.ge [sflag:s23], $0x800  }
0x14c: {  	[sflag:s23] =	ssyncset.done $0x0  }
0x14d: {  	s25 =	simm.s32 $0x2850;
	[sflag:s23] =	ssyncadd.s32 $0xFFFFF800  }
0x14e: {  	[spmem:s4] =	stream.indirect.scatter.add.f32 [tilespmem:s14], [sflag:$0x9], $0x80, s25, s22, $0xb8;
	[tilespmem:$0x1CC00] =	vst v63  }
0x14f: {  	_ =	swait.ge [sflag:s17], $0x800  }
0x150: {  	[sflag:s17] =	ssyncset.done $0x0  }
0x151: {  	s25 =	simm.s32 $0xD0;
	[sflag:s17] =	ssyncadd.s32 $0xFFFFF800  }
0x152: {  	[tilespmem:s14], [sflag:$0x6] =	stream.indirect.gather [hbm4b:s1+s22], $0x80, s25, s22, $0xb8;
	[tilespmem:$0x1CC00] =	vst v63  }
0x153: {  	_ =	swait.ge [sflag:s24], $0x800  }
0x154: {  	[sflag:s24] =	ssyncset.done $0x0  }
0x155: {  	s25 =	simm.s32 $0x2860;
	[sflag:s24] =	ssyncadd.s32 $0xFFFFF800  }
0x156: {  	[spmem:s4] =	stream.indirect.scatter.add.f32 [tilespmem:s15], [sflag:$0x9], $0x80, s25, s22, $0xb8;
	[tilespmem:$0x1CC00] =	vst v63  }
0x157: {  	_ =	swait.ge [sflag:s17], $0x800  }
0x158: {  	[sflag:s17] =	ssyncset.done $0x0  }
0x159: {  	s25 =	simm.s32 $0xE0;
	[sflag:s17] =	ssyncadd.s32 $0xFFFFF800  }
0x15a: {  	[tilespmem:s15], [sflag:$0x7] =	stream.indirect.gather [hbm4b:s1+s22], $0x80, s25, s22, $0xb8;
	[tilespmem:$0x1CC00] =	vst v63  }
0x15b: {  	_ =	swait.ge [sflag:s10], $0x800  }
0x15c: {  	[sflag:s10] =	ssyncset.done $0x0  }
0x15d: {  	s25 =	simm.s32 $0x2870;
	[sflag:s10] =	ssyncadd.s32 $0xFFFFF800  }
0x15e: {  	[spmem:s4] =	stream.indirect.scatter.add.f32 [tilespmem:s26], [sflag:$0x9], $0x80, s25, s22, $0xb8;
	[tilespmem:$0x1CC00] =	vst v63  }
0x15f: {  	_ =	swait.ge [sflag:s17], $0x800  }
0x160: {  	[sflag:s17] =	ssyncset.done $0x0  }
0x161: {  	s30 =	simm.s32 $0xF0;
	s29 =	simm.s32 $0x200;
	[sflag:s17] =	ssyncadd.s32 $0xFFFFF800  }
.LBB2_6:
0x162: {  	[tilespmem:s26], [sflag:$0x8] =	stream.indirect.gather [hbm4b:s1+s22], $0x80, s30, s22, $0xb8;
	[tilespmem:$0x1CC00] =	vst v63  }
0x163: {  	s25 =	smov.u32 s29  }
0x164: {  	p0 =	sne.s32 s29, $0x9A00;
	s29 =	sadd.s32 $0x200, s29;
	_ =	swait.ge [sflag:s31], $0x800  }
0x165: {  	s30 =	sshra.s32 s25, $0x2;
	[sflag:s31] =	ssyncset.done $0x0  }
0x166: {  	s25 =	sadd.s32 $0x2800, s30;
	[sflag:s31] =	ssyncadd.s32 $0xFFFFF800  }
0x167: {  	[spmem:s4] =	stream.indirect.scatter.add.f32 [tilespmem:s16], [sflag:$0x9], $0x80, s25, s22, $0xb8;
	[tilespmem:$0x1CC00] =	vst v63  }
0x168: {  	_ =	swait.ge [sflag:s17], $0x800  }
0x169: {  	[sflag:s17] =	ssyncset.done $0x0  }
0x16a: {  	s25 =	sadd.s32 $0x80, s30;
	[sflag:s17] =	ssyncadd.s32 $0xFFFFF800  }
0x16b: {  	[tilespmem:s16], [sflag:$0x1] =	stream.indirect.gather [hbm4b:s1+s22], $0x80, s25, s22, $0xb8;
	[tilespmem:$0x1CC00] =	vst v63  }
0x16c: {  	_ =	swait.ge [sflag:s2], $0x800  }
0x16d: {  	[sflag:s2] =	ssyncset.done $0x0  }
0x16e: {  	s25 =	sadd.s32 $0x2810, s30;
	[sflag:s2] =	ssyncadd.s32 $0xFFFFF800  }
0x16f: {  	[spmem:s4] =	stream.indirect.scatter.add.f32 [tilespmem:s18], [sflag:$0x9], $0x80, s25, s22, $0xb8;
	[tilespmem:$0x1CC00] =	vst v63  }
0x170: {  	_ =	swait.ge [sflag:s17], $0x800  }
0x171: {  	[sflag:s17] =	ssyncset.done $0x0  }
0x172: {  	s25 =	sadd.s32 $0x90, s30;
	[sflag:s17] =	ssyncadd.s32 $0xFFFFF800  }
0x173: {  	[tilespmem:s18], [sflag:$0x2] =	stream.indirect.gather [hbm4b:s1+s22], $0x80, s25, s22, $0xb8;
	[tilespmem:$0x1CC00] =	vst v63  }
0x174: {  	_ =	swait.ge [sflag:s0], $0x800  }
0x175: {  	[sflag:s0] =	ssyncset.done $0x0  }
0x176: {  	s25 =	sadd.s32 $0x2820, s30;
	[sflag:s0] =	ssyncadd.s32 $0xFFFFF800  }
0x177: {  	[spmem:s4] =	stream.indirect.scatter.add.f32 [tilespmem:s11], [sflag:$0x9], $0x80, s25, s22, $0xb8;
	[tilespmem:$0x1CC00] =	vst v63  }
0x178: {  	_ =	swait.ge [sflag:s17], $0x800  }
0x179: {  	[sflag:s17] =	ssyncset.done $0x0  }
0x17a: {  	s25 =	sadd.s32 $0xA0, s30;
	[sflag:s17] =	ssyncadd.s32 $0xFFFFF800  }
0x17b: {  	[tilespmem:s11], [sflag:$0x3] =	stream.indirect.gather [hbm4b:s1+s22], $0x80, s25, s22, $0xb8;
	[tilespmem:$0x1CC00] =	vst v63  }
0x17c: {  	_ =	swait.ge [sflag:s3], $0x800  }
0x17d: {  	[sflag:s3] =	ssyncset.done $0x0  }
0x17e: {  	s25 =	sadd.s32 $0x2830, s30;
	[sflag:s3] =	ssyncadd.s32 $0xFFFFF800  }
0x17f: {  	[spmem:s4] =	stream.indirect.scatter.add.f32 [tilespmem:s12], [sflag:$0x9], $0x80, s25, s22, $0xb8;
	[tilespmem:$0x1CC00] =	vst v63  }
0x180: {  	_ =	swait.ge [sflag:s17], $0x800  }
0x181: {  	[sflag:s17] =	ssyncset.done $0x0  }
0x182: {  	s25 =	sadd.s32 $0xB0, s30;
	[sflag:s17] =	ssyncadd.s32 $0xFFFFF800  }
0x183: {  	[tilespmem:s12], [sflag:$0x4] =	stream.indirect.gather [hbm4b:s1+s22], $0x80, s25, s22, $0xb8;
	[tilespmem:$0x1CC00] =	vst v63  }
0x184: {  	_ =	swait.ge [sflag:s6], $0x800  }
0x185: {  	[sflag:s6] =	ssyncset.done $0x0  }
0x186: {  	s25 =	sadd.s32 $0x2840, s30;
	[sflag:s6] =	ssyncadd.s32 $0xFFFFF800  }
0x187: {  	[spmem:s4] =	stream.indirect.scatter.add.f32 [tilespmem:s13], [sflag:$0x9], $0x80, s25, s22, $0xb8;
	[tilespmem:$0x1CC00] =	vst v63  }
0x188: {  	_ =	swait.ge [sflag:s17], $0x800  }
0x189: {  	[sflag:s17] =	ssyncset.done $0x0  }
0x18a: {  	s25 =	sadd.s32 $0xC0, s30;
	[sflag:s17] =	ssyncadd.s32 $0xFFFFF800  }
0x18b: {  	[tilespmem:s13], [sflag:$0x5] =	stream.indirect.gather [hbm4b:s1+s22], $0x80, s25, s22, $0xb8;
	[tilespmem:$0x1CC00] =	vst v63  }
0x18c: {  	_ =	swait.ge [sflag:s23], $0x800  }
0x18d: {  	[sflag:s23] =	ssyncset.done $0x0  }
0x18e: {  	s25 =	sadd.s32 $0x2850, s30;
	[sflag:s23] =	ssyncadd.s32 $0xFFFFF800  }
0x18f: {  	[spmem:s4] =	stream.indirect.scatter.add.f32 [tilespmem:s14], [sflag:$0x9], $0x80, s25, s22, $0xb8;
	[tilespmem:$0x1CC00] =	vst v63  }
0x190: {  	_ =	swait.ge [sflag:s17], $0x800  }
0x191: {  	[sflag:s17] =	ssyncset.done $0x0  }
0x192: {  	s25 =	sadd.s32 $0xD0, s30;
	[sflag:s17] =	ssyncadd.s32 $0xFFFFF800  }
0x193: {  	[tilespmem:s14], [sflag:$0x6] =	stream.indirect.gather [hbm4b:s1+s22], $0x80, s25, s22, $0xb8;
	[tilespmem:$0x1CC00] =	vst v63  }
0x194: {  	_ =	swait.ge [sflag:s24], $0x800  }
0x195: {  	[sflag:s24] =	ssyncset.done $0x0  }
0x196: {  	s25 =	sadd.s32 $0x2860, s30;
	[sflag:s24] =	ssyncadd.s32 $0xFFFFF800  }
0x197: {  	[spmem:s4] =	stream.indirect.scatter.add.f32 [tilespmem:s15], [sflag:$0x9], $0x80, s25, s22, $0xb8;
	[tilespmem:$0x1CC00] =	vst v63  }
0x198: {  	_ =	swait.ge [sflag:s17], $0x800  }
0x199: {  	[sflag:s17] =	ssyncset.done $0x0  }
0x19a: {  	s25 =	sadd.s32 $0xE0, s30;
	[sflag:s17] =	ssyncadd.s32 $0xFFFFF800  }
0x19b: {  	[tilespmem:s15], [sflag:$0x7] =	stream.indirect.gather [hbm4b:s1+s22], $0x80, s25, s22, $0xb8;
	[tilespmem:$0x1CC00] =	vst v63  }
0x19c: {  	_ =	swait.ge [sflag:s10], $0x800  }
0x19d: {  	[sflag:s10] =	ssyncset.done $0x0  }
.Ltmp2:
0x19e: {  	s25 =	sadd.s32 $0x2870, s30;
	[sflag:s10] =	ssyncadd.s32 $0xFFFFF800;
	(pc) =	sbr.rel @p0 .LBB2_6-.Ltmp2, $4  }
0x19f: {  	[spmem:s4] =	stream.indirect.scatter.add.f32 [tilespmem:s26], [sflag:$0x9], $0x80, s25, s22, $0xb8;
	[tilespmem:$0x1CC00] =	vst v63  }
0x1a0: {  	_ =	swait.ge [sflag:s17], $0x800  }
0x1a1: {  	[sflag:s17] =	ssyncset.done $0x0  }
0x1a2: {  	s30 =	sadd.s32 $0xF0, s30;
	[sflag:s17] =	ssyncadd.s32 $0xFFFFF800  }
0x1a3: {  	[tilespmem:s26], [sflag:$0x8] =	stream.indirect.gather [hbm4b:s1+s22], $0x80, s30, s22, $0xb8;
	[tilespmem:$0x1CC00] =	vst v63  }
0x1a4: {  	_ =	swait.ge [sflag:s31], $0x800  }
0x1a5: {  	[sflag:s31] =	ssyncset.done $0x0  }
0x1a6: {  	s25 =	simm.s32 $0x4F00;
	[sflag:s31] =	ssyncadd.s32 $0xFFFFF800  }
0x1a7: {  	[spmem:s4] =	stream.indirect.scatter.add.f32 [tilespmem:s16], [sflag:$0x9], $0x80, s25, s22, $0xb8;
	[tilespmem:$0x1CC00] =	vst v63  }
0x1a8: {  	_ =	swait.ge [sflag:s17], $0x800  }
0x1a9: {  	[sflag:s17] =	ssyncset.done $0x0  }
0x1aa: {  	[sflag:s17] =	ssyncadd.s32 $0xFFFFF800  }
0x1ab: {  	_ =	swait.ge [sflag:s2], $0x800  }
0x1ac: {  	[sflag:s2] =	ssyncset.done $0x0  }
0x1ad: {  	s25 =	simm.s32 $0x4F10;
	[sflag:s2] =	ssyncadd.s32 $0xFFFFF800  }
0x1ae: {  	[spmem:s4] =	stream.indirect.scatter.add.f32 [tilespmem:s18], [sflag:$0x9], $0x80, s25, s22, $0xb8;
	[tilespmem:$0x1CC00] =	vst v63  }
0x1af: {  	_ =	swait.ge [sflag:s17], $0x800  }
0x1b0: {  	[sflag:s17] =	ssyncset.done $0x0  }
0x1b1: {  	[sflag:s17] =	ssyncadd.s32 $0xFFFFF800  }
0x1b2: {  	_ =	swait.ge [sflag:s0], $0x800  }
0x1b3: {  	[sflag:s0] =	ssyncset.done $0x0  }
0x1b4: {  	s25 =	simm.s32 $0x4F20;
	[sflag:s0] =	ssyncadd.s32 $0xFFFFF800  }
0x1b5: {  	[spmem:s4] =	stream.indirect.scatter.add.f32 [tilespmem:s11], [sflag:$0x9], $0x80, s25, s22, $0xb8;
	[tilespmem:$0x1CC00] =	vst v63  }
0x1b6: {  	_ =	swait.ge [sflag:s17], $0x800  }
0x1b7: {  	[sflag:s17] =	ssyncset.done $0x0  }
0x1b8: {  	[sflag:s17] =	ssyncadd.s32 $0xFFFFF800  }
0x1b9: {  	_ =	swait.ge [sflag:s3], $0x800  }
0x1ba: {  	[sflag:s3] =	ssyncset.done $0x0  }
0x1bb: {  	s25 =	simm.s32 $0x4F30;
	[sflag:s3] =	ssyncadd.s32 $0xFFFFF800  }
0x1bc: {  	[spmem:s4] =	stream.indirect.scatter.add.f32 [tilespmem:s12], [sflag:$0x9], $0x80, s25, s22, $0xb8;
	[tilespmem:$0x1CC00] =	vst v63  }
0x1bd: {  	_ =	swait.ge [sflag:s17], $0x800  }
0x1be: {  	[sflag:s17] =	ssyncset.done $0x0  }
0x1bf: {  	[sflag:s17] =	ssyncadd.s32 $0xFFFFF800  }
0x1c0: {  	_ =	swait.ge [sflag:s6], $0x800  }
0x1c1: {  	[sflag:s6] =	ssyncset.done $0x0  }
0x1c2: {  	s25 =	simm.s32 $0x4F40;
	[sflag:s6] =	ssyncadd.s32 $0xFFFFF800  }
0x1c3: {  	[spmem:s4] =	stream.indirect.scatter.add.f32 [tilespmem:s13], [sflag:$0x9], $0x80, s25, s22, $0xb8;
	[tilespmem:$0x1CC00] =	vst v63  }
0x1c4: {  	_ =	swait.ge [sflag:s17], $0x800  }
0x1c5: {  	[sflag:s17] =	ssyncset.done $0x0  }
0x1c6: {  	[sflag:s17] =	ssyncadd.s32 $0xFFFFF800  }
0x1c7: {  	_ =	swait.ge [sflag:s23], $0x800  }
0x1c8: {  	[sflag:s23] =	ssyncset.done $0x0  }
0x1c9: {  	s25 =	simm.s32 $0x4F50;
	[sflag:s23] =	ssyncadd.s32 $0xFFFFF800  }
0x1ca: {  	[spmem:s4] =	stream.indirect.scatter.add.f32 [tilespmem:s14], [sflag:$0x9], $0x80, s25, s22, $0xb8;
	[tilespmem:$0x1CC00] =	vst v63  }
0x1cb: {  	_ =	swait.ge [sflag:s17], $0x800  }
0x1cc: {  	[sflag:s17] =	ssyncset.done $0x0  }
0x1cd: {  	[sflag:s17] =	ssyncadd.s32 $0xFFFFF800  }
0x1ce: {  	_ =	swait.ge [sflag:s24], $0x800  }
0x1cf: {  	[sflag:s24] =	ssyncset.done $0x0  }
0x1d0: {  	s25 =	simm.s32 $0x4F60;
	[sflag:s24] =	ssyncadd.s32 $0xFFFFF800  }
0x1d1: {  	[spmem:s4] =	stream.indirect.scatter.add.f32 [tilespmem:s15], [sflag:$0x9], $0x80, s25, s22, $0xb8;
	[tilespmem:$0x1CC00] =	vst v63  }
0x1d2: {  	_ =	swait.ge [sflag:s17], $0x800  }
0x1d3: {  	[sflag:s17] =	ssyncset.done $0x0  }
0x1d4: {  	[sflag:s17] =	ssyncadd.s32 $0xFFFFF800  }
0x1d5: {  	_ =	swait.ge [sflag:s10], $0x800  }
0x1d6: {  	[sflag:s10] =	ssyncset.done $0x0  }
0x1d7: {  	s25 =	simm.s32 $0x4F70;
	[sflag:s10] =	ssyncadd.s32 $0xFFFFF800  }
0x1d8: {  	[spmem:s4] =	stream.indirect.scatter.add.f32 [tilespmem:s26], [sflag:$0x9], $0x80, s25, s22, $0xb8;
	[tilespmem:$0x1CC00] =	vst v63  }
0x1d9: {  	_ =	swait.ge [sflag:s17], $0x800  }
0x1da: {  	[sflag:s17] =	ssyncset.done $0x0  }
0x1db: {  	[sflag:s17] =	ssyncadd.s32 $0xFFFFF800  }
0x1dc: {  	[bflag:$0x0] =	sbarrier.arrive $0xFFFF  }
0x1dd: {  	s25 =	rddreg [dreg:$0x8]  }
0x1de: {  	[hbm:s25], [sflag:s19] =	dma.local [spmem:s20], $0x2780  }
0x1df: {  	_ =	swait.ge [sflag:s17], $0x2780  }
0x1e0: {  	[sflag:s17] =	ssyncset.done $0x0  }
0x1e1: {  	[sflag:s17] =	ssyncadd.s32 $0xFFFFD880  }
0x1e2: {  	[bflag:$0x0] =	sbarrier.arrive $0xFFFF  }
0x1e3: {  	s25 =	simm.s32 $0x0;
	s29 =	rddreg [dreg:$0x9]  }
0x1e4: {  	[tilespmem:s25], [sflag:$0x9] =	stream.linear.gather [hbm4b:s29+s25], $0x2780, $0x38;
	[tilespmem:$0x1CC00] =	vst v63  }
0x1e5: {  	_ =	swait.ge [sflag:s17], $0x2780  }
0x1e6: {  	[sflag:s17] =	ssyncset.done $0x0  }
0x1e7: {  	[sflag:s17] =	ssyncadd.s32 $0xFFFFD880  }
0x1e8: {  	[tilespmem:s21], [sflag:$0x9] =	stream.linear.gather [hbm4b:s9+s25], $0x2780, $0x38;
	[tilespmem:$0x1CC00] =	vst v63  }
0x1e9: {  	_ =	swait.ge [sflag:s17], $0x2780  }
0x1ea: {  	[sflag:s17] =	ssyncset.done $0x0  }
0x1eb: {  	[sflag:s17] =	ssyncadd.s32 $0xFFFFD880  }
0x1ec: {  	[spmem:s20], [sflag:s19] =	dma.local [hbm:s7], $0x2780  }
0x1ed: {  	_ =	swait.ge [sflag:s17], $0x2780  }
0x1ee: {  	[sflag:s17] =	ssyncset.done $0x0  }
0x1ef: {  	[sflag:s17] =	ssyncadd.s32 $0xFFFFD880  }
0x1f0: {  	[bflag:$0x0] =	sbarrier.arrive $0xFFFF  }
0x1f1: {  	[tilespmem:s16], [sflag:$0x1] =	stream.indirect.gather [hbm4b:s1+s22], $0x80, s25, s22, $0xb8;
	[tilespmem:$0x1CC00] =	vst v63  }
0x1f2: {  	_ = 	snop  }
0x1f3: {  	[tilespmem:s18], [sflag:$0x2] =	stream.indirect.gather [hbm4b:s1+s22], $0x80, s22, s22, $0xb8;
	[tilespmem:$0x1CC00] =	vst v63  }
0x1f4: {  	s25 =	simm.s32 $0x20  }
0x1f5: {  	[tilespmem:s11], [sflag:$0x3] =	stream.indirect.gather [hbm4b:s1+s22], $0x80, s25, s22, $0xb8;
	[tilespmem:$0x1CC00] =	vst v63  }
0x1f6: {  	s25 =	simm.s32 $0x30  }
0x1f7: {  	[tilespmem:s12], [sflag:$0x4] =	stream.indirect.gather [hbm4b:s1+s22], $0x80, s25, s22, $0xb8;
	[tilespmem:$0x1CC00] =	vst v63  }
0x1f8: {  	s25 =	simm.s32 $0x40  }
0x1f9: {  	[tilespmem:s13], [sflag:$0x5] =	stream.indirect.gather [hbm4b:s1+s22], $0x80, s25, s22, $0xb8;
	[tilespmem:$0x1CC00] =	vst v63  }
0x1fa: {  	s25 =	simm.s32 $0x50  }
0x1fb: {  	[tilespmem:s14], [sflag:$0x6] =	stream.indirect.gather [hbm4b:s1+s22], $0x80, s25, s22, $0xb8;
	[tilespmem:$0x1CC00] =	vst v63  }
0x1fc: {  	s25 =	simm.s32 $0x60  }
0x1fd: {  	[tilespmem:s15], [sflag:$0x7] =	stream.indirect.gather [hbm4b:s1+s22], $0x80, s25, s22, $0xb8;
	[tilespmem:$0x1CC00] =	vst v63  }
0x1fe: {  	s25 =	simm.s32 $0x70  }
0x1ff: {  	[tilespmem:s26], [sflag:$0x8] =	stream.indirect.gather [hbm4b:s1+s22], $0x80, s25, s22, $0xb8;
	[tilespmem:$0x1CC00] =	vst v63  }
0x200: {  	_ =	swait.ge [sflag:s31], $0x800  }
0x201: {  	[sflag:s31] =	ssyncset.done $0x0  }
0x202: {  	s25 =	simm.s32 $0x2800;
	[sflag:s31] =	ssyncadd.s32 $0xFFFFF800  }
0x203: {  	[spmem:s4] =	stream.indirect.scatter.add.f32 [tilespmem:s16], [sflag:$0x9], $0x80, s25, s22, $0xb8;
	[tilespmem:$0x1CC00] =	vst v63  }
0x204: {  	_ =	swait.ge [sflag:s17], $0x800  }
0x205: {  	[sflag:s17] =	ssyncset.done $0x0  }
0x206: {  	s25 =	simm.s32 $0x80;
	[sflag:s17] =	ssyncadd.s32 $0xFFFFF800  }
0x207: {  	[tilespmem:s16], [sflag:$0x1] =	stream.indirect.gather [hbm4b:s1+s22], $0x80, s25, s22, $0xb8;
	[tilespmem:$0x1CC00] =	vst v63  }
0x208: {  	_ =	swait.ge [sflag:s2], $0x800  }
0x209: {  	[sflag:s2] =	ssyncset.done $0x0  }
0x20a: {  	s25 =	simm.s32 $0x2810;
	[sflag:s2] =	ssyncadd.s32 $0xFFFFF800  }
0x20b: {  	[spmem:s4] =	stream.indirect.scatter.add.f32 [tilespmem:s18], [sflag:$0x9], $0x80, s25, s22, $0xb8;
	[tilespmem:$0x1CC00] =	vst v63  }
0x20c: {  	_ =	swait.ge [sflag:s17], $0x800  }
0x20d: {  	[sflag:s17] =	ssyncset.done $0x0  }
0x20e: {  	s25 =	simm.s32 $0x90;
	[sflag:s17] =	ssyncadd.s32 $0xFFFFF800  }
0x20f: {  	[tilespmem:s18], [sflag:$0x2] =	stream.indirect.gather [hbm4b:s1+s22], $0x80, s25, s22, $0xb8;
	[tilespmem:$0x1CC00] =	vst v63  }
0x210: {  	_ =	swait.ge [sflag:s0], $0x800  }
0x211: {  	[sflag:s0] =	ssyncset.done $0x0  }
0x212: {  	s25 =	simm.s32 $0x2820;
	[sflag:s0] =	ssyncadd.s32 $0xFFFFF800  }
0x213: {  	[spmem:s4] =	stream.indirect.scatter.add.f32 [tilespmem:s11], [sflag:$0x9], $0x80, s25, s22, $0xb8;
	[tilespmem:$0x1CC00] =	vst v63  }
0x214: {  	_ =	swait.ge [sflag:s17], $0x800  }
0x215: {  	[sflag:s17] =	ssyncset.done $0x0  }
0x216: {  	s25 =	simm.s32 $0xA0;
	[sflag:s17] =	ssyncadd.s32 $0xFFFFF800  }
0x217: {  	[tilespmem:s11], [sflag:$0x3] =	stream.indirect.gather [hbm4b:s1+s22], $0x80, s25, s22, $0xb8;
	[tilespmem:$0x1CC00] =	vst v63  }
0x218: {  	_ =	swait.ge [sflag:s3], $0x800  }
0x219: {  	[sflag:s3] =	ssyncset.done $0x0  }
0x21a: {  	s25 =	simm.s32 $0x2830;
	[sflag:s3] =	ssyncadd.s32 $0xFFFFF800  }
0x21b: {  	[spmem:s4] =	stream.indirect.scatter.add.f32 [tilespmem:s12], [sflag:$0x9], $0x80, s25, s22, $0xb8;
	[tilespmem:$0x1CC00] =	vst v63  }
0x21c: {  	_ =	swait.ge [sflag:s17], $0x800  }
0x21d: {  	[sflag:s17] =	ssyncset.done $0x0  }
0x21e: {  	s25 =	simm.s32 $0xB0;
	[sflag:s17] =	ssyncadd.s32 $0xFFFFF800  }
0x21f: {  	[tilespmem:s12], [sflag:$0x4] =	stream.indirect.gather [hbm4b:s1+s22], $0x80, s25, s22, $0xb8;
	[tilespmem:$0x1CC00] =	vst v63  }
0x220: {  	_ =	swait.ge [sflag:s6], $0x800  }
0x221: {  	[sflag:s6] =	ssyncset.done $0x0  }
0x222: {  	s25 =	simm.s32 $0x2840;
	[sflag:s6] =	ssyncadd.s32 $0xFFFFF800  }
0x223: {  	[spmem:s4] =	stream.indirect.scatter.add.f32 [tilespmem:s13], [sflag:$0x9], $0x80, s25, s22, $0xb8;
	[tilespmem:$0x1CC00] =	vst v63  }
0x224: {  	_ =	swait.ge [sflag:s17], $0x800  }
0x225: {  	[sflag:s17] =	ssyncset.done $0x0  }
0x226: {  	s25 =	simm.s32 $0xC0;
	[sflag:s17] =	ssyncadd.s32 $0xFFFFF800  }
0x227: {  	[tilespmem:s13], [sflag:$0x5] =	stream.indirect.gather [hbm4b:s1+s22], $0x80, s25, s22, $0xb8;
	[tilespmem:$0x1CC00] =	vst v63  }
0x228: {  	_ =	swait.ge [sflag:s23], $0x800  }
0x229: {  	[sflag:s23] =	ssyncset.done $0x0  }
0x22a: {  	s25 =	simm.s32 $0x2850;
	[sflag:s23] =	ssyncadd.s32 $0xFFFFF800  }
0x22b: {  	[spmem:s4] =	stream.indirect.scatter.add.f32 [tilespmem:s14], [sflag:$0x9], $0x80, s25, s22, $0xb8;
	[tilespmem:$0x1CC00] =	vst v63  }
0x22c: {  	_ =	swait.ge [sflag:s17], $0x800  }
0x22d: {  	[sflag:s17] =	ssyncset.done $0x0  }
0x22e: {  	s25 =	simm.s32 $0xD0;
	[sflag:s17] =	ssyncadd.s32 $0xFFFFF800  }
0x22f: {  	[tilespmem:s14], [sflag:$0x6] =	stream.indirect.gather [hbm4b:s1+s22], $0x80, s25, s22, $0xb8;
	[tilespmem:$0x1CC00] =	vst v63  }
0x230: {  	_ =	swait.ge [sflag:s24], $0x800  }
0x231: {  	[sflag:s24] =	ssyncset.done $0x0  }
0x232: {  	s25 =	simm.s32 $0x2860;
	[sflag:s24] =	ssyncadd.s32 $0xFFFFF800  }
0x233: {  	[spmem:s4] =	stream.indirect.scatter.add.f32 [tilespmem:s15], [sflag:$0x9], $0x80, s25, s22, $0xb8;
	[tilespmem:$0x1CC00] =	vst v63  }
0x234: {  	_ =	swait.ge [sflag:s17], $0x800  }
0x235: {  	[sflag:s17] =	ssyncset.done $0x0  }
0x236: {  	s25 =	simm.s32 $0xE0;
	[sflag:s17] =	ssyncadd.s32 $0xFFFFF800  }
0x237: {  	[tilespmem:s15], [sflag:$0x7] =	stream.indirect.gather [hbm4b:s1+s22], $0x80, s25, s22, $0xb8;
	[tilespmem:$0x1CC00] =	vst v63  }
0x238: {  	_ =	swait.ge [sflag:s10], $0x800  }
0x239: {  	[sflag:s10] =	ssyncset.done $0x0  }
0x23a: {  	s25 =	simm.s32 $0x2870;
	[sflag:s10] =	ssyncadd.s32 $0xFFFFF800  }
0x23b: {  	[spmem:s4] =	stream.indirect.scatter.add.f32 [tilespmem:s26], [sflag:$0x9], $0x80, s25, s22, $0xb8;
	[tilespmem:$0x1CC00] =	vst v63  }
0x23c: {  	_ =	swait.ge [sflag:s17], $0x800  }
0x23d: {  	[sflag:s17] =	ssyncset.done $0x0  }
0x23e: {  	s30 =	simm.s32 $0xF0;
	s29 =	simm.s32 $0x200;
	[sflag:s17] =	ssyncadd.s32 $0xFFFFF800  }
.LBB2_8:
0x23f: {  	[tilespmem:s26], [sflag:$0x8] =	stream.indirect.gather [hbm4b:s1+s22], $0x80, s30, s22, $0xb8;
	[tilespmem:$0x1CC00] =	vst v63  }
0x240: {  	s25 =	smov.u32 s29  }
0x241: {  	p0 =	sne.s32 s29, $0x9A00;
	s29 =	sadd.s32 $0x200, s29;
	_ =	swait.ge [sflag:s31], $0x800  }
0x242: {  	s30 =	sshra.s32 s25, $0x2;
	[sflag:s31] =	ssyncset.done $0x0  }
0x243: {  	s25 =	sadd.s32 $0x2800, s30;
	[sflag:s31] =	ssyncadd.s32 $0xFFFFF800  }
0x244: {  	[spmem:s4] =	stream.indirect.scatter.add.f32 [tilespmem:s16], [sflag:$0x9], $0x80, s25, s22, $0xb8;
	[tilespmem:$0x1CC00] =	vst v63  }
0x245: {  	_ =	swait.ge [sflag:s17], $0x800  }
0x246: {  	[sflag:s17] =	ssyncset.done $0x0  }
0x247: {  	s25 =	sadd.s32 $0x80, s30;
	[sflag:s17] =	ssyncadd.s32 $0xFFFFF800  }
0x248: {  	[tilespmem:s16], [sflag:$0x1] =	stream.indirect.gather [hbm4b:s1+s22], $0x80, s25, s22, $0xb8;
	[tilespmem:$0x1CC00] =	vst v63  }
0x249: {  	_ =	swait.ge [sflag:s2], $0x800  }
0x24a: {  	[sflag:s2] =	ssyncset.done $0x0  }
0x24b: {  	s25 =	sadd.s32 $0x2810, s30;
	[sflag:s2] =	ssyncadd.s32 $0xFFFFF800  }
0x24c: {  	[spmem:s4] =	stream.indirect.scatter.add.f32 [tilespmem:s18], [sflag:$0x9], $0x80, s25, s22, $0xb8;
	[tilespmem:$0x1CC00] =	vst v63  }
0x24d: {  	_ =	swait.ge [sflag:s17], $0x800  }
0x24e: {  	[sflag:s17] =	ssyncset.done $0x0  }
0x24f: {  	s25 =	sadd.s32 $0x90, s30;
	[sflag:s17] =	ssyncadd.s32 $0xFFFFF800  }
0x250: {  	[tilespmem:s18], [sflag:$0x2] =	stream.indirect.gather [hbm4b:s1+s22], $0x80, s25, s22, $0xb8;
	[tilespmem:$0x1CC00] =	vst v63  }
0x251: {  	_ =	swait.ge [sflag:s0], $0x800  }
0x252: {  	[sflag:s0] =	ssyncset.done $0x0  }
0x253: {  	s25 =	sadd.s32 $0x2820, s30;
	[sflag:s0] =	ssyncadd.s32 $0xFFFFF800  }
0x254: {  	[spmem:s4] =	stream.indirect.scatter.add.f32 [tilespmem:s11], [sflag:$0x9], $0x80, s25, s22, $0xb8;
	[tilespmem:$0x1CC00] =	vst v63  }
0x255: {  	_ =	swait.ge [sflag:s17], $0x800  }
0x256: {  	[sflag:s17] =	ssyncset.done $0x0  }
0x257: {  	s25 =	sadd.s32 $0xA0, s30;
	[sflag:s17] =	ssyncadd.s32 $0xFFFFF800  }
0x258: {  	[tilespmem:s11], [sflag:$0x3] =	stream.indirect.gather [hbm4b:s1+s22], $0x80, s25, s22, $0xb8;
	[tilespmem:$0x1CC00] =	vst v63  }
0x259: {  	_ =	swait.ge [sflag:s3], $0x800  }
0x25a: {  	[sflag:s3] =	ssyncset.done $0x0  }
0x25b: {  	s25 =	sadd.s32 $0x2830, s30;
	[sflag:s3] =	ssyncadd.s32 $0xFFFFF800  }
0x25c: {  	[spmem:s4] =	stream.indirect.scatter.add.f32 [tilespmem:s12], [sflag:$0x9], $0x80, s25, s22, $0xb8;
	[tilespmem:$0x1CC00] =	vst v63  }
0x25d: {  	_ =	swait.ge [sflag:s17], $0x800  }
0x25e: {  	[sflag:s17] =	ssyncset.done $0x0  }
0x25f: {  	s25 =	sadd.s32 $0xB0, s30;
	[sflag:s17] =	ssyncadd.s32 $0xFFFFF800  }
0x260: {  	[tilespmem:s12], [sflag:$0x4] =	stream.indirect.gather [hbm4b:s1+s22], $0x80, s25, s22, $0xb8;
	[tilespmem:$0x1CC00] =	vst v63  }
0x261: {  	_ =	swait.ge [sflag:s6], $0x800  }
0x262: {  	[sflag:s6] =	ssyncset.done $0x0  }
0x263: {  	s25 =	sadd.s32 $0x2840, s30;
	[sflag:s6] =	ssyncadd.s32 $0xFFFFF800  }
0x264: {  	[spmem:s4] =	stream.indirect.scatter.add.f32 [tilespmem:s13], [sflag:$0x9], $0x80, s25, s22, $0xb8;
	[tilespmem:$0x1CC00] =	vst v63  }
0x265: {  	_ =	swait.ge [sflag:s17], $0x800  }
0x266: {  	[sflag:s17] =	ssyncset.done $0x0  }
0x267: {  	s25 =	sadd.s32 $0xC0, s30;
	[sflag:s17] =	ssyncadd.s32 $0xFFFFF800  }
0x268: {  	[tilespmem:s13], [sflag:$0x5] =	stream.indirect.gather [hbm4b:s1+s22], $0x80, s25, s22, $0xb8;
	[tilespmem:$0x1CC00] =	vst v63  }
0x269: {  	_ =	swait.ge [sflag:s23], $0x800  }
0x26a: {  	[sflag:s23] =	ssyncset.done $0x0  }
0x26b: {  	s25 =	sadd.s32 $0x2850, s30;
	[sflag:s23] =	ssyncadd.s32 $0xFFFFF800  }
0x26c: {  	[spmem:s4] =	stream.indirect.scatter.add.f32 [tilespmem:s14], [sflag:$0x9], $0x80, s25, s22, $0xb8;
	[tilespmem:$0x1CC00] =	vst v63  }
0x26d: {  	_ =	swait.ge [sflag:s17], $0x800  }
0x26e: {  	[sflag:s17] =	ssyncset.done $0x0  }
0x26f: {  	s25 =	sadd.s32 $0xD0, s30;
	[sflag:s17] =	ssyncadd.s32 $0xFFFFF800  }
0x270: {  	[tilespmem:s14], [sflag:$0x6] =	stream.indirect.gather [hbm4b:s1+s22], $0x80, s25, s22, $0xb8;
	[tilespmem:$0x1CC00] =	vst v63  }
0x271: {  	_ =	swait.ge [sflag:s24], $0x800  }
0x272: {  	[sflag:s24] =	ssyncset.done $0x0  }
0x273: {  	s25 =	sadd.s32 $0x2860, s30;
	[sflag:s24] =	ssyncadd.s32 $0xFFFFF800  }
0x274: {  	[spmem:s4] =	stream.indirect.scatter.add.f32 [tilespmem:s15], [sflag:$0x9], $0x80, s25, s22, $0xb8;
	[tilespmem:$0x1CC00] =	vst v63  }
0x275: {  	_ =	swait.ge [sflag:s17], $0x800  }
0x276: {  	[sflag:s17] =	ssyncset.done $0x0  }
0x277: {  	s25 =	sadd.s32 $0xE0, s30;
	[sflag:s17] =	ssyncadd.s32 $0xFFFFF800  }
0x278: {  	[tilespmem:s15], [sflag:$0x7] =	stream.indirect.gather [hbm4b:s1+s22], $0x80, s25, s22, $0xb8;
	[tilespmem:$0x1CC00] =	vst v63  }
0x279: {  	_ =	swait.ge [sflag:s10], $0x800  }
0x27a: {  	[sflag:s10] =	ssyncset.done $0x0  }
.Ltmp3:
0x27b: {  	s25 =	sadd.s32 $0x2870, s30;
	[sflag:s10] =	ssyncadd.s32 $0xFFFFF800;
	(pc) =	sbr.rel @p0 .LBB2_8-.Ltmp3, $4  }
0x27c: {  	[spmem:s4] =	stream.indirect.scatter.add.f32 [tilespmem:s26], [sflag:$0x9], $0x80, s25, s22, $0xb8;
	[tilespmem:$0x1CC00] =	vst v63  }
0x27d: {  	_ =	swait.ge [sflag:s17], $0x800  }
0x27e: {  	[sflag:s17] =	ssyncset.done $0x0  }
0x27f: {  	s30 =	sadd.s32 $0xF0, s30;
	[sflag:s17] =	ssyncadd.s32 $0xFFFFF800  }
0x280: {  	[tilespmem:s26], [sflag:$0x8] =	stream.indirect.gather [hbm4b:s1+s22], $0x80, s30, s22, $0xb8;
	[tilespmem:$0x1CC00] =	vst v63  }
0x281: {  	_ =	swait.ge [sflag:s31], $0x800  }
0x282: {  	[sflag:s31] =	ssyncset.done $0x0  }
0x283: {  	s25 =	simm.s32 $0x4F00;
	[sflag:s31] =	ssyncadd.s32 $0xFFFFF800  }
0x284: {  	[spmem:s4] =	stream.indirect.scatter.add.f32 [tilespmem:s16], [sflag:$0x9], $0x80, s25, s22, $0xb8;
	[tilespmem:$0x1CC00] =	vst v63  }
0x285: {  	_ =	swait.ge [sflag:s17], $0x800  }
0x286: {  	[sflag:s17] =	ssyncset.done $0x0  }
0x287: {  	[sflag:s17] =	ssyncadd.s32 $0xFFFFF800  }
0x288: {  	_ =	swait.ge [sflag:s2], $0x800  }
0x289: {  	[sflag:s2] =	ssyncset.done $0x0  }
0x28a: {  	s30 =	simm.s32 $0x4F10;
	[sflag:s2] =	ssyncadd.s32 $0xFFFFF800  }
0x28b: {  	[spmem:s4] =	stream.indirect.scatter.add.f32 [tilespmem:s18], [sflag:$0x9], $0x80, s30, s22, $0xb8;
	[tilespmem:$0x1CC00] =	vst v63  }
0x28c: {  	_ =	swait.ge [sflag:s17], $0x800  }
0x28d: {  	[sflag:s17] =	ssyncset.done $0x0  }
0x28e: {  	[sflag:s17] =	ssyncadd.s32 $0xFFFFF800  }
0x28f: {  	_ =	swait.ge [sflag:s0], $0x800  }
0x290: {  	[sflag:s0] =	ssyncset.done $0x0  }
0x291: {  	s29 =	simm.s32 $0x4F20;
	[sflag:s0] =	ssyncadd.s32 $0xFFFFF800  }
0x292: {  	[spmem:s4] =	stream.indirect.scatter.add.f32 [tilespmem:s11], [sflag:$0x9], $0x80, s29, s22, $0xb8;
	[tilespmem:$0x1CC00] =	vst v63  }
0x293: {  	_ =	swait.ge [sflag:s17], $0x800  }
0x294: {  	[sflag:s17] =	ssyncset.done $0x0  }
0x295: {  	[sflag:s17] =	ssyncadd.s32 $0xFFFFF800  }
0x296: {  	_ =	swait.ge [sflag:s3], $0x800  }
0x297: {  	[sflag:s3] =	ssyncset.done $0x0  }
0x298: {  	s30 =	simm.s32 $0x4F30;
	[sflag:s3] =	ssyncadd.s32 $0xFFFFF800  }
0x299: {  	[spmem:s4] =	stream.indirect.scatter.add.f32 [tilespmem:s12], [sflag:$0x9], $0x80, s30, s22, $0xb8;
	[tilespmem:$0x1CC00] =	vst v63  }
0x29a: {  	_ =	swait.ge [sflag:s17], $0x800  }
0x29b: {  	[sflag:s17] =	ssyncset.done $0x0  }
0x29c: {  	[sflag:s17] =	ssyncadd.s32 $0xFFFFF800  }
0x29d: {  	_ =	swait.ge [sflag:s6], $0x800  }
0x29e: {  	[sflag:s6] =	ssyncset.done $0x0  }
0x29f: {  	s29 =	simm.s32 $0x4F40;
	[sflag:s6] =	ssyncadd.s32 $0xFFFFF800  }
0x2a0: {  	[spmem:s4] =	stream.indirect.scatter.add.f32 [tilespmem:s13], [sflag:$0x9], $0x80, s29, s22, $0xb8;
	[tilespmem:$0x1CC00] =	vst v63  }
0x2a1: {  	_ =	swait.ge [sflag:s17], $0x800  }
0x2a2: {  	[sflag:s17] =	ssyncset.done $0x0  }
0x2a3: {  	[sflag:s17] =	ssyncadd.s32 $0xFFFFF800  }
0x2a4: {  	_ =	swait.ge [sflag:s23], $0x800  }
0x2a5: {  	[sflag:s23] =	ssyncset.done $0x0  }
0x2a6: {  	s30 =	simm.s32 $0x4F50;
	[sflag:s23] =	ssyncadd.s32 $0xFFFFF800  }
0x2a7: {  	[spmem:s4] =	stream.indirect.scatter.add.f32 [tilespmem:s14], [sflag:$0x9], $0x80, s30, s22, $0xb8;
	[tilespmem:$0x1CC00] =	vst v63  }
0x2a8: {  	_ =	swait.ge [sflag:s17], $0x800  }
0x2a9: {  	[sflag:s17] =	ssyncset.done $0x0  }
0x2aa: {  	[sflag:s17] =	ssyncadd.s32 $0xFFFFF800  }
0x2ab: {  	_ =	swait.ge [sflag:s24], $0x800  }
0x2ac: {  	[sflag:s24] =	ssyncset.done $0x0  }
0x2ad: {  	s29 =	simm.s32 $0x4F60;
	[sflag:s24] =	ssyncadd.s32 $0xFFFFF800  }
0x2ae: {  	[spmem:s4] =	stream.indirect.scatter.add.f32 [tilespmem:s15], [sflag:$0x9], $0x80, s29, s22, $0xb8;
	[tilespmem:$0x1CC00] =	vst v63  }
0x2af: {  	_ =	swait.ge [sflag:s17], $0x800  }
0x2b0: {  	[sflag:s17] =	ssyncset.done $0x0  }
0x2b1: {  	[sflag:s17] =	ssyncadd.s32 $0xFFFFF800  }
0x2b2: {  	_ =	swait.ge [sflag:s10], $0x800  }
0x2b3: {  	[sflag:s10] =	ssyncset.done $0x0  }
0x2b4: {  	s30 =	simm.s32 $0x4F70;
	[sflag:s10] =	ssyncadd.s32 $0xFFFFF800  }
0x2b5: {  	[spmem:s4] =	stream.indirect.scatter.add.f32 [tilespmem:s26], [sflag:$0x9], $0x80, s30, s22, $0xb8;
	[tilespmem:$0x1CC00] =	vst v63  }
0x2b6: {  	_ =	swait.ge [sflag:s17], $0x800  }
0x2b7: {  	[sflag:s17] =	ssyncset.done $0x0  }
0x2b8: {  	[sflag:s17] =	ssyncadd.s32 $0xFFFFF800  }
0x2b9: {  	[bflag:$0x0] =	sbarrier.arrive $0xFFFF  }
0x2ba: {  	s29 =	rddreg [dreg:$0xa]  }
0x2bb: {  	[hbm:s29], [sflag:s19] =	dma.local [spmem:s20], $0x2780  }
0x2bc: {  	_ =	swait.ge [sflag:s17], $0x2780  }
0x2bd: {  	s28 =	sadd.s32 $0x1, s28;
	s30 =	rddreg [dreg:$0xb]  }
0x2be: {  	p0 =	sne.s32 s28, s30  }
.Ltmp4:
0x2bf: {  	_ = 	snop;
	(pc) =	sbr.rel @p0 .LBB2_1-.Ltmp4, $3  }
0x2c0: {  	[sflag:s17] =	ssyncset.done $0x0  }
0x2c1: {  	[sflag:s17] =	ssyncadd.s32 $0xFFFFD880  }
0x2c2: {  	[bflag:$0x0] =	sbarrier.arrive $0xFFFF;
	_ =	sdelay $0x1  }
0x2c3: {  	_ =	sfence.sel $0x180000  }
0x2c4: {  	[bflag:$0x0] =	sbarrier.arrive $0xFFFF  }
0x2c5: {  	_ =	strace $0x90000047  }
0x2c6: {  	s0 =	stileid.u32;
	[bflag:$0x2] =	sbarrier.arrive $0xFFFF  }
0x2c7: {  	p0 =	sne.s32 s0, $0x0;
	s0 =	rddreg [dreg:$0x4]  }
0x2c8: {  	s0 =	sadd.s32 @!p0 $0x100000, s0  }
0x2c9: {  	[sflag:s0] =	ssyncadd.tile.s32 @!p0 $0x1;
	_ =	shalt  }
.Lfunc_end2:
_tile_overlayer_lowered:
.L_overlay_start_2:
0x2ca: {  	(tag) =	ssettag $0x2  }
0x2cb: {  	s0 =	rddreg [dreg:$0x0];
	s2 =	stileid.u32  }
0x2cc: {  	s1 =	rddreg [dreg:$0x1];
	p0 =	sne.s32 s2, $0x0  }
0x2cd: {  	s3 =	rddreg [dreg:$0x2];
	[bflag:$0x3] =	sbarrier.arrive $0xFFFF;
	s2 =	simm.s32 @!p0 $0x1C09  }
0x2ce: {  	[timem:s3], [sflag:s2] =	dma.local @!p0 [hbm:s0], s1  }
0x2cf: {  	s0 =	simm.s32 @!p0 $0x9  }
0x2d0: {  	_ =	swait.ge @!p0 [sflag:s0], s1  }
0x2d1: {  	s1 =	ssub.s32 @!p0 $0x0, s1;
	[sflag:s0] =	ssyncset.done @!p0 $0x0  }
0x2d2: {  	[sflag:s0] =	ssyncadd.s32 @!p0 s1  }
0x2d3: {  	[bflag:$0x3] =	sbarrier.arrive $0xFFFF  }
0x2d4: {  	_ =	shalt  }

// kernel: kernel.9.cloned.1.call-start
scs
__scs_entry_jumppad:
0x0: {  	(pc) =	sbr.rel $0x88, $3  }
0x1: {  	(tag) =	ssettag $0x0;
	lr =	simm.s32 $0x1  }
0x2: {  	[smem:$0x3F92] =	sst lr;
	_ =	strace $0xD0000000  }
0x3: {  	_ = 	snop  }
0x4: {  	_ = 	snop  }
0x5: {  	_ = 	snop  }
0x6: {  	_ = 	snop  }
0x7: {  	_ = 	snop  }
__scs_overlays_trampoline_lowered:
0x8: {  	[smem:$0x3FA1] =	sst s0  }
0x9: {  	[smem:$0x3FA2] =	sst s1  }
0xa: {  	[smem:$0x3FA3] =	sst s2  }
0xb: {  	[smem:$0x3FA4] =	sst s3  }
0xc: {  	[smem:$0x3FA5] =	sst s4  }
0xd: {  	[smem:$0x3FA6] =	sst s5  }
0xe: {  	[smem:$0x3FA7] =	sst s6  }
0xf: {  	[smem:$0x3FA8] =	sst s7  }
0x10: {  	[smem:$0x3FA9] =	sst s8  }
0x11: {  	[smem:$0x3FAA] =	sst s9;
	s0 =	simm.s32 @!p0 $0x0  }
0x12: {  	s1 =	sld [smem:$0x3F90];
	s0 =	simm.s32 @p0 $0x1  }
0x13: {  	[smem:$0x3FAB] =	sst s0;
	s0 =	simm.s32 @!p1 $0x0  }
0x14: {  	s2 =	sld [smem:$0x3F8F];
	s0 =	simm.s32 @p1 $0x1  }
0x15: {  	[smem:$0x3FAC] =	sst s0;
	s0 =	simm.s32 @!p2 $0x0  }
0x16: {  	s3 =	sld [smem:$0x3FDB];
	s0 =	simm.s32 @p2 $0x1  }
0x17: {  	s4 =	simm.s32 $0x1BF5;
	[smem:$0x3FAE] =	sst s0  }
0x18: {  	s0 =	sld [smem:$0x3F91];
	_ =	swait.ge [sflag:s4], $0x0  }
0x19: {  	s7 =	sld [smem:$0x3F92]  }
0x1a: {  	s8 =	sadd.s32 $0xFFFFE003, lr  }
0x1b: {  	s9 =	sadd.s32 $0xFFFFFEF7, lr;
	s5 =	simm.s32 $0xFFFFFFFF;
	p2 =	slt.u32 s8, $0xFFFFF086  }
0x1c: {  	p1 =	slt.u32 s9, $0xF7A;
	s5 =	simm.s32 @!p2 $0x0  }
0x1d: {  	s5 =	simm.s32 @p1 $0x1;
	p0 =	seq.s32 s7, s2  }
0x1e: {  	s7 =	smul.u32 @!p0 $0xF7A, s2;
	p2 =	seq.s32 @!p0 s5, $0x0  }
0x1f: {  	s9 =	smul.u32 $0xF7A, s1;
	s8 =	simm.s32 @!p0 $0x1BF5;
	p2 =	por !p2, p0  }
0x20: {  	[sflag:s8] =	ssyncset.s32 @!p0 $0xFFFFF086;
	s6 =	sadd.s32 @!p0 s3, s7;
	s7 =	simm.s32 @!p0 $0x108  }
0x21: {  	s3 =	sadd.s32 s3, s9;
	s6 =	sadd.s32 @!p0 $0x88, s6;
	s7 =	simm.s32 @p2 $0x1082  }
0x22: {  	[simem:s7], [sflag:s8] =	dma.local @!p0 [hbm:s6], $0xF7A  }
0x23: {  	s9 =	sor.u32 $0xD0000000, s2;
	s6 =	simm.s32 $0x108;
	_ =	swait.ge @!p0 [sflag:s8], $0x0  }
0x24: {  	s3 =	sadd.s32 $0x88, s3;
	s6 =	simm.s32 @!p1 $0x1082;
	[sflag:s4] =	ssyncset.s32 $0xFFFFF086  }
0x25: {  	[simem:s6], [sflag:s4] =	dma.local [hbm:s3], $0xF7A  }
0x26: {  	[smem:$0x3F92] =	sst s1;
	(tag) =	ssettag s2;
	_ =	strace s9  }
0x27: {  	s1 =	sld [smem:$0x3FA2]  }
0x28: {  	s2 =	sld [smem:$0x3FA3]  }
0x29: {  	s4 =	sld [smem:$0x3FA5]  }
0x2a: {  	p0 =	seq.s32 s5, $0x0;
	s5 =	sld [smem:$0x3FA6]  }
0x2b: {  	s6 =	sld [smem:$0x3FA7]  }
0x2c: {  	s7 =	sld [smem:$0x3FA8]  }
0x2d: {  	s3 =	simm.s32 $0x108;
	s8 =	sld [smem:$0x3FA9]  }
0x2e: {  	s3 =	simm.s32 @!p0 $0x1082;
	s9 =	sld [smem:$0x3FAA]  }
0x2f: {  	lr =	sadd.s32 s0, s3;
	s0 =	sld [smem:$0x3FA1]  }
0x30: {  	s3 =	sld [smem:$0x3FA4]  }
0x31: {  	[smem:$0x3FAD] =	sst s10  }
0x32: {  	s10 =	sld [smem:$0x3FAB];
	_ =	sdelay $0x3  }
0x33: {  	p0 =	seq.s32 s10, $0x1;
	s10 =	sld [smem:$0x3FAD];
	_ =	sdelay $0x3  }
0x34: {  	[smem:$0x3FAD] =	sst s10  }
0x35: {  	s10 =	sld [smem:$0x3FAC];
	_ =	sdelay $0x3  }
0x36: {  	p1 =	seq.s32 s10, $0x1;
	s10 =	sld [smem:$0x3FAD];
	_ =	sdelay $0x3  }
0x37: {  	[smem:$0x3FAD] =	sst s10  }
0x38: {  	s10 =	sld [smem:$0x3FAE]  }
0x39: {  	_ = 	snop;
	(pc) =	sbr.ind lr, $3  }
0x3a: {  	_ = 	snop  }
0x3b: {  	_ = 	snop  }
0x3c: {  	p2 =	seq.s32 s10, $0x1;
	s10 =	sld [smem:$0x3FAD]  }
0x3d: {  	_ =	shalt  }
0x3e: {  	_ =	shalt  }
0x3f: {  	_ =	shalt  }
0x40: {  	_ =	shalt  }
0x41: {  	_ =	shalt  }
0x42: {  	_ =	shalt  }
0x43: {  	_ =	shalt  }
0x44: {  	_ =	shalt  }
0x45: {  	_ =	shalt  }
0x46: {  	_ =	shalt  }
0x47: {  	_ =	shalt  }
0x48: {  	_ =	shalt  }
0x49: {  	_ =	shalt  }
0x4a: {  	_ =	shalt  }
0x4b: {  	_ =	shalt  }
0x4c: {  	_ =	shalt  }
0x4d: {  	_ =	shalt  }
0x4e: {  	_ =	shalt  }
0x4f: {  	_ =	shalt  }
0x50: {  	_ =	shalt  }
0x51: {  	_ =	shalt  }
0x52: {  	_ =	shalt  }
0x53: {  	_ =	shalt  }
0x54: {  	_ =	shalt  }
0x55: {  	_ =	shalt  }
0x56: {  	_ =	shalt  }
0x57: {  	_ =	shalt  }
0x58: {  	_ =	shalt  }
0x59: {  	_ =	shalt  }
0x5a: {  	_ =	shalt  }
0x5b: {  	_ =	shalt  }
0x5c: {  	_ =	shalt  }
0x5d: {  	_ =	shalt  }
0x5e: {  	_ =	shalt  }
0x5f: {  	_ =	shalt  }
0x60: {  	_ =	shalt  }
0x61: {  	_ =	shalt  }
0x62: {  	_ =	shalt  }
0x63: {  	_ =	shalt  }
0x64: {  	_ =	shalt  }
0x65: {  	_ =	shalt  }
0x66: {  	_ =	shalt  }
0x67: {  	_ =	shalt  }
0x68: {  	_ =	shalt  }
0x69: {  	_ =	shalt  }
0x6a: {  	_ =	shalt  }
0x6b: {  	_ =	shalt  }
0x6c: {  	_ =	shalt  }
0x6d: {  	_ =	shalt  }
0x6e: {  	_ =	shalt  }
0x6f: {  	_ =	shalt  }
0x70: {  	_ =	shalt  }
0x71: {  	_ =	shalt  }
0x72: {  	_ =	shalt  }
0x73: {  	_ =	shalt  }
0x74: {  	_ =	shalt  }
0x75: {  	_ =	shalt  }
0x76: {  	_ =	shalt  }
0x77: {  	_ =	shalt  }
0x78: {  	_ =	shalt  }
0x79: {  	_ =	shalt  }
0x7a: {  	_ =	shalt  }
0x7b: {  	_ =	shalt  }
0x7c: {  	_ =	shalt  }
0x7d: {  	_ =	shalt  }
0x7e: {  	_ =	shalt  }
0x7f: {  	_ =	shalt  }
0x80: {  	_ =	shalt  }
0x81: {  	_ =	shalt  }
0x82: {  	_ =	shalt  }
0x83: {  	_ =	shalt  }
0x84: {  	_ =	shalt  }
0x85: {  	_ =	shalt  }
0x86: {  	_ =	shalt  }
0x87: {  	_ =	shalt  }
.Lfunc_end0:
.L_simem_size_0:
called_computation.1_lowered:
.L_overlay_start_0:
0x88: {  	s2 =	sld [smem:$0x3FD9]  }
0x89: {  	s3 =	sld [smem:$0x3FFE];
	_ =	sdelay $0x1  }
0x8a: {  	s1 =	srdreg.scid  }
0x8b: {  	s0 =	sand.u32 $0x1, s1  }
0x8c: {  	s17 =	sshll.u32 s0, $0xA;
	s2 =	sadd.s32 s3, s2  }
0x8d: {  	s2 =	sadd.s32 s2, s17  }
0x8e: {  	[smem:$0x3FB9] =	sst s2  }
0x8f: {  	_ = 	snop  }
0x90: {  	s2 =	sld [smem:$0x3FD0];
	(tm) =	ssettm $0x1  }
0x91: {  	s18 =	sld [smem:$0x3FFB];
	_ =	sdelay $0x3  }
0x92: {  	_ =	strace s18  }
0x93: {  	s3 =	sld [smem:$0x3FFC];
	_ =	sdelay $0x3  }
0x94: {  	_ =	strace s3  }
0x95: {  	s3 =	sld [smem:$0x3FFD];
	_ =	sdelay $0x3  }
0x96: {  	_ =	strace s3  }
0x97: {  	_ =	strace $0x8FFFFFFF  }
0x98: {  	s19 =	sld [smem:$0x3FDB];
	_ =	sdelay $0x1  }
0x99: {  	s4 =	simm.s32 $_scs_section_size  }
0x9a: {  	s5 =	simm.s32 $_size__tile_overlayer_lowered;
	s6 =	simm.s32 $_tile_overlayer_lowered  }
0x9b: {  	s22 =	simm.s32 $0x1BFF;
	s21 =	sshll.u32 s6, $0x1;
	s3 =	sadd.s32 s4, s19  }
0x9c: {  	s7 =	simm.s32 $0x0;
	s20 =	sshll.u32 s5, $0x1;
	s5 =	sadd.s32 s21, s3  }
0x9d: {  	[timem:s7], [sflag:s22] =	dma.local [hbm:s5], s20  }
0x9e: {  	_ =	swait.ge [sflag:s22], s20  }
0x9f: {  	s4 =	ssub.s32 $0x0, s20;
	[sflag:s22] =	ssyncset.done $0x0  }
0xa0: {  	[sflag:s22] =	ssyncadd.s32 s4;
	_ =	sdelay $0x1  }
0xa1: {  	s23 =	simm.s32 $0x1B8B  }
0xa2: {  	_ =	swait.ge [sflag:s23], $0x1  }
0xa3: {  	[sflag:s23] =	ssyncset.done $0x0  }
0xa4: {  	s25 =	simm.s32 $0x1B8E;
	s24 =	sld [smem:$0x3FFE];
	[sflag:s23] =	ssyncadd.s32 $0xFFFFFFFF  }
0xa5: {  	s26 =	simm.s32 $execute0_lowered;
	[smem:$0x3FD2] =	sst s25  }
0xa6: {  	s5 =	sshll.u32 s26, $0x1;
	_ =	strace $0x80000049;
	[dreg:$0x1] =	wrdreg $0xFFFFFFFF  }
0xa7: {  	s28 =	simm.s32 $_size_execute0_lowered;
	s3 =	sadd.s32 s3, s5;
	[dreg:$0x0] =	wrdreg $0x0  }
0xa8: {  	s5 =	sshll.u32 s28, $0x1;
	[dreg:$0x2] =	wrdreg s3  }
0xa9: {  	[dreg:$0x3] =	wrdreg s5  }
0xaa: {  	[dreg:$0x4] =	wrdreg $0xC0  }
0xab: {  	_ =	task [dreg:s7], $0x5FFFF  }
0xac: {  	[dreg:$0x1] =	wrdreg $0xFFFFFFFF  }
0xad: {  	[dreg:$0x0] =	wrdreg $0x60  }
0xae: {  	[dreg:$0x2] =	wrdreg s2  }
0xaf: {  	[dreg:$0x3] =	wrdreg s24  }
0xb0: {  	[dreg:$0x4] =	wrdreg $0x90000  }
0xb1: {  	[dreg:$0x5] =	wrdreg $0x9  }
0xb2: {  	_ =	task.clear_ibuf [dreg:s7], $0x6FFFF;
	_ =	strace $0x90000049  }
0xb3: {  	s29 =	simm.s32 $0x9;
	_ =	strace $0x8000004B  }
0xb4: {  	_ =	swait.ge [sflag:s29], $0x1  }
0xb5: {  	[sflag:s29] =	ssyncadd.s32 $0xFFFFFFFF  }
0xb6: {  	_ =	strace $0x9000004B  }
0xb7: {  	_ =	sfence  }
0xb8: {  	s30 =	sld [smem:$0x0];
	_ =	sdelay $0x2  }
0xb9: {  	s31 =	sshll.u32 s1, $0xD;
	s1 =	sshrl.u32 s1, $0x2  }
0xba: {  	s3 =	sand.u32 $0x4000, s31;
	s1 =	sadd.s32 s1, s30  }
0xbb: {  	s0 =	sor.u32 s3, s0;
	s1 =	sshll.u32 s1, $0x11  }
0xbc: {  	s0 =	sor.u32 s1, s0  }
0xbd: {  	s0 =	sadd.s32 $0x8F2B, s0  }
0xbe: {  	[sflag:s0] =	ssyncadd.remote.s32 $0x1  }
0xbf: {  	_ =	sfence.sel $0xFFFF  }
0xc0: {  	[dreg:$0x0] =	wrdreg $0xFFFFFFFF;
	(pc) =	sbr.abs _section_cstart, $3  }
0xc1: {  	[dreg:$0x1] =	wrdreg $0xFFFFFFFF  }
0xc2: {  	_ =	task.clear_ibuf [dreg:s7], $0x2FFFF;
	_ =	strace $0x9FFFFFFF  }
0xc3: {  	(tm) =	ssettm $0x7FFFFFFF  }
tec
execute0_lowered:
.L_overlay_start_1:
0x0: {  	(tag) =	ssettag $0x1  }
0x1: {  	s1 =	rddreg [dreg:$0x0]  }
0x2: {  	s0 =	srdreg.scid;
	s5 =	rddreg [dreg:$0x1]  }
0x3: {  	s9 =	stileid.u32;
	s3 =	rddreg [dreg:$0x2];
	s4 =	simm.s32 $0x0  }
0x4: {  	s13 =	simm.s32 $0x9;
	s17 =	simm.s32 $0x10;
	s28 =	simm.s32 $0x7800  }
0x5: {  	s30 =	simm.s32 $0x8000;
	s14 =	simm.s32 $0x3;
	s10 =	simm.s32 $0x7  }
0x6: {  	s29 =	simm.s32 $0x4F50;
	s31 =	simm.s32 $0x4F60;
	s11 =	simm.s32 $0x4F70  }
0x7: {  	s12 =	simm.s32 $0x0;
	s0 =	sand.u32 $0x1, s0;
	s6 =	smul.u32 $0x13C00, s9  }
0x8: {  	s2 =	sshll.u32 s9, $0x1;
	[smem:$0x7FF] =	sst s4;
	s18 =	smul.u32 $0x4F000, s9  }
0x9: {  	s26 =	sshll.u32 s9, $0x6;
	s9 =	simm.s32 $0x6;
	s2 =	sor.u32 s0, s2  }
0xa: {  	s7 =	smul.u32 $0x13C000, s0;
	_ =	strace $0x8000004A;
	s0 =	ssub.s32 $0x2, s0  }
0xb: {  	s15 =	sor.u32 $0x1C09, s26;
	s2 =	smul.u32 $0x500, s2;
	s8 =	sshrl.u32 s6, $0x3  }
0xc: {  	s19 =	sshrl.u32 s0, $0x1;
	s21 =	sshrl.u32 s18, $0x2;
	s18 =	simm.s32 $0x5000  }
0xd: {  	s6 =	sadd.s32 s6, s7;
	s8 =	sadd.s32 s8, s5;
	s0 =	ssub.s32 s0, s19  }
0xe: {  	s19 =	simm.s32 $0x5800;
	s2 =	sadd.s32 s2, s5;
	s6 =	sshrl.u32 s6, $0x3  }
0xf: {  	s7 =	sadd.s32 $0x2B000, s8;
	s0 =	smax.u32 s0, $0x1;
	s8 =	simm.s32 $0x5  }
0x10: {  	s5 =	sadd.s32 s6, s5;
	s20 =	sadd.s32 $0x3000, s2;
	[dreg:$0xa] =	wrdreg s0  }
0x11: {  	s22 =	sadd.s32 $0xD000, s2;
	s6 =	sadd.s32 s21, s3;
	[dreg:$0x4] =	wrdreg s20  }
0x12: {  	s24 =	sadd.s32 $0x17000, s2;
	s2 =	sadd.s32 $0x21000, s2;
	[dreg:$0x5] =	wrdreg s22  }
0x13: {  	s21 =	simm.s32 $0x6000;
	s0 =	simm.s32 $0x1;
	[dreg:$0x7] =	wrdreg s24  }
0x14: {  	s23 =	sadd.s32 $0x52800, s5;
	[dreg:$0x8] =	wrdreg s2;
	s25 =	sadd.s32 $0xA1800, s5  }
0x15: {  	s16 =	sshrl.u32 s6, $0x3;
	s2 =	simm.s32 $0x8800;
	s5 =	simm.s32 $0x2  }
0x16: {  	s6 =	simm.s32 $0x4;
	s20 =	simm.s32 $0x8;
	[dreg:$0x6] =	wrdreg s23  }
0x17: {  	[dreg:$0x9] =	wrdreg s25;
	s23 =	simm.s32 $0x6800;
	s25 =	simm.s32 $0x7000  }
.LBB2_1:
0x18: {  	s22 =	rddreg [dreg:$0x4]  }
0x19: {  	[tilespmem:s4], [sflag:$0x9] =	stream.linear.gather [hbm4b:s22+s4], $0x2780, $0x38;
	[tilespmem:$0x1CC00] =	vst v63  }
0x1a: {  	_ =	swait.ge [sflag:s13], $0x2780  }
0x1b: {  	[sflag:s13] =	ssyncset.done $0x0  }
0x1c: {  	s24 =	simm.s32 $0x2800;
	s26 =	rddreg [dreg:$0x5];
	[sflag:s13] =	ssyncadd.s32 $0xFFFFD880  }
0x1d: {  	[tilespmem:s24], [sflag:$0x9] =	stream.linear.gather [hbm4b:s26+s4], $0x2780, $0x38;
	[tilespmem:$0x1CC00] =	vst v63  }
0x1e: {  	_ =	swait.ge [sflag:s13], $0x2780  }
0x1f: {  	[sflag:s13] =	ssyncset.done $0x0  }
0x20: {  	[sflag:s13] =	ssyncadd.s32 $0xFFFFD880  }
0x21: {  	[spmem:s16], [sflag:s15] =	dma.local [hbm:s7], $0x2780  }
0x22: {  	_ =	swait.ge [sflag:s13], $0x2780  }
0x23: {  	[sflag:s13] =	ssyncset.done $0x0  }
0x24: {  	[sflag:s13] =	ssyncadd.s32 $0xFFFFD880  }
0x25: {  	[bflag:$0x0] =	sbarrier.arrive $0xFFFF  }
0x26: {  	[tilespmem:s18], [sflag:$0x1] =	stream.indirect.gather [hbm4b:s1+s17], $0x80, s4, s17, $0xb8;
	[tilespmem:$0x1CC00] =	vst v63  }
0x27: {  	_ = 	snop  }
0x28: {  	[tilespmem:s19], [sflag:$0x2] =	stream.indirect.gather [hbm4b:s1+s17], $0x80, s17, s17, $0xb8;
	[tilespmem:$0x1CC00] =	vst v63  }
0x29: {  	s26 =	simm.s32 $0x20  }
0x2a: {  	[tilespmem:s21], [sflag:$0x3] =	stream.indirect.gather [hbm4b:s1+s17], $0x80, s26, s17, $0xb8;
	[tilespmem:$0x1CC00] =	vst v63  }
0x2b: {  	s24 =	simm.s32 $0x30  }
0x2c: {  	[tilespmem:s23], [sflag:$0x4] =	stream.indirect.gather [hbm4b:s1+s17], $0x80, s24, s17, $0xb8;
	[tilespmem:$0x1CC00] =	vst v63  }
0x2d: {  	s26 =	simm.s32 $0x40  }
0x2e: {  	[tilespmem:s25], [sflag:$0x5] =	stream.indirect.gather [hbm4b:s1+s17], $0x80, s26, s17, $0xb8;
	[tilespmem:$0x1CC00] =	vst v63  }
0x2f: {  	s24 =	simm.s32 $0x50  }
0x30: {  	[tilespmem:s28], [sflag:$0x6] =	stream.indirect.gather [hbm4b:s1+s17], $0x80, s24, s17, $0xb8;
	[tilespmem:$0x1CC00] =	vst v63  }
0x31: {  	s26 =	simm.s32 $0x60  }
0x32: {  	[tilespmem:s30], [sflag:$0x7] =	stream.indirect.gather [hbm4b:s1+s17], $0x80, s26, s17, $0xb8;
	[tilespmem:$0x1CC00] =	vst v63  }
0x33: {  	s24 =	simm.s32 $0x70  }
0x34: {  	[tilespmem:s2], [sflag:$0x8] =	stream.indirect.gather [hbm4b:s1+s17], $0x80, s24, s17, $0xb8;
	[tilespmem:$0x1CC00] =	vst v63  }
0x35: {  	_ =	swait.ge [sflag:s0], $0x800  }
0x36: {  	[sflag:s0] =	ssyncset.done $0x0  }
0x37: {  	s26 =	simm.s32 $0x2800;
	[sflag:s0] =	ssyncadd.s32 $0xFFFFF800  }
0x38: {  	[spmem:s3] =	stream.indirect.scatter.add.f32 [tilespmem:s18], [sflag:$0x9], $0x80, s26, s17, $0xb8;
	[tilespmem:$0x1CC00] =	vst v63  }
0x39: {  	_ =	swait.ge [sflag:s13], $0x800  }
0x3a: {  	[sflag:s13] =	ssyncset.done $0x0  }
0x3b: {  	s24 =	simm.s32 $0x80;
	[sflag:s13] =	ssyncadd.s32 $0xFFFFF800  }
0x3c: {  	[tilespmem:s18], [sflag:$0x1] =	stream.indirect.gather [hbm4b:s1+s17], $0x80, s24, s17, $0xb8;
	[tilespmem:$0x1CC00] =	vst v63  }
0x3d: {  	_ =	swait.ge [sflag:s5], $0x800  }
0x3e: {  	[sflag:s5] =	ssyncset.done $0x0  }
0x3f: {  	s26 =	simm.s32 $0x2810;
	[sflag:s5] =	ssyncadd.s32 $0xFFFFF800  }
0x40: {  	[spmem:s3] =	stream.indirect.scatter.add.f32 [tilespmem:s19], [sflag:$0x9], $0x80, s26, s17, $0xb8;
	[tilespmem:$0x1CC00] =	vst v63  }
0x41: {  	_ =	swait.ge [sflag:s13], $0x800  }
0x42: {  	[sflag:s13] =	ssyncset.done $0x0  }
0x43: {  	s24 =	simm.s32 $0x90;
	[sflag:s13] =	ssyncadd.s32 $0xFFFFF800  }
0x44: {  	[tilespmem:s19], [sflag:$0x2] =	stream.indirect.gather [hbm4b:s1+s17], $0x80, s24, s17, $0xb8;
	[tilespmem:$0x1CC00] =	vst v63  }
0x45: {  	_ =	swait.ge [sflag:s14], $0x800  }
0x46: {  	[sflag:s14] =	ssyncset.done $0x0  }
0x47: {  	s26 =	simm.s32 $0x2820;
	[sflag:s14] =	ssyncadd.s32 $0xFFFFF800  }
0x48: {  	[spmem:s3] =	stream.indirect.scatter.add.f32 [tilespmem:s21], [sflag:$0x9], $0x80, s26, s17, $0xb8;
	[tilespmem:$0x1CC00] =	vst v63  }
0x49: {  	_ =	swait.ge [sflag:s13], $0x800  }
0x4a: {  	[sflag:s13] =	ssyncset.done $0x0  }
0x4b: {  	s24 =	simm.s32 $0xA0;
	[sflag:s13] =	ssyncadd.s32 $0xFFFFF800  }
0x4c: {  	[tilespmem:s21], [sflag:$0x3] =	stream.indirect.gather [hbm4b:s1+s17], $0x80, s24, s17, $0xb8;
	[tilespmem:$0x1CC00] =	vst v63  }
0x4d: {  	_ =	swait.ge [sflag:s6], $0x800  }
0x4e: {  	[sflag:s6] =	ssyncset.done $0x0  }
0x4f: {  	s26 =	simm.s32 $0x2830;
	[sflag:s6] =	ssyncadd.s32 $0xFFFFF800  }
0x50: {  	[spmem:s3] =	stream.indirect.scatter.add.f32 [tilespmem:s23], [sflag:$0x9], $0x80, s26, s17, $0xb8;
	[tilespmem:$0x1CC00] =	vst v63  }
0x51: {  	_ =	swait.ge [sflag:s13], $0x800  }
0x52: {  	[sflag:s13] =	ssyncset.done $0x0  }
0x53: {  	s24 =	simm.s32 $0xB0;
	[sflag:s13] =	ssyncadd.s32 $0xFFFFF800  }
0x54: {  	[tilespmem:s23], [sflag:$0x4] =	stream.indirect.gather [hbm4b:s1+s17], $0x80, s24, s17, $0xb8;
	[tilespmem:$0x1CC00] =	vst v63  }
0x55: {  	_ =	swait.ge [sflag:s8], $0x800  }
0x56: {  	[sflag:s8] =	ssyncset.done $0x0  }
0x57: {  	s26 =	simm.s32 $0x2840;
	[sflag:s8] =	ssyncadd.s32 $0xFFFFF800  }
0x58: {  	[spmem:s3] =	stream.indirect.scatter.add.f32 [tilespmem:s25], [sflag:$0x9], $0x80, s26, s17, $0xb8;
	[tilespmem:$0x1CC00] =	vst v63  }
0x59: {  	_ =	swait.ge [sflag:s13], $0x800  }
0x5a: {  	[sflag:s13] =	ssyncset.done $0x0  }
0x5b: {  	s24 =	simm.s32 $0xC0;
	[sflag:s13] =	ssyncadd.s32 $0xFFFFF800  }
0x5c: {  	[tilespmem:s25], [sflag:$0x5] =	stream.indirect.gather [hbm4b:s1+s17], $0x80, s24, s17, $0xb8;
	[tilespmem:$0x1CC00] =	vst v63  }
0x5d: {  	_ =	swait.ge [sflag:s9], $0x800  }
0x5e: {  	[sflag:s9] =	ssyncset.done $0x0  }
0x5f: {  	s26 =	simm.s32 $0x2850;
	[sflag:s9] =	ssyncadd.s32 $0xFFFFF800  }
0x60: {  	[spmem:s3] =	stream.indirect.scatter.add.f32 [tilespmem:s28], [sflag:$0x9], $0x80, s26, s17, $0xb8;
	[tilespmem:$0x1CC00] =	vst v63  }
0x61: {  	_ =	swait.ge [sflag:s13], $0x800  }
0x62: {  	[sflag:s13] =	ssyncset.done $0x0  }
0x63: {  	s24 =	simm.s32 $0xD0;
	[sflag:s13] =	ssyncadd.s32 $0xFFFFF800  }
0x64: {  	[tilespmem:s28], [sflag:$0x6] =	stream.indirect.gather [hbm4b:s1+s17], $0x80, s24, s17, $0xb8;
	[tilespmem:$0x1CC00] =	vst v63  }
0x65: {  	_ =	swait.ge [sflag:s10], $0x800  }
0x66: {  	[sflag:s10] =	ssyncset.done $0x0  }
0x67: {  	s26 =	simm.s32 $0x2860;
	[sflag:s10] =	ssyncadd.s32 $0xFFFFF800  }
0x68: {  	[spmem:s3] =	stream.indirect.scatter.add.f32 [tilespmem:s30], [sflag:$0x9], $0x80, s26, s17, $0xb8;
	[tilespmem:$0x1CC00] =	vst v63  }
0x69: {  	_ =	swait.ge [sflag:s13], $0x800  }
0x6a: {  	[sflag:s13] =	ssyncset.done $0x0  }
0x6b: {  	s24 =	simm.s32 $0xE0;
	[sflag:s13] =	ssyncadd.s32 $0xFFFFF800  }
0x6c: {  	[tilespmem:s30], [sflag:$0x7] =	stream.indirect.gather [hbm4b:s1+s17], $0x80, s24, s17, $0xb8;
	[tilespmem:$0x1CC00] =	vst v63  }
0x6d: {  	_ =	swait.ge [sflag:s20], $0x800  }
0x6e: {  	[sflag:s20] =	ssyncset.done $0x0  }
0x6f: {  	s26 =	simm.s32 $0x2870;
	[sflag:s20] =	ssyncadd.s32 $0xFFFFF800  }
0x70: {  	[spmem:s3] =	stream.indirect.scatter.add.f32 [tilespmem:s2], [sflag:$0x9], $0x80, s26, s17, $0xb8;
	[tilespmem:$0x1CC00] =	vst v63  }
0x71: {  	_ =	swait.ge [sflag:s13], $0x800  }
0x72: {  	[sflag:s13] =	ssyncset.done $0x0  }
0x73: {  	s22 =	simm.s32 $0x200;
	s24 =	simm.s32 $0xF0;
	[sflag:s13] =	ssyncadd.s32 $0xFFFFF800  }
.LBB2_2:
0x74: {  	[tilespmem:s2], [sflag:$0x8] =	stream.indirect.gather [hbm4b:s1+s17], $0x80, s24, s17, $0xb8;
	[tilespmem:$0x1CC00] =	vst v63  }
0x75: {  	s24 =	smov.u32 s22  }
0x76: {  	p0 =	sne.s32 s22, $0x9A00;
	s22 =	sadd.s32 $0x200, s22;
	_ =	swait.ge [sflag:s0], $0x800  }
0x77: {  	s24 =	sshra.s32 s24, $0x2;
	[sflag:s0] =	ssyncset.done $0x0  }
0x78: {  	s26 =	sadd.s32 $0x2800, s24;
	[sflag:s0] =	ssyncadd.s32 $0xFFFFF800  }
0x79: {  	[spmem:s3] =	stream.indirect.scatter.add.f32 [tilespmem:s18], [sflag:$0x9], $0x80, s26, s17, $0xb8;
	[tilespmem:$0x1CC00] =	vst v63  }
0x7a: {  	_ =	swait.ge [sflag:s13], $0x800  }
0x7b: {  	[sflag:s13] =	ssyncset.done $0x0  }
0x7c: {  	s26 =	sadd.s32 $0x80, s24;
	[sflag:s13] =	ssyncadd.s32 $0xFFFFF800  }
0x7d: {  	[tilespmem:s18], [sflag:$0x1] =	stream.indirect.gather [hbm4b:s1+s17], $0x80, s26, s17, $0xb8;
	[tilespmem:$0x1CC00] =	vst v63  }
0x7e: {  	_ =	swait.ge [sflag:s5], $0x800  }
0x7f: {  	[sflag:s5] =	ssyncset.done $0x0  }
0x80: {  	s26 =	sadd.s32 $0x2810, s24;
	[sflag:s5] =	ssyncadd.s32 $0xFFFFF800  }
0x81: {  	[spmem:s3] =	stream.indirect.scatter.add.f32 [tilespmem:s19], [sflag:$0x9], $0x80, s26, s17, $0xb8;
	[tilespmem:$0x1CC00] =	vst v63  }
0x82: {  	_ =	swait.ge [sflag:s13], $0x800  }
0x83: {  	[sflag:s13] =	ssyncset.done $0x0  }
0x84: {  	s26 =	sadd.s32 $0x90, s24;
	[sflag:s13] =	ssyncadd.s32 $0xFFFFF800  }
0x85: {  	[tilespmem:s19], [sflag:$0x2] =	stream.indirect.gather [hbm4b:s1+s17], $0x80, s26, s17, $0xb8;
	[tilespmem:$0x1CC00] =	vst v63  }
0x86: {  	_ =	swait.ge [sflag:s14], $0x800  }
0x87: {  	[sflag:s14] =	ssyncset.done $0x0  }
0x88: {  	s26 =	sadd.s32 $0x2820, s24;
	[sflag:s14] =	ssyncadd.s32 $0xFFFFF800  }
0x89: {  	[spmem:s3] =	stream.indirect.scatter.add.f32 [tilespmem:s21], [sflag:$0x9], $0x80, s26, s17, $0xb8;
	[tilespmem:$0x1CC00] =	vst v63  }
0x8a: {  	_ =	swait.ge [sflag:s13], $0x800  }
0x8b: {  	[sflag:s13] =	ssyncset.done $0x0  }
0x8c: {  	s26 =	sadd.s32 $0xA0, s24;
	[sflag:s13] =	ssyncadd.s32 $0xFFFFF800  }
0x8d: {  	[tilespmem:s21], [sflag:$0x3] =	stream.indirect.gather [hbm4b:s1+s17], $0x80, s26, s17, $0xb8;
	[tilespmem:$0x1CC00] =	vst v63  }
0x8e: {  	_ =	swait.ge [sflag:s6], $0x800  }
0x8f: {  	[sflag:s6] =	ssyncset.done $0x0  }
0x90: {  	s26 =	sadd.s32 $0x2830, s24;
	[sflag:s6] =	ssyncadd.s32 $0xFFFFF800  }
0x91: {  	[spmem:s3] =	stream.indirect.scatter.add.f32 [tilespmem:s23], [sflag:$0x9], $0x80, s26, s17, $0xb8;
	[tilespmem:$0x1CC00] =	vst v63  }
0x92: {  	_ =	swait.ge [sflag:s13], $0x800  }
0x93: {  	[sflag:s13] =	ssyncset.done $0x0  }
0x94: {  	s26 =	sadd.s32 $0xB0, s24;
	[sflag:s13] =	ssyncadd.s32 $0xFFFFF800  }
0x95: {  	[tilespmem:s23], [sflag:$0x4] =	stream.indirect.gather [hbm4b:s1+s17], $0x80, s26, s17, $0xb8;
	[tilespmem:$0x1CC00] =	vst v63  }
0x96: {  	_ =	swait.ge [sflag:s8], $0x800  }
0x97: {  	[sflag:s8] =	ssyncset.done $0x0  }
0x98: {  	s26 =	sadd.s32 $0x2840, s24;
	[sflag:s8] =	ssyncadd.s32 $0xFFFFF800  }
0x99: {  	[spmem:s3] =	stream.indirect.scatter.add.f32 [tilespmem:s25], [sflag:$0x9], $0x80, s26, s17, $0xb8;
	[tilespmem:$0x1CC00] =	vst v63  }
0x9a: {  	_ =	swait.ge [sflag:s13], $0x800  }
0x9b: {  	[sflag:s13] =	ssyncset.done $0x0  }
0x9c: {  	s26 =	sadd.s32 $0xC0, s24;
	[sflag:s13] =	ssyncadd.s32 $0xFFFFF800  }
0x9d: {  	[tilespmem:s25], [sflag:$0x5] =	stream.indirect.gather [hbm4b:s1+s17], $0x80, s26, s17, $0xb8;
	[tilespmem:$0x1CC00] =	vst v63  }
0x9e: {  	_ =	swait.ge [sflag:s9], $0x800  }
0x9f: {  	[sflag:s9] =	ssyncset.done $0x0  }
0xa0: {  	s26 =	sadd.s32 $0x2850, s24;
	[sflag:s9] =	ssyncadd.s32 $0xFFFFF800  }
0xa1: {  	[spmem:s3] =	stream.indirect.scatter.add.f32 [tilespmem:s28], [sflag:$0x9], $0x80, s26, s17, $0xb8;
	[tilespmem:$0x1CC00] =	vst v63  }
0xa2: {  	_ =	swait.ge [sflag:s13], $0x800  }
0xa3: {  	[sflag:s13] =	ssyncset.done $0x0  }
0xa4: {  	s26 =	sadd.s32 $0xD0, s24;
	[sflag:s13] =	ssyncadd.s32 $0xFFFFF800  }
0xa5: {  	[tilespmem:s28], [sflag:$0x6] =	stream.indirect.gather [hbm4b:s1+s17], $0x80, s26, s17, $0xb8;
	[tilespmem:$0x1CC00] =	vst v63  }
0xa6: {  	_ =	swait.ge [sflag:s10], $0x800  }
0xa7: {  	[sflag:s10] =	ssyncset.done $0x0  }
0xa8: {  	s26 =	sadd.s32 $0x2860, s24;
	[sflag:s10] =	ssyncadd.s32 $0xFFFFF800  }
0xa9: {  	[spmem:s3] =	stream.indirect.scatter.add.f32 [tilespmem:s30], [sflag:$0x9], $0x80, s26, s17, $0xb8;
	[tilespmem:$0x1CC00] =	vst v63  }
0xaa: {  	_ =	swait.ge [sflag:s13], $0x800  }
0xab: {  	[sflag:s13] =	ssyncset.done $0x0  }
0xac: {  	s26 =	sadd.s32 $0xE0, s24;
	[sflag:s13] =	ssyncadd.s32 $0xFFFFF800  }
0xad: {  	[tilespmem:s30], [sflag:$0x7] =	stream.indirect.gather [hbm4b:s1+s17], $0x80, s26, s17, $0xb8;
	[tilespmem:$0x1CC00] =	vst v63  }
0xae: {  	_ =	swait.ge [sflag:s20], $0x800  }
0xaf: {  	[sflag:s20] =	ssyncset.done $0x0  }
.Ltmp0:
0xb0: {  	s26 =	sadd.s32 $0x2870, s24;
	[sflag:s20] =	ssyncadd.s32 $0xFFFFF800;
	(pc) =	sbr.rel @p0 .LBB2_2-.Ltmp0, $4  }
0xb1: {  	[spmem:s3] =	stream.indirect.scatter.add.f32 [tilespmem:s2], [sflag:$0x9], $0x80, s26, s17, $0xb8;
	[tilespmem:$0x1CC00] =	vst v63  }
0xb2: {  	_ =	swait.ge [sflag:s13], $0x800  }
0xb3: {  	[sflag:s13] =	ssyncset.done $0x0  }
0xb4: {  	s24 =	sadd.s32 $0xF0, s24;
	[sflag:s13] =	ssyncadd.s32 $0xFFFFF800  }
0xb5: {  	[tilespmem:s2], [sflag:$0x8] =	stream.indirect.gather [hbm4b:s1+s17], $0x80, s24, s17, $0xb8;
	[tilespmem:$0x1CC00] =	vst v63  }
0xb6: {  	_ =	swait.ge [sflag:s0], $0x800  }
0xb7: {  	[sflag:s0] =	ssyncset.done $0x0  }
0xb8: {  	s22 =	simm.s32 $0x4F00;
	[sflag:s0] =	ssyncadd.s32 $0xFFFFF800  }
0xb9: {  	[spmem:s3] =	stream.indirect.scatter.add.f32 [tilespmem:s18], [sflag:$0x9], $0x80, s22, s17, $0xb8;
	[tilespmem:$0x1CC00] =	vst v63  }
0xba: {  	_ =	swait.ge [sflag:s13], $0x800  }
0xbb: {  	[sflag:s13] =	ssyncset.done $0x0  }
0xbc: {  	[sflag:s13] =	ssyncadd.s32 $0xFFFFF800  }
0xbd: {  	_ =	swait.ge [sflag:s5], $0x800  }
0xbe: {  	[sflag:s5] =	ssyncset.done $0x0  }
0xbf: {  	s24 =	simm.s32 $0x4F10;
	[sflag:s5] =	ssyncadd.s32 $0xFFFFF800  }
0xc0: {  	[spmem:s3] =	stream.indirect.scatter.add.f32 [tilespmem:s19], [sflag:$0x9], $0x80, s24, s17, $0xb8;
	[tilespmem:$0x1CC00] =	vst v63  }
0xc1: {  	_ =	swait.ge [sflag:s13], $0x800  }
0xc2: {  	[sflag:s13] =	ssyncset.done $0x0  }
0xc3: {  	[sflag:s13] =	ssyncadd.s32 $0xFFFFF800  }
0xc4: {  	_ =	swait.ge [sflag:s14], $0x800  }
0xc5: {  	[sflag:s14] =	ssyncset.done $0x0  }
0xc6: {  	s26 =	simm.s32 $0x4F20;
	[sflag:s14] =	ssyncadd.s32 $0xFFFFF800  }
0xc7: {  	[spmem:s3] =	stream.indirect.scatter.add.f32 [tilespmem:s21], [sflag:$0x9], $0x80, s26, s17, $0xb8;
	[tilespmem:$0x1CC00] =	vst v63  }
0xc8: {  	_ =	swait.ge [sflag:s13], $0x800  }
0xc9: {  	[sflag:s13] =	ssyncset.done $0x0  }
0xca: {  	[sflag:s13] =	ssyncadd.s32 $0xFFFFF800  }
0xcb: {  	_ =	swait.ge [sflag:s6], $0x800  }
0xcc: {  	[sflag:s6] =	ssyncset.done $0x0  }
0xcd: {  	s24 =	simm.s32 $0x4F30;
	[sflag:s6] =	ssyncadd.s32 $0xFFFFF800  }
0xce: {  	[spmem:s3] =	stream.indirect.scatter.add.f32 [tilespmem:s23], [sflag:$0x9], $0x80, s24, s17, $0xb8;
	[tilespmem:$0x1CC00] =	vst v63  }
0xcf: {  	_ =	swait.ge [sflag:s13], $0x800  }
0xd0: {  	[sflag:s13] =	ssyncset.done $0x0  }
0xd1: {  	[sflag:s13] =	ssyncadd.s32 $0xFFFFF800  }
0xd2: {  	_ =	swait.ge [sflag:s8], $0x800  }
0xd3: {  	[sflag:s8] =	ssyncset.done $0x0  }
0xd4: {  	s26 =	simm.s32 $0x4F40;
	[sflag:s8] =	ssyncadd.s32 $0xFFFFF800  }
0xd5: {  	[spmem:s3] =	stream.indirect.scatter.add.f32 [tilespmem:s25], [sflag:$0x9], $0x80, s26, s17, $0xb8;
	[tilespmem:$0x1CC00] =	vst v63  }
0xd6: {  	_ =	swait.ge [sflag:s13], $0x800  }
0xd7: {  	[sflag:s13] =	ssyncset.done $0x0  }
0xd8: {  	[sflag:s13] =	ssyncadd.s32 $0xFFFFF800  }
0xd9: {  	_ =	swait.ge [sflag:s9], $0x800  }
0xda: {  	[sflag:s9] =	ssyncset.done $0x0  }
0xdb: {  	[sflag:s9] =	ssyncadd.s32 $0xFFFFF800  }
0xdc: {  	[spmem:s3] =	stream.indirect.scatter.add.f32 [tilespmem:s28], [sflag:$0x9], $0x80, s29, s17, $0xb8;
	[tilespmem:$0x1CC00] =	vst v63  }
0xdd: {  	_ =	swait.ge [sflag:s13], $0x800  }
0xde: {  	[sflag:s13] =	ssyncset.done $0x0  }
0xdf: {  	[sflag:s13] =	ssyncadd.s32 $0xFFFFF800  }
0xe0: {  	_ =	swait.ge [sflag:s10], $0x800  }
0xe1: {  	[sflag:s10] =	ssyncset.done $0x0  }
0xe2: {  	[sflag:s10] =	ssyncadd.s32 $0xFFFFF800  }
0xe3: {  	[spmem:s3] =	stream.indirect.scatter.add.f32 [tilespmem:s30], [sflag:$0x9], $0x80, s31, s17, $0xb8;
	[tilespmem:$0x1CC00] =	vst v63  }
0xe4: {  	_ =	swait.ge [sflag:s13], $0x800  }
0xe5: {  	[sflag:s13] =	ssyncset.done $0x0  }
0xe6: {  	[sflag:s13] =	ssyncadd.s32 $0xFFFFF800  }
0xe7: {  	_ =	swait.ge [sflag:s20], $0x800  }
0xe8: {  	[sflag:s20] =	ssyncset.done $0x0  }
0xe9: {  	[sflag:s20] =	ssyncadd.s32 $0xFFFFF800  }
0xea: {  	[spmem:s3] =	stream.indirect.scatter.add.f32 [tilespmem:s2], [sflag:$0x9], $0x80, s11, s17, $0xb8;
	[tilespmem:$0x1CC00] =	vst v63  }
0xeb: {  	_ =	swait.ge [sflag:s13], $0x800  }
0xec: {  	[sflag:s13] =	ssyncset.done $0x0  }
0xed: {  	[sflag:s13] =	ssyncadd.s32 $0xFFFFF800  }
0xee: {  	[bflag:$0x0] =	sbarrier.arrive $0xFFFF  }
0xef: {  	s24 =	rddreg [dreg:$0x6]  }
0xf0: {  	[hbm:s24], [sflag:s15] =	dma.local [spmem:s16], $0x2780  }
0xf1: {  	_ =	swait.ge [sflag:s13], $0x2780  }
0xf2: {  	[sflag:s13] =	ssyncset.done $0x0  }
0xf3: {  	[sflag:s13] =	ssyncadd.s32 $0xFFFFD880  }
0xf4: {  	[bflag:$0x0] =	sbarrier.arrive $0xFFFF  }
0xf5: {  	s22 =	simm.s32 $0x0;
	s26 =	rddreg [dreg:$0x7]  }
0xf6: {  	[tilespmem:s22], [sflag:$0x9] =	stream.linear.gather [hbm4b:s26+s22], $0x2780, $0x38;
	[tilespmem:$0x1CC00] =	vst v63  }
0xf7: {  	_ =	swait.ge [sflag:s13], $0x2780  }
0xf8: {  	[sflag:s13] =	ssyncset.done $0x0  }
0xf9: {  	s26 =	simm.s32 $0x2800;
	s24 =	rddreg [dreg:$0x8];
	[sflag:s13] =	ssyncadd.s32 $0xFFFFD880  }
0xfa: {  	[tilespmem:s26], [sflag:$0x9] =	stream.linear.gather [hbm4b:s24+s22], $0x2780, $0x38;
	[tilespmem:$0x1CC00] =	vst v63  }
0xfb: {  	_ =	swait.ge [sflag:s13], $0x2780  }
0xfc: {  	[sflag:s13] =	ssyncset.done $0x0  }
0xfd: {  	[sflag:s13] =	ssyncadd.s32 $0xFFFFD880  }
0xfe: {  	[spmem:s16], [sflag:s15] =	dma.local [hbm:s7], $0x2780  }
0xff: {  	_ =	swait.ge [sflag:s13], $0x2780  }
0x100: {  	[sflag:s13] =	ssyncset.done $0x0  }
0x101: {  	[sflag:s13] =	ssyncadd.s32 $0xFFFFD880  }
0x102: {  	[bflag:$0x0] =	sbarrier.arrive $0xFFFF  }
0x103: {  	[tilespmem:s18], [sflag:$0x1] =	stream.indirect.gather [hbm4b:s1+s17], $0x80, s22, s17, $0xb8;
	[tilespmem:$0x1CC00] =	vst v63  }
0x104: {  	_ = 	snop  }
0x105: {  	[tilespmem:s19], [sflag:$0x2] =	stream.indirect.gather [hbm4b:s1+s17], $0x80, s17, s17, $0xb8;
	[tilespmem:$0x1CC00] =	vst v63  }
0x106: {  	s26 =	simm.s32 $0x20  }
0x107: {  	[tilespmem:s21], [sflag:$0x3] =	stream.indirect.gather [hbm4b:s1+s17], $0x80, s26, s17, $0xb8;
	[tilespmem:$0x1CC00] =	vst v63  }
0x108: {  	s24 =	simm.s32 $0x30  }
0x109: {  	[tilespmem:s23], [sflag:$0x4] =	stream.indirect.gather [hbm4b:s1+s17], $0x80, s24, s17, $0xb8;
	[tilespmem:$0x1CC00] =	vst v63  }
0x10a: {  	s26 =	simm.s32 $0x40  }
0x10b: {  	[tilespmem:s25], [sflag:$0x5] =	stream.indirect.gather [hbm4b:s1+s17], $0x80, s26, s17, $0xb8;
	[tilespmem:$0x1CC00] =	vst v63  }
0x10c: {  	s24 =	simm.s32 $0x50  }
0x10d: {  	[tilespmem:s28], [sflag:$0x6] =	stream.indirect.gather [hbm4b:s1+s17], $0x80, s24, s17, $0xb8;
	[tilespmem:$0x1CC00] =	vst v63  }
0x10e: {  	s26 =	simm.s32 $0x60  }
0x10f: {  	[tilespmem:s30], [sflag:$0x7] =	stream.indirect.gather [hbm4b:s1+s17], $0x80, s26, s17, $0xb8;
	[tilespmem:$0x1CC00] =	vst v63  }
0x110: {  	s24 =	simm.s32 $0x70  }
0x111: {  	[tilespmem:s2], [sflag:$0x8] =	stream.indirect.gather [hbm4b:s1+s17], $0x80, s24, s17, $0xb8;
	[tilespmem:$0x1CC00] =	vst v63  }
0x112: {  	_ =	swait.ge [sflag:s0], $0x800  }
0x113: {  	[sflag:s0] =	ssyncset.done $0x0  }
0x114: {  	s26 =	simm.s32 $0x2800;
	[sflag:s0] =	ssyncadd.s32 $0xFFFFF800  }
0x115: {  	[spmem:s3] =	stream.indirect.scatter.add.f32 [tilespmem:s18], [sflag:$0x9], $0x80, s26, s17, $0xb8;
	[tilespmem:$0x1CC00] =	vst v63  }
0x116: {  	_ =	swait.ge [sflag:s13], $0x800  }
0x117: {  	[sflag:s13] =	ssyncset.done $0x0  }
0x118: {  	s24 =	simm.s32 $0x80;
	[sflag:s13] =	ssyncadd.s32 $0xFFFFF800  }
0x119: {  	[tilespmem:s18], [sflag:$0x1] =	stream.indirect.gather [hbm4b:s1+s17], $0x80, s24, s17, $0xb8;
	[tilespmem:$0x1CC00] =	vst v63  }
0x11a: {  	_ =	swait.ge [sflag:s5], $0x800  }
0x11b: {  	[sflag:s5] =	ssyncset.done $0x0  }
0x11c: {  	s26 =	simm.s32 $0x2810;
	[sflag:s5] =	ssyncadd.s32 $0xFFFFF800  }
0x11d: {  	[spmem:s3] =	stream.indirect.scatter.add.f32 [tilespmem:s19], [sflag:$0x9], $0x80, s26, s17, $0xb8;
	[tilespmem:$0x1CC00] =	vst v63  }
0x11e: {  	_ =	swait.ge [sflag:s13], $0x800  }
0x11f: {  	[sflag:s13] =	ssyncset.done $0x0  }
0x120: {  	s24 =	simm.s32 $0x90;
	[sflag:s13] =	ssyncadd.s32 $0xFFFFF800  }
0x121: {  	[tilespmem:s19], [sflag:$0x2] =	stream.indirect.gather [hbm4b:s1+s17], $0x80, s24, s17, $0xb8;
	[tilespmem:$0x1CC00] =	vst v63  }
0x122: {  	_ =	swait.ge [sflag:s14], $0x800  }
0x123: {  	[sflag:s14] =	ssyncset.done $0x0  }
0x124: {  	s26 =	simm.s32 $0x2820;
	[sflag:s14] =	ssyncadd.s32 $0xFFFFF800  }
0x125: {  	[spmem:s3] =	stream.indirect.scatter.add.f32 [tilespmem:s21], [sflag:$0x9], $0x80, s26, s17, $0xb8;
	[tilespmem:$0x1CC00] =	vst v63  }
0x126: {  	_ =	swait.ge [sflag:s13], $0x800  }
0x127: {  	[sflag:s13] =	ssyncset.done $0x0  }
0x128: {  	s24 =	simm.s32 $0xA0;
	[sflag:s13] =	ssyncadd.s32 $0xFFFFF800  }
0x129: {  	[tilespmem:s21], [sflag:$0x3] =	stream.indirect.gather [hbm4b:s1+s17], $0x80, s24, s17, $0xb8;
	[tilespmem:$0x1CC00] =	vst v63  }
0x12a: {  	_ =	swait.ge [sflag:s6], $0x800  }
0x12b: {  	[sflag:s6] =	ssyncset.done $0x0  }
0x12c: {  	s26 =	simm.s32 $0x2830;
	[sflag:s6] =	ssyncadd.s32 $0xFFFFF800  }
0x12d: {  	[spmem:s3] =	stream.indirect.scatter.add.f32 [tilespmem:s23], [sflag:$0x9], $0x80, s26, s17, $0xb8;
	[tilespmem:$0x1CC00] =	vst v63  }
0x12e: {  	_ =	swait.ge [sflag:s13], $0x800  }
0x12f: {  	[sflag:s13] =	ssyncset.done $0x0  }
0x130: {  	s24 =	simm.s32 $0xB0;
	[sflag:s13] =	ssyncadd.s32 $0xFFFFF800  }
0x131: {  	[tilespmem:s23], [sflag:$0x4] =	stream.indirect.gather [hbm4b:s1+s17], $0x80, s24, s17, $0xb8;
	[tilespmem:$0x1CC00] =	vst v63  }
0x132: {  	_ =	swait.ge [sflag:s8], $0x800  }
0x133: {  	[sflag:s8] =	ssyncset.done $0x0  }
0x134: {  	s26 =	simm.s32 $0x2840;
	[sflag:s8] =	ssyncadd.s32 $0xFFFFF800  }
0x135: {  	[spmem:s3] =	stream.indirect.scatter.add.f32 [tilespmem:s25], [sflag:$0x9], $0x80, s26, s17, $0xb8;
	[tilespmem:$0x1CC00] =	vst v63  }
0x136: {  	_ =	swait.ge [sflag:s13], $0x800  }
0x137: {  	[sflag:s13] =	ssyncset.done $0x0  }
0x138: {  	s24 =	simm.s32 $0xC0;
	[sflag:s13] =	ssyncadd.s32 $0xFFFFF800  }
0x139: {  	[tilespmem:s25], [sflag:$0x5] =	stream.indirect.gather [hbm4b:s1+s17], $0x80, s24, s17, $0xb8;
	[tilespmem:$0x1CC00] =	vst v63  }
0x13a: {  	_ =	swait.ge [sflag:s9], $0x800  }
0x13b: {  	[sflag:s9] =	ssyncset.done $0x0  }
0x13c: {  	s26 =	simm.s32 $0x2850;
	[sflag:s9] =	ssyncadd.s32 $0xFFFFF800  }
0x13d: {  	[spmem:s3] =	stream.indirect.scatter.add.f32 [tilespmem:s28], [sflag:$0x9], $0x80, s26, s17, $0xb8;
	[tilespmem:$0x1CC00] =	vst v63  }
0x13e: {  	_ =	swait.ge [sflag:s13], $0x800  }
0x13f: {  	[sflag:s13] =	ssyncset.done $0x0  }
0x140: {  	s24 =	simm.s32 $0xD0;
	[sflag:s13] =	ssyncadd.s32 $0xFFFFF800  }
0x141: {  	[tilespmem:s28], [sflag:$0x6] =	stream.indirect.gather [hbm4b:s1+s17], $0x80, s24, s17, $0xb8;
	[tilespmem:$0x1CC00] =	vst v63  }
0x142: {  	_ =	swait.ge [sflag:s10], $0x800  }
0x143: {  	[sflag:s10] =	ssyncset.done $0x0  }
0x144: {  	s26 =	simm.s32 $0x2860;
	[sflag:s10] =	ssyncadd.s32 $0xFFFFF800  }
0x145: {  	[spmem:s3] =	stream.indirect.scatter.add.f32 [tilespmem:s30], [sflag:$0x9], $0x80, s26, s17, $0xb8;
	[tilespmem:$0x1CC00] =	vst v63  }
0x146: {  	_ =	swait.ge [sflag:s13], $0x800  }
0x147: {  	[sflag:s13] =	ssyncset.done $0x0  }
0x148: {  	s24 =	simm.s32 $0xE0;
	[sflag:s13] =	ssyncadd.s32 $0xFFFFF800  }
0x149: {  	[tilespmem:s30], [sflag:$0x7] =	stream.indirect.gather [hbm4b:s1+s17], $0x80, s24, s17, $0xb8;
	[tilespmem:$0x1CC00] =	vst v63  }
0x14a: {  	_ =	swait.ge [sflag:s20], $0x800  }
0x14b: {  	[sflag:s20] =	ssyncset.done $0x0  }
0x14c: {  	s26 =	simm.s32 $0x2870;
	[sflag:s20] =	ssyncadd.s32 $0xFFFFF800  }
0x14d: {  	[spmem:s3] =	stream.indirect.scatter.add.f32 [tilespmem:s2], [sflag:$0x9], $0x80, s26, s17, $0xb8;
	[tilespmem:$0x1CC00] =	vst v63  }
0x14e: {  	_ =	swait.ge [sflag:s13], $0x800  }
0x14f: {  	[sflag:s13] =	ssyncset.done $0x0  }
0x150: {  	s22 =	simm.s32 $0x200;
	s24 =	simm.s32 $0xF0;
	[sflag:s13] =	ssyncadd.s32 $0xFFFFF800  }
.LBB2_4:
0x151: {  	[tilespmem:s2], [sflag:$0x8] =	stream.indirect.gather [hbm4b:s1+s17], $0x80, s24, s17, $0xb8;
	[tilespmem:$0x1CC00] =	vst v63  }
0x152: {  	s24 =	smov.u32 s22  }
0x153: {  	p0 =	sne.s32 s22, $0x9A00;
	s22 =	sadd.s32 $0x200, s22;
	_ =	swait.ge [sflag:s0], $0x800  }
0x154: {  	s24 =	sshra.s32 s24, $0x2;
	[sflag:s0] =	ssyncset.done $0x0  }
0x155: {  	s26 =	sadd.s32 $0x2800, s24;
	[sflag:s0] =	ssyncadd.s32 $0xFFFFF800  }
0x156: {  	[spmem:s3] =	stream.indirect.scatter.add.f32 [tilespmem:s18], [sflag:$0x9], $0x80, s26, s17, $0xb8;
	[tilespmem:$0x1CC00] =	vst v63  }
0x157: {  	_ =	swait.ge [sflag:s13], $0x800  }
0x158: {  	[sflag:s13] =	ssyncset.done $0x0  }
0x159: {  	s26 =	sadd.s32 $0x80, s24;
	[sflag:s13] =	ssyncadd.s32 $0xFFFFF800  }
0x15a: {  	[tilespmem:s18], [sflag:$0x1] =	stream.indirect.gather [hbm4b:s1+s17], $0x80, s26, s17, $0xb8;
	[tilespmem:$0x1CC00] =	vst v63  }
0x15b: {  	_ =	swait.ge [sflag:s5], $0x800  }
0x15c: {  	[sflag:s5] =	ssyncset.done $0x0  }
0x15d: {  	s26 =	sadd.s32 $0x2810, s24;
	[sflag:s5] =	ssyncadd.s32 $0xFFFFF800  }
0x15e: {  	[spmem:s3] =	stream.indirect.scatter.add.f32 [tilespmem:s19], [sflag:$0x9], $0x80, s26, s17, $0xb8;
	[tilespmem:$0x1CC00] =	vst v63  }
0x15f: {  	_ =	swait.ge [sflag:s13], $0x800  }
0x160: {  	[sflag:s13] =	ssyncset.done $0x0  }
0x161: {  	s26 =	sadd.s32 $0x90, s24;
	[sflag:s13] =	ssyncadd.s32 $0xFFFFF800  }
0x162: {  	[tilespmem:s19], [sflag:$0x2] =	stream.indirect.gather [hbm4b:s1+s17], $0x80, s26, s17, $0xb8;
	[tilespmem:$0x1CC00] =	vst v63  }
0x163: {  	_ =	swait.ge [sflag:s14], $0x800  }
0x164: {  	[sflag:s14] =	ssyncset.done $0x0  }
0x165: {  	s26 =	sadd.s32 $0x2820, s24;
	[sflag:s14] =	ssyncadd.s32 $0xFFFFF800  }
0x166: {  	[spmem:s3] =	stream.indirect.scatter.add.f32 [tilespmem:s21], [sflag:$0x9], $0x80, s26, s17, $0xb8;
	[tilespmem:$0x1CC00] =	vst v63  }
0x167: {  	_ =	swait.ge [sflag:s13], $0x800  }
0x168: {  	[sflag:s13] =	ssyncset.done $0x0  }
0x169: {  	s26 =	sadd.s32 $0xA0, s24;
	[sflag:s13] =	ssyncadd.s32 $0xFFFFF800  }
0x16a: {  	[tilespmem:s21], [sflag:$0x3] =	stream.indirect.gather [hbm4b:s1+s17], $0x80, s26, s17, $0xb8;
	[tilespmem:$0x1CC00] =	vst v63  }
0x16b: {  	_ =	swait.ge [sflag:s6], $0x800  }
0x16c: {  	[sflag:s6] =	ssyncset.done $0x0  }
0x16d: {  	s26 =	sadd.s32 $0x2830, s24;
	[sflag:s6] =	ssyncadd.s32 $0xFFFFF800  }
0x16e: {  	[spmem:s3] =	stream.indirect.scatter.add.f32 [tilespmem:s23], [sflag:$0x9], $0x80, s26, s17, $0xb8;
	[tilespmem:$0x1CC00] =	vst v63  }
0x16f: {  	_ =	swait.ge [sflag:s13], $0x800  }
0x170: {  	[sflag:s13] =	ssyncset.done $0x0  }
0x171: {  	s26 =	sadd.s32 $0xB0, s24;
	[sflag:s13] =	ssyncadd.s32 $0xFFFFF800  }
0x172: {  	[tilespmem:s23], [sflag:$0x4] =	stream.indirect.gather [hbm4b:s1+s17], $0x80, s26, s17, $0xb8;
	[tilespmem:$0x1CC00] =	vst v63  }
0x173: {  	_ =	swait.ge [sflag:s8], $0x800  }
0x174: {  	[sflag:s8] =	ssyncset.done $0x0  }
0x175: {  	s26 =	sadd.s32 $0x2840, s24;
	[sflag:s8] =	ssyncadd.s32 $0xFFFFF800  }
0x176: {  	[spmem:s3] =	stream.indirect.scatter.add.f32 [tilespmem:s25], [sflag:$0x9], $0x80, s26, s17, $0xb8;
	[tilespmem:$0x1CC00] =	vst v63  }
0x177: {  	_ =	swait.ge [sflag:s13], $0x800  }
0x178: {  	[sflag:s13] =	ssyncset.done $0x0  }
0x179: {  	s26 =	sadd.s32 $0xC0, s24;
	[sflag:s13] =	ssyncadd.s32 $0xFFFFF800  }
0x17a: {  	[tilespmem:s25], [sflag:$0x5] =	stream.indirect.gather [hbm4b:s1+s17], $0x80, s26, s17, $0xb8;
	[tilespmem:$0x1CC00] =	vst v63  }
0x17b: {  	_ =	swait.ge [sflag:s9], $0x800  }
0x17c: {  	[sflag:s9] =	ssyncset.done $0x0  }
0x17d: {  	s26 =	sadd.s32 $0x2850, s24;
	[sflag:s9] =	ssyncadd.s32 $0xFFFFF800  }
0x17e: {  	[spmem:s3] =	stream.indirect.scatter.add.f32 [tilespmem:s28], [sflag:$0x9], $0x80, s26, s17, $0xb8;
	[tilespmem:$0x1CC00] =	vst v63  }
0x17f: {  	_ =	swait.ge [sflag:s13], $0x800  }
0x180: {  	[sflag:s13] =	ssyncset.done $0x0  }
0x181: {  	s26 =	sadd.s32 $0xD0, s24;
	[sflag:s13] =	ssyncadd.s32 $0xFFFFF800  }
0x182: {  	[tilespmem:s28], [sflag:$0x6] =	stream.indirect.gather [hbm4b:s1+s17], $0x80, s26, s17, $0xb8;
	[tilespmem:$0x1CC00] =	vst v63  }
0x183: {  	_ =	swait.ge [sflag:s10], $0x800  }
0x184: {  	[sflag:s10] =	ssyncset.done $0x0  }
0x185: {  	s26 =	sadd.s32 $0x2860, s24;
	[sflag:s10] =	ssyncadd.s32 $0xFFFFF800  }
0x186: {  	[spmem:s3] =	stream.indirect.scatter.add.f32 [tilespmem:s30], [sflag:$0x9], $0x80, s26, s17, $0xb8;
	[tilespmem:$0x1CC00] =	vst v63  }
0x187: {  	_ =	swait.ge [sflag:s13], $0x800  }
0x188: {  	[sflag:s13] =	ssyncset.done $0x0  }
0x189: {  	s26 =	sadd.s32 $0xE0, s24;
	[sflag:s13] =	ssyncadd.s32 $0xFFFFF800  }
0x18a: {  	[tilespmem:s30], [sflag:$0x7] =	stream.indirect.gather [hbm4b:s1+s17], $0x80, s26, s17, $0xb8;
	[tilespmem:$0x1CC00] =	vst v63  }
0x18b: {  	_ =	swait.ge [sflag:s20], $0x800  }
0x18c: {  	[sflag:s20] =	ssyncset.done $0x0  }
.Ltmp1:
0x18d: {  	s26 =	sadd.s32 $0x2870, s24;
	[sflag:s20] =	ssyncadd.s32 $0xFFFFF800;
	(pc) =	sbr.rel @p0 .LBB2_4-.Ltmp1, $4  }
0x18e: {  	[spmem:s3] =	stream.indirect.scatter.add.f32 [tilespmem:s2], [sflag:$0x9], $0x80, s26, s17, $0xb8;
	[tilespmem:$0x1CC00] =	vst v63  }
0x18f: {  	_ =	swait.ge [sflag:s13], $0x800  }
0x190: {  	[sflag:s13] =	ssyncset.done $0x0  }
0x191: {  	s24 =	sadd.s32 $0xF0, s24;
	[sflag:s13] =	ssyncadd.s32 $0xFFFFF800  }
0x192: {  	[tilespmem:s2], [sflag:$0x8] =	stream.indirect.gather [hbm4b:s1+s17], $0x80, s24, s17, $0xb8;
	[tilespmem:$0x1CC00] =	vst v63  }
0x193: {  	_ =	swait.ge [sflag:s0], $0x800  }
0x194: {  	[sflag:s0] =	ssyncset.done $0x0  }
0x195: {  	s22 =	simm.s32 $0x4F00;
	[sflag:s0] =	ssyncadd.s32 $0xFFFFF800  }
0x196: {  	[spmem:s3] =	stream.indirect.scatter.add.f32 [tilespmem:s18], [sflag:$0x9], $0x80, s22, s17, $0xb8;
	[tilespmem:$0x1CC00] =	vst v63  }
0x197: {  	_ =	swait.ge [sflag:s13], $0x800  }
0x198: {  	[sflag:s13] =	ssyncset.done $0x0  }
0x199: {  	[sflag:s13] =	ssyncadd.s32 $0xFFFFF800  }
0x19a: {  	_ =	swait.ge [sflag:s5], $0x800  }
0x19b: {  	[sflag:s5] =	ssyncset.done $0x0  }
0x19c: {  	s24 =	simm.s32 $0x4F10;
	[sflag:s5] =	ssyncadd.s32 $0xFFFFF800  }
0x19d: {  	[spmem:s3] =	stream.indirect.scatter.add.f32 [tilespmem:s19], [sflag:$0x9], $0x80, s24, s17, $0xb8;
	[tilespmem:$0x1CC00] =	vst v63  }
0x19e: {  	_ =	swait.ge [sflag:s13], $0x800  }
0x19f: {  	[sflag:s13] =	ssyncset.done $0x0  }
0x1a0: {  	[sflag:s13] =	ssyncadd.s32 $0xFFFFF800  }
0x1a1: {  	_ =	swait.ge [sflag:s14], $0x800  }
0x1a2: {  	[sflag:s14] =	ssyncset.done $0x0  }
0x1a3: {  	s26 =	simm.s32 $0x4F20;
	[sflag:s14] =	ssyncadd.s32 $0xFFFFF800  }
0x1a4: {  	[spmem:s3] =	stream.indirect.scatter.add.f32 [tilespmem:s21], [sflag:$0x9], $0x80, s26, s17, $0xb8;
	[tilespmem:$0x1CC00] =	vst v63  }
0x1a5: {  	_ =	swait.ge [sflag:s13], $0x800  }
0x1a6: {  	[sflag:s13] =	ssyncset.done $0x0  }
0x1a7: {  	[sflag:s13] =	ssyncadd.s32 $0xFFFFF800  }
0x1a8: {  	_ =	swait.ge [sflag:s6], $0x800  }
0x1a9: {  	[sflag:s6] =	ssyncset.done $0x0  }
0x1aa: {  	s24 =	simm.s32 $0x4F30;
	[sflag:s6] =	ssyncadd.s32 $0xFFFFF800  }
0x1ab: {  	[spmem:s3] =	stream.indirect.scatter.add.f32 [tilespmem:s23], [sflag:$0x9], $0x80, s24, s17, $0xb8;
	[tilespmem:$0x1CC00] =	vst v63  }
0x1ac: {  	_ =	swait.ge [sflag:s13], $0x800  }
0x1ad: {  	[sflag:s13] =	ssyncset.done $0x0  }
0x1ae: {  	[sflag:s13] =	ssyncadd.s32 $0xFFFFF800  }
0x1af: {  	_ =	swait.ge [sflag:s8], $0x800  }
0x1b0: {  	[sflag:s8] =	ssyncset.done $0x0  }
0x1b1: {  	s26 =	simm.s32 $0x4F40;
	[sflag:s8] =	ssyncadd.s32 $0xFFFFF800  }
0x1b2: {  	[spmem:s3] =	stream.indirect.scatter.add.f32 [tilespmem:s25], [sflag:$0x9], $0x80, s26, s17, $0xb8;
	[tilespmem:$0x1CC00] =	vst v63  }
0x1b3: {  	_ =	swait.ge [sflag:s13], $0x800  }
0x1b4: {  	[sflag:s13] =	ssyncset.done $0x0  }
0x1b5: {  	[sflag:s13] =	ssyncadd.s32 $0xFFFFF800  }
0x1b6: {  	_ =	swait.ge [sflag:s9], $0x800  }
0x1b7: {  	[sflag:s9] =	ssyncset.done $0x0  }
0x1b8: {  	[sflag:s9] =	ssyncadd.s32 $0xFFFFF800  }
0x1b9: {  	[spmem:s3] =	stream.indirect.scatter.add.f32 [tilespmem:s28], [sflag:$0x9], $0x80, s29, s17, $0xb8;
	[tilespmem:$0x1CC00] =	vst v63  }
0x1ba: {  	_ =	swait.ge [sflag:s13], $0x800  }
0x1bb: {  	[sflag:s13] =	ssyncset.done $0x0  }
0x1bc: {  	[sflag:s13] =	ssyncadd.s32 $0xFFFFF800  }
0x1bd: {  	_ =	swait.ge [sflag:s10], $0x800  }
0x1be: {  	[sflag:s10] =	ssyncset.done $0x0  }
0x1bf: {  	[sflag:s10] =	ssyncadd.s32 $0xFFFFF800  }
0x1c0: {  	[spmem:s3] =	stream.indirect.scatter.add.f32 [tilespmem:s30], [sflag:$0x9], $0x80, s31, s17, $0xb8;
	[tilespmem:$0x1CC00] =	vst v63  }
0x1c1: {  	_ =	swait.ge [sflag:s13], $0x800  }
0x1c2: {  	[sflag:s13] =	ssyncset.done $0x0  }
0x1c3: {  	[sflag:s13] =	ssyncadd.s32 $0xFFFFF800  }
0x1c4: {  	_ =	swait.ge [sflag:s20], $0x800  }
0x1c5: {  	[sflag:s20] =	ssyncset.done $0x0  }
0x1c6: {  	[sflag:s20] =	ssyncadd.s32 $0xFFFFF800  }
0x1c7: {  	[spmem:s3] =	stream.indirect.scatter.add.f32 [tilespmem:s2], [sflag:$0x9], $0x80, s11, s17, $0xb8;
	[tilespmem:$0x1CC00] =	vst v63  }
0x1c8: {  	_ =	swait.ge [sflag:s13], $0x800  }
0x1c9: {  	[sflag:s13] =	ssyncset.done $0x0  }
0x1ca: {  	[sflag:s13] =	ssyncadd.s32 $0xFFFFF800  }
0x1cb: {  	[bflag:$0x0] =	sbarrier.arrive $0xFFFF  }
0x1cc: {  	s24 =	rddreg [dreg:$0x9]  }
0x1cd: {  	[hbm:s24], [sflag:s15] =	dma.local [spmem:s16], $0x2780  }
0x1ce: {  	_ =	swait.ge [sflag:s13], $0x2780  }
0x1cf: {  	s12 =	sadd.s32 $0x1, s12;
	s26 =	rddreg [dreg:$0xa]  }
0x1d0: {  	p0 =	sne.s32 s12, s26  }
.Ltmp2:
0x1d1: {  	_ = 	snop;
	(pc) =	sbr.rel @p0 .LBB2_1-.Ltmp2, $3  }
0x1d2: {  	[sflag:s13] =	ssyncset.done $0x0  }
0x1d3: {  	[sflag:s13] =	ssyncadd.s32 $0xFFFFD880  }
0x1d4: {  	[bflag:$0x0] =	sbarrier.arrive $0xFFFF;
	_ =	sdelay $0x1  }
0x1d5: {  	_ =	sfence.sel $0x180000  }
0x1d6: {  	[bflag:$0x0] =	sbarrier.arrive $0xFFFF  }
0x1d7: {  	_ =	strace $0x9000004A  }
0x1d8: {  	s0 =	stileid.u32;
	[bflag:$0x2] =	sbarrier.arrive $0xFFFF  }
0x1d9: {  	p0 =	sne.s32 s0, $0x0;
	s0 =	rddreg [dreg:$0x3]  }
0x1da: {  	s0 =	sadd.s32 @!p0 $0x100000, s0  }
0x1db: {  	[sflag:s0] =	ssyncadd.tile.s32 @!p0 $0x1;
	_ =	shalt  }
.Lfunc_end2:
_tile_overlayer_lowered:
.L_overlay_start_2:
0x1dc: {  	(tag) =	ssettag $0x2  }
0x1dd: {  	s0 =	rddreg [dreg:$0x0];
	s2 =	stileid.u32  }
0x1de: {  	s1 =	rddreg [dreg:$0x1];
	p0 =	sne.s32 s2, $0x0  }
0x1df: {  	s3 =	rddreg [dreg:$0x2];
	[bflag:$0x3] =	sbarrier.arrive $0xFFFF;
	s2 =	simm.s32 @!p0 $0x1C09  }
0x1e0: {  	[timem:s3], [sflag:s2] =	dma.local @!p0 [hbm:s0], s1  }
0x1e1: {  	s0 =	simm.s32 @!p0 $0x9  }
0x1e2: {  	_ =	swait.ge @!p0 [sflag:s0], s1  }
0x1e3: {  	s1 =	ssub.s32 @!p0 $0x0, s1;
	[sflag:s0] =	ssyncset.done @!p0 $0x0  }
0x1e4: {  	[sflag:s0] =	ssyncadd.s32 @!p0 s1  }
0x1e5: {  	[bflag:$0x3] =	sbarrier.arrive $0xFFFF  }
0x1e6: {  	_ =	shalt  }

</sc_bundles>
